<compile_context>
chip_gen: v7x
topology: tpu7x:2x2x1
jax: 0.10.2.dev20260603
libtpu: 0.0.44.dev20260713+nightly
codegen_flags: <defaults>
</compile_context>

<pallas_src>
import jax
import jax.numpy as jnp
from jax import lax
from jax.experimental import pallas as pl
from jax.experimental.pallas import tpu as pltpu
from jax.experimental.pallas import tpu_sc as plsc

D = 16
F = 26
BROWS = 4096
NROWS = 1000000
NC, NS = 2, 16
NW = NC * NS
RPW = BROWS // NW
CHUNK = 128
NCHUNK = RPW * F // CHUNK
NEG_W = 0.5
CBLK = 8192


def _conv_body(x_ref, o_ref):
    x = x_ref[...]
    y = jnp.transpose(x, (1, 0))
    y3 = y.reshape(CBLK // 8, 8, 16)
    for t in range(8):
        o_ref[:, 16 * t:16 * (t + 1)] = y3[:, t, :]


def _relayout(table):
    t = table.T
    grid = (NROWS + CBLK - 1) // CBLK
    conv = pl.pallas_call(
        _conv_body,
        grid=(grid,),
        in_specs=[pl.BlockSpec((16, CBLK), lambda m: (0, m))],
        out_specs=pl.BlockSpec((CBLK // 8, 128), lambda m: (m, 0)),
        out_shape=jax.ShapeDtypeStruct((NROWS * 16 // 128, 128), jnp.float32),
    )(t)
    return conv.reshape(NROWS, D)


def _sc_reduce_body(u_table, i_table, w_u, w_i, u_idx, i_idx, u_widx, i_widx,
                    u_sum, u_sq, u_w, i_sum, i_sq, i_w,
                    idx_v, widx_v, emb_v, wg_v, sum_v, sq_v, wsum_v,
                    sem_e, sem_w):
    wid = lax.axis_index("s") * NC + lax.axis_index("c")
    base = wid * RPW

    for (table, wtab, idx_hbm, widx_hbm, o_sum, o_sq, o_w) in (
        (u_table, w_u, u_idx, u_widx, u_sum, u_sq, u_w),
        (i_table, w_i, i_idx, i_widx, i_sum, i_sq, i_w),
    ):
        pltpu.sync_copy(idx_hbm.at[pl.ds(wid * RPW * F, RPW * F)], idx_v)
        pltpu.sync_copy(widx_hbm.at[pl.ds(wid * RPW * F, RPW * F)], widx_v)
        copies = []
        for j in range(NCHUNK):
            copies.append(pltpu.async_copy(
                table.at[idx_v.at[pl.ds(j * CHUNK, CHUNK)]],
                emb_v.at[pl.ds(j * CHUNK, CHUNK)], sem_e))
            copies.append(pltpu.async_copy(
                wtab.at[widx_v.at[pl.ds(j * CHUNK, CHUNK)]],
                wg_v.at[pl.ds(j * CHUNK, CHUNK)], sem_w))
        for c in copies:
            c.wait()

        def row_body(b, _):
            k0 = b * F
            acc = emb_v[k0, :]
            sq = acc * acc
            for f in range(1, F):
                v = emb_v[k0 + f, :]
                acc = acc + v
                sq = sq + v * v
            sum_v[b, :] = acc
            sq_v[b, :] = sq
            return 0

        lax.fori_loop(0, RPW, row_body, 0, unroll=False)

        def w_body(g, _):
            k0 = g * (16 * F)
            acc = wg_v[pl.ds(k0, 16)]
            for f in range(1, F):
                acc = acc + wg_v[pl.ds(k0 + f * 16, 16)]
            wsum_v[pl.ds(g * 16, 16)] = acc
            return 0

        lax.fori_loop(0, RPW // 16, w_body, 0, unroll=False)

        pltpu.sync_copy(sum_v, o_sum.at[pl.ds(base, RPW)])
        pltpu.sync_copy(sq_v, o_sq.at[pl.ds(base, RPW)])
        pltpu.sync_copy(wsum_v, o_w.at[pl.ds(base, RPW)])


def _sc_pair_body(u_sum, u_sq, u_w, i_sum, i_sq, i_w, a_idx, b_idx,
                  us_o, uq_o, uw_o, is_o, iq_o, iw_o,
                  av, bv, rsum, rsq, rw, sem):
    wid = lax.axis_index("s") * NC + lax.axis_index("c")
    base = wid * RPW
    pltpu.sync_copy(a_idx.at[pl.ds(base, RPW)], av)
    pltpu.sync_copy(b_idx.at[pl.ds(base, RPW)], bv)
    for (src_sum, src_sq, src_w, iv, o_sum, o_sq, o_w) in (
        (u_sum, u_sq, u_w, av, us_o, uq_o, uw_o),
        (i_sum, i_sq, i_w, bv, is_o, iq_o, iw_o),
    ):
        pltpu.async_copy(src_sum.at[iv], rsum, sem).wait()
        pltpu.sync_copy(rsum, o_sum.at[pl.ds(base, RPW)])
        pltpu.async_copy(src_sq.at[iv], rsq, sem).wait()
        pltpu.sync_copy(rsq, o_sq.at[pl.ds(base, RPW)])
        pltpu.async_copy(src_w.at[iv], rw, sem).wait()
        pltpu.sync_copy(rw, o_w.at[pl.ds(base, RPW)])


def _tc_final_body(usum_ref, isum_ref, us_ref, uq_ref, uw_ref,
                   is_ref, iq_ref, iw_ref, h1_ref, h2_ref, gb_ref, out_ref):
    P = usum_ref[...]
    Q = isum_ref[...]
    dn = (((0,), (0,)), ((), ()))
    PtP = lax.dot_general(P, P, dn, precision=lax.Precision.HIGHEST,
                          preferred_element_type=jnp.float32)
    QtQ = lax.dot_general(Q, Q, dn, precision=lax.Precision.HIGHEST,
                          preferred_element_type=jnp.float32)
    h2r = h2_ref[...]
    M = PtP * QtQ
    t = lax.dot_general(h2r, M, (((1,), (0,)), ((), ())),
                        precision=lax.Precision.HIGHEST,
                        preferred_element_type=jnp.float32)
    whole = NEG_W * jnp.sum(t * h2r)

    h1r = h1_ref[...]
    us = us_ref[...]
    vs = is_ref[...]
    bi_u = 0.5 * (us * us - uq_ref[...])
    bi_v = 0.5 * (vs * vs - iq_ref[...])
    s_u = jnp.sum(bi_u * h1r, axis=1, keepdims=True) + uw_ref[...] + gb_ref[0, 0]
    s_v = jnp.sum(bi_v * h1r, axis=1, keepdims=True) + iw_ref[...]
    y = jnp.sum(us * vs * h2r, axis=1, keepdims=True) + s_u + s_v
    pair = jnp.sum((1.0 - NEG_W) * y * y - 2.0 * y)
    out_ref[...] = jnp.reshape(whole + pair, (1, 1))


def kernel(user_features_embeddings, item_features_embeddings, w_user, w_item,
           global_bias, h1, h2, user_feature_indexes, item_feature_indexes,
           positive_pairs):
    f32 = jnp.float32
    u_idx2 = user_feature_indexes.astype(jnp.int32).reshape(-1)
    i_idx2 = item_feature_indexes.astype(jnp.int32).reshape(-1)
    u_widx = (user_feature_indexes.astype(jnp.int32)
              .reshape(BROWS // 16, 16, F).transpose(0, 2, 1).reshape(-1))
    i_widx = (item_feature_indexes.astype(jnp.int32)
              .reshape(BROWS // 16, 16, F).transpose(0, 2, 1).reshape(-1))
    a_idx = positive_pairs[:, 0].astype(jnp.int32)
    b_idx = positive_pairs[:, 1].astype(jnp.int32)

    conv_u = _relayout(user_features_embeddings)
    conv_i = _relayout(item_features_embeddings)

    mesh = plsc.VectorSubcoreMesh(core_axis_name="c", subcore_axis_name="s")
    stat = jax.ShapeDtypeStruct((BROWS, D), f32)
    vec = jax.ShapeDtypeStruct((BROWS,), f32)

    sc_params = pltpu.CompilerParams(use_tc_tiling_on_sc=False)
    reduce_fn = pl.kernel(
        _sc_reduce_body,
        out_type=(stat, stat, vec, stat, stat, vec),
        mesh=mesh,
        compiler_params=sc_params,
        scratch_types=[
            pltpu.VMEM((RPW * F,), jnp.int32),
            pltpu.VMEM((RPW * F,), jnp.int32),
            pltpu.VMEM((RPW * F, D), f32),
            pltpu.VMEM((RPW * F,), f32),
            pltpu.VMEM((RPW, D), f32),
            pltpu.VMEM((RPW, D), f32),
            pltpu.VMEM((RPW,), f32),
            pltpu.SemaphoreType.DMA,
            pltpu.SemaphoreType.DMA,
        ],
    )
    u_sum, u_sq, u_w, i_sum, i_sq, i_w = reduce_fn(
        conv_u, conv_i, w_user, w_item, u_idx2, i_idx2, u_widx, i_widx)

    pair_fn = pl.kernel(
        _sc_pair_body,
        out_type=(stat, stat, vec, stat, stat, vec),
        mesh=mesh,
        compiler_params=sc_params,
        scratch_types=[
            pltpu.VMEM((RPW,), jnp.int32),
            pltpu.VMEM((RPW,), jnp.int32),
            pltpu.VMEM((RPW, D), f32),
            pltpu.VMEM((RPW, D), f32),
            pltpu.VMEM((RPW,), f32),
            pltpu.SemaphoreType.DMA,
        ],
    )
    us, uq, uw, is_, iq, iw = pair_fn(u_sum, u_sq, u_w, i_sum, i_sq, i_w,
                                      a_idx, b_idx)

    loss = pl.pallas_call(
        _tc_final_body,
        out_shape=jax.ShapeDtypeStruct((1, 1), f32),
    )(u_sum, i_sum, us, uq, uw.reshape(BROWS, 1),
      is_, iq, iw.reshape(BROWS, 1),
      h1.reshape(1, D), h2.reshape(1, D), global_bias.reshape(1, 1))
    return loss.reshape(1)

# --- scband reference (transcript-rebuilt; emitter-appended) ---
"""Pipeline reference for scband-efficient-non-sampling-factorization-machines-33741263078160 (READ-ONLY COPY).

The authoritative reference and input builder live on the scoring server;
editing this copy changes nothing except your own understanding.
"""

import jax, jax.numpy as jnp
import numpy as np

NEG_W = 0.5

def setup_inputs(seed: int = 0) -> dict:
    key = jax.random.key(seed)
    ks = jax.random.split(key, 10)
    U_FEAT = 1000000
    I_FEAT = 1000000
    D = 16
    B = 4096
    NI = 4096
    F = 26
    return {
        'user_features_embeddings': jax.random.normal(ks[0], (U_FEAT, D), dtype=jnp.float32),
        'item_features_embeddings': jax.random.normal(ks[1], (I_FEAT, D), dtype=jnp.float32),
        'w_user': jax.random.uniform(ks[2], (U_FEAT,), dtype=jnp.float32),
        'w_item': jax.random.uniform(ks[3], (I_FEAT,), dtype=jnp.float32),
        'global_bias': jax.random.uniform(ks[4], (1,), dtype=jnp.float32),
        'h1': jax.random.uniform(ks[5], (D,), dtype=jnp.float32),
        'h2': jax.random.uniform(ks[6], (D,), dtype=jnp.float32),
        'user_feature_indexes': jax.random.randint(ks[7], (B, F), 0, U_FEAT, dtype=jnp.int64) if jax.config.jax_enable_x64 else jax.random.randint(ks[7], (B, F), 0, U_FEAT, dtype=jnp.int32),
        'item_feature_indexes': jax.random.randint(ks[8], (NI, F), 0, I_FEAT, dtype=jnp.int64) if jax.config.jax_enable_x64 else jax.random.randint(ks[8], (NI, F), 0, I_FEAT, dtype=jnp.int32),
        'positive_pairs': jax.random.randint(ks[9], (B, 2), 0, B, dtype=jnp.int64) if jax.config.jax_enable_x64 else jax.random.randint(ks[9], (B, 2), 0, B, dtype=jnp.int32),
    }

def reference(user_features_embeddings, item_features_embeddings, w_user, w_item, global_bias, h1, h2, user_feature_indexes, item_feature_indexes, positive_pairs):
    B = user_feature_indexes.shape[0]
    NI = item_feature_indexes.shape[0]
    D = h1.shape[0]
    # ---- build p_u for all users (vectorized over batch) ----
    ue = jnp.take(user_features_embeddings, user_feature_indexes, axis=0)  # [B, F, D] gather
    p_ud = jnp.sum(ue, axis=1)  # [B, D]
    bi_u = 0.5 * (jnp.square(jnp.sum(ue, axis=1)) - jnp.sum(jnp.square(ue), axis=1))  # [B, D]
    s_u = jnp.matmul(bi_u, h1) + jnp.sum(jnp.take(w_user, user_feature_indexes, axis=0), axis=1) + global_bias[0]  # [B]
    p_u = jnp.concatenate([p_ud, s_u[:, None], jnp.ones((B, 1), dtype=p_ud.dtype)], axis=1)  # [B, D+2]
    # ---- build q_v for all items ----
    ie = jnp.take(item_features_embeddings, item_feature_indexes, axis=0)  # [NI, F, D]
    q_vd = jnp.sum(ie, axis=1)
    bi_v = 0.5 * (jnp.square(jnp.sum(ie, axis=1)) - jnp.sum(jnp.square(ie), axis=1))
    s_v = jnp.matmul(bi_v, h1) + jnp.sum(jnp.take(w_item, item_feature_indexes, axis=0), axis=1)  # [NI]
    q_v = jnp.concatenate([q_vd, jnp.ones((NI, 1), dtype=q_vd.dtype), s_v[:, None]], axis=1)  # [NI, D+2]
    # ---- last term of loss (efficient whole-data term) ----
    p_mat = p_u[:, :D]
    q_mat = q_v[:, :D]
    intermediate = (h2[:, None] * h2[None, :]) * (jnp.matmul(p_mat.T, p_mat) * jnp.matmul(q_mat.T, q_mat))
    loss = NEG_W * jnp.sum(intermediate)
    # ---- first term of loss over positive (user, item) records ----
    h2_ext = jnp.concatenate([h2, jnp.ones((2,), dtype=h2.dtype)])
    pu_sel = jnp.take(p_u, positive_pairs[:, 0], axis=0)
    qv_sel = jnp.take(q_v, positive_pairs[:, 1], axis=0)
    y = jnp.matmul(pu_sel * qv_sel, h2_ext)  # [P]
    loss = loss + jnp.sum((1.0 - NEG_W) * jnp.square(y) - 2.0 * y)
    return loss.reshape(1)

if __name__ == "__main__":
    import jax
    _d = setup_inputs()
    print(jax.jit(kernel)(*tuple(_d.values())))

</pallas_src>

<mosaic_0001>
#map = affine_map<(d0, d1) -> (0, 0)>
#map1 = affine_map<(d0, d1) -> (0)>
module attributes {stable_mosaic.version = 14 : i64} {
  func.func @_sc_reduce_body(%arg0: i32, %arg1: i32, %arg2: memref<1000000x16xf32, #tpu.memory_space<hbm>>, %arg3: memref<1000000x16xf32, #tpu.memory_space<hbm>>, %arg4: memref<1000000xf32, #tpu.memory_space<hbm>>, %arg5: memref<1000000xf32, #tpu.memory_space<hbm>>, %arg6: memref<106496xi32, #tpu.memory_space<hbm>>, %arg7: memref<106496xi32, #tpu.memory_space<hbm>>, %arg8: memref<106496xi32, #tpu.memory_space<hbm>>, %arg9: memref<106496xi32, #tpu.memory_space<hbm>>, %arg10: memref<4096x16xf32, #tpu.memory_space<hbm>>, %arg11: memref<4096x16xf32, #tpu.memory_space<hbm>>, %arg12: memref<4096xf32, #tpu.memory_space<hbm>>, %arg13: memref<4096x16xf32, #tpu.memory_space<hbm>>, %arg14: memref<4096x16xf32, #tpu.memory_space<hbm>>, %arg15: memref<4096xf32, #tpu.memory_space<hbm>>, %arg16: memref<3328xi32, #tpu.memory_space<vmem>>, %arg17: memref<3328xi32, #tpu.memory_space<vmem>>, %arg18: memref<3328x16xf32, #tpu.memory_space<vmem>>, %arg19: memref<3328xf32, #tpu.memory_space<vmem>>, %arg20: memref<128x16xf32, #tpu.memory_space<vmem>>, %arg21: memref<128x16xf32, #tpu.memory_space<vmem>>, %arg22: memref<128xf32, #tpu.memory_space<vmem>>, %arg23: memref<!tpu.dma_semaphore, #tpu.memory_space<semaphore_mem>>, %arg24: memref<!tpu.dma_semaphore, #tpu.memory_space<semaphore_mem>>) attributes {dimension_semantics = [#tpu.dimension_semantics<core_parallel>, #tpu.dimension_semantics<subcore_parallel>], iteration_bounds = array<i64: 2, 16>, scalar_prefetch = 0 : i64, scratch_operands = 9 : i64, tpu.core_type = #tpu.core_type<sc_vector_subcore>, window_params = [{transform_indices = #map}, {transform_indices = #map}, {transform_indices = #map1}, {transform_indices = #map1}, {transform_indices = #map1}, {transform_indices = #map1}, {transform_indices = #map1}, {transform_indices = #map1}, {transform_indices = #map}, {transform_indices = #map}, {transform_indices = #map1}, {transform_indices = #map}, {transform_indices = #map}, {transform_indices = #map1}]} {
    %mul3A = arith.constant 2 : i32
    %mul3A_0 = arith.muli %arg1, %mul3A : i32
    %add3A = arith.addi %mul3A_0, %arg0 : i32
    %mul3A_1 = arith.constant 128 : i32
    %mul3A_2 = arith.muli %add3A, %mul3A_1 : i32
    %mul3A_3 = arith.constant 128 : i32
    %mul3A_4 = arith.muli %add3A, %mul3A_3 : i32
    %mul3A_5 = arith.constant 26 : i32
    %mul3A_6 = arith.muli %mul3A_4, %mul3A_5 : i32
    "tpu.region"() ({
      %run_scoped3A = tpu.sem_alloc : memref<!tpu.dma_semaphore, #tpu.memory_space<semaphore_mem>>
      %dma_start3A_1500 = tpu.memref_slice %arg6[%mul3A_6] : memref<106496xi32, #tpu.memory_space<hbm>> -> memref<3328xi32, #tpu.memory_space<hbm>>
      %dma_start3A_1501 = tpu.memref_slice %arg6[%mul3A_6] : memref<106496xi32, #tpu.memory_space<hbm>> -> memref<3328xi32, #tpu.memory_space<hbm>>
      tpu.enqueue_dma source(%dma_start3A_1501 : memref<3328xi32, #tpu.memory_space<hbm>>) target(%arg16 : memref<3328xi32, #tpu.memory_space<vmem>>) target_semaphore(%run_scoped3A : memref<!tpu.dma_semaphore, #tpu.memory_space<semaphore_mem>>)
      %dma_wait3A_1502 = tpu.memref_slice %arg6[%mul3A_6] : memref<106496xi32, #tpu.memory_space<hbm>> -> memref<3328xi32, #tpu.memory_space<hbm>>
      %dma_wait3A_1503 = tpu.memref_slice %arg6[%mul3A_6] : memref<106496xi32, #tpu.memory_space<hbm>> -> memref<3328xi32, #tpu.memory_space<hbm>>
      tpu.wait_dma2 semaphore(%run_scoped3A : memref<!tpu.dma_semaphore, #tpu.memory_space<semaphore_mem>>) src(%dma_wait3A_1503 : memref<3328xi32, #tpu.memory_space<hbm>>) dst(%arg16 : memref<3328xi32, #tpu.memory_space<vmem>>)
      tpu.yield
    }) : () -> ()
    %mul3A_7 = arith.constant 128 : i32
    %mul3A_8 = arith.muli %add3A, %mul3A_7 : i32
    %mul3A_9 = arith.constant 26 : i32
    %mul3A_10 = arith.muli %mul3A_8, %mul3A_9 : i32
    "tpu.region"() ({
      %run_scoped3A = tpu.sem_alloc : memref<!tpu.dma_semaphore, #tpu.memory_space<semaphore_mem>>
      %dma_start3A_1500 = tpu.memref_slice %arg8[%mul3A_10] : memref<106496xi32, #tpu.memory_space<hbm>> -> memref<3328xi32, #tpu.memory_space<hbm>>
      %dma_start3A_1501 = tpu.memref_slice %arg8[%mul3A_10] : memref<106496xi32, #tpu.memory_space<hbm>> -> memref<3328xi32, #tpu.memory_space<hbm>>
      tpu.enqueue_dma source(%dma_start3A_1501 : memref<3328xi32, #tpu.memory_space<hbm>>) target(%arg17 : memref<3328xi32, #tpu.memory_space<vmem>>) target_semaphore(%run_scoped3A : memref<!tpu.dma_semaphore, #tpu.memory_space<semaphore_mem>>)
      %dma_wait3A_1502 = tpu.memref_slice %arg8[%mul3A_10] : memref<106496xi32, #tpu.memory_space<hbm>> -> memref<3328xi32, #tpu.memory_space<hbm>>
      %dma_wait3A_1503 = tpu.memref_slice %arg8[%mul3A_10] : memref<106496xi32, #tpu.memory_space<hbm>> -> memref<3328xi32, #tpu.memory_space<hbm>>
      tpu.wait_dma2 semaphore(%run_scoped3A : memref<!tpu.dma_semaphore, #tpu.memory_space<semaphore_mem>>) src(%dma_wait3A_1503 : memref<3328xi32, #tpu.memory_space<hbm>>) dst(%arg17 : memref<3328xi32, #tpu.memory_space<vmem>>)
      tpu.yield
    }) : () -> ()
    %dma_start3A = arith.constant 0 : i32
    %dma_start3A_11 = arith.constant 0 : i32
    %dma_start3A_12 = tpu.memref_slice %arg18[%dma_start3A, %dma_start3A_11] : memref<3328x16xf32, #tpu.memory_space<vmem>> -> memref<128x16xf32, #tpu.memory_space<vmem>>
    %dma_start3A_13 = arith.constant 0 : i32
    %dma_start3A_14 = tpu.memref_slice %arg16[%dma_start3A_13] : memref<3328xi32, #tpu.memory_space<vmem>> -> memref<128xi32, #tpu.memory_space<vmem>>
    %dma_start3A_15 = arith.constant 0 : i32
    %dma_start3A_16 = arith.constant 0 : i32
    %dma_start3A_17 = tpu.memref_slice %arg2[%dma_start3A_15, %dma_start3A_16] : memref<1000000x16xf32, #tpu.memory_space<hbm>> -> memref<1000000x16xf32, #tpu.memory_space<hbm>>
    tpu.enqueue_indirect_dma source(%dma_start3A_17 : memref<1000000x16xf32, #tpu.memory_space<hbm>>) target(%dma_start3A_12 : memref<128x16xf32, #tpu.memory_space<vmem>>) offsets(%dma_start3A_14 : memref<128xi32, #tpu.memory_space<vmem>>) semaphore(%arg23 : memref<!tpu.dma_semaphore, #tpu.memory_space<semaphore_mem>>)
    %dma_start3A_18 = arith.constant 0 : i32
    %dma_start3A_19 = tpu.memref_slice %arg19[%dma_start3A_18] : memref<3328xf32, #tpu.memory_space<vmem>> -> memref<128xf32, #tpu.memory_space<vmem>>
    %dma_start3A_20 = arith.constant 0 : i32
    %dma_start3A_21 = tpu.memref_slice %arg17[%dma_start3A_20] : memref<3328xi32, #tpu.memory_space<vmem>> -> memref<128xi32, #tpu.memory_space<vmem>>
    %dma_start3A_22 = arith.constant 0 : i32
    %dma_start3A_23 = tpu.memref_slice %arg4[%dma_start3A_22] : memref<1000000xf32, #tpu.memory_space<hbm>> -> memref<1000000xf32, #tpu.memory_space<hbm>>
    tpu.enqueue_indirect_dma source(%dma_start3A_23 : memref<1000000xf32, #tpu.memory_space<hbm>>) target(%dma_start3A_19 : memref<128xf32, #tpu.memory_space<vmem>>) offsets(%dma_start3A_21 : memref<128xi32, #tpu.memory_space<vmem>>) semaphore(%arg24 : memref<!tpu.dma_semaphore, #tpu.memory_space<semaphore_mem>>)
    %dma_start3A_24 = arith.constant 128 : i32
    %dma_start3A_25 = arith.constant 0 : i32
    %dma_start3A_26 = tpu.memref_slice %arg18[%dma_start3A_24, %dma_start3A_25] : memref<3328x16xf32, #tpu.memory_space<vmem>> -> memref<128x16xf32, #tpu.memory_space<vmem>>
    %dma_start3A_27 = arith.constant 128 : i32
    %dma_start3A_28 = tpu.memref_slice %arg16[%dma_start3A_27] : memref<3328xi32, #tpu.memory_space<vmem>> -> memref<128xi32, #tpu.memory_space<vmem>>
    %dma_start3A_29 = arith.constant 0 : i32
    %dma_start3A_30 = arith.constant 0 : i32
    %dma_start3A_31 = tpu.memref_slice %arg2[%dma_start3A_29, %dma_start3A_30] : memref<1000000x16xf32, #tpu.memory_space<hbm>> -> memref<1000000x16xf32, #tpu.memory_space<hbm>>
    tpu.enqueue_indirect_dma source(%dma_start3A_31 : memref<1000000x16xf32, #tpu.memory_space<hbm>>) target(%dma_start3A_26 : memref<128x16xf32, #tpu.memory_space<vmem>>) offsets(%dma_start3A_28 : memref<128xi32, #tpu.memory_space<vmem>>) semaphore(%arg23 : memref<!tpu.dma_semaphore, #tpu.memory_space<semaphore_mem>>)
    %dma_start3A_32 = arith.constant 128 : i32
    %dma_start3A_33 = tpu.memref_slice %arg19[%dma_start3A_32] : memref<3328xf32, #tpu.memory_space<vmem>> -> memref<128xf32, #tpu.memory_space<vmem>>
    %dma_start3A_34 = arith.constant 128 : i32
    %dma_start3A_35 = tpu.memref_slice %arg17[%dma_start3A_34] : memref<3328xi32, #tpu.memory_space<vmem>> -> memref<128xi32, #tpu.memory_space<vmem>>
    %dma_start3A_36 = arith.constant 0 : i32
    %dma_start3A_37 = tpu.memref_slice %arg4[%dma_start3A_36] : memref<1000000xf32, #tpu.memory_space<hbm>> -> memref<1000000xf32, #tpu.memory_space<hbm>>
    tpu.enqueue_indirect_dma source(%dma_start3A_37 : memref<1000000xf32, #tpu.memory_space<hbm>>) target(%dma_start3A_33 : memref<128xf32, #tpu.memory_space<vmem>>) offsets(%dma_start3A_35 : memref<128xi32, #tpu.memory_space<vmem>>) semaphore(%arg24 : memref<!tpu.dma_semaphore, #tpu.memory_space<semaphore_mem>>)
    %dma_start3A_38 = arith.constant 256 : i32
    %dma_start3A_39 = arith.constant 0 : i32
    %dma_start3A_40 = tpu.memref_slice %arg18[%dma_start3A_38, %dma_start3A_39] : memref<3328x16xf32, #tpu.memory_space<vmem>> -> memref<128x16xf32, #tpu.memory_space<vmem>>
    %dma_start3A_41 = arith.constant 256 : i32
    %dma_start3A_42 = tpu.memref_slice %arg16[%dma_start3A_41] : memref<3328xi32, #tpu.memory_space<vmem>> -> memref<128xi32, #tpu.memory_space<vmem>>
    %dma_start3A_43 = arith.constant 0 : i32
    %dma_start3A_44 = arith.constant 0 : i32
    %dma_start3A_45 = tpu.memref_slice %arg2[%dma_start3A_43, %dma_start3A_44] : memref<1000000x16xf32, #tpu.memory_space<hbm>> -> memref<1000000x16xf32, #tpu.memory_space<hbm>>
    tpu.enqueue_indirect_dma source(%dma_start3A_45 : memref<1000000x16xf32, #tpu.memory_space<hbm>>) target(%dma_start3A_40 : memref<128x16xf32, #tpu.memory_space<vmem>>) offsets(%dma_start3A_42 : memref<128xi32, #tpu.memory_space<vmem>>) semaphore(%arg23 : memref<!tpu.dma_semaphore, #tpu.memory_space<semaphore_mem>>)
    %dma_start3A_46 = arith.constant 256 : i32
    %dma_start3A_47 = tpu.memref_slice %arg19[%dma_start3A_46] : memref<3328xf32, #tpu.memory_space<vmem>> -> memref<128xf32, #tpu.memory_space<vmem>>
    %dma_start3A_48 = arith.constant 256 : i32
    %dma_start3A_49 = tpu.memref_slice %arg17[%dma_start3A_48] : memref<3328xi32, #tpu.memory_space<vmem>> -> memref<128xi32, #tpu.memory_space<vmem>>
    %dma_start3A_50 = arith.constant 0 : i32
    %dma_start3A_51 = tpu.memref_slice %arg4[%dma_start3A_50] : memref<1000000xf32, #tpu.memory_space<hbm>> -> memref<1000000xf32, #tpu.memory_space<hbm>>
    tpu.enqueue_indirect_dma source(%dma_start3A_51 : memref<1000000xf32, #tpu.memory_space<hbm>>) target(%dma_start3A_47 : memref<128xf32, #tpu.memory_space<vmem>>) offsets(%dma_start3A_49 : memref<128xi32, #tpu.memory_space<vmem>>) semaphore(%arg24 : memref<!tpu.dma_semaphore, #tpu.memory_space<semaphore_mem>>)
    %dma_start3A_52 = arith.constant 384 : i32
    %dma_start3A_53 = arith.constant 0 : i32
    %dma_start3A_54 = tpu.memref_slice %arg18[%dma_start3A_52, %dma_start3A_53] : memref<3328x16xf32, #tpu.memory_space<vmem>> -> memref<128x16xf32, #tpu.memory_space<vmem>>
    %dma_start3A_55 = arith.constant 384 : i32
    %dma_start3A_56 = tpu.memref_slice %arg16[%dma_start3A_55] : memref<3328xi32, #tpu.memory_space<vmem>> -> memref<128xi32, #tpu.memory_space<vmem>>
    %dma_start3A_57 = arith.constant 0 : i32
    %dma_start3A_58 = arith.constant 0 : i32
    %dma_start3A_59 = tpu.memref_slice %arg2[%dma_start3A_57, %dma_start3A_58] : memref<1000000x16xf32, #tpu.memory_space<hbm>> -> memref<1000000x16xf32, #tpu.memory_space<hbm>>
    tpu.enqueue_indirect_dma source(%dma_start3A_59 : memref<1000000x16xf32, #tpu.memory_space<hbm>>) target(%dma_start3A_54 : memref<128x16xf32, #tpu.memory_space<vmem>>) offsets(%dma_start3A_56 : memref<128xi32, #tpu.memory_space<vmem>>) semaphore(%arg23 : memref<!tpu.dma_semaphore, #tpu.memory_space<semaphore_mem>>)
    %dma_start3A_60 = arith.constant 384 : i32
    %dma_start3A_61 = tpu.memref_slice %arg19[%dma_start3A_60] : memref<3328xf32, #tpu.memory_space<vmem>> -> memref<128xf32, #tpu.memory_space<vmem>>
    %dma_start3A_62 = arith.constant 384 : i32
    %dma_start3A_63 = tpu.memref_slice %arg17[%dma_start3A_62] : memref<3328xi32, #tpu.memory_space<vmem>> -> memref<128xi32, #tpu.memory_space<vmem>>
    %dma_start3A_64 = arith.constant 0 : i32
    %dma_start3A_65 = tpu.memref_slice %arg4[%dma_start3A_64] : memref<1000000xf32, #tpu.memory_space<hbm>> -> memref<1000000xf32, #tpu.memory_space<hbm>>
    tpu.enqueue_indirect_dma source(%dma_start3A_65 : memref<1000000xf32, #tpu.memory_space<hbm>>) target(%dma_start3A_61 : memref<128xf32, #tpu.memory_space<vmem>>) offsets(%dma_start3A_63 : memref<128xi32, #tpu.memory_space<vmem>>) semaphore(%arg24 : memref<!tpu.dma_semaphore, #tpu.memory_space<semaphore_mem>>)
    %dma_start3A_66 = arith.constant 512 : i32
    %dma_start3A_67 = arith.constant 0 : i32
    %dma_start3A_68 = tpu.memref_slice %arg18[%dma_start3A_66, %dma_start3A_67] : memref<3328x16xf32, #tpu.memory_space<vmem>> -> memref<128x16xf32, #tpu.memory_space<vmem>>
    %dma_start3A_69 = arith.constant 512 : i32
    %dma_start3A_70 = tpu.memref_slice %arg16[%dma_start3A_69] : memref<3328xi32, #tpu.memory_space<vmem>> -> memref<128xi32, #tpu.memory_space<vmem>>
    %dma_start3A_71 = arith.constant 0 : i32
    %dma_start3A_72 = arith.constant 0 : i32
    %dma_start3A_73 = tpu.memref_slice %arg2[%dma_start3A_71, %dma_start3A_72] : memref<1000000x16xf32, #tpu.memory_space<hbm>> -> memref<1000000x16xf32, #tpu.memory_space<hbm>>
    tpu.enqueue_indirect_dma source(%dma_start3A_73 : memref<1000000x16xf32, #tpu.memory_space<hbm>>) target(%dma_start3A_68 : memref<128x16xf32, #tpu.memory_space<vmem>>) offsets(%dma_start3A_70 : memref<128xi32, #tpu.memory_space<vmem>>) semaphore(%arg23 : memref<!tpu.dma_semaphore, #tpu.memory_space<semaphore_mem>>)
    %dma_start3A_74 = arith.constant 512 : i32
    %dma_start3A_75 = tpu.memref_slice %arg19[%dma_start3A_74] : memref<3328xf32, #tpu.memory_space<vmem>> -> memref<128xf32, #tpu.memory_space<vmem>>
    %dma_start3A_76 = arith.constant 512 : i32
    %dma_start3A_77 = tpu.memref_slice %arg17[%dma_start3A_76] : memref<3328xi32, #tpu.memory_space<vmem>> -> memref<128xi32, #tpu.memory_space<vmem>>
    %dma_start3A_78 = arith.constant 0 : i32
    %dma_start3A_79 = tpu.memref_slice %arg4[%dma_start3A_78] : memref<1000000xf32, #tpu.memory_space<hbm>> -> memref<1000000xf32, #tpu.memory_space<hbm>>
    tpu.enqueue_indirect_dma source(%dma_start3A_79 : memref<1000000xf32, #tpu.memory_space<hbm>>) target(%dma_start3A_75 : memref<128xf32, #tpu.memory_space<vmem>>) offsets(%dma_start3A_77 : memref<128xi32, #tpu.memory_space<vmem>>) semaphore(%arg24 : memref<!tpu.dma_semaphore, #tpu.memory_space<semaphore_mem>>)
    %dma_start3A_80 = arith.constant 640 : i32
    %dma_start3A_81 = arith.constant 0 : i32
    %dma_start3A_82 = tpu.memref_slice %arg18[%dma_start3A_80, %dma_start3A_81] : memref<3328x16xf32, #tpu.memory_space<vmem>> -> memref<128x16xf32, #tpu.memory_space<vmem>>
    %dma_start3A_83 = arith.constant 640 : i32
    %dma_start3A_84 = tpu.memref_slice %arg16[%dma_start3A_83] : memref<3328xi32, #tpu.memory_space<vmem>> -> memref<128xi32, #tpu.memory_space<vmem>>
    %dma_start3A_85 = arith.constant 0 : i32
    %dma_start3A_86 = arith.constant 0 : i32
    %dma_start3A_87 = tpu.memref_slice %arg2[%dma_start3A_85, %dma_start3A_86] : memref<1000000x16xf32, #tpu.memory_space<hbm>> -> memref<1000000x16xf32, #tpu.memory_space<hbm>>
    tpu.enqueue_indirect_dma source(%dma_start3A_87 : memref<1000000x16xf32, #tpu.memory_space<hbm>>) target(%dma_start3A_82 : memref<128x16xf32, #tpu.memory_space<vmem>>) offsets(%dma_start3A_84 : memref<128xi32, #tpu.memory_space<vmem>>) semaphore(%arg23 : memref<!tpu.dma_semaphore, #tpu.memory_space<semaphore_mem>>)
    %dma_start3A_88 = arith.constant 640 : i32
    %dma_start3A_89 = tpu.memref_slice %arg19[%dma_start3A_88] : memref<3328xf32, #tpu.memory_space<vmem>> -> memref<128xf32, #tpu.memory_space<vmem>>
    %dma_start3A_90 = arith.constant 640 : i32
    %dma_start3A_91 = tpu.memref_slice %arg17[%dma_start3A_90] : memref<3328xi32, #tpu.memory_space<vmem>> -> memref<128xi32, #tpu.memory_space<vmem>>
    %dma_start3A_92 = arith.constant 0 : i32
    %dma_start3A_93 = tpu.memref_slice %arg4[%dma_start3A_92] : memref<1000000xf32, #tpu.memory_space<hbm>> -> memref<1000000xf32, #tpu.memory_space<hbm>>
    tpu.enqueue_indirect_dma source(%dma_start3A_93 : memref<1000000xf32, #tpu.memory_space<hbm>>) target(%dma_start3A_89 : memref<128xf32, #tpu.memory_space<vmem>>) offsets(%dma_start3A_91 : memref<128xi32, #tpu.memory_space<vmem>>) semaphore(%arg24 : memref<!tpu.dma_semaphore, #tpu.memory_space<semaphore_mem>>)
    %dma_start3A_94 = arith.constant 768 : i32
    %dma_start3A_95 = arith.constant 0 : i32
    %dma_start3A_96 = tpu.memref_slice %arg18[%dma_start3A_94, %dma_start3A_95] : memref<3328x16xf32, #tpu.memory_space<vmem>> -> memref<128x16xf32, #tpu.memory_space<vmem>>
    %dma_start3A_97 = arith.constant 768 : i32
    %dma_start3A_98 = tpu.memref_slice %arg16[%dma_start3A_97] : memref<3328xi32, #tpu.memory_space<vmem>> -> memref<128xi32, #tpu.memory_space<vmem>>
    %dma_start3A_99 = arith.constant 0 : i32
    %dma_start3A_100 = arith.constant 0 : i32
    %dma_start3A_101 = tpu.memref_slice %arg2[%dma_start3A_99, %dma_start3A_100] : memref<1000000x16xf32, #tpu.memory_space<hbm>> -> memref<1000000x16xf32, #tpu.memory_space<hbm>>
    tpu.enqueue_indirect_dma source(%dma_start3A_101 : memref<1000000x16xf32, #tpu.memory_space<hbm>>) target(%dma_start3A_96 : memref<128x16xf32, #tpu.memory_space<vmem>>) offsets(%dma_start3A_98 : memref<128xi32, #tpu.memory_space<vmem>>) semaphore(%arg23 : memref<!tpu.dma_semaphore, #tpu.memory_space<semaphore_mem>>)
    %dma_start3A_102 = arith.constant 768 : i32
    %dma_start3A_103 = tpu.memref_slice %arg19[%dma_start3A_102] : memref<3328xf32, #tpu.memory_space<vmem>> -> memref<128xf32, #tpu.memory_space<vmem>>
    %dma_start3A_104 = arith.constant 768 : i32
    %dma_start3A_105 = tpu.memref_slice %arg17[%dma_start3A_104] : memref<3328xi32, #tpu.memory_space<vmem>> -> memref<128xi32, #tpu.memory_space<vmem>>
    %dma_start3A_106 = arith.constant 0 : i32
    %dma_start3A_107 = tpu.memref_slice %arg4[%dma_start3A_106] : memref<1000000xf32, #tpu.memory_space<hbm>> -> memref<1000000xf32, #tpu.memory_space<hbm>>
    tpu.enqueue_indirect_dma source(%dma_start3A_107 : memref<1000000xf32, #tpu.memory_space<hbm>>) target(%dma_start3A_103 : memref<128xf32, #tpu.memory_space<vmem>>) offsets(%dma_start3A_105 : memref<128xi32, #tpu.memory_space<vmem>>) semaphore(%arg24 : memref<!tpu.dma_semaphore, #tpu.memory_space<semaphore_mem>>)
    %dma_start3A_108 = arith.constant 896 : i32
    %dma_start3A_109 = arith.constant 0 : i32
    %dma_start3A_110 = tpu.memref_slice %arg18[%dma_start3A_108, %dma_start3A_109] : memref<3328x16xf32, #tpu.memory_space<vmem>> -> memref<128x16xf32, #tpu.memory_space<vmem>>
    %dma_start3A_111 = arith.constant 896 : i32
    %dma_start3A_112 = tpu.memref_slice %arg16[%dma_start3A_111] : memref<3328xi32, #tpu.memory_space<vmem>> -> memref<128xi32, #tpu.memory_space<vmem>>
    %dma_start3A_113 = arith.constant 0 : i32
    %dma_start3A_114 = arith.constant 0 : i32
    %dma_start3A_115 = tpu.memref_slice %arg2[%dma_start3A_113, %dma_start3A_114] : memref<1000000x16xf32, #tpu.memory_space<hbm>> -> memref<1000000x16xf32, #tpu.memory_space<hbm>>
    tpu.enqueue_indirect_dma source(%dma_start3A_115 : memref<1000000x16xf32, #tpu.memory_space<hbm>>) target(%dma_start3A_110 : memref<128x16xf32, #tpu.memory_space<vmem>>) offsets(%dma_start3A_112 : memref<128xi32, #tpu.memory_space<vmem>>) semaphore(%arg23 : memref<!tpu.dma_semaphore, #tpu.memory_space<semaphore_mem>>)
    %dma_start3A_116 = arith.constant 896 : i32
    %dma_start3A_117 = tpu.memref_slice %arg19[%dma_start3A_116] : memref<3328xf32, #tpu.memory_space<vmem>> -> memref<128xf32, #tpu.memory_space<vmem>>
    %dma_start3A_118 = arith.constant 896 : i32
    %dma_start3A_119 = tpu.memref_slice %arg17[%dma_start3A_118] : memref<3328xi32, #tpu.memory_space<vmem>> -> memref<128xi32, #tpu.memory_space<vmem>>
    %dma_start3A_120 = arith.constant 0 : i32
    %dma_start3A_121 = tpu.memref_slice %arg4[%dma_start3A_120] : memref<1000000xf32, #tpu.memory_space<hbm>> -> memref<1000000xf32, #tpu.memory_space<hbm>>
    tpu.enqueue_indirect_dma source(%dma_start3A_121 : memref<1000000xf32, #tpu.memory_space<hbm>>) target(%dma_start3A_117 : memref<128xf32, #tpu.memory_space<vmem>>) offsets(%dma_start3A_119 : memref<128xi32, #tpu.memory_space<vmem>>) semaphore(%arg24 : memref<!tpu.dma_semaphore, #tpu.memory_space<semaphore_mem>>)
    %dma_start3A_122 = arith.constant 1024 : i32
    %dma_start3A_123 = arith.constant 0 : i32
    %dma_start3A_124 = tpu.memref_slice %arg18[%dma_start3A_122, %dma_start3A_123] : memref<3328x16xf32, #tpu.memory_space<vmem>> -> memref<128x16xf32, #tpu.memory_space<vmem>>
    %dma_start3A_125 = arith.constant 1024 : i32
    %dma_start3A_126 = tpu.memref_slice %arg16[%dma_start3A_125] : memref<3328xi32, #tpu.memory_space<vmem>> -> memref<128xi32, #tpu.memory_space<vmem>>
    %dma_start3A_127 = arith.constant 0 : i32
    %dma_start3A_128 = arith.constant 0 : i32
    %dma_start3A_129 = tpu.memref_slice %arg2[%dma_start3A_127, %dma_start3A_128] : memref<1000000x16xf32, #tpu.memory_space<hbm>> -> memref<1000000x16xf32, #tpu.memory_space<hbm>>
    tpu.enqueue_indirect_dma source(%dma_start3A_129 : memref<1000000x16xf32, #tpu.memory_space<hbm>>) target(%dma_start3A_124 : memref<128x16xf32, #tpu.memory_space<vmem>>) offsets(%dma_start3A_126 : memref<128xi32, #tpu.memory_space<vmem>>) semaphore(%arg23 : memref<!tpu.dma_semaphore, #tpu.memory_space<semaphore_mem>>)
    %dma_start3A_130 = arith.constant 1024 : i32
    %dma_start3A_131 = tpu.memref_slice %arg19[%dma_start3A_130] : memref<3328xf32, #tpu.memory_space<vmem>> -> memref<128xf32, #tpu.memory_space<vmem>>
    %dma_start3A_132 = arith.constant 1024 : i32
    %dma_start3A_133 = tpu.memref_slice %arg17[%dma_start3A_132] : memref<3328xi32, #tpu.memory_space<vmem>> -> memref<128xi32, #tpu.memory_space<vmem>>
    %dma_start3A_134 = arith.constant 0 : i32
    %dma_start3A_135 = tpu.memref_slice %arg4[%dma_start3A_134] : memref<1000000xf32, #tpu.memory_space<hbm>> -> memref<1000000xf32, #tpu.memory_space<hbm>>
    tpu.enqueue_indirect_dma source(%dma_start3A_135 : memref<1000000xf32, #tpu.memory_space<hbm>>) target(%dma_start3A_131 : memref<128xf32, #tpu.memory_space<vmem>>) offsets(%dma_start3A_133 : memref<128xi32, #tpu.memory_space<vmem>>) semaphore(%arg24 : memref<!tpu.dma_semaphore, #tpu.memory_space<semaphore_mem>>)
    %dma_start3A_136 = arith.constant 1152 : i32
    %dma_start3A_137 = arith.constant 0 : i32
    %dma_start3A_138 = tpu.memref_slice %arg18[%dma_start3A_136, %dma_start3A_137] : memref<3328x16xf32, #tpu.memory_space<vmem>> -> memref<128x16xf32, #tpu.memory_space<vmem>>
    %dma_start3A_139 = arith.constant 1152 : i32
    %dma_start3A_140 = tpu.memref_slice %arg16[%dma_start3A_139] : memref<3328xi32, #tpu.memory_space<vmem>> -> memref<128xi32, #tpu.memory_space<vmem>>
    %dma_start3A_141 = arith.constant 0 : i32
    %dma_start3A_142 = arith.constant 0 : i32
    %dma_start3A_143 = tpu.memref_slice %arg2[%dma_start3A_141, %dma_start3A_142] : memref<1000000x16xf32, #tpu.memory_space<hbm>> -> memref<1000000x16xf32, #tpu.memory_space<hbm>>
    tpu.enqueue_indirect_dma source(%dma_start3A_143 : memref<1000000x16xf32, #tpu.memory_space<hbm>>) target(%dma_start3A_138 : memref<128x16xf32, #tpu.memory_space<vmem>>) offsets(%dma_start3A_140 : memref<128xi32, #tpu.memory_space<vmem>>) semaphore(%arg23 : memref<!tpu.dma_semaphore, #tpu.memory_space<semaphore_mem>>)
    %dma_start3A_144 = arith.constant 1152 : i32
    %dma_start3A_145 = tpu.memref_slice %arg19[%dma_start3A_144] : memref<3328xf32, #tpu.memory_space<vmem>> -> memref<128xf32, #tpu.memory_space<vmem>>
    %dma_start3A_146 = arith.constant 1152 : i32
    %dma_start3A_147 = tpu.memref_slice %arg17[%dma_start3A_146] : memref<3328xi32, #tpu.memory_space<vmem>> -> memref<128xi32, #tpu.memory_space<vmem>>
    %dma_start3A_148 = arith.constant 0 : i32
    %dma_start3A_149 = tpu.memref_slice %arg4[%dma_start3A_148] : memref<1000000xf32, #tpu.memory_space<hbm>> -> memref<1000000xf32, #tpu.memory_space<hbm>>
    tpu.enqueue_indirect_dma source(%dma_start3A_149 : memref<1000000xf32, #tpu.memory_space<hbm>>) target(%dma_start3A_145 : memref<128xf32, #tpu.memory_space<vmem>>) offsets(%dma_start3A_147 : memref<128xi32, #tpu.memory_space<vmem>>) semaphore(%arg24 : memref<!tpu.dma_semaphore, #tpu.memory_space<semaphore_mem>>)
    %dma_start3A_150 = arith.constant 1280 : i32
    %dma_start3A_151 = arith.constant 0 : i32
    %dma_start3A_152 = tpu.memref_slice %arg18[%dma_start3A_150, %dma_start3A_151] : memref<3328x16xf32, #tpu.memory_space<vmem>> -> memref<128x16xf32, #tpu.memory_space<vmem>>
    %dma_start3A_153 = arith.constant 1280 : i32
    %dma_start3A_154 = tpu.memref_slice %arg16[%dma_start3A_153] : memref<3328xi32, #tpu.memory_space<vmem>> -> memref<128xi32, #tpu.memory_space<vmem>>
    %dma_start3A_155 = arith.constant 0 : i32
    %dma_start3A_156 = arith.constant 0 : i32
    %dma_start3A_157 = tpu.memref_slice %arg2[%dma_start3A_155, %dma_start3A_156] : memref<1000000x16xf32, #tpu.memory_space<hbm>> -> memref<1000000x16xf32, #tpu.memory_space<hbm>>
    tpu.enqueue_indirect_dma source(%dma_start3A_157 : memref<1000000x16xf32, #tpu.memory_space<hbm>>) target(%dma_start3A_152 : memref<128x16xf32, #tpu.memory_space<vmem>>) offsets(%dma_start3A_154 : memref<128xi32, #tpu.memory_space<vmem>>) semaphore(%arg23 : memref<!tpu.dma_semaphore, #tpu.memory_space<semaphore_mem>>)
    %dma_start3A_158 = arith.constant 1280 : i32
    %dma_start3A_159 = tpu.memref_slice %arg19[%dma_start3A_158] : memref<3328xf32, #tpu.memory_space<vmem>> -> memref<128xf32, #tpu.memory_space<vmem>>
    %dma_start3A_160 = arith.constant 1280 : i32
    %dma_start3A_161 = tpu.memref_slice %arg17[%dma_start3A_160] : memref<3328xi32, #tpu.memory_space<vmem>> -> memref<128xi32, #tpu.memory_space<vmem>>
    %dma_start3A_162 = arith.constant 0 : i32
    %dma_start3A_163 = tpu.memref_slice %arg4[%dma_start3A_162] : memref<1000000xf32, #tpu.memory_space<hbm>> -> memref<1000000xf32, #tpu.memory_space<hbm>>
    tpu.enqueue_indirect_dma source(%dma_start3A_163 : memref<1000000xf32, #tpu.memory_space<hbm>>) target(%dma_start3A_159 : memref<128xf32, #tpu.memory_space<vmem>>) offsets(%dma_start3A_161 : memref<128xi32, #tpu.memory_space<vmem>>) semaphore(%arg24 : memref<!tpu.dma_semaphore, #tpu.memory_space<semaphore_mem>>)
    %dma_start3A_164 = arith.constant 1408 : i32
    %dma_start3A_165 = arith.constant 0 : i32
    %dma_start3A_166 = tpu.memref_slice %arg18[%dma_start3A_164, %dma_start3A_165] : memref<3328x16xf32, #tpu.memory_space<vmem>> -> memref<128x16xf32, #tpu.memory_space<vmem>>
    %dma_start3A_167 = arith.constant 1408 : i32
    %dma_start3A_168 = tpu.memref_slice %arg16[%dma_start3A_167] : memref<3328xi32, #tpu.memory_space<vmem>> -> memref<128xi32, #tpu.memory_space<vmem>>
    %dma_start3A_169 = arith.constant 0 : i32
    %dma_start3A_170 = arith.constant 0 : i32
    %dma_start3A_171 = tpu.memref_slice %arg2[%dma_start3A_169, %dma_start3A_170] : memref<1000000x16xf32, #tpu.memory_space<hbm>> -> memref<1000000x16xf32, #tpu.memory_space<hbm>>
    tpu.enqueue_indirect_dma source(%dma_start3A_171 : memref<1000000x16xf32, #tpu.memory_space<hbm>>) target(%dma_start3A_166 : memref<128x16xf32, #tpu.memory_space<vmem>>) offsets(%dma_start3A_168 : memref<128xi32, #tpu.memory_space<vmem>>) semaphore(%arg23 : memref<!tpu.dma_semaphore, #tpu.memory_space<semaphore_mem>>)
    %dma_start3A_172 = arith.constant 1408 : i32
    %dma_start3A_173 = tpu.memref_slice %arg19[%dma_start3A_172] : memref<3328xf32, #tpu.memory_space<vmem>> -> memref<128xf32, #tpu.memory_space<vmem>>
    %dma_start3A_174 = arith.constant 1408 : i32
    %dma_start3A_175 = tpu.memref_slice %arg17[%dma_start3A_174] : memref<3328xi32, #tpu.memory_space<vmem>> -> memref<128xi32, #tpu.memory_space<vmem>>
    %dma_start3A_176 = arith.constant 0 : i32
    %dma_start3A_177 = tpu.memref_slice %arg4[%dma_start3A_176] : memref<1000000xf32, #tpu.memory_space<hbm>> -> memref<1000000xf32, #tpu.memory_space<hbm>>
    tpu.enqueue_indirect_dma source(%dma_start3A_177 : memref<1000000xf32, #tpu.memory_space<hbm>>) target(%dma_start3A_173 : memref<128xf32, #tpu.memory_space<vmem>>) offsets(%dma_start3A_175 : memref<128xi32, #tpu.memory_space<vmem>>) semaphore(%arg24 : memref<!tpu.dma_semaphore, #tpu.memory_space<semaphore_mem>>)
    %dma_start3A_178 = arith.constant 1536 : i32
    %dma_start3A_179 = arith.constant 0 : i32
    %dma_start3A_180 = tpu.memref_slice %arg18[%dma_start3A_178, %dma_start3A_179] : memref<3328x16xf32, #tpu.memory_space<vmem>> -> memref<128x16xf32, #tpu.memory_space<vmem>>
    %dma_start3A_181 = arith.constant 1536 : i32
    %dma_start3A_182 = tpu.memref_slice %arg16[%dma_start3A_181] : memref<3328xi32, #tpu.memory_space<vmem>> -> memref<128xi32, #tpu.memory_space<vmem>>
    %dma_start3A_183 = arith.constant 0 : i32
    %dma_start3A_184 = arith.constant 0 : i32
    %dma_start3A_185 = tpu.memref_slice %arg2[%dma_start3A_183, %dma_start3A_184] : memref<1000000x16xf32, #tpu.memory_space<hbm>> -> memref<1000000x16xf32, #tpu.memory_space<hbm>>
    tpu.enqueue_indirect_dma source(%dma_start3A_185 : memref<1000000x16xf32, #tpu.memory_space<hbm>>) target(%dma_start3A_180 : memref<128x16xf32, #tpu.memory_space<vmem>>) offsets(%dma_start3A_182 : memref<128xi32, #tpu.memory_space<vmem>>) semaphore(%arg23 : memref<!tpu.dma_semaphore, #tpu.memory_space<semaphore_mem>>)
    %dma_start3A_186 = arith.constant 1536 : i32
    %dma_start3A_187 = tpu.memref_slice %arg19[%dma_start3A_186] : memref<3328xf32, #tpu.memory_space<vmem>> -> memref<128xf32, #tpu.memory_space<vmem>>
    %dma_start3A_188 = arith.constant 1536 : i32
    %dma_start3A_189 = tpu.memref_slice %arg17[%dma_start3A_188] : memref<3328xi32, #tpu.memory_space<vmem>> -> memref<128xi32, #tpu.memory_space<vmem>>
    %dma_start3A_190 = arith.constant 0 : i32
    %dma_start3A_191 = tpu.memref_slice %arg4[%dma_start3A_190] : memref<1000000xf32, #tpu.memory_space<hbm>> -> memref<1000000xf32, #tpu.memory_space<hbm>>
    tpu.enqueue_indirect_dma source(%dma_start3A_191 : memref<1000000xf32, #tpu.memory_space<hbm>>) target(%dma_start3A_187 : memref<128xf32, #tpu.memory_space<vmem>>) offsets(%dma_start3A_189 : memref<128xi32, #tpu.memory_space<vmem>>) semaphore(%arg24 : memref<!tpu.dma_semaphore, #tpu.memory_space<semaphore_mem>>)
    %dma_start3A_192 = arith.constant 1664 : i32
    %dma_start3A_193 = arith.constant 0 : i32
    %dma_start3A_194 = tpu.memref_slice %arg18[%dma_start3A_192, %dma_start3A_193] : memref<3328x16xf32, #tpu.memory_space<vmem>> -> memref<128x16xf32, #tpu.memory_space<vmem>>
    %dma_start3A_195 = arith.constant 1664 : i32
    %dma_start3A_196 = tpu.memref_slice %arg16[%dma_start3A_195] : memref<3328xi32, #tpu.memory_space<vmem>> -> memref<128xi32, #tpu.memory_space<vmem>>
    %dma_start3A_197 = arith.constant 0 : i32
    %dma_start3A_198 = arith.constant 0 : i32
    %dma_start3A_199 = tpu.memref_slice %arg2[%dma_start3A_197, %dma_start3A_198] : memref<1000000x16xf32, #tpu.memory_space<hbm>> -> memref<1000000x16xf32, #tpu.memory_space<hbm>>
    tpu.enqueue_indirect_dma source(%dma_start3A_199 : memref<1000000x16xf32, #tpu.memory_space<hbm>>) target(%dma_start3A_194 : memref<128x16xf32, #tpu.memory_space<vmem>>) offsets(%dma_start3A_196 : memref<128xi32, #tpu.memory_space<vmem>>) semaphore(%arg23 : memref<!tpu.dma_semaphore, #tpu.memory_space<semaphore_mem>>)
    %dma_start3A_200 = arith.constant 1664 : i32
    %dma_start3A_201 = tpu.memref_slice %arg19[%dma_start3A_200] : memref<3328xf32, #tpu.memory_space<vmem>> -> memref<128xf32, #tpu.memory_space<vmem>>
    %dma_start3A_202 = arith.constant 1664 : i32
    %dma_start3A_203 = tpu.memref_slice %arg17[%dma_start3A_202] : memref<3328xi32, #tpu.memory_space<vmem>> -> memref<128xi32, #tpu.memory_space<vmem>>
    %dma_start3A_204 = arith.constant 0 : i32
    %dma_start3A_205 = tpu.memref_slice %arg4[%dma_start3A_204] : memref<1000000xf32, #tpu.memory_space<hbm>> -> memref<1000000xf32, #tpu.memory_space<hbm>>
    tpu.enqueue_indirect_dma source(%dma_start3A_205 : memref<1000000xf32, #tpu.memory_space<hbm>>) target(%dma_start3A_201 : memref<128xf32, #tpu.memory_space<vmem>>) offsets(%dma_start3A_203 : memref<128xi32, #tpu.memory_space<vmem>>) semaphore(%arg24 : memref<!tpu.dma_semaphore, #tpu.memory_space<semaphore_mem>>)
    %dma_start3A_206 = arith.constant 1792 : i32
    %dma_start3A_207 = arith.constant 0 : i32
    %dma_start3A_208 = tpu.memref_slice %arg18[%dma_start3A_206, %dma_start3A_207] : memref<3328x16xf32, #tpu.memory_space<vmem>> -> memref<128x16xf32, #tpu.memory_space<vmem>>
    %dma_start3A_209 = arith.constant 1792 : i32
    %dma_start3A_210 = tpu.memref_slice %arg16[%dma_start3A_209] : memref<3328xi32, #tpu.memory_space<vmem>> -> memref<128xi32, #tpu.memory_space<vmem>>
    %dma_start3A_211 = arith.constant 0 : i32
    %dma_start3A_212 = arith.constant 0 : i32
    %dma_start3A_213 = tpu.memref_slice %arg2[%dma_start3A_211, %dma_start3A_212] : memref<1000000x16xf32, #tpu.memory_space<hbm>> -> memref<1000000x16xf32, #tpu.memory_space<hbm>>
    tpu.enqueue_indirect_dma source(%dma_start3A_213 : memref<1000000x16xf32, #tpu.memory_space<hbm>>) target(%dma_start3A_208 : memref<128x16xf32, #tpu.memory_space<vmem>>) offsets(%dma_start3A_210 : memref<128xi32, #tpu.memory_space<vmem>>) semaphore(%arg23 : memref<!tpu.dma_semaphore, #tpu.memory_space<semaphore_mem>>)
    %dma_start3A_214 = arith.constant 1792 : i32
    %dma_start3A_215 = tpu.memref_slice %arg19[%dma_start3A_214] : memref<3328xf32, #tpu.memory_space<vmem>> -> memref<128xf32, #tpu.memory_space<vmem>>
    %dma_start3A_216 = arith.constant 1792 : i32
    %dma_start3A_217 = tpu.memref_slice %arg17[%dma_start3A_216] : memref<3328xi32, #tpu.memory_space<vmem>> -> memref<128xi32, #tpu.memory_space<vmem>>
    %dma_start3A_218 = arith.constant 0 : i32
    %dma_start3A_219 = tpu.memref_slice %arg4[%dma_start3A_218] : memref<1000000xf32, #tpu.memory_space<hbm>> -> memref<1000000xf32, #tpu.memory_space<hbm>>
    tpu.enqueue_indirect_dma source(%dma_start3A_219 : memref<1000000xf32, #tpu.memory_space<hbm>>) target(%dma_start3A_215 : memref<128xf32, #tpu.memory_space<vmem>>) offsets(%dma_start3A_217 : memref<128xi32, #tpu.memory_space<vmem>>) semaphore(%arg24 : memref<!tpu.dma_semaphore, #tpu.memory_space<semaphore_mem>>)
    %dma_start3A_220 = arith.constant 1920 : i32
    %dma_start3A_221 = arith.constant 0 : i32
    %dma_start3A_222 = tpu.memref_slice %arg18[%dma_start3A_220, %dma_start3A_221] : memref<3328x16xf32, #tpu.memory_space<vmem>> -> memref<128x16xf32, #tpu.memory_space<vmem>>
    %dma_start3A_223 = arith.constant 1920 : i32
    %dma_start3A_224 = tpu.memref_slice %arg16[%dma_start3A_223] : memref<3328xi32, #tpu.memory_space<vmem>> -> memref<128xi32, #tpu.memory_space<vmem>>
    %dma_start3A_225 = arith.constant 0 : i32
    %dma_start3A_226 = arith.constant 0 : i32
    %dma_start3A_227 = tpu.memref_slice %arg2[%dma_start3A_225, %dma_start3A_226] : memref<1000000x16xf32, #tpu.memory_space<hbm>> -> memref<1000000x16xf32, #tpu.memory_space<hbm>>
    tpu.enqueue_indirect_dma source(%dma_start3A_227 : memref<1000000x16xf32, #tpu.memory_space<hbm>>) target(%dma_start3A_222 : memref<128x16xf32, #tpu.memory_space<vmem>>) offsets(%dma_start3A_224 : memref<128xi32, #tpu.memory_space<vmem>>) semaphore(%arg23 : memref<!tpu.dma_semaphore, #tpu.memory_space<semaphore_mem>>)
    %dma_start3A_228 = arith.constant 1920 : i32
    %dma_start3A_229 = tpu.memref_slice %arg19[%dma_start3A_228] : memref<3328xf32, #tpu.memory_space<vmem>> -> memref<128xf32, #tpu.memory_space<vmem>>
    %dma_start3A_230 = arith.constant 1920 : i32
    %dma_start3A_231 = tpu.memref_slice %arg17[%dma_start3A_230] : memref<3328xi32, #tpu.memory_space<vmem>> -> memref<128xi32, #tpu.memory_space<vmem>>
    %dma_start3A_232 = arith.constant 0 : i32
    %dma_start3A_233 = tpu.memref_slice %arg4[%dma_start3A_232] : memref<1000000xf32, #tpu.memory_space<hbm>> -> memref<1000000xf32, #tpu.memory_space<hbm>>
    tpu.enqueue_indirect_dma source(%dma_start3A_233 : memref<1000000xf32, #tpu.memory_space<hbm>>) target(%dma_start3A_229 : memref<128xf32, #tpu.memory_space<vmem>>) offsets(%dma_start3A_231 : memref<128xi32, #tpu.memory_space<vmem>>) semaphore(%arg24 : memref<!tpu.dma_semaphore, #tpu.memory_space<semaphore_mem>>)
    %dma_start3A_234 = arith.constant 2048 : i32
    %dma_start3A_235 = arith.constant 0 : i32
    %dma_start3A_236 = tpu.memref_slice %arg18[%dma_start3A_234, %dma_start3A_235] : memref<3328x16xf32, #tpu.memory_space<vmem>> -> memref<128x16xf32, #tpu.memory_space<vmem>>
    %dma_start3A_237 = arith.constant 2048 : i32
    %dma_start3A_238 = tpu.memref_slice %arg16[%dma_start3A_237] : memref<3328xi32, #tpu.memory_space<vmem>> -> memref<128xi32, #tpu.memory_space<vmem>>
    %dma_start3A_239 = arith.constant 0 : i32
    %dma_start3A_240 = arith.constant 0 : i32
    %dma_start3A_241 = tpu.memref_slice %arg2[%dma_start3A_239, %dma_start3A_240] : memref<1000000x16xf32, #tpu.memory_space<hbm>> -> memref<1000000x16xf32, #tpu.memory_space<hbm>>
    tpu.enqueue_indirect_dma source(%dma_start3A_241 : memref<1000000x16xf32, #tpu.memory_space<hbm>>) target(%dma_start3A_236 : memref<128x16xf32, #tpu.memory_space<vmem>>) offsets(%dma_start3A_238 : memref<128xi32, #tpu.memory_space<vmem>>) semaphore(%arg23 : memref<!tpu.dma_semaphore, #tpu.memory_space<semaphore_mem>>)
    %dma_start3A_242 = arith.constant 2048 : i32
    %dma_start3A_243 = tpu.memref_slice %arg19[%dma_start3A_242] : memref<3328xf32, #tpu.memory_space<vmem>> -> memref<128xf32, #tpu.memory_space<vmem>>
    %dma_start3A_244 = arith.constant 2048 : i32
    %dma_start3A_245 = tpu.memref_slice %arg17[%dma_start3A_244] : memref<3328xi32, #tpu.memory_space<vmem>> -> memref<128xi32, #tpu.memory_space<vmem>>
    %dma_start3A_246 = arith.constant 0 : i32
    %dma_start3A_247 = tpu.memref_slice %arg4[%dma_start3A_246] : memref<1000000xf32, #tpu.memory_space<hbm>> -> memref<1000000xf32, #tpu.memory_space<hbm>>
    tpu.enqueue_indirect_dma source(%dma_start3A_247 : memref<1000000xf32, #tpu.memory_space<hbm>>) target(%dma_start3A_243 : memref<128xf32, #tpu.memory_space<vmem>>) offsets(%dma_start3A_245 : memref<128xi32, #tpu.memory_space<vmem>>) semaphore(%arg24 : memref<!tpu.dma_semaphore, #tpu.memory_space<semaphore_mem>>)
    %dma_start3A_248 = arith.constant 2176 : i32
    %dma_start3A_249 = arith.constant 0 : i32
    %dma_start3A_250 = tpu.memref_slice %arg18[%dma_start3A_248, %dma_start3A_249] : memref<3328x16xf32, #tpu.memory_space<vmem>> -> memref<128x16xf32, #tpu.memory_space<vmem>>
    %dma_start3A_251 = arith.constant 2176 : i32
    %dma_start3A_252 = tpu.memref_slice %arg16[%dma_start3A_251] : memref<3328xi32, #tpu.memory_space<vmem>> -> memref<128xi32, #tpu.memory_space<vmem>>
    %dma_start3A_253 = arith.constant 0 : i32
    %dma_start3A_254 = arith.constant 0 : i32
    %dma_start3A_255 = tpu.memref_slice %arg2[%dma_start3A_253, %dma_start3A_254] : memref<1000000x16xf32, #tpu.memory_space<hbm>> -> memref<1000000x16xf32, #tpu.memory_space<hbm>>
    tpu.enqueue_indirect_dma source(%dma_start3A_255 : memref<1000000x16xf32, #tpu.memory_space<hbm>>) target(%dma_start3A_250 : memref<128x16xf32, #tpu.memory_space<vmem>>) offsets(%dma_start3A_252 : memref<128xi32, #tpu.memory_space<vmem>>) semaphore(%arg23 : memref<!tpu.dma_semaphore, #tpu.memory_space<semaphore_mem>>)
    %dma_start3A_256 = arith.constant 2176 : i32
    %dma_start3A_257 = tpu.memref_slice %arg19[%dma_start3A_256] : memref<3328xf32, #tpu.memory_space<vmem>> -> memref<128xf32, #tpu.memory_space<vmem>>
    %dma_start3A_258 = arith.constant 2176 : i32
    %dma_start3A_259 = tpu.memref_slice %arg17[%dma_start3A_258] : memref<3328xi32, #tpu.memory_space<vmem>> -> memref<128xi32, #tpu.memory_space<vmem>>
    %dma_start3A_260 = arith.constant 0 : i32
    %dma_start3A_261 = tpu.memref_slice %arg4[%dma_start3A_260] : memref<1000000xf32, #tpu.memory_space<hbm>> -> memref<1000000xf32, #tpu.memory_space<hbm>>
    tpu.enqueue_indirect_dma source(%dma_start3A_261 : memref<1000000xf32, #tpu.memory_space<hbm>>) target(%dma_start3A_257 : memref<128xf32, #tpu.memory_space<vmem>>) offsets(%dma_start3A_259 : memref<128xi32, #tpu.memory_space<vmem>>) semaphore(%arg24 : memref<!tpu.dma_semaphore, #tpu.memory_space<semaphore_mem>>)
    %dma_start3A_262 = arith.constant 2304 : i32
    %dma_start3A_263 = arith.constant 0 : i32
    %dma_start3A_264 = tpu.memref_slice %arg18[%dma_start3A_262, %dma_start3A_263] : memref<3328x16xf32, #tpu.memory_space<vmem>> -> memref<128x16xf32, #tpu.memory_space<vmem>>
    %dma_start3A_265 = arith.constant 2304 : i32
    %dma_start3A_266 = tpu.memref_slice %arg16[%dma_start3A_265] : memref<3328xi32, #tpu.memory_space<vmem>> -> memref<128xi32, #tpu.memory_space<vmem>>
    %dma_start3A_267 = arith.constant 0 : i32
    %dma_start3A_268 = arith.constant 0 : i32
    %dma_start3A_269 = tpu.memref_slice %arg2[%dma_start3A_267, %dma_start3A_268] : memref<1000000x16xf32, #tpu.memory_space<hbm>> -> memref<1000000x16xf32, #tpu.memory_space<hbm>>
    tpu.enqueue_indirect_dma source(%dma_start3A_269 : memref<1000000x16xf32, #tpu.memory_space<hbm>>) target(%dma_start3A_264 : memref<128x16xf32, #tpu.memory_space<vmem>>) offsets(%dma_start3A_266 : memref<128xi32, #tpu.memory_space<vmem>>) semaphore(%arg23 : memref<!tpu.dma_semaphore, #tpu.memory_space<semaphore_mem>>)
    %dma_start3A_270 = arith.constant 2304 : i32
    %dma_start3A_271 = tpu.memref_slice %arg19[%dma_start3A_270] : memref<3328xf32, #tpu.memory_space<vmem>> -> memref<128xf32, #tpu.memory_space<vmem>>
    %dma_start3A_272 = arith.constant 2304 : i32
    %dma_start3A_273 = tpu.memref_slice %arg17[%dma_start3A_272] : memref<3328xi32, #tpu.memory_space<vmem>> -> memref<128xi32, #tpu.memory_space<vmem>>
    %dma_start3A_274 = arith.constant 0 : i32
    %dma_start3A_275 = tpu.memref_slice %arg4[%dma_start3A_274] : memref<1000000xf32, #tpu.memory_space<hbm>> -> memref<1000000xf32, #tpu.memory_space<hbm>>
    tpu.enqueue_indirect_dma source(%dma_start3A_275 : memref<1000000xf32, #tpu.memory_space<hbm>>) target(%dma_start3A_271 : memref<128xf32, #tpu.memory_space<vmem>>) offsets(%dma_start3A_273 : memref<128xi32, #tpu.memory_space<vmem>>) semaphore(%arg24 : memref<!tpu.dma_semaphore, #tpu.memory_space<semaphore_mem>>)
    %dma_start3A_276 = arith.constant 2432 : i32
    %dma_start3A_277 = arith.constant 0 : i32
    %dma_start3A_278 = tpu.memref_slice %arg18[%dma_start3A_276, %dma_start3A_277] : memref<3328x16xf32, #tpu.memory_space<vmem>> -> memref<128x16xf32, #tpu.memory_space<vmem>>
    %dma_start3A_279 = arith.constant 2432 : i32
    %dma_start3A_280 = tpu.memref_slice %arg16[%dma_start3A_279] : memref<3328xi32, #tpu.memory_space<vmem>> -> memref<128xi32, #tpu.memory_space<vmem>>
    %dma_start3A_281 = arith.constant 0 : i32
    %dma_start3A_282 = arith.constant 0 : i32
    %dma_start3A_283 = tpu.memref_slice %arg2[%dma_start3A_281, %dma_start3A_282] : memref<1000000x16xf32, #tpu.memory_space<hbm>> -> memref<1000000x16xf32, #tpu.memory_space<hbm>>
    tpu.enqueue_indirect_dma source(%dma_start3A_283 : memref<1000000x16xf32, #tpu.memory_space<hbm>>) target(%dma_start3A_278 : memref<128x16xf32, #tpu.memory_space<vmem>>) offsets(%dma_start3A_280 : memref<128xi32, #tpu.memory_space<vmem>>) semaphore(%arg23 : memref<!tpu.dma_semaphore, #tpu.memory_space<semaphore_mem>>)
    %dma_start3A_284 = arith.constant 2432 : i32
    %dma_start3A_285 = tpu.memref_slice %arg19[%dma_start3A_284] : memref<3328xf32, #tpu.memory_space<vmem>> -> memref<128xf32, #tpu.memory_space<vmem>>
    %dma_start3A_286 = arith.constant 2432 : i32
    %dma_start3A_287 = tpu.memref_slice %arg17[%dma_start3A_286] : memref<3328xi32, #tpu.memory_space<vmem>> -> memref<128xi32, #tpu.memory_space<vmem>>
    %dma_start3A_288 = arith.constant 0 : i32
    %dma_start3A_289 = tpu.memref_slice %arg4[%dma_start3A_288] : memref<1000000xf32, #tpu.memory_space<hbm>> -> memref<1000000xf32, #tpu.memory_space<hbm>>
    tpu.enqueue_indirect_dma source(%dma_start3A_289 : memref<1000000xf32, #tpu.memory_space<hbm>>) target(%dma_start3A_285 : memref<128xf32, #tpu.memory_space<vmem>>) offsets(%dma_start3A_287 : memref<128xi32, #tpu.memory_space<vmem>>) semaphore(%arg24 : memref<!tpu.dma_semaphore, #tpu.memory_space<semaphore_mem>>)
    %dma_start3A_290 = arith.constant 2560 : i32
    %dma_start3A_291 = arith.constant 0 : i32
    %dma_start3A_292 = tpu.memref_slice %arg18[%dma_start3A_290, %dma_start3A_291] : memref<3328x16xf32, #tpu.memory_space<vmem>> -> memref<128x16xf32, #tpu.memory_space<vmem>>
    %dma_start3A_293 = arith.constant 2560 : i32
    %dma_start3A_294 = tpu.memref_slice %arg16[%dma_start3A_293] : memref<3328xi32, #tpu.memory_space<vmem>> -> memref<128xi32, #tpu.memory_space<vmem>>
    %dma_start3A_295 = arith.constant 0 : i32
    %dma_start3A_296 = arith.constant 0 : i32
    %dma_start3A_297 = tpu.memref_slice %arg2[%dma_start3A_295, %dma_start3A_296] : memref<1000000x16xf32, #tpu.memory_space<hbm>> -> memref<1000000x16xf32, #tpu.memory_space<hbm>>
    tpu.enqueue_indirect_dma source(%dma_start3A_297 : memref<1000000x16xf32, #tpu.memory_space<hbm>>) target(%dma_start3A_292 : memref<128x16xf32, #tpu.memory_space<vmem>>) offsets(%dma_start3A_294 : memref<128xi32, #tpu.memory_space<vmem>>) semaphore(%arg23 : memref<!tpu.dma_semaphore, #tpu.memory_space<semaphore_mem>>)
    %dma_start3A_298 = arith.constant 2560 : i32
    %dma_start3A_299 = tpu.memref_slice %arg19[%dma_start3A_298] : memref<3328xf32, #tpu.memory_space<vmem>> -> memref<128xf32, #tpu.memory_space<vmem>>
    %dma_start3A_300 = arith.constant 2560 : i32
    %dma_start3A_301 = tpu.memref_slice %arg17[%dma_start3A_300] : memref<3328xi32, #tpu.memory_space<vmem>> -> memref<128xi32, #tpu.memory_space<vmem>>
    %dma_start3A_302 = arith.constant 0 : i32
    %dma_start3A_303 = tpu.memref_slice %arg4[%dma_start3A_302] : memref<1000000xf32, #tpu.memory_space<hbm>> -> memref<1000000xf32, #tpu.memory_space<hbm>>
    tpu.enqueue_indirect_dma source(%dma_start3A_303 : memref<1000000xf32, #tpu.memory_space<hbm>>) target(%dma_start3A_299 : memref<128xf32, #tpu.memory_space<vmem>>) offsets(%dma_start3A_301 : memref<128xi32, #tpu.memory_space<vmem>>) semaphore(%arg24 : memref<!tpu.dma_semaphore, #tpu.memory_space<semaphore_mem>>)
    %dma_start3A_304 = arith.constant 2688 : i32
    %dma_start3A_305 = arith.constant 0 : i32
    %dma_start3A_306 = tpu.memref_slice %arg18[%dma_start3A_304, %dma_start3A_305] : memref<3328x16xf32, #tpu.memory_space<vmem>> -> memref<128x16xf32, #tpu.memory_space<vmem>>
    %dma_start3A_307 = arith.constant 2688 : i32
    %dma_start3A_308 = tpu.memref_slice %arg16[%dma_start3A_307] : memref<3328xi32, #tpu.memory_space<vmem>> -> memref<128xi32, #tpu.memory_space<vmem>>
    %dma_start3A_309 = arith.constant 0 : i32
    %dma_start3A_310 = arith.constant 0 : i32
    %dma_start3A_311 = tpu.memref_slice %arg2[%dma_start3A_309, %dma_start3A_310] : memref<1000000x16xf32, #tpu.memory_space<hbm>> -> memref<1000000x16xf32, #tpu.memory_space<hbm>>
    tpu.enqueue_indirect_dma source(%dma_start3A_311 : memref<1000000x16xf32, #tpu.memory_space<hbm>>) target(%dma_start3A_306 : memref<128x16xf32, #tpu.memory_space<vmem>>) offsets(%dma_start3A_308 : memref<128xi32, #tpu.memory_space<vmem>>) semaphore(%arg23 : memref<!tpu.dma_semaphore, #tpu.memory_space<semaphore_mem>>)
    %dma_start3A_312 = arith.constant 2688 : i32
    %dma_start3A_313 = tpu.memref_slice %arg19[%dma_start3A_312] : memref<3328xf32, #tpu.memory_space<vmem>> -> memref<128xf32, #tpu.memory_space<vmem>>
    %dma_start3A_314 = arith.constant 2688 : i32
    %dma_start3A_315 = tpu.memref_slice %arg17[%dma_start3A_314] : memref<3328xi32, #tpu.memory_space<vmem>> -> memref<128xi32, #tpu.memory_space<vmem>>
    %dma_start3A_316 = arith.constant 0 : i32
    %dma_start3A_317 = tpu.memref_slice %arg4[%dma_start3A_316] : memref<1000000xf32, #tpu.memory_space<hbm>> -> memref<1000000xf32, #tpu.memory_space<hbm>>
    tpu.enqueue_indirect_dma source(%dma_start3A_317 : memref<1000000xf32, #tpu.memory_space<hbm>>) target(%dma_start3A_313 : memref<128xf32, #tpu.memory_space<vmem>>) offsets(%dma_start3A_315 : memref<128xi32, #tpu.memory_space<vmem>>) semaphore(%arg24 : memref<!tpu.dma_semaphore, #tpu.memory_space<semaphore_mem>>)
    %dma_start3A_318 = arith.constant 2816 : i32
    %dma_start3A_319 = arith.constant 0 : i32
    %dma_start3A_320 = tpu.memref_slice %arg18[%dma_start3A_318, %dma_start3A_319] : memref<3328x16xf32, #tpu.memory_space<vmem>> -> memref<128x16xf32, #tpu.memory_space<vmem>>
    %dma_start3A_321 = arith.constant 2816 : i32
    %dma_start3A_322 = tpu.memref_slice %arg16[%dma_start3A_321] : memref<3328xi32, #tpu.memory_space<vmem>> -> memref<128xi32, #tpu.memory_space<vmem>>
    %dma_start3A_323 = arith.constant 0 : i32
    %dma_start3A_324 = arith.constant 0 : i32
    %dma_start3A_325 = tpu.memref_slice %arg2[%dma_start3A_323, %dma_start3A_324] : memref<1000000x16xf32, #tpu.memory_space<hbm>> -> memref<1000000x16xf32, #tpu.memory_space<hbm>>
    tpu.enqueue_indirect_dma source(%dma_start3A_325 : memref<1000000x16xf32, #tpu.memory_space<hbm>>) target(%dma_start3A_320 : memref<128x16xf32, #tpu.memory_space<vmem>>) offsets(%dma_start3A_322 : memref<128xi32, #tpu.memory_space<vmem>>) semaphore(%arg23 : memref<!tpu.dma_semaphore, #tpu.memory_space<semaphore_mem>>)
    %dma_start3A_326 = arith.constant 2816 : i32
    %dma_start3A_327 = tpu.memref_slice %arg19[%dma_start3A_326] : memref<3328xf32, #tpu.memory_space<vmem>> -> memref<128xf32, #tpu.memory_space<vmem>>
    %dma_start3A_328 = arith.constant 2816 : i32
    %dma_start3A_329 = tpu.memref_slice %arg17[%dma_start3A_328] : memref<3328xi32, #tpu.memory_space<vmem>> -> memref<128xi32, #tpu.memory_space<vmem>>
    %dma_start3A_330 = arith.constant 0 : i32
    %dma_start3A_331 = tpu.memref_slice %arg4[%dma_start3A_330] : memref<1000000xf32, #tpu.memory_space<hbm>> -> memref<1000000xf32, #tpu.memory_space<hbm>>
    tpu.enqueue_indirect_dma source(%dma_start3A_331 : memref<1000000xf32, #tpu.memory_space<hbm>>) target(%dma_start3A_327 : memref<128xf32, #tpu.memory_space<vmem>>) offsets(%dma_start3A_329 : memref<128xi32, #tpu.memory_space<vmem>>) semaphore(%arg24 : memref<!tpu.dma_semaphore, #tpu.memory_space<semaphore_mem>>)
    %dma_start3A_332 = arith.constant 2944 : i32
    %dma_start3A_333 = arith.constant 0 : i32
    %dma_start3A_334 = tpu.memref_slice %arg18[%dma_start3A_332, %dma_start3A_333] : memref<3328x16xf32, #tpu.memory_space<vmem>> -> memref<128x16xf32, #tpu.memory_space<vmem>>
    %dma_start3A_335 = arith.constant 2944 : i32
    %dma_start3A_336 = tpu.memref_slice %arg16[%dma_start3A_335] : memref<3328xi32, #tpu.memory_space<vmem>> -> memref<128xi32, #tpu.memory_space<vmem>>
    %dma_start3A_337 = arith.constant 0 : i32
    %dma_start3A_338 = arith.constant 0 : i32
    %dma_start3A_339 = tpu.memref_slice %arg2[%dma_start3A_337, %dma_start3A_338] : memref<1000000x16xf32, #tpu.memory_space<hbm>> -> memref<1000000x16xf32, #tpu.memory_space<hbm>>
    tpu.enqueue_indirect_dma source(%dma_start3A_339 : memref<1000000x16xf32, #tpu.memory_space<hbm>>) target(%dma_start3A_334 : memref<128x16xf32, #tpu.memory_space<vmem>>) offsets(%dma_start3A_336 : memref<128xi32, #tpu.memory_space<vmem>>) semaphore(%arg23 : memref<!tpu.dma_semaphore, #tpu.memory_space<semaphore_mem>>)
    %dma_start3A_340 = arith.constant 2944 : i32
    %dma_start3A_341 = tpu.memref_slice %arg19[%dma_start3A_340] : memref<3328xf32, #tpu.memory_space<vmem>> -> memref<128xf32, #tpu.memory_space<vmem>>
    %dma_start3A_342 = arith.constant 2944 : i32
    %dma_start3A_343 = tpu.memref_slice %arg17[%dma_start3A_342] : memref<3328xi32, #tpu.memory_space<vmem>> -> memref<128xi32, #tpu.memory_space<vmem>>
    %dma_start3A_344 = arith.constant 0 : i32
    %dma_start3A_345 = tpu.memref_slice %arg4[%dma_start3A_344] : memref<1000000xf32, #tpu.memory_space<hbm>> -> memref<1000000xf32, #tpu.memory_space<hbm>>
    tpu.enqueue_indirect_dma source(%dma_start3A_345 : memref<1000000xf32, #tpu.memory_space<hbm>>) target(%dma_start3A_341 : memref<128xf32, #tpu.memory_space<vmem>>) offsets(%dma_start3A_343 : memref<128xi32, #tpu.memory_space<vmem>>) semaphore(%arg24 : memref<!tpu.dma_semaphore, #tpu.memory_space<semaphore_mem>>)
    %dma_start3A_346 = arith.constant 3072 : i32
    %dma_start3A_347 = arith.constant 0 : i32
    %dma_start3A_348 = tpu.memref_slice %arg18[%dma_start3A_346, %dma_start3A_347] : memref<3328x16xf32, #tpu.memory_space<vmem>> -> memref<128x16xf32, #tpu.memory_space<vmem>>
    %dma_start3A_349 = arith.constant 3072 : i32
    %dma_start3A_350 = tpu.memref_slice %arg16[%dma_start3A_349] : memref<3328xi32, #tpu.memory_space<vmem>> -> memref<128xi32, #tpu.memory_space<vmem>>
    %dma_start3A_351 = arith.constant 0 : i32
    %dma_start3A_352 = arith.constant 0 : i32
    %dma_start3A_353 = tpu.memref_slice %arg2[%dma_start3A_351, %dma_start3A_352] : memref<1000000x16xf32, #tpu.memory_space<hbm>> -> memref<1000000x16xf32, #tpu.memory_space<hbm>>
    tpu.enqueue_indirect_dma source(%dma_start3A_353 : memref<1000000x16xf32, #tpu.memory_space<hbm>>) target(%dma_start3A_348 : memref<128x16xf32, #tpu.memory_space<vmem>>) offsets(%dma_start3A_350 : memref<128xi32, #tpu.memory_space<vmem>>) semaphore(%arg23 : memref<!tpu.dma_semaphore, #tpu.memory_space<semaphore_mem>>)
    %dma_start3A_354 = arith.constant 3072 : i32
    %dma_start3A_355 = tpu.memref_slice %arg19[%dma_start3A_354] : memref<3328xf32, #tpu.memory_space<vmem>> -> memref<128xf32, #tpu.memory_space<vmem>>
    %dma_start3A_356 = arith.constant 3072 : i32
    %dma_start3A_357 = tpu.memref_slice %arg17[%dma_start3A_356] : memref<3328xi32, #tpu.memory_space<vmem>> -> memref<128xi32, #tpu.memory_space<vmem>>
    %dma_start3A_358 = arith.constant 0 : i32
    %dma_start3A_359 = tpu.memref_slice %arg4[%dma_start3A_358] : memref<1000000xf32, #tpu.memory_space<hbm>> -> memref<1000000xf32, #tpu.memory_space<hbm>>
    tpu.enqueue_indirect_dma source(%dma_start3A_359 : memref<1000000xf32, #tpu.memory_space<hbm>>) target(%dma_start3A_355 : memref<128xf32, #tpu.memory_space<vmem>>) offsets(%dma_start3A_357 : memref<128xi32, #tpu.memory_space<vmem>>) semaphore(%arg24 : memref<!tpu.dma_semaphore, #tpu.memory_space<semaphore_mem>>)
    %dma_start3A_360 = arith.constant 3200 : i32
    %dma_start3A_361 = arith.constant 0 : i32
    %dma_start3A_362 = tpu.memref_slice %arg18[%dma_start3A_360, %dma_start3A_361] : memref<3328x16xf32, #tpu.memory_space<vmem>> -> memref<128x16xf32, #tpu.memory_space<vmem>>
    %dma_start3A_363 = arith.constant 3200 : i32
    %dma_start3A_364 = tpu.memref_slice %arg16[%dma_start3A_363] : memref<3328xi32, #tpu.memory_space<vmem>> -> memref<128xi32, #tpu.memory_space<vmem>>
    %dma_start3A_365 = arith.constant 0 : i32
    %dma_start3A_366 = arith.constant 0 : i32
    %dma_start3A_367 = tpu.memref_slice %arg2[%dma_start3A_365, %dma_start3A_366] : memref<1000000x16xf32, #tpu.memory_space<hbm>> -> memref<1000000x16xf32, #tpu.memory_space<hbm>>
    tpu.enqueue_indirect_dma source(%dma_start3A_367 : memref<1000000x16xf32, #tpu.memory_space<hbm>>) target(%dma_start3A_362 : memref<128x16xf32, #tpu.memory_space<vmem>>) offsets(%dma_start3A_364 : memref<128xi32, #tpu.memory_space<vmem>>) semaphore(%arg23 : memref<!tpu.dma_semaphore, #tpu.memory_space<semaphore_mem>>)
    %dma_start3A_368 = arith.constant 3200 : i32
    %dma_start3A_369 = tpu.memref_slice %arg19[%dma_start3A_368] : memref<3328xf32, #tpu.memory_space<vmem>> -> memref<128xf32, #tpu.memory_space<vmem>>
    %dma_start3A_370 = arith.constant 3200 : i32
    %dma_start3A_371 = tpu.memref_slice %arg17[%dma_start3A_370] : memref<3328xi32, #tpu.memory_space<vmem>> -> memref<128xi32, #tpu.memory_space<vmem>>
    %dma_start3A_372 = arith.constant 0 : i32
    %dma_start3A_373 = tpu.memref_slice %arg4[%dma_start3A_372] : memref<1000000xf32, #tpu.memory_space<hbm>> -> memref<1000000xf32, #tpu.memory_space<hbm>>
    tpu.enqueue_indirect_dma source(%dma_start3A_373 : memref<1000000xf32, #tpu.memory_space<hbm>>) target(%dma_start3A_369 : memref<128xf32, #tpu.memory_space<vmem>>) offsets(%dma_start3A_371 : memref<128xi32, #tpu.memory_space<vmem>>) semaphore(%arg24 : memref<!tpu.dma_semaphore, #tpu.memory_space<semaphore_mem>>)
    %dma_wait3A = arith.constant 0 : i32
    %dma_wait3A_374 = arith.constant 0 : i32
    %dma_wait3A_375 = tpu.memref_slice %arg18[%dma_wait3A, %dma_wait3A_374] : memref<3328x16xf32, #tpu.memory_space<vmem>> -> memref<128x16xf32, #tpu.memory_space<vmem>>
    %dma_wait3A_376 = arith.constant 0 : i32
    %dma_wait3A_377 = tpu.memref_slice %arg16[%dma_wait3A_376] : memref<3328xi32, #tpu.memory_space<vmem>> -> memref<128xi32, #tpu.memory_space<vmem>>
    %dma_wait3A_378 = arith.constant 0 : i32
    %dma_wait3A_379 = arith.constant 0 : i32
    %dma_wait3A_380 = tpu.memref_slice %arg2[%dma_wait3A_378, %dma_wait3A_379] : memref<1000000x16xf32, #tpu.memory_space<hbm>> -> memref<1000000x16xf32, #tpu.memory_space<hbm>>
    tpu.wait_indirect_dma semaphore(%arg23 : memref<!tpu.dma_semaphore, #tpu.memory_space<semaphore_mem>>) src(%dma_wait3A_380 : memref<1000000x16xf32, #tpu.memory_space<hbm>>) dst(%dma_wait3A_375 : memref<128x16xf32, #tpu.memory_space<vmem>>)
    %dma_wait3A_381 = arith.constant 0 : i32
    %dma_wait3A_382 = tpu.memref_slice %arg19[%dma_wait3A_381] : memref<3328xf32, #tpu.memory_space<vmem>> -> memref<128xf32, #tpu.memory_space<vmem>>
    %dma_wait3A_383 = arith.constant 0 : i32
    %dma_wait3A_384 = tpu.memref_slice %arg17[%dma_wait3A_383] : memref<3328xi32, #tpu.memory_space<vmem>> -> memref<128xi32, #tpu.memory_space<vmem>>
    %dma_wait3A_385 = arith.constant 0 : i32
    %dma_wait3A_386 = tpu.memref_slice %arg4[%dma_wait3A_385] : memref<1000000xf32, #tpu.memory_space<hbm>> -> memref<1000000xf32, #tpu.memory_space<hbm>>
    tpu.wait_indirect_dma semaphore(%arg24 : memref<!tpu.dma_semaphore, #tpu.memory_space<semaphore_mem>>) src(%dma_wait3A_386 : memref<1000000xf32, #tpu.memory_space<hbm>>) dst(%dma_wait3A_382 : memref<128xf32, #tpu.memory_space<vmem>>)
    %dma_wait3A_387 = arith.constant 128 : i32
    %dma_wait3A_388 = arith.constant 0 : i32
    %dma_wait3A_389 = tpu.memref_slice %arg18[%dma_wait3A_387, %dma_wait3A_388] : memref<3328x16xf32, #tpu.memory_space<vmem>> -> memref<128x16xf32, #tpu.memory_space<vmem>>
    %dma_wait3A_390 = arith.constant 128 : i32
    %dma_wait3A_391 = tpu.memref_slice %arg16[%dma_wait3A_390] : memref<3328xi32, #tpu.memory_space<vmem>> -> memref<128xi32, #tpu.memory_space<vmem>>
    %dma_wait3A_392 = arith.constant 0 : i32
    %dma_wait3A_393 = arith.constant 0 : i32
    %dma_wait3A_394 = tpu.memref_slice %arg2[%dma_wait3A_392, %dma_wait3A_393] : memref<1000000x16xf32, #tpu.memory_space<hbm>> -> memref<1000000x16xf32, #tpu.memory_space<hbm>>
    tpu.wait_indirect_dma semaphore(%arg23 : memref<!tpu.dma_semaphore, #tpu.memory_space<semaphore_mem>>) src(%dma_wait3A_394 : memref<1000000x16xf32, #tpu.memory_space<hbm>>) dst(%dma_wait3A_389 : memref<128x16xf32, #tpu.memory_space<vmem>>)
    %dma_wait3A_395 = arith.constant 128 : i32
    %dma_wait3A_396 = tpu.memref_slice %arg19[%dma_wait3A_395] : memref<3328xf32, #tpu.memory_space<vmem>> -> memref<128xf32, #tpu.memory_space<vmem>>
    %dma_wait3A_397 = arith.constant 128 : i32
    %dma_wait3A_398 = tpu.memref_slice %arg17[%dma_wait3A_397] : memref<3328xi32, #tpu.memory_space<vmem>> -> memref<128xi32, #tpu.memory_space<vmem>>
    %dma_wait3A_399 = arith.constant 0 : i32
    %dma_wait3A_400 = tpu.memref_slice %arg4[%dma_wait3A_399] : memref<1000000xf32, #tpu.memory_space<hbm>> -> memref<1000000xf32, #tpu.memory_space<hbm>>
    tpu.wait_indirect_dma semaphore(%arg24 : memref<!tpu.dma_semaphore, #tpu.memory_space<semaphore_mem>>) src(%dma_wait3A_400 : memref<1000000xf32, #tpu.memory_space<hbm>>) dst(%dma_wait3A_396 : memref<128xf32, #tpu.memory_space<vmem>>)
    %dma_wait3A_401 = arith.constant 256 : i32
    %dma_wait3A_402 = arith.constant 0 : i32
    %dma_wait3A_403 = tpu.memref_slice %arg18[%dma_wait3A_401, %dma_wait3A_402] : memref<3328x16xf32, #tpu.memory_space<vmem>> -> memref<128x16xf32, #tpu.memory_space<vmem>>
    %dma_wait3A_404 = arith.constant 256 : i32
    %dma_wait3A_405 = tpu.memref_slice %arg16[%dma_wait3A_404] : memref<3328xi32, #tpu.memory_space<vmem>> -> memref<128xi32, #tpu.memory_space<vmem>>
    %dma_wait3A_406 = arith.constant 0 : i32
    %dma_wait3A_407 = arith.constant 0 : i32
    %dma_wait3A_408 = tpu.memref_slice %arg2[%dma_wait3A_406, %dma_wait3A_407] : memref<1000000x16xf32, #tpu.memory_space<hbm>> -> memref<1000000x16xf32, #tpu.memory_space<hbm>>
    tpu.wait_indirect_dma semaphore(%arg23 : memref<!tpu.dma_semaphore, #tpu.memory_space<semaphore_mem>>) src(%dma_wait3A_408 : memref<1000000x16xf32, #tpu.memory_space<hbm>>) dst(%dma_wait3A_403 : memref<128x16xf32, #tpu.memory_space<vmem>>)
    %dma_wait3A_409 = arith.constant 256 : i32
    %dma_wait3A_410 = tpu.memref_slice %arg19[%dma_wait3A_409] : memref<3328xf32, #tpu.memory_space<vmem>> -> memref<128xf32, #tpu.memory_space<vmem>>
    %dma_wait3A_411 = arith.constant 256 : i32
    %dma_wait3A_412 = tpu.memref_slice %arg17[%dma_wait3A_411] : memref<3328xi32, #tpu.memory_space<vmem>> -> memref<128xi32, #tpu.memory_space<vmem>>
    %dma_wait3A_413 = arith.constant 0 : i32
    %dma_wait3A_414 = tpu.memref_slice %arg4[%dma_wait3A_413] : memref<1000000xf32, #tpu.memory_space<hbm>> -> memref<1000000xf32, #tpu.memory_space<hbm>>
    tpu.wait_indirect_dma semaphore(%arg24 : memref<!tpu.dma_semaphore, #tpu.memory_space<semaphore_mem>>) src(%dma_wait3A_414 : memref<1000000xf32, #tpu.memory_space<hbm>>) dst(%dma_wait3A_410 : memref<128xf32, #tpu.memory_space<vmem>>)
    %dma_wait3A_415 = arith.constant 384 : i32
    %dma_wait3A_416 = arith.constant 0 : i32
    %dma_wait3A_417 = tpu.memref_slice %arg18[%dma_wait3A_415, %dma_wait3A_416] : memref<3328x16xf32, #tpu.memory_space<vmem>> -> memref<128x16xf32, #tpu.memory_space<vmem>>
    %dma_wait3A_418 = arith.constant 384 : i32
    %dma_wait3A_419 = tpu.memref_slice %arg16[%dma_wait3A_418] : memref<3328xi32, #tpu.memory_space<vmem>> -> memref<128xi32, #tpu.memory_space<vmem>>
    %dma_wait3A_420 = arith.constant 0 : i32
    %dma_wait3A_421 = arith.constant 0 : i32
    %dma_wait3A_422 = tpu.memref_slice %arg2[%dma_wait3A_420, %dma_wait3A_421] : memref<1000000x16xf32, #tpu.memory_space<hbm>> -> memref<1000000x16xf32, #tpu.memory_space<hbm>>
    tpu.wait_indirect_dma semaphore(%arg23 : memref<!tpu.dma_semaphore, #tpu.memory_space<semaphore_mem>>) src(%dma_wait3A_422 : memref<1000000x16xf32, #tpu.memory_space<hbm>>) dst(%dma_wait3A_417 : memref<128x16xf32, #tpu.memory_space<vmem>>)
    %dma_wait3A_423 = arith.constant 384 : i32
    %dma_wait3A_424 = tpu.memref_slice %arg19[%dma_wait3A_423] : memref<3328xf32, #tpu.memory_space<vmem>> -> memref<128xf32, #tpu.memory_space<vmem>>
    %dma_wait3A_425 = arith.constant 384 : i32
    %dma_wait3A_426 = tpu.memref_slice %arg17[%dma_wait3A_425] : memref<3328xi32, #tpu.memory_space<vmem>> -> memref<128xi32, #tpu.memory_space<vmem>>
    %dma_wait3A_427 = arith.constant 0 : i32
    %dma_wait3A_428 = tpu.memref_slice %arg4[%dma_wait3A_427] : memref<1000000xf32, #tpu.memory_space<hbm>> -> memref<1000000xf32, #tpu.memory_space<hbm>>
    tpu.wait_indirect_dma semaphore(%arg24 : memref<!tpu.dma_semaphore, #tpu.memory_space<semaphore_mem>>) src(%dma_wait3A_428 : memref<1000000xf32, #tpu.memory_space<hbm>>) dst(%dma_wait3A_424 : memref<128xf32, #tpu.memory_space<vmem>>)
    %dma_wait3A_429 = arith.constant 512 : i32
    %dma_wait3A_430 = arith.constant 0 : i32
    %dma_wait3A_431 = tpu.memref_slice %arg18[%dma_wait3A_429, %dma_wait3A_430] : memref<3328x16xf32, #tpu.memory_space<vmem>> -> memref<128x16xf32, #tpu.memory_space<vmem>>
    %dma_wait3A_432 = arith.constant 512 : i32
    %dma_wait3A_433 = tpu.memref_slice %arg16[%dma_wait3A_432] : memref<3328xi32, #tpu.memory_space<vmem>> -> memref<128xi32, #tpu.memory_space<vmem>>
    %dma_wait3A_434 = arith.constant 0 : i32
    %dma_wait3A_435 = arith.constant 0 : i32
    %dma_wait3A_436 = tpu.memref_slice %arg2[%dma_wait3A_434, %dma_wait3A_435] : memref<1000000x16xf32, #tpu.memory_space<hbm>> -> memref<1000000x16xf32, #tpu.memory_space<hbm>>
    tpu.wait_indirect_dma semaphore(%arg23 : memref<!tpu.dma_semaphore, #tpu.memory_space<semaphore_mem>>) src(%dma_wait3A_436 : memref<1000000x16xf32, #tpu.memory_space<hbm>>) dst(%dma_wait3A_431 : memref<128x16xf32, #tpu.memory_space<vmem>>)
    %dma_wait3A_437 = arith.constant 512 : i32
    %dma_wait3A_438 = tpu.memref_slice %arg19[%dma_wait3A_437] : memref<3328xf32, #tpu.memory_space<vmem>> -> memref<128xf32, #tpu.memory_space<vmem>>
    %dma_wait3A_439 = arith.constant 512 : i32
    %dma_wait3A_440 = tpu.memref_slice %arg17[%dma_wait3A_439] : memref<3328xi32, #tpu.memory_space<vmem>> -> memref<128xi32, #tpu.memory_space<vmem>>
    %dma_wait3A_441 = arith.constant 0 : i32
    %dma_wait3A_442 = tpu.memref_slice %arg4[%dma_wait3A_441] : memref<1000000xf32, #tpu.memory_space<hbm>> -> memref<1000000xf32, #tpu.memory_space<hbm>>
    tpu.wait_indirect_dma semaphore(%arg24 : memref<!tpu.dma_semaphore, #tpu.memory_space<semaphore_mem>>) src(%dma_wait3A_442 : memref<1000000xf32, #tpu.memory_space<hbm>>) dst(%dma_wait3A_438 : memref<128xf32, #tpu.memory_space<vmem>>)
    %dma_wait3A_443 = arith.constant 640 : i32
    %dma_wait3A_444 = arith.constant 0 : i32
    %dma_wait3A_445 = tpu.memref_slice %arg18[%dma_wait3A_443, %dma_wait3A_444] : memref<3328x16xf32, #tpu.memory_space<vmem>> -> memref<128x16xf32, #tpu.memory_space<vmem>>
    %dma_wait3A_446 = arith.constant 640 : i32
    %dma_wait3A_447 = tpu.memref_slice %arg16[%dma_wait3A_446] : memref<3328xi32, #tpu.memory_space<vmem>> -> memref<128xi32, #tpu.memory_space<vmem>>
    %dma_wait3A_448 = arith.constant 0 : i32
    %dma_wait3A_449 = arith.constant 0 : i32
    %dma_wait3A_450 = tpu.memref_slice %arg2[%dma_wait3A_448, %dma_wait3A_449] : memref<1000000x16xf32, #tpu.memory_space<hbm>> -> memref<1000000x16xf32, #tpu.memory_space<hbm>>
    tpu.wait_indirect_dma semaphore(%arg23 : memref<!tpu.dma_semaphore, #tpu.memory_space<semaphore_mem>>) src(%dma_wait3A_450 : memref<1000000x16xf32, #tpu.memory_space<hbm>>) dst(%dma_wait3A_445 : memref<128x16xf32, #tpu.memory_space<vmem>>)
    %dma_wait3A_451 = arith.constant 640 : i32
    %dma_wait3A_452 = tpu.memref_slice %arg19[%dma_wait3A_451] : memref<3328xf32, #tpu.memory_space<vmem>> -> memref<128xf32, #tpu.memory_space<vmem>>
    %dma_wait3A_453 = arith.constant 640 : i32
    %dma_wait3A_454 = tpu.memref_slice %arg17[%dma_wait3A_453] : memref<3328xi32, #tpu.memory_space<vmem>> -> memref<128xi32, #tpu.memory_space<vmem>>
    %dma_wait3A_455 = arith.constant 0 : i32
    %dma_wait3A_456 = tpu.memref_slice %arg4[%dma_wait3A_455] : memref<1000000xf32, #tpu.memory_space<hbm>> -> memref<1000000xf32, #tpu.memory_space<hbm>>
    tpu.wait_indirect_dma semaphore(%arg24 : memref<!tpu.dma_semaphore, #tpu.memory_space<semaphore_mem>>) src(%dma_wait3A_456 : memref<1000000xf32, #tpu.memory_space<hbm>>) dst(%dma_wait3A_452 : memref<128xf32, #tpu.memory_space<vmem>>)
    %dma_wait3A_457 = arith.constant 768 : i32
    %dma_wait3A_458 = arith.constant 0 : i32
    %dma_wait3A_459 = tpu.memref_slice %arg18[%dma_wait3A_457, %dma_wait3A_458] : memref<3328x16xf32, #tpu.memory_space<vmem>> -> memref<128x16xf32, #tpu.memory_space<vmem>>
    %dma_wait3A_460 = arith.constant 768 : i32
    %dma_wait3A_461 = tpu.memref_slice %arg16[%dma_wait3A_460] : memref<3328xi32, #tpu.memory_space<vmem>> -> memref<128xi32, #tpu.memory_space<vmem>>
    %dma_wait3A_462 = arith.constant 0 : i32
    %dma_wait3A_463 = arith.constant 0 : i32
    %dma_wait3A_464 = tpu.memref_slice %arg2[%dma_wait3A_462, %dma_wait3A_463] : memref<1000000x16xf32, #tpu.memory_space<hbm>> -> memref<1000000x16xf32, #tpu.memory_space<hbm>>
    tpu.wait_indirect_dma semaphore(%arg23 : memref<!tpu.dma_semaphore, #tpu.memory_space<semaphore_mem>>) src(%dma_wait3A_464 : memref<1000000x16xf32, #tpu.memory_space<hbm>>) dst(%dma_wait3A_459 : memref<128x16xf32, #tpu.memory_space<vmem>>)
    %dma_wait3A_465 = arith.constant 768 : i32
    %dma_wait3A_466 = tpu.memref_slice %arg19[%dma_wait3A_465] : memref<3328xf32, #tpu.memory_space<vmem>> -> memref<128xf32, #tpu.memory_space<vmem>>
    %dma_wait3A_467 = arith.constant 768 : i32
    %dma_wait3A_468 = tpu.memref_slice %arg17[%dma_wait3A_467] : memref<3328xi32, #tpu.memory_space<vmem>> -> memref<128xi32, #tpu.memory_space<vmem>>
    %dma_wait3A_469 = arith.constant 0 : i32
    %dma_wait3A_470 = tpu.memref_slice %arg4[%dma_wait3A_469] : memref<1000000xf32, #tpu.memory_space<hbm>> -> memref<1000000xf32, #tpu.memory_space<hbm>>
    tpu.wait_indirect_dma semaphore(%arg24 : memref<!tpu.dma_semaphore, #tpu.memory_space<semaphore_mem>>) src(%dma_wait3A_470 : memref<1000000xf32, #tpu.memory_space<hbm>>) dst(%dma_wait3A_466 : memref<128xf32, #tpu.memory_space<vmem>>)
    %dma_wait3A_471 = arith.constant 896 : i32
    %dma_wait3A_472 = arith.constant 0 : i32
    %dma_wait3A_473 = tpu.memref_slice %arg18[%dma_wait3A_471, %dma_wait3A_472] : memref<3328x16xf32, #tpu.memory_space<vmem>> -> memref<128x16xf32, #tpu.memory_space<vmem>>
    %dma_wait3A_474 = arith.constant 896 : i32
    %dma_wait3A_475 = tpu.memref_slice %arg16[%dma_wait3A_474] : memref<3328xi32, #tpu.memory_space<vmem>> -> memref<128xi32, #tpu.memory_space<vmem>>
    %dma_wait3A_476 = arith.constant 0 : i32
    %dma_wait3A_477 = arith.constant 0 : i32
    %dma_wait3A_478 = tpu.memref_slice %arg2[%dma_wait3A_476, %dma_wait3A_477] : memref<1000000x16xf32, #tpu.memory_space<hbm>> -> memref<1000000x16xf32, #tpu.memory_space<hbm>>
    tpu.wait_indirect_dma semaphore(%arg23 : memref<!tpu.dma_semaphore, #tpu.memory_space<semaphore_mem>>) src(%dma_wait3A_478 : memref<1000000x16xf32, #tpu.memory_space<hbm>>) dst(%dma_wait3A_473 : memref<128x16xf32, #tpu.memory_space<vmem>>)
    %dma_wait3A_479 = arith.constant 896 : i32
    %dma_wait3A_480 = tpu.memref_slice %arg19[%dma_wait3A_479] : memref<3328xf32, #tpu.memory_space<vmem>> -> memref<128xf32, #tpu.memory_space<vmem>>
    %dma_wait3A_481 = arith.constant 896 : i32
    %dma_wait3A_482 = tpu.memref_slice %arg17[%dma_wait3A_481] : memref<3328xi32, #tpu.memory_space<vmem>> -> memref<128xi32, #tpu.memory_space<vmem>>
    %dma_wait3A_483 = arith.constant 0 : i32
    %dma_wait3A_484 = tpu.memref_slice %arg4[%dma_wait3A_483] : memref<1000000xf32, #tpu.memory_space<hbm>> -> memref<1000000xf32, #tpu.memory_space<hbm>>
    tpu.wait_indirect_dma semaphore(%arg24 : memref<!tpu.dma_semaphore, #tpu.memory_space<semaphore_mem>>) src(%dma_wait3A_484 : memref<1000000xf32, #tpu.memory_space<hbm>>) dst(%dma_wait3A_480 : memref<128xf32, #tpu.memory_space<vmem>>)
    %dma_wait3A_485 = arith.constant 1024 : i32
    %dma_wait3A_486 = arith.constant 0 : i32
    %dma_wait3A_487 = tpu.memref_slice %arg18[%dma_wait3A_485, %dma_wait3A_486] : memref<3328x16xf32, #tpu.memory_space<vmem>> -> memref<128x16xf32, #tpu.memory_space<vmem>>
    %dma_wait3A_488 = arith.constant 1024 : i32
    %dma_wait3A_489 = tpu.memref_slice %arg16[%dma_wait3A_488] : memref<3328xi32, #tpu.memory_space<vmem>> -> memref<128xi32, #tpu.memory_space<vmem>>
    %dma_wait3A_490 = arith.constant 0 : i32
    %dma_wait3A_491 = arith.constant 0 : i32
    %dma_wait3A_492 = tpu.memref_slice %arg2[%dma_wait3A_490, %dma_wait3A_491] : memref<1000000x16xf32, #tpu.memory_space<hbm>> -> memref<1000000x16xf32, #tpu.memory_space<hbm>>
    tpu.wait_indirect_dma semaphore(%arg23 : memref<!tpu.dma_semaphore, #tpu.memory_space<semaphore_mem>>) src(%dma_wait3A_492 : memref<1000000x16xf32, #tpu.memory_space<hbm>>) dst(%dma_wait3A_487 : memref<128x16xf32, #tpu.memory_space<vmem>>)
    %dma_wait3A_493 = arith.constant 1024 : i32
    %dma_wait3A_494 = tpu.memref_slice %arg19[%dma_wait3A_493] : memref<3328xf32, #tpu.memory_space<vmem>> -> memref<128xf32, #tpu.memory_space<vmem>>
    %dma_wait3A_495 = arith.constant 1024 : i32
    %dma_wait3A_496 = tpu.memref_slice %arg17[%dma_wait3A_495] : memref<3328xi32, #tpu.memory_space<vmem>> -> memref<128xi32, #tpu.memory_space<vmem>>
    %dma_wait3A_497 = arith.constant 0 : i32
    %dma_wait3A_498 = tpu.memref_slice %arg4[%dma_wait3A_497] : memref<1000000xf32, #tpu.memory_space<hbm>> -> memref<1000000xf32, #tpu.memory_space<hbm>>
    tpu.wait_indirect_dma semaphore(%arg24 : memref<!tpu.dma_semaphore, #tpu.memory_space<semaphore_mem>>) src(%dma_wait3A_498 : memref<1000000xf32, #tpu.memory_space<hbm>>) dst(%dma_wait3A_494 : memref<128xf32, #tpu.memory_space<vmem>>)
    %dma_wait3A_499 = arith.constant 1152 : i32
    %dma_wait3A_500 = arith.constant 0 : i32
    %dma_wait3A_501 = tpu.memref_slice %arg18[%dma_wait3A_499, %dma_wait3A_500] : memref<3328x16xf32, #tpu.memory_space<vmem>> -> memref<128x16xf32, #tpu.memory_space<vmem>>
    %dma_wait3A_502 = arith.constant 1152 : i32
    %dma_wait3A_503 = tpu.memref_slice %arg16[%dma_wait3A_502] : memref<3328xi32, #tpu.memory_space<vmem>> -> memref<128xi32, #tpu.memory_space<vmem>>
    %dma_wait3A_504 = arith.constant 0 : i32
    %dma_wait3A_505 = arith.constant 0 : i32
    %dma_wait3A_506 = tpu.memref_slice %arg2[%dma_wait3A_504, %dma_wait3A_505] : memref<1000000x16xf32, #tpu.memory_space<hbm>> -> memref<1000000x16xf32, #tpu.memory_space<hbm>>
    tpu.wait_indirect_dma semaphore(%arg23 : memref<!tpu.dma_semaphore, #tpu.memory_space<semaphore_mem>>) src(%dma_wait3A_506 : memref<1000000x16xf32, #tpu.memory_space<hbm>>) dst(%dma_wait3A_501 : memref<128x16xf32, #tpu.memory_space<vmem>>)
    %dma_wait3A_507 = arith.constant 1152 : i32
    %dma_wait3A_508 = tpu.memref_slice %arg19[%dma_wait3A_507] : memref<3328xf32, #tpu.memory_space<vmem>> -> memref<128xf32, #tpu.memory_space<vmem>>
    %dma_wait3A_509 = arith.constant 1152 : i32
    %dma_wait3A_510 = tpu.memref_slice %arg17[%dma_wait3A_509] : memref<3328xi32, #tpu.memory_space<vmem>> -> memref<128xi32, #tpu.memory_space<vmem>>
    %dma_wait3A_511 = arith.constant 0 : i32
    %dma_wait3A_512 = tpu.memref_slice %arg4[%dma_wait3A_511] : memref<1000000xf32, #tpu.memory_space<hbm>> -> memref<1000000xf32, #tpu.memory_space<hbm>>
    tpu.wait_indirect_dma semaphore(%arg24 : memref<!tpu.dma_semaphore, #tpu.memory_space<semaphore_mem>>) src(%dma_wait3A_512 : memref<1000000xf32, #tpu.memory_space<hbm>>) dst(%dma_wait3A_508 : memref<128xf32, #tpu.memory_space<vmem>>)
    %dma_wait3A_513 = arith.constant 1280 : i32
    %dma_wait3A_514 = arith.constant 0 : i32
    %dma_wait3A_515 = tpu.memref_slice %arg18[%dma_wait3A_513, %dma_wait3A_514] : memref<3328x16xf32, #tpu.memory_space<vmem>> -> memref<128x16xf32, #tpu.memory_space<vmem>>
    %dma_wait3A_516 = arith.constant 1280 : i32
    %dma_wait3A_517 = tpu.memref_slice %arg16[%dma_wait3A_516] : memref<3328xi32, #tpu.memory_space<vmem>> -> memref<128xi32, #tpu.memory_space<vmem>>
    %dma_wait3A_518 = arith.constant 0 : i32
    %dma_wait3A_519 = arith.constant 0 : i32
    %dma_wait3A_520 = tpu.memref_slice %arg2[%dma_wait3A_518, %dma_wait3A_519] : memref<1000000x16xf32, #tpu.memory_space<hbm>> -> memref<1000000x16xf32, #tpu.memory_space<hbm>>
    tpu.wait_indirect_dma semaphore(%arg23 : memref<!tpu.dma_semaphore, #tpu.memory_space<semaphore_mem>>) src(%dma_wait3A_520 : memref<1000000x16xf32, #tpu.memory_space<hbm>>) dst(%dma_wait3A_515 : memref<128x16xf32, #tpu.memory_space<vmem>>)
    %dma_wait3A_521 = arith.constant 1280 : i32
    %dma_wait3A_522 = tpu.memref_slice %arg19[%dma_wait3A_521] : memref<3328xf32, #tpu.memory_space<vmem>> -> memref<128xf32, #tpu.memory_space<vmem>>
    %dma_wait3A_523 = arith.constant 1280 : i32
    %dma_wait3A_524 = tpu.memref_slice %arg17[%dma_wait3A_523] : memref<3328xi32, #tpu.memory_space<vmem>> -> memref<128xi32, #tpu.memory_space<vmem>>
    %dma_wait3A_525 = arith.constant 0 : i32
    %dma_wait3A_526 = tpu.memref_slice %arg4[%dma_wait3A_525] : memref<1000000xf32, #tpu.memory_space<hbm>> -> memref<1000000xf32, #tpu.memory_space<hbm>>
    tpu.wait_indirect_dma semaphore(%arg24 : memref<!tpu.dma_semaphore, #tpu.memory_space<semaphore_mem>>) src(%dma_wait3A_526 : memref<1000000xf32, #tpu.memory_space<hbm>>) dst(%dma_wait3A_522 : memref<128xf32, #tpu.memory_space<vmem>>)
    %dma_wait3A_527 = arith.constant 1408 : i32
    %dma_wait3A_528 = arith.constant 0 : i32
    %dma_wait3A_529 = tpu.memref_slice %arg18[%dma_wait3A_527, %dma_wait3A_528] : memref<3328x16xf32, #tpu.memory_space<vmem>> -> memref<128x16xf32, #tpu.memory_space<vmem>>
    %dma_wait3A_530 = arith.constant 1408 : i32
    %dma_wait3A_531 = tpu.memref_slice %arg16[%dma_wait3A_530] : memref<3328xi32, #tpu.memory_space<vmem>> -> memref<128xi32, #tpu.memory_space<vmem>>
    %dma_wait3A_532 = arith.constant 0 : i32
    %dma_wait3A_533 = arith.constant 0 : i32
    %dma_wait3A_534 = tpu.memref_slice %arg2[%dma_wait3A_532, %dma_wait3A_533] : memref<1000000x16xf32, #tpu.memory_space<hbm>> -> memref<1000000x16xf32, #tpu.memory_space<hbm>>
    tpu.wait_indirect_dma semaphore(%arg23 : memref<!tpu.dma_semaphore, #tpu.memory_space<semaphore_mem>>) src(%dma_wait3A_534 : memref<1000000x16xf32, #tpu.memory_space<hbm>>) dst(%dma_wait3A_529 : memref<128x16xf32, #tpu.memory_space<vmem>>)
    %dma_wait3A_535 = arith.constant 1408 : i32
    %dma_wait3A_536 = tpu.memref_slice %arg19[%dma_wait3A_535] : memref<3328xf32, #tpu.memory_space<vmem>> -> memref<128xf32, #tpu.memory_space<vmem>>
    %dma_wait3A_537 = arith.constant 1408 : i32
    %dma_wait3A_538 = tpu.memref_slice %arg17[%dma_wait3A_537] : memref<3328xi32, #tpu.memory_space<vmem>> -> memref<128xi32, #tpu.memory_space<vmem>>
    %dma_wait3A_539 = arith.constant 0 : i32
    %dma_wait3A_540 = tpu.memref_slice %arg4[%dma_wait3A_539] : memref<1000000xf32, #tpu.memory_space<hbm>> -> memref<1000000xf32, #tpu.memory_space<hbm>>
    tpu.wait_indirect_dma semaphore(%arg24 : memref<!tpu.dma_semaphore, #tpu.memory_space<semaphore_mem>>) src(%dma_wait3A_540 : memref<1000000xf32, #tpu.memory_space<hbm>>) dst(%dma_wait3A_536 : memref<128xf32, #tpu.memory_space<vmem>>)
    %dma_wait3A_541 = arith.constant 1536 : i32
    %dma_wait3A_542 = arith.constant 0 : i32
    %dma_wait3A_543 = tpu.memref_slice %arg18[%dma_wait3A_541, %dma_wait3A_542] : memref<3328x16xf32, #tpu.memory_space<vmem>> -> memref<128x16xf32, #tpu.memory_space<vmem>>
    %dma_wait3A_544 = arith.constant 1536 : i32
    %dma_wait3A_545 = tpu.memref_slice %arg16[%dma_wait3A_544] : memref<3328xi32, #tpu.memory_space<vmem>> -> memref<128xi32, #tpu.memory_space<vmem>>
    %dma_wait3A_546 = arith.constant 0 : i32
    %dma_wait3A_547 = arith.constant 0 : i32
    %dma_wait3A_548 = tpu.memref_slice %arg2[%dma_wait3A_546, %dma_wait3A_547] : memref<1000000x16xf32, #tpu.memory_space<hbm>> -> memref<1000000x16xf32, #tpu.memory_space<hbm>>
    tpu.wait_indirect_dma semaphore(%arg23 : memref<!tpu.dma_semaphore, #tpu.memory_space<semaphore_mem>>) src(%dma_wait3A_548 : memref<1000000x16xf32, #tpu.memory_space<hbm>>) dst(%dma_wait3A_543 : memref<128x16xf32, #tpu.memory_space<vmem>>)
    %dma_wait3A_549 = arith.constant 1536 : i32
    %dma_wait3A_550 = tpu.memref_slice %arg19[%dma_wait3A_549] : memref<3328xf32, #tpu.memory_space<vmem>> -> memref<128xf32, #tpu.memory_space<vmem>>
    %dma_wait3A_551 = arith.constant 1536 : i32
    %dma_wait3A_552 = tpu.memref_slice %arg17[%dma_wait3A_551] : memref<3328xi32, #tpu.memory_space<vmem>> -> memref<128xi32, #tpu.memory_space<vmem>>
    %dma_wait3A_553 = arith.constant 0 : i32
    %dma_wait3A_554 = tpu.memref_slice %arg4[%dma_wait3A_553] : memref<1000000xf32, #tpu.memory_space<hbm>> -> memref<1000000xf32, #tpu.memory_space<hbm>>
    tpu.wait_indirect_dma semaphore(%arg24 : memref<!tpu.dma_semaphore, #tpu.memory_space<semaphore_mem>>) src(%dma_wait3A_554 : memref<1000000xf32, #tpu.memory_space<hbm>>) dst(%dma_wait3A_550 : memref<128xf32, #tpu.memory_space<vmem>>)
    %dma_wait3A_555 = arith.constant 1664 : i32
    %dma_wait3A_556 = arith.constant 0 : i32
    %dma_wait3A_557 = tpu.memref_slice %arg18[%dma_wait3A_555, %dma_wait3A_556] : memref<3328x16xf32, #tpu.memory_space<vmem>> -> memref<128x16xf32, #tpu.memory_space<vmem>>
    %dma_wait3A_558 = arith.constant 1664 : i32
    %dma_wait3A_559 = tpu.memref_slice %arg16[%dma_wait3A_558] : memref<3328xi32, #tpu.memory_space<vmem>> -> memref<128xi32, #tpu.memory_space<vmem>>
    %dma_wait3A_560 = arith.constant 0 : i32
    %dma_wait3A_561 = arith.constant 0 : i32
    %dma_wait3A_562 = tpu.memref_slice %arg2[%dma_wait3A_560, %dma_wait3A_561] : memref<1000000x16xf32, #tpu.memory_space<hbm>> -> memref<1000000x16xf32, #tpu.memory_space<hbm>>
    tpu.wait_indirect_dma semaphore(%arg23 : memref<!tpu.dma_semaphore, #tpu.memory_space<semaphore_mem>>) src(%dma_wait3A_562 : memref<1000000x16xf32, #tpu.memory_space<hbm>>) dst(%dma_wait3A_557 : memref<128x16xf32, #tpu.memory_space<vmem>>)
    %dma_wait3A_563 = arith.constant 1664 : i32
    %dma_wait3A_564 = tpu.memref_slice %arg19[%dma_wait3A_563] : memref<3328xf32, #tpu.memory_space<vmem>> -> memref<128xf32, #tpu.memory_space<vmem>>
    %dma_wait3A_565 = arith.constant 1664 : i32
    %dma_wait3A_566 = tpu.memref_slice %arg17[%dma_wait3A_565] : memref<3328xi32, #tpu.memory_space<vmem>> -> memref<128xi32, #tpu.memory_space<vmem>>
    %dma_wait3A_567 = arith.constant 0 : i32
    %dma_wait3A_568 = tpu.memref_slice %arg4[%dma_wait3A_567] : memref<1000000xf32, #tpu.memory_space<hbm>> -> memref<1000000xf32, #tpu.memory_space<hbm>>
    tpu.wait_indirect_dma semaphore(%arg24 : memref<!tpu.dma_semaphore, #tpu.memory_space<semaphore_mem>>) src(%dma_wait3A_568 : memref<1000000xf32, #tpu.memory_space<hbm>>) dst(%dma_wait3A_564 : memref<128xf32, #tpu.memory_space<vmem>>)
    %dma_wait3A_569 = arith.constant 1792 : i32
    %dma_wait3A_570 = arith.constant 0 : i32
    %dma_wait3A_571 = tpu.memref_slice %arg18[%dma_wait3A_569, %dma_wait3A_570] : memref<3328x16xf32, #tpu.memory_space<vmem>> -> memref<128x16xf32, #tpu.memory_space<vmem>>
    %dma_wait3A_572 = arith.constant 1792 : i32
    %dma_wait3A_573 = tpu.memref_slice %arg16[%dma_wait3A_572] : memref<3328xi32, #tpu.memory_space<vmem>> -> memref<128xi32, #tpu.memory_space<vmem>>
    %dma_wait3A_574 = arith.constant 0 : i32
    %dma_wait3A_575 = arith.constant 0 : i32
    %dma_wait3A_576 = tpu.memref_slice %arg2[%dma_wait3A_574, %dma_wait3A_575] : memref<1000000x16xf32, #tpu.memory_space<hbm>> -> memref<1000000x16xf32, #tpu.memory_space<hbm>>
    tpu.wait_indirect_dma semaphore(%arg23 : memref<!tpu.dma_semaphore, #tpu.memory_space<semaphore_mem>>) src(%dma_wait3A_576 : memref<1000000x16xf32, #tpu.memory_space<hbm>>) dst(%dma_wait3A_571 : memref<128x16xf32, #tpu.memory_space<vmem>>)
    %dma_wait3A_577 = arith.constant 1792 : i32
    %dma_wait3A_578 = tpu.memref_slice %arg19[%dma_wait3A_577] : memref<3328xf32, #tpu.memory_space<vmem>> -> memref<128xf32, #tpu.memory_space<vmem>>
    %dma_wait3A_579 = arith.constant 1792 : i32
    %dma_wait3A_580 = tpu.memref_slice %arg17[%dma_wait3A_579] : memref<3328xi32, #tpu.memory_space<vmem>> -> memref<128xi32, #tpu.memory_space<vmem>>
    %dma_wait3A_581 = arith.constant 0 : i32
    %dma_wait3A_582 = tpu.memref_slice %arg4[%dma_wait3A_581] : memref<1000000xf32, #tpu.memory_space<hbm>> -> memref<1000000xf32, #tpu.memory_space<hbm>>
    tpu.wait_indirect_dma semaphore(%arg24 : memref<!tpu.dma_semaphore, #tpu.memory_space<semaphore_mem>>) src(%dma_wait3A_582 : memref<1000000xf32, #tpu.memory_space<hbm>>) dst(%dma_wait3A_578 : memref<128xf32, #tpu.memory_space<vmem>>)
    %dma_wait3A_583 = arith.constant 1920 : i32
    %dma_wait3A_584 = arith.constant 0 : i32
    %dma_wait3A_585 = tpu.memref_slice %arg18[%dma_wait3A_583, %dma_wait3A_584] : memref<3328x16xf32, #tpu.memory_space<vmem>> -> memref<128x16xf32, #tpu.memory_space<vmem>>
    %dma_wait3A_586 = arith.constant 1920 : i32
    %dma_wait3A_587 = tpu.memref_slice %arg16[%dma_wait3A_586] : memref<3328xi32, #tpu.memory_space<vmem>> -> memref<128xi32, #tpu.memory_space<vmem>>
    %dma_wait3A_588 = arith.constant 0 : i32
    %dma_wait3A_589 = arith.constant 0 : i32
    %dma_wait3A_590 = tpu.memref_slice %arg2[%dma_wait3A_588, %dma_wait3A_589] : memref<1000000x16xf32, #tpu.memory_space<hbm>> -> memref<1000000x16xf32, #tpu.memory_space<hbm>>
    tpu.wait_indirect_dma semaphore(%arg23 : memref<!tpu.dma_semaphore, #tpu.memory_space<semaphore_mem>>) src(%dma_wait3A_590 : memref<1000000x16xf32, #tpu.memory_space<hbm>>) dst(%dma_wait3A_585 : memref<128x16xf32, #tpu.memory_space<vmem>>)
    %dma_wait3A_591 = arith.constant 1920 : i32
    %dma_wait3A_592 = tpu.memref_slice %arg19[%dma_wait3A_591] : memref<3328xf32, #tpu.memory_space<vmem>> -> memref<128xf32, #tpu.memory_space<vmem>>
    %dma_wait3A_593 = arith.constant 1920 : i32
    %dma_wait3A_594 = tpu.memref_slice %arg17[%dma_wait3A_593] : memref<3328xi32, #tpu.memory_space<vmem>> -> memref<128xi32, #tpu.memory_space<vmem>>
    %dma_wait3A_595 = arith.constant 0 : i32
    %dma_wait3A_596 = tpu.memref_slice %arg4[%dma_wait3A_595] : memref<1000000xf32, #tpu.memory_space<hbm>> -> memref<1000000xf32, #tpu.memory_space<hbm>>
    tpu.wait_indirect_dma semaphore(%arg24 : memref<!tpu.dma_semaphore, #tpu.memory_space<semaphore_mem>>) src(%dma_wait3A_596 : memref<1000000xf32, #tpu.memory_space<hbm>>) dst(%dma_wait3A_592 : memref<128xf32, #tpu.memory_space<vmem>>)
    %dma_wait3A_597 = arith.constant 2048 : i32
    %dma_wait3A_598 = arith.constant 0 : i32
    %dma_wait3A_599 = tpu.memref_slice %arg18[%dma_wait3A_597, %dma_wait3A_598] : memref<3328x16xf32, #tpu.memory_space<vmem>> -> memref<128x16xf32, #tpu.memory_space<vmem>>
    %dma_wait3A_600 = arith.constant 2048 : i32
    %dma_wait3A_601 = tpu.memref_slice %arg16[%dma_wait3A_600] : memref<3328xi32, #tpu.memory_space<vmem>> -> memref<128xi32, #tpu.memory_space<vmem>>
    %dma_wait3A_602 = arith.constant 0 : i32
    %dma_wait3A_603 = arith.constant 0 : i32
    %dma_wait3A_604 = tpu.memref_slice %arg2[%dma_wait3A_602, %dma_wait3A_603] : memref<1000000x16xf32, #tpu.memory_space<hbm>> -> memref<1000000x16xf32, #tpu.memory_space<hbm>>
    tpu.wait_indirect_dma semaphore(%arg23 : memref<!tpu.dma_semaphore, #tpu.memory_space<semaphore_mem>>) src(%dma_wait3A_604 : memref<1000000x16xf32, #tpu.memory_space<hbm>>) dst(%dma_wait3A_599 : memref<128x16xf32, #tpu.memory_space<vmem>>)
    %dma_wait3A_605 = arith.constant 2048 : i32
    %dma_wait3A_606 = tpu.memref_slice %arg19[%dma_wait3A_605] : memref<3328xf32, #tpu.memory_space<vmem>> -> memref<128xf32, #tpu.memory_space<vmem>>
    %dma_wait3A_607 = arith.constant 2048 : i32
    %dma_wait3A_608 = tpu.memref_slice %arg17[%dma_wait3A_607] : memref<3328xi32, #tpu.memory_space<vmem>> -> memref<128xi32, #tpu.memory_space<vmem>>
    %dma_wait3A_609 = arith.constant 0 : i32
    %dma_wait3A_610 = tpu.memref_slice %arg4[%dma_wait3A_609] : memref<1000000xf32, #tpu.memory_space<hbm>> -> memref<1000000xf32, #tpu.memory_space<hbm>>
    tpu.wait_indirect_dma semaphore(%arg24 : memref<!tpu.dma_semaphore, #tpu.memory_space<semaphore_mem>>) src(%dma_wait3A_610 : memref<1000000xf32, #tpu.memory_space<hbm>>) dst(%dma_wait3A_606 : memref<128xf32, #tpu.memory_space<vmem>>)
    %dma_wait3A_611 = arith.constant 2176 : i32
    %dma_wait3A_612 = arith.constant 0 : i32
    %dma_wait3A_613 = tpu.memref_slice %arg18[%dma_wait3A_611, %dma_wait3A_612] : memref<3328x16xf32, #tpu.memory_space<vmem>> -> memref<128x16xf32, #tpu.memory_space<vmem>>
    %dma_wait3A_614 = arith.constant 2176 : i32
    %dma_wait3A_615 = tpu.memref_slice %arg16[%dma_wait3A_614] : memref<3328xi32, #tpu.memory_space<vmem>> -> memref<128xi32, #tpu.memory_space<vmem>>
    %dma_wait3A_616 = arith.constant 0 : i32
    %dma_wait3A_617 = arith.constant 0 : i32
    %dma_wait3A_618 = tpu.memref_slice %arg2[%dma_wait3A_616, %dma_wait3A_617] : memref<1000000x16xf32, #tpu.memory_space<hbm>> -> memref<1000000x16xf32, #tpu.memory_space<hbm>>
    tpu.wait_indirect_dma semaphore(%arg23 : memref<!tpu.dma_semaphore, #tpu.memory_space<semaphore_mem>>) src(%dma_wait3A_618 : memref<1000000x16xf32, #tpu.memory_space<hbm>>) dst(%dma_wait3A_613 : memref<128x16xf32, #tpu.memory_space<vmem>>)
    %dma_wait3A_619 = arith.constant 2176 : i32
    %dma_wait3A_620 = tpu.memref_slice %arg19[%dma_wait3A_619] : memref<3328xf32, #tpu.memory_space<vmem>> -> memref<128xf32, #tpu.memory_space<vmem>>
    %dma_wait3A_621 = arith.constant 2176 : i32
    %dma_wait3A_622 = tpu.memref_slice %arg17[%dma_wait3A_621] : memref<3328xi32, #tpu.memory_space<vmem>> -> memref<128xi32, #tpu.memory_space<vmem>>
    %dma_wait3A_623 = arith.constant 0 : i32
    %dma_wait3A_624 = tpu.memref_slice %arg4[%dma_wait3A_623] : memref<1000000xf32, #tpu.memory_space<hbm>> -> memref<1000000xf32, #tpu.memory_space<hbm>>
    tpu.wait_indirect_dma semaphore(%arg24 : memref<!tpu.dma_semaphore, #tpu.memory_space<semaphore_mem>>) src(%dma_wait3A_624 : memref<1000000xf32, #tpu.memory_space<hbm>>) dst(%dma_wait3A_620 : memref<128xf32, #tpu.memory_space<vmem>>)
    %dma_wait3A_625 = arith.constant 2304 : i32
    %dma_wait3A_626 = arith.constant 0 : i32
    %dma_wait3A_627 = tpu.memref_slice %arg18[%dma_wait3A_625, %dma_wait3A_626] : memref<3328x16xf32, #tpu.memory_space<vmem>> -> memref<128x16xf32, #tpu.memory_space<vmem>>
    %dma_wait3A_628 = arith.constant 2304 : i32
    %dma_wait3A_629 = tpu.memref_slice %arg16[%dma_wait3A_628] : memref<3328xi32, #tpu.memory_space<vmem>> -> memref<128xi32, #tpu.memory_space<vmem>>
    %dma_wait3A_630 = arith.constant 0 : i32
    %dma_wait3A_631 = arith.constant 0 : i32
    %dma_wait3A_632 = tpu.memref_slice %arg2[%dma_wait3A_630, %dma_wait3A_631] : memref<1000000x16xf32, #tpu.memory_space<hbm>> -> memref<1000000x16xf32, #tpu.memory_space<hbm>>
    tpu.wait_indirect_dma semaphore(%arg23 : memref<!tpu.dma_semaphore, #tpu.memory_space<semaphore_mem>>) src(%dma_wait3A_632 : memref<1000000x16xf32, #tpu.memory_space<hbm>>) dst(%dma_wait3A_627 : memref<128x16xf32, #tpu.memory_space<vmem>>)
    %dma_wait3A_633 = arith.constant 2304 : i32
    %dma_wait3A_634 = tpu.memref_slice %arg19[%dma_wait3A_633] : memref<3328xf32, #tpu.memory_space<vmem>> -> memref<128xf32, #tpu.memory_space<vmem>>
    %dma_wait3A_635 = arith.constant 2304 : i32
    %dma_wait3A_636 = tpu.memref_slice %arg17[%dma_wait3A_635] : memref<3328xi32, #tpu.memory_space<vmem>> -> memref<128xi32, #tpu.memory_space<vmem>>
    %dma_wait3A_637 = arith.constant 0 : i32
    %dma_wait3A_638 = tpu.memref_slice %arg4[%dma_wait3A_637] : memref<1000000xf32, #tpu.memory_space<hbm>> -> memref<1000000xf32, #tpu.memory_space<hbm>>
    tpu.wait_indirect_dma semaphore(%arg24 : memref<!tpu.dma_semaphore, #tpu.memory_space<semaphore_mem>>) src(%dma_wait3A_638 : memref<1000000xf32, #tpu.memory_space<hbm>>) dst(%dma_wait3A_634 : memref<128xf32, #tpu.memory_space<vmem>>)
    %dma_wait3A_639 = arith.constant 2432 : i32
    %dma_wait3A_640 = arith.constant 0 : i32
    %dma_wait3A_641 = tpu.memref_slice %arg18[%dma_wait3A_639, %dma_wait3A_640] : memref<3328x16xf32, #tpu.memory_space<vmem>> -> memref<128x16xf32, #tpu.memory_space<vmem>>
    %dma_wait3A_642 = arith.constant 2432 : i32
    %dma_wait3A_643 = tpu.memref_slice %arg16[%dma_wait3A_642] : memref<3328xi32, #tpu.memory_space<vmem>> -> memref<128xi32, #tpu.memory_space<vmem>>
    %dma_wait3A_644 = arith.constant 0 : i32
    %dma_wait3A_645 = arith.constant 0 : i32
    %dma_wait3A_646 = tpu.memref_slice %arg2[%dma_wait3A_644, %dma_wait3A_645] : memref<1000000x16xf32, #tpu.memory_space<hbm>> -> memref<1000000x16xf32, #tpu.memory_space<hbm>>
    tpu.wait_indirect_dma semaphore(%arg23 : memref<!tpu.dma_semaphore, #tpu.memory_space<semaphore_mem>>) src(%dma_wait3A_646 : memref<1000000x16xf32, #tpu.memory_space<hbm>>) dst(%dma_wait3A_641 : memref<128x16xf32, #tpu.memory_space<vmem>>)
    %dma_wait3A_647 = arith.constant 2432 : i32
    %dma_wait3A_648 = tpu.memref_slice %arg19[%dma_wait3A_647] : memref<3328xf32, #tpu.memory_space<vmem>> -> memref<128xf32, #tpu.memory_space<vmem>>
    %dma_wait3A_649 = arith.constant 2432 : i32
    %dma_wait3A_650 = tpu.memref_slice %arg17[%dma_wait3A_649] : memref<3328xi32, #tpu.memory_space<vmem>> -> memref<128xi32, #tpu.memory_space<vmem>>
    %dma_wait3A_651 = arith.constant 0 : i32
    %dma_wait3A_652 = tpu.memref_slice %arg4[%dma_wait3A_651] : memref<1000000xf32, #tpu.memory_space<hbm>> -> memref<1000000xf32, #tpu.memory_space<hbm>>
    tpu.wait_indirect_dma semaphore(%arg24 : memref<!tpu.dma_semaphore, #tpu.memory_space<semaphore_mem>>) src(%dma_wait3A_652 : memref<1000000xf32, #tpu.memory_space<hbm>>) dst(%dma_wait3A_648 : memref<128xf32, #tpu.memory_space<vmem>>)
    %dma_wait3A_653 = arith.constant 2560 : i32
    %dma_wait3A_654 = arith.constant 0 : i32
    %dma_wait3A_655 = tpu.memref_slice %arg18[%dma_wait3A_653, %dma_wait3A_654] : memref<3328x16xf32, #tpu.memory_space<vmem>> -> memref<128x16xf32, #tpu.memory_space<vmem>>
    %dma_wait3A_656 = arith.constant 2560 : i32
    %dma_wait3A_657 = tpu.memref_slice %arg16[%dma_wait3A_656] : memref<3328xi32, #tpu.memory_space<vmem>> -> memref<128xi32, #tpu.memory_space<vmem>>
    %dma_wait3A_658 = arith.constant 0 : i32
    %dma_wait3A_659 = arith.constant 0 : i32
    %dma_wait3A_660 = tpu.memref_slice %arg2[%dma_wait3A_658, %dma_wait3A_659] : memref<1000000x16xf32, #tpu.memory_space<hbm>> -> memref<1000000x16xf32, #tpu.memory_space<hbm>>
    tpu.wait_indirect_dma semaphore(%arg23 : memref<!tpu.dma_semaphore, #tpu.memory_space<semaphore_mem>>) src(%dma_wait3A_660 : memref<1000000x16xf32, #tpu.memory_space<hbm>>) dst(%dma_wait3A_655 : memref<128x16xf32, #tpu.memory_space<vmem>>)
    %dma_wait3A_661 = arith.constant 2560 : i32
    %dma_wait3A_662 = tpu.memref_slice %arg19[%dma_wait3A_661] : memref<3328xf32, #tpu.memory_space<vmem>> -> memref<128xf32, #tpu.memory_space<vmem>>
    %dma_wait3A_663 = arith.constant 2560 : i32
    %dma_wait3A_664 = tpu.memref_slice %arg17[%dma_wait3A_663] : memref<3328xi32, #tpu.memory_space<vmem>> -> memref<128xi32, #tpu.memory_space<vmem>>
    %dma_wait3A_665 = arith.constant 0 : i32
    %dma_wait3A_666 = tpu.memref_slice %arg4[%dma_wait3A_665] : memref<1000000xf32, #tpu.memory_space<hbm>> -> memref<1000000xf32, #tpu.memory_space<hbm>>
    tpu.wait_indirect_dma semaphore(%arg24 : memref<!tpu.dma_semaphore, #tpu.memory_space<semaphore_mem>>) src(%dma_wait3A_666 : memref<1000000xf32, #tpu.memory_space<hbm>>) dst(%dma_wait3A_662 : memref<128xf32, #tpu.memory_space<vmem>>)
    %dma_wait3A_667 = arith.constant 2688 : i32
    %dma_wait3A_668 = arith.constant 0 : i32
    %dma_wait3A_669 = tpu.memref_slice %arg18[%dma_wait3A_667, %dma_wait3A_668] : memref<3328x16xf32, #tpu.memory_space<vmem>> -> memref<128x16xf32, #tpu.memory_space<vmem>>
    %dma_wait3A_670 = arith.constant 2688 : i32
    %dma_wait3A_671 = tpu.memref_slice %arg16[%dma_wait3A_670] : memref<3328xi32, #tpu.memory_space<vmem>> -> memref<128xi32, #tpu.memory_space<vmem>>
    %dma_wait3A_672 = arith.constant 0 : i32
    %dma_wait3A_673 = arith.constant 0 : i32
    %dma_wait3A_674 = tpu.memref_slice %arg2[%dma_wait3A_672, %dma_wait3A_673] : memref<1000000x16xf32, #tpu.memory_space<hbm>> -> memref<1000000x16xf32, #tpu.memory_space<hbm>>
    tpu.wait_indirect_dma semaphore(%arg23 : memref<!tpu.dma_semaphore, #tpu.memory_space<semaphore_mem>>) src(%dma_wait3A_674 : memref<1000000x16xf32, #tpu.memory_space<hbm>>) dst(%dma_wait3A_669 : memref<128x16xf32, #tpu.memory_space<vmem>>)
    %dma_wait3A_675 = arith.constant 2688 : i32
    %dma_wait3A_676 = tpu.memref_slice %arg19[%dma_wait3A_675] : memref<3328xf32, #tpu.memory_space<vmem>> -> memref<128xf32, #tpu.memory_space<vmem>>
    %dma_wait3A_677 = arith.constant 2688 : i32
    %dma_wait3A_678 = tpu.memref_slice %arg17[%dma_wait3A_677] : memref<3328xi32, #tpu.memory_space<vmem>> -> memref<128xi32, #tpu.memory_space<vmem>>
    %dma_wait3A_679 = arith.constant 0 : i32
    %dma_wait3A_680 = tpu.memref_slice %arg4[%dma_wait3A_679] : memref<1000000xf32, #tpu.memory_space<hbm>> -> memref<1000000xf32, #tpu.memory_space<hbm>>
    tpu.wait_indirect_dma semaphore(%arg24 : memref<!tpu.dma_semaphore, #tpu.memory_space<semaphore_mem>>) src(%dma_wait3A_680 : memref<1000000xf32, #tpu.memory_space<hbm>>) dst(%dma_wait3A_676 : memref<128xf32, #tpu.memory_space<vmem>>)
    %dma_wait3A_681 = arith.constant 2816 : i32
    %dma_wait3A_682 = arith.constant 0 : i32
    %dma_wait3A_683 = tpu.memref_slice %arg18[%dma_wait3A_681, %dma_wait3A_682] : memref<3328x16xf32, #tpu.memory_space<vmem>> -> memref<128x16xf32, #tpu.memory_space<vmem>>
    %dma_wait3A_684 = arith.constant 2816 : i32
    %dma_wait3A_685 = tpu.memref_slice %arg16[%dma_wait3A_684] : memref<3328xi32, #tpu.memory_space<vmem>> -> memref<128xi32, #tpu.memory_space<vmem>>
    %dma_wait3A_686 = arith.constant 0 : i32
    %dma_wait3A_687 = arith.constant 0 : i32
    %dma_wait3A_688 = tpu.memref_slice %arg2[%dma_wait3A_686, %dma_wait3A_687] : memref<1000000x16xf32, #tpu.memory_space<hbm>> -> memref<1000000x16xf32, #tpu.memory_space<hbm>>
    tpu.wait_indirect_dma semaphore(%arg23 : memref<!tpu.dma_semaphore, #tpu.memory_space<semaphore_mem>>) src(%dma_wait3A_688 : memref<1000000x16xf32, #tpu.memory_space<hbm>>) dst(%dma_wait3A_683 : memref<128x16xf32, #tpu.memory_space<vmem>>)
    %dma_wait3A_689 = arith.constant 2816 : i32
    %dma_wait3A_690 = tpu.memref_slice %arg19[%dma_wait3A_689] : memref<3328xf32, #tpu.memory_space<vmem>> -> memref<128xf32, #tpu.memory_space<vmem>>
    %dma_wait3A_691 = arith.constant 2816 : i32
    %dma_wait3A_692 = tpu.memref_slice %arg17[%dma_wait3A_691] : memref<3328xi32, #tpu.memory_space<vmem>> -> memref<128xi32, #tpu.memory_space<vmem>>
    %dma_wait3A_693 = arith.constant 0 : i32
    %dma_wait3A_694 = tpu.memref_slice %arg4[%dma_wait3A_693] : memref<1000000xf32, #tpu.memory_space<hbm>> -> memref<1000000xf32, #tpu.memory_space<hbm>>
    tpu.wait_indirect_dma semaphore(%arg24 : memref<!tpu.dma_semaphore, #tpu.memory_space<semaphore_mem>>) src(%dma_wait3A_694 : memref<1000000xf32, #tpu.memory_space<hbm>>) dst(%dma_wait3A_690 : memref<128xf32, #tpu.memory_space<vmem>>)
    %dma_wait3A_695 = arith.constant 2944 : i32
    %dma_wait3A_696 = arith.constant 0 : i32
    %dma_wait3A_697 = tpu.memref_slice %arg18[%dma_wait3A_695, %dma_wait3A_696] : memref<3328x16xf32, #tpu.memory_space<vmem>> -> memref<128x16xf32, #tpu.memory_space<vmem>>
    %dma_wait3A_698 = arith.constant 2944 : i32
    %dma_wait3A_699 = tpu.memref_slice %arg16[%dma_wait3A_698] : memref<3328xi32, #tpu.memory_space<vmem>> -> memref<128xi32, #tpu.memory_space<vmem>>
    %dma_wait3A_700 = arith.constant 0 : i32
    %dma_wait3A_701 = arith.constant 0 : i32
    %dma_wait3A_702 = tpu.memref_slice %arg2[%dma_wait3A_700, %dma_wait3A_701] : memref<1000000x16xf32, #tpu.memory_space<hbm>> -> memref<1000000x16xf32, #tpu.memory_space<hbm>>
    tpu.wait_indirect_dma semaphore(%arg23 : memref<!tpu.dma_semaphore, #tpu.memory_space<semaphore_mem>>) src(%dma_wait3A_702 : memref<1000000x16xf32, #tpu.memory_space<hbm>>) dst(%dma_wait3A_697 : memref<128x16xf32, #tpu.memory_space<vmem>>)
    %dma_wait3A_703 = arith.constant 2944 : i32
    %dma_wait3A_704 = tpu.memref_slice %arg19[%dma_wait3A_703] : memref<3328xf32, #tpu.memory_space<vmem>> -> memref<128xf32, #tpu.memory_space<vmem>>
    %dma_wait3A_705 = arith.constant 2944 : i32
    %dma_wait3A_706 = tpu.memref_slice %arg17[%dma_wait3A_705] : memref<3328xi32, #tpu.memory_space<vmem>> -> memref<128xi32, #tpu.memory_space<vmem>>
    %dma_wait3A_707 = arith.constant 0 : i32
    %dma_wait3A_708 = tpu.memref_slice %arg4[%dma_wait3A_707] : memref<1000000xf32, #tpu.memory_space<hbm>> -> memref<1000000xf32, #tpu.memory_space<hbm>>
    tpu.wait_indirect_dma semaphore(%arg24 : memref<!tpu.dma_semaphore, #tpu.memory_space<semaphore_mem>>) src(%dma_wait3A_708 : memref<1000000xf32, #tpu.memory_space<hbm>>) dst(%dma_wait3A_704 : memref<128xf32, #tpu.memory_space<vmem>>)
    %dma_wait3A_709 = arith.constant 3072 : i32
    %dma_wait3A_710 = arith.constant 0 : i32
    %dma_wait3A_711 = tpu.memref_slice %arg18[%dma_wait3A_709, %dma_wait3A_710] : memref<3328x16xf32, #tpu.memory_space<vmem>> -> memref<128x16xf32, #tpu.memory_space<vmem>>
    %dma_wait3A_712 = arith.constant 3072 : i32
    %dma_wait3A_713 = tpu.memref_slice %arg16[%dma_wait3A_712] : memref<3328xi32, #tpu.memory_space<vmem>> -> memref<128xi32, #tpu.memory_space<vmem>>
    %dma_wait3A_714 = arith.constant 0 : i32
    %dma_wait3A_715 = arith.constant 0 : i32
    %dma_wait3A_716 = tpu.memref_slice %arg2[%dma_wait3A_714, %dma_wait3A_715] : memref<1000000x16xf32, #tpu.memory_space<hbm>> -> memref<1000000x16xf32, #tpu.memory_space<hbm>>
    tpu.wait_indirect_dma semaphore(%arg23 : memref<!tpu.dma_semaphore, #tpu.memory_space<semaphore_mem>>) src(%dma_wait3A_716 : memref<1000000x16xf32, #tpu.memory_space<hbm>>) dst(%dma_wait3A_711 : memref<128x16xf32, #tpu.memory_space<vmem>>)
    %dma_wait3A_717 = arith.constant 3072 : i32
    %dma_wait3A_718 = tpu.memref_slice %arg19[%dma_wait3A_717] : memref<3328xf32, #tpu.memory_space<vmem>> -> memref<128xf32, #tpu.memory_space<vmem>>
    %dma_wait3A_719 = arith.constant 3072 : i32
    %dma_wait3A_720 = tpu.memref_slice %arg17[%dma_wait3A_719] : memref<3328xi32, #tpu.memory_space<vmem>> -> memref<128xi32, #tpu.memory_space<vmem>>
    %dma_wait3A_721 = arith.constant 0 : i32
    %dma_wait3A_722 = tpu.memref_slice %arg4[%dma_wait3A_721] : memref<1000000xf32, #tpu.memory_space<hbm>> -> memref<1000000xf32, #tpu.memory_space<hbm>>
    tpu.wait_indirect_dma semaphore(%arg24 : memref<!tpu.dma_semaphore, #tpu.memory_space<semaphore_mem>>) src(%dma_wait3A_722 : memref<1000000xf32, #tpu.memory_space<hbm>>) dst(%dma_wait3A_718 : memref<128xf32, #tpu.memory_space<vmem>>)
    %dma_wait3A_723 = arith.constant 3200 : i32
    %dma_wait3A_724 = arith.constant 0 : i32
    %dma_wait3A_725 = tpu.memref_slice %arg18[%dma_wait3A_723, %dma_wait3A_724] : memref<3328x16xf32, #tpu.memory_space<vmem>> -> memref<128x16xf32, #tpu.memory_space<vmem>>
    %dma_wait3A_726 = arith.constant 3200 : i32
    %dma_wait3A_727 = tpu.memref_slice %arg16[%dma_wait3A_726] : memref<3328xi32, #tpu.memory_space<vmem>> -> memref<128xi32, #tpu.memory_space<vmem>>
    %dma_wait3A_728 = arith.constant 0 : i32
    %dma_wait3A_729 = arith.constant 0 : i32
    %dma_wait3A_730 = tpu.memref_slice %arg2[%dma_wait3A_728, %dma_wait3A_729] : memref<1000000x16xf32, #tpu.memory_space<hbm>> -> memref<1000000x16xf32, #tpu.memory_space<hbm>>
    tpu.wait_indirect_dma semaphore(%arg23 : memref<!tpu.dma_semaphore, #tpu.memory_space<semaphore_mem>>) src(%dma_wait3A_730 : memref<1000000x16xf32, #tpu.memory_space<hbm>>) dst(%dma_wait3A_725 : memref<128x16xf32, #tpu.memory_space<vmem>>)
    %dma_wait3A_731 = arith.constant 3200 : i32
    %dma_wait3A_732 = tpu.memref_slice %arg19[%dma_wait3A_731] : memref<3328xf32, #tpu.memory_space<vmem>> -> memref<128xf32, #tpu.memory_space<vmem>>
    %dma_wait3A_733 = arith.constant 3200 : i32
    %dma_wait3A_734 = tpu.memref_slice %arg17[%dma_wait3A_733] : memref<3328xi32, #tpu.memory_space<vmem>> -> memref<128xi32, #tpu.memory_space<vmem>>
    %dma_wait3A_735 = arith.constant 0 : i32
    %dma_wait3A_736 = tpu.memref_slice %arg4[%dma_wait3A_735] : memref<1000000xf32, #tpu.memory_space<hbm>> -> memref<1000000xf32, #tpu.memory_space<hbm>>
    tpu.wait_indirect_dma semaphore(%arg24 : memref<!tpu.dma_semaphore, #tpu.memory_space<semaphore_mem>>) src(%dma_wait3A_736 : memref<1000000xf32, #tpu.memory_space<hbm>>) dst(%dma_wait3A_732 : memref<128xf32, #tpu.memory_space<vmem>>)
    %scan3A = arith.constant 0 : i32
    %scan3A_737 = arith.constant 0 : i32
    %scan3A_738 = arith.constant 128 : i32
    %scan3A_739 = arith.addi %scan3A_737, %scan3A_738 : i32
    %scan3A_740 = arith.constant 1 : i32
    %scan3A_741 = scf.for %scan3A_1500 = %scan3A_737 to %scan3A_739 step %scan3A_740 iter_args(%scan3A_1501 = %scan3A) -> (i32)  : i32 {
      %mul3A_1502 = arith.constant 26 : i32
      %mul3A_1503 = arith.muli %scan3A_1500, %mul3A_1502 : i32
      %get3A = arith.index_cast %mul3A_1503 : i32 to index
      %get3A_1504 = arith.constant 0 : index
      %get3A_1505 = tpu.vector_load %arg18[%get3A, %get3A_1504] {strides = array<i32>} : memref<3328x16xf32, #tpu.memory_space<vmem>>, vector<1x16xf32>,
      %get3A_1506 = vector.shape_cast %get3A_1505 : vector<1x16xf32> to vector<16xf32>
      %mul3A_1507 = arith.mulf %get3A_1506, %get3A_1506 : vector<16xf32>
      %add3A_1508 = arith.constant 1 : i32
      %add3A_1509 = arith.addi %mul3A_1503, %add3A_1508 : i32
      %get3A_1510 = arith.index_cast %add3A_1509 : i32 to index
      %get3A_1511 = arith.constant 0 : index
      %get3A_1512 = tpu.vector_load %arg18[%get3A_1510, %get3A_1511] {strides = array<i32>} : memref<3328x16xf32, #tpu.memory_space<vmem>>, vector<1x16xf32>,
      %get3A_1513 = vector.shape_cast %get3A_1512 : vector<1x16xf32> to vector<16xf32>
      %add3A_1514 = arith.addf %get3A_1506, %get3A_1513 : vector<16xf32>
      %mul3A_1515 = arith.mulf %get3A_1513, %get3A_1513 : vector<16xf32>
      %add3A_1516 = arith.addf %mul3A_1507, %mul3A_1515 : vector<16xf32>
      %add3A_1517 = arith.constant 2 : i32
      %add3A_1518 = arith.addi %mul3A_1503, %add3A_1517 : i32
      %get3A_1519 = arith.index_cast %add3A_1518 : i32 to index
      %get3A_1520 = arith.constant 0 : index
      %get3A_1521 = tpu.vector_load %arg18[%get3A_1519, %get3A_1520] {strides = array<i32>} : memref<3328x16xf32, #tpu.memory_space<vmem>>, vector<1x16xf32>,
      %get3A_1522 = vector.shape_cast %get3A_1521 : vector<1x16xf32> to vector<16xf32>
      %add3A_1523 = arith.addf %add3A_1514, %get3A_1522 : vector<16xf32>
      %mul3A_1524 = arith.mulf %get3A_1522, %get3A_1522 : vector<16xf32>
      %add3A_1525 = arith.addf %add3A_1516, %mul3A_1524 : vector<16xf32>
      %add3A_1526 = arith.constant 3 : i32
      %add3A_1527 = arith.addi %mul3A_1503, %add3A_1526 : i32
      %get3A_1528 = arith.index_cast %add3A_1527 : i32 to index
      %get3A_1529 = arith.constant 0 : index
      %get3A_1530 = tpu.vector_load %arg18[%get3A_1528, %get3A_1529] {strides = array<i32>} : memref<3328x16xf32, #tpu.memory_space<vmem>>, vector<1x16xf32>,
      %get3A_1531 = vector.shape_cast %get3A_1530 : vector<1x16xf32> to vector<16xf32>
      %add3A_1532 = arith.addf %add3A_1523, %get3A_1531 : vector<16xf32>
      %mul3A_1533 = arith.mulf %get3A_1531, %get3A_1531 : vector<16xf32>
      %add3A_1534 = arith.addf %add3A_1525, %mul3A_1533 : vector<16xf32>
      %add3A_1535 = arith.constant 4 : i32
      %add3A_1536 = arith.addi %mul3A_1503, %add3A_1535 : i32
      %get3A_1537 = arith.index_cast %add3A_1536 : i32 to index
      %get3A_1538 = arith.constant 0 : index
      %get3A_1539 = tpu.vector_load %arg18[%get3A_1537, %get3A_1538] {strides = array<i32>} : memref<3328x16xf32, #tpu.memory_space<vmem>>, vector<1x16xf32>,
      %get3A_1540 = vector.shape_cast %get3A_1539 : vector<1x16xf32> to vector<16xf32>
      %add3A_1541 = arith.addf %add3A_1532, %get3A_1540 : vector<16xf32>
      %mul3A_1542 = arith.mulf %get3A_1540, %get3A_1540 : vector<16xf32>
      %add3A_1543 = arith.addf %add3A_1534, %mul3A_1542 : vector<16xf32>
      %add3A_1544 = arith.constant 5 : i32
      %add3A_1545 = arith.addi %mul3A_1503, %add3A_1544 : i32
      %get3A_1546 = arith.index_cast %add3A_1545 : i32 to index
      %get3A_1547 = arith.constant 0 : index
      %get3A_1548 = tpu.vector_load %arg18[%get3A_1546, %get3A_1547] {strides = array<i32>} : memref<3328x16xf32, #tpu.memory_space<vmem>>, vector<1x16xf32>,
      %get3A_1549 = vector.shape_cast %get3A_1548 : vector<1x16xf32> to vector<16xf32>
      %add3A_1550 = arith.addf %add3A_1541, %get3A_1549 : vector<16xf32>
      %mul3A_1551 = arith.mulf %get3A_1549, %get3A_1549 : vector<16xf32>
      %add3A_1552 = arith.addf %add3A_1543, %mul3A_1551 : vector<16xf32>
      %add3A_1553 = arith.constant 6 : i32
      %add3A_1554 = arith.addi %mul3A_1503, %add3A_1553 : i32
      %get3A_1555 = arith.index_cast %add3A_1554 : i32 to index
      %get3A_1556 = arith.constant 0 : index
      %get3A_1557 = tpu.vector_load %arg18[%get3A_1555, %get3A_1556] {strides = array<i32>} : memref<3328x16xf32, #tpu.memory_space<vmem>>, vector<1x16xf32>,
      %get3A_1558 = vector.shape_cast %get3A_1557 : vector<1x16xf32> to vector<16xf32>
      %add3A_1559 = arith.addf %add3A_1550, %get3A_1558 : vector<16xf32>
      %mul3A_1560 = arith.mulf %get3A_1558, %get3A_1558 : vector<16xf32>
      %add3A_1561 = arith.addf %add3A_1552, %mul3A_1560 : vector<16xf32>
      %add3A_1562 = arith.constant 7 : i32
      %add3A_1563 = arith.addi %mul3A_1503, %add3A_1562 : i32
      %get3A_1564 = arith.index_cast %add3A_1563 : i32 to index
      %get3A_1565 = arith.constant 0 : index
      %get3A_1566 = tpu.vector_load %arg18[%get3A_1564, %get3A_1565] {strides = array<i32>} : memref<3328x16xf32, #tpu.memory_space<vmem>>, vector<1x16xf32>,
      %get3A_1567 = vector.shape_cast %get3A_1566 : vector<1x16xf32> to vector<16xf32>
      %add3A_1568 = arith.addf %add3A_1559, %get3A_1567 : vector<16xf32>
      %mul3A_1569 = arith.mulf %get3A_1567, %get3A_1567 : vector<16xf32>
      %add3A_1570 = arith.addf %add3A_1561, %mul3A_1569 : vector<16xf32>
      %add3A_1571 = arith.constant 8 : i32
      %add3A_1572 = arith.addi %mul3A_1503, %add3A_1571 : i32
      %get3A_1573 = arith.index_cast %add3A_1572 : i32 to index
      %get3A_1574 = arith.constant 0 : index
      %get3A_1575 = tpu.vector_load %arg18[%get3A_1573, %get3A_1574] {strides = array<i32>} : memref<3328x16xf32, #tpu.memory_space<vmem>>, vector<1x16xf32>,
      %get3A_1576 = vector.shape_cast %get3A_1575 : vector<1x16xf32> to vector<16xf32>
      %add3A_1577 = arith.addf %add3A_1568, %get3A_1576 : vector<16xf32>
      %mul3A_1578 = arith.mulf %get3A_1576, %get3A_1576 : vector<16xf32>
      %add3A_1579 = arith.addf %add3A_1570, %mul3A_1578 : vector<16xf32>
      %add3A_1580 = arith.constant 9 : i32
      %add3A_1581 = arith.addi %mul3A_1503, %add3A_1580 : i32
      %get3A_1582 = arith.index_cast %add3A_1581 : i32 to index
      %get3A_1583 = arith.constant 0 : index
      %get3A_1584 = tpu.vector_load %arg18[%get3A_1582, %get3A_1583] {strides = array<i32>} : memref<3328x16xf32, #tpu.memory_space<vmem>>, vector<1x16xf32>,
      %get3A_1585 = vector.shape_cast %get3A_1584 : vector<1x16xf32> to vector<16xf32>
      %add3A_1586 = arith.addf %add3A_1577, %get3A_1585 : vector<16xf32>
      %mul3A_1587 = arith.mulf %get3A_1585, %get3A_1585 : vector<16xf32>
      %add3A_1588 = arith.addf %add3A_1579, %mul3A_1587 : vector<16xf32>
      %add3A_1589 = arith.constant 10 : i32
      %add3A_1590 = arith.addi %mul3A_1503, %add3A_1589 : i32
      %get3A_1591 = arith.index_cast %add3A_1590 : i32 to index
      %get3A_1592 = arith.constant 0 : index
      %get3A_1593 = tpu.vector_load %arg18[%get3A_1591, %get3A_1592] {strides = array<i32>} : memref<3328x16xf32, #tpu.memory_space<vmem>>, vector<1x16xf32>,
      %get3A_1594 = vector.shape_cast %get3A_1593 : vector<1x16xf32> to vector<16xf32>
      %add3A_1595 = arith.addf %add3A_1586, %get3A_1594 : vector<16xf32>
      %mul3A_1596 = arith.mulf %get3A_1594, %get3A_1594 : vector<16xf32>
      %add3A_1597 = arith.addf %add3A_1588, %mul3A_1596 : vector<16xf32>
      %add3A_1598 = arith.constant 11 : i32
      %add3A_1599 = arith.addi %mul3A_1503, %add3A_1598 : i32
      %get3A_1600 = arith.index_cast %add3A_1599 : i32 to index
      %get3A_1601 = arith.constant 0 : index
      %get3A_1602 = tpu.vector_load %arg18[%get3A_1600, %get3A_1601] {strides = array<i32>} : memref<3328x16xf32, #tpu.memory_space<vmem>>, vector<1x16xf32>,
      %get3A_1603 = vector.shape_cast %get3A_1602 : vector<1x16xf32> to vector<16xf32>
      %add3A_1604 = arith.addf %add3A_1595, %get3A_1603 : vector<16xf32>
      %mul3A_1605 = arith.mulf %get3A_1603, %get3A_1603 : vector<16xf32>
      %add3A_1606 = arith.addf %add3A_1597, %mul3A_1605 : vector<16xf32>
      %add3A_1607 = arith.constant 12 : i32
      %add3A_1608 = arith.addi %mul3A_1503, %add3A_1607 : i32
      %get3A_1609 = arith.index_cast %add3A_1608 : i32 to index
      %get3A_1610 = arith.constant 0 : index
      %get3A_1611 = tpu.vector_load %arg18[%get3A_1609, %get3A_1610] {strides = array<i32>} : memref<3328x16xf32, #tpu.memory_space<vmem>>, vector<1x16xf32>,
      %get3A_1612 = vector.shape_cast %get3A_1611 : vector<1x16xf32> to vector<16xf32>
      %add3A_1613 = arith.addf %add3A_1604, %get3A_1612 : vector<16xf32>
      %mul3A_1614 = arith.mulf %get3A_1612, %get3A_1612 : vector<16xf32>
      %add3A_1615 = arith.addf %add3A_1606, %mul3A_1614 : vector<16xf32>
      %add3A_1616 = arith.constant 13 : i32
      %add3A_1617 = arith.addi %mul3A_1503, %add3A_1616 : i32
      %get3A_1618 = arith.index_cast %add3A_1617 : i32 to index
      %get3A_1619 = arith.constant 0 : index
      %get3A_1620 = tpu.vector_load %arg18[%get3A_1618, %get3A_1619] {strides = array<i32>} : memref<3328x16xf32, #tpu.memory_space<vmem>>, vector<1x16xf32>,
      %get3A_1621 = vector.shape_cast %get3A_1620 : vector<1x16xf32> to vector<16xf32>
      %add3A_1622 = arith.addf %add3A_1613, %get3A_1621 : vector<16xf32>
      %mul3A_1623 = arith.mulf %get3A_1621, %get3A_1621 : vector<16xf32>
      %add3A_1624 = arith.addf %add3A_1615, %mul3A_1623 : vector<16xf32>
      %add3A_1625 = arith.constant 14 : i32
      %add3A_1626 = arith.addi %mul3A_1503, %add3A_1625 : i32
      %get3A_1627 = arith.index_cast %add3A_1626 : i32 to index
      %get3A_1628 = arith.constant 0 : index
      %get3A_1629 = tpu.vector_load %arg18[%get3A_1627, %get3A_1628] {strides = array<i32>} : memref<3328x16xf32, #tpu.memory_space<vmem>>, vector<1x16xf32>,
      %get3A_1630 = vector.shape_cast %get3A_1629 : vector<1x16xf32> to vector<16xf32>
      %add3A_1631 = arith.addf %add3A_1622, %get3A_1630 : vector<16xf32>
      %mul3A_1632 = arith.mulf %get3A_1630, %get3A_1630 : vector<16xf32>
      %add3A_1633 = arith.addf %add3A_1624, %mul3A_1632 : vector<16xf32>
      %add3A_1634 = arith.constant 15 : i32
      %add3A_1635 = arith.addi %mul3A_1503, %add3A_1634 : i32
      %get3A_1636 = arith.index_cast %add3A_1635 : i32 to index
      %get3A_1637 = arith.constant 0 : index
      %get3A_1638 = tpu.vector_load %arg18[%get3A_1636, %get3A_1637] {strides = array<i32>} : memref<3328x16xf32, #tpu.memory_space<vmem>>, vector<1x16xf32>,
      %get3A_1639 = vector.shape_cast %get3A_1638 : vector<1x16xf32> to vector<16xf32>
      %add3A_1640 = arith.addf %add3A_1631, %get3A_1639 : vector<16xf32>
      %mul3A_1641 = arith.mulf %get3A_1639, %get3A_1639 : vector<16xf32>
      %add3A_1642 = arith.addf %add3A_1633, %mul3A_1641 : vector<16xf32>
      %add3A_1643 = arith.constant 16 : i32
      %add3A_1644 = arith.addi %mul3A_1503, %add3A_1643 : i32
      %get3A_1645 = arith.index_cast %add3A_1644 : i32 to index
      %get3A_1646 = arith.constant 0 : index
      %get3A_1647 = tpu.vector_load %arg18[%get3A_1645, %get3A_1646] {strides = array<i32>} : memref<3328x16xf32, #tpu.memory_space<vmem>>, vector<1x16xf32>,
      %get3A_1648 = vector.shape_cast %get3A_1647 : vector<1x16xf32> to vector<16xf32>
      %add3A_1649 = arith.addf %add3A_1640, %get3A_1648 : vector<16xf32>
      %mul3A_1650 = arith.mulf %get3A_1648, %get3A_1648 : vector<16xf32>
      %add3A_1651 = arith.addf %add3A_1642, %mul3A_1650 : vector<16xf32>
      %add3A_1652 = arith.constant 17 : i32
      %add3A_1653 = arith.addi %mul3A_1503, %add3A_1652 : i32
      %get3A_1654 = arith.index_cast %add3A_1653 : i32 to index
      %get3A_1655 = arith.constant 0 : index
      %get3A_1656 = tpu.vector_load %arg18[%get3A_1654, %get3A_1655] {strides = array<i32>} : memref<3328x16xf32, #tpu.memory_space<vmem>>, vector<1x16xf32>,
      %get3A_1657 = vector.shape_cast %get3A_1656 : vector<1x16xf32> to vector<16xf32>
      %add3A_1658 = arith.addf %add3A_1649, %get3A_1657 : vector<16xf32>
      %mul3A_1659 = arith.mulf %get3A_1657, %get3A_1657 : vector<16xf32>
      %add3A_1660 = arith.addf %add3A_1651, %mul3A_1659 : vector<16xf32>
      %add3A_1661 = arith.constant 18 : i32
      %add3A_1662 = arith.addi %mul3A_1503, %add3A_1661 : i32
      %get3A_1663 = arith.index_cast %add3A_1662 : i32 to index
      %get3A_1664 = arith.constant 0 : index
      %get3A_1665 = tpu.vector_load %arg18[%get3A_1663, %get3A_1664] {strides = array<i32>} : memref<3328x16xf32, #tpu.memory_space<vmem>>, vector<1x16xf32>,
      %get3A_1666 = vector.shape_cast %get3A_1665 : vector<1x16xf32> to vector<16xf32>
      %add3A_1667 = arith.addf %add3A_1658, %get3A_1666 : vector<16xf32>
      %mul3A_1668 = arith.mulf %get3A_1666, %get3A_1666 : vector<16xf32>
      %add3A_1669 = arith.addf %add3A_1660, %mul3A_1668 : vector<16xf32>
      %add3A_1670 = arith.constant 19 : i32
      %add3A_1671 = arith.addi %mul3A_1503, %add3A_1670 : i32
      %get3A_1672 = arith.index_cast %add3A_1671 : i32 to index
      %get3A_1673 = arith.constant 0 : index
      %get3A_1674 = tpu.vector_load %arg18[%get3A_1672, %get3A_1673] {strides = array<i32>} : memref<3328x16xf32, #tpu.memory_space<vmem>>, vector<1x16xf32>,
      %get3A_1675 = vector.shape_cast %get3A_1674 : vector<1x16xf32> to vector<16xf32>
      %add3A_1676 = arith.addf %add3A_1667, %get3A_1675 : vector<16xf32>
      %mul3A_1677 = arith.mulf %get3A_1675, %get3A_1675 : vector<16xf32>
      %add3A_1678 = arith.addf %add3A_1669, %mul3A_1677 : vector<16xf32>
      %add3A_1679 = arith.constant 20 : i32
      %add3A_1680 = arith.addi %mul3A_1503, %add3A_1679 : i32
      %get3A_1681 = arith.index_cast %add3A_1680 : i32 to index
      %get3A_1682 = arith.constant 0 : index
      %get3A_1683 = tpu.vector_load %arg18[%get3A_1681, %get3A_1682] {strides = array<i32>} : memref<3328x16xf32, #tpu.memory_space<vmem>>, vector<1x16xf32>,
      %get3A_1684 = vector.shape_cast %get3A_1683 : vector<1x16xf32> to vector<16xf32>
      %add3A_1685 = arith.addf %add3A_1676, %get3A_1684 : vector<16xf32>
      %mul3A_1686 = arith.mulf %get3A_1684, %get3A_1684 : vector<16xf32>
      %add3A_1687 = arith.addf %add3A_1678, %mul3A_1686 : vector<16xf32>
      %add3A_1688 = arith.constant 21 : i32
      %add3A_1689 = arith.addi %mul3A_1503, %add3A_1688 : i32
      %get3A_1690 = arith.index_cast %add3A_1689 : i32 to index
      %get3A_1691 = arith.constant 0 : index
      %get3A_1692 = tpu.vector_load %arg18[%get3A_1690, %get3A_1691] {strides = array<i32>} : memref<3328x16xf32, #tpu.memory_space<vmem>>, vector<1x16xf32>,
      %get3A_1693 = vector.shape_cast %get3A_1692 : vector<1x16xf32> to vector<16xf32>
      %add3A_1694 = arith.addf %add3A_1685, %get3A_1693 : vector<16xf32>
      %mul3A_1695 = arith.mulf %get3A_1693, %get3A_1693 : vector<16xf32>
      %add3A_1696 = arith.addf %add3A_1687, %mul3A_1695 : vector<16xf32>
      %add3A_1697 = arith.constant 22 : i32
      %add3A_1698 = arith.addi %mul3A_1503, %add3A_1697 : i32
      %get3A_1699 = arith.index_cast %add3A_1698 : i32 to index
      %get3A_1700 = arith.constant 0 : index
      %get3A_1701 = tpu.vector_load %arg18[%get3A_1699, %get3A_1700] {strides = array<i32>} : memref<3328x16xf32, #tpu.memory_space<vmem>>, vector<1x16xf32>,
      %get3A_1702 = vector.shape_cast %get3A_1701 : vector<1x16xf32> to vector<16xf32>
      %add3A_1703 = arith.addf %add3A_1694, %get3A_1702 : vector<16xf32>
      %mul3A_1704 = arith.mulf %get3A_1702, %get3A_1702 : vector<16xf32>
      %add3A_1705 = arith.addf %add3A_1696, %mul3A_1704 : vector<16xf32>
      %add3A_1706 = arith.constant 23 : i32
      %add3A_1707 = arith.addi %mul3A_1503, %add3A_1706 : i32
      %get3A_1708 = arith.index_cast %add3A_1707 : i32 to index
      %get3A_1709 = arith.constant 0 : index
      %get3A_1710 = tpu.vector_load %arg18[%get3A_1708, %get3A_1709] {strides = array<i32>} : memref<3328x16xf32, #tpu.memory_space<vmem>>, vector<1x16xf32>,
      %get3A_1711 = vector.shape_cast %get3A_1710 : vector<1x16xf32> to vector<16xf32>
      %add3A_1712 = arith.addf %add3A_1703, %get3A_1711 : vector<16xf32>
      %mul3A_1713 = arith.mulf %get3A_1711, %get3A_1711 : vector<16xf32>
      %add3A_1714 = arith.addf %add3A_1705, %mul3A_1713 : vector<16xf32>
      %add3A_1715 = arith.constant 24 : i32
      %add3A_1716 = arith.addi %mul3A_1503, %add3A_1715 : i32
      %get3A_1717 = arith.index_cast %add3A_1716 : i32 to index
      %get3A_1718 = arith.constant 0 : index
      %get3A_1719 = tpu.vector_load %arg18[%get3A_1717, %get3A_1718] {strides = array<i32>} : memref<3328x16xf32, #tpu.memory_space<vmem>>, vector<1x16xf32>,
      %get3A_1720 = vector.shape_cast %get3A_1719 : vector<1x16xf32> to vector<16xf32>
      %add3A_1721 = arith.addf %add3A_1712, %get3A_1720 : vector<16xf32>
      %mul3A_1722 = arith.mulf %get3A_1720, %get3A_1720 : vector<16xf32>
      %add3A_1723 = arith.addf %add3A_1714, %mul3A_1722 : vector<16xf32>
      %add3A_1724 = arith.constant 25 : i32
      %add3A_1725 = arith.addi %mul3A_1503, %add3A_1724 : i32
      %get3A_1726 = arith.index_cast %add3A_1725 : i32 to index
      %get3A_1727 = arith.constant 0 : index
      %get3A_1728 = tpu.vector_load %arg18[%get3A_1726, %get3A_1727] {strides = array<i32>} : memref<3328x16xf32, #tpu.memory_space<vmem>>, vector<1x16xf32>,
      %get3A_1729 = vector.shape_cast %get3A_1728 : vector<1x16xf32> to vector<16xf32>
      %add3A_1730 = arith.addf %add3A_1721, %get3A_1729 : vector<16xf32>
      %mul3A_1731 = arith.mulf %get3A_1729, %get3A_1729 : vector<16xf32>
      %add3A_1732 = arith.addf %add3A_1723, %mul3A_1731 : vector<16xf32>
      %swap3A = arith.index_cast %scan3A_1500 : i32 to index
      %swap3A_1733 = arith.constant 0 : index
      %swap3A_1734 = tpu.vector_load %arg20[%swap3A, %swap3A_1733] {strides = array<i32>} : memref<128x16xf32, #tpu.memory_space<vmem>>, vector<1x16xf32>,
      %swap3A_1735 = vector.shape_cast %swap3A_1734 : vector<1x16xf32> to vector<16xf32>
      %swap3A_1736 = vector.shape_cast %add3A_1730 : vector<16xf32> to vector<1x16xf32>
      tpu.vector_store %arg20[%swap3A, %swap3A_1733], %swap3A_1736 {strides = array<i32>} : memref<128x16xf32, #tpu.memory_space<vmem>>, vector<1x16xf32>,
      %swap3A_1737 = arith.index_cast %scan3A_1500 : i32 to index
      %swap3A_1738 = arith.constant 0 : index
      %swap3A_1739 = tpu.vector_load %arg21[%swap3A_1737, %swap3A_1738] {strides = array<i32>} : memref<128x16xf32, #tpu.memory_space<vmem>>, vector<1x16xf32>,
      %swap3A_1740 = vector.shape_cast %swap3A_1739 : vector<1x16xf32> to vector<16xf32>
      %swap3A_1741 = vector.shape_cast %add3A_1732 : vector<16xf32> to vector<1x16xf32>
      tpu.vector_store %arg21[%swap3A_1737, %swap3A_1738], %swap3A_1741 {strides = array<i32>} : memref<128x16xf32, #tpu.memory_space<vmem>>, vector<1x16xf32>,
      %scan3A_1742 = arith.constant 0 : i32
      scf.yield %scan3A_1742 : i32
    }
    %scan3A_742 = arith.constant 128 : i32
    %scan3A_743 = arith.constant 0 : i32
    %scan3A_744 = arith.constant 0 : i32
    %scan3A_745 = arith.constant 8 : i32
    %scan3A_746 = arith.addi %scan3A_744, %scan3A_745 : i32
    %scan3A_747 = arith.constant 1 : i32
    %scan3A_748 = scf.for %scan3A_1500 = %scan3A_744 to %scan3A_746 step %scan3A_747 iter_args(%scan3A_1501 = %scan3A_743) -> (i32)  : i32 {
      %mul3A_1502 = arith.constant 416 : i32
      %mul3A_1503 = arith.muli %scan3A_1500, %mul3A_1502 : i32
      %get3A = arith.index_cast %mul3A_1503 : i32 to index
      %get3A_1504 = tpu.vector_load %arg19[%get3A] {strides = array<i32>} : memref<3328xf32, #tpu.memory_space<vmem>>, vector<16xf32>,
      %get3A_1505 = vector.shape_cast %get3A_1504 : vector<16xf32> to vector<16xf32>
      %add3A_1506 = arith.constant 16 : i32
      %add3A_1507 = arith.addi %mul3A_1503, %add3A_1506 : i32
      %get3A_1508 = arith.index_cast %add3A_1507 : i32 to index
      %get3A_1509 = tpu.vector_load %arg19[%get3A_1508] {strides = array<i32>} : memref<3328xf32, #tpu.memory_space<vmem>>, vector<16xf32>,
      %get3A_1510 = vector.shape_cast %get3A_1509 : vector<16xf32> to vector<16xf32>
      %add3A_1511 = arith.addf %get3A_1505, %get3A_1510 : vector<16xf32>
      %add3A_1512 = arith.constant 32 : i32
      %add3A_1513 = arith.addi %mul3A_1503, %add3A_1512 : i32
      %get3A_1514 = arith.index_cast %add3A_1513 : i32 to index
      %get3A_1515 = tpu.vector_load %arg19[%get3A_1514] {strides = array<i32>} : memref<3328xf32, #tpu.memory_space<vmem>>, vector<16xf32>,
      %get3A_1516 = vector.shape_cast %get3A_1515 : vector<16xf32> to vector<16xf32>
      %add3A_1517 = arith.addf %add3A_1511, %get3A_1516 : vector<16xf32>
      %add3A_1518 = arith.constant 48 : i32
      %add3A_1519 = arith.addi %mul3A_1503, %add3A_1518 : i32
      %get3A_1520 = arith.index_cast %add3A_1519 : i32 to index
      %get3A_1521 = tpu.vector_load %arg19[%get3A_1520] {strides = array<i32>} : memref<3328xf32, #tpu.memory_space<vmem>>, vector<16xf32>,
      %get3A_1522 = vector.shape_cast %get3A_1521 : vector<16xf32> to vector<16xf32>
      %add3A_1523 = arith.addf %add3A_1517, %get3A_1522 : vector<16xf32>
      %add3A_1524 = arith.constant 64 : i32
      %add3A_1525 = arith.addi %mul3A_1503, %add3A_1524 : i32
      %get3A_1526 = arith.index_cast %add3A_1525 : i32 to index
      %get3A_1527 = tpu.vector_load %arg19[%get3A_1526] {strides = array<i32>} : memref<3328xf32, #tpu.memory_space<vmem>>, vector<16xf32>,
      %get3A_1528 = vector.shape_cast %get3A_1527 : vector<16xf32> to vector<16xf32>
      %add3A_1529 = arith.addf %add3A_1523, %get3A_1528 : vector<16xf32>
      %add3A_1530 = arith.constant 80 : i32
      %add3A_1531 = arith.addi %mul3A_1503, %add3A_1530 : i32
      %get3A_1532 = arith.index_cast %add3A_1531 : i32 to index
      %get3A_1533 = tpu.vector_load %arg19[%get3A_1532] {strides = array<i32>} : memref<3328xf32, #tpu.memory_space<vmem>>, vector<16xf32>,
      %get3A_1534 = vector.shape_cast %get3A_1533 : vector<16xf32> to vector<16xf32>
      %add3A_1535 = arith.addf %add3A_1529, %get3A_1534 : vector<16xf32>
      %add3A_1536 = arith.constant 96 : i32
      %add3A_1537 = arith.addi %mul3A_1503, %add3A_1536 : i32
      %get3A_1538 = arith.index_cast %add3A_1537 : i32 to index
      %get3A_1539 = tpu.vector_load %arg19[%get3A_1538] {strides = array<i32>} : memref<3328xf32, #tpu.memory_space<vmem>>, vector<16xf32>,
      %get3A_1540 = vector.shape_cast %get3A_1539 : vector<16xf32> to vector<16xf32>
      %add3A_1541 = arith.addf %add3A_1535, %get3A_1540 : vector<16xf32>
      %add3A_1542 = arith.constant 112 : i32
      %add3A_1543 = arith.addi %mul3A_1503, %add3A_1542 : i32
      %get3A_1544 = arith.index_cast %add3A_1543 : i32 to index
      %get3A_1545 = tpu.vector_load %arg19[%get3A_1544] {strides = array<i32>} : memref<3328xf32, #tpu.memory_space<vmem>>, vector<16xf32>,
      %get3A_1546 = vector.shape_cast %get3A_1545 : vector<16xf32> to vector<16xf32>
      %add3A_1547 = arith.addf %add3A_1541, %get3A_1546 : vector<16xf32>
      %add3A_1548 = arith.constant 128 : i32
      %add3A_1549 = arith.addi %mul3A_1503, %add3A_1548 : i32
      %get3A_1550 = arith.index_cast %add3A_1549 : i32 to index
      %get3A_1551 = tpu.vector_load %arg19[%get3A_1550] {strides = array<i32>} : memref<3328xf32, #tpu.memory_space<vmem>>, vector<16xf32>,
      %get3A_1552 = vector.shape_cast %get3A_1551 : vector<16xf32> to vector<16xf32>
      %add3A_1553 = arith.addf %add3A_1547, %get3A_1552 : vector<16xf32>
      %add3A_1554 = arith.constant 144 : i32
      %add3A_1555 = arith.addi %mul3A_1503, %add3A_1554 : i32
      %get3A_1556 = arith.index_cast %add3A_1555 : i32 to index
      %get3A_1557 = tpu.vector_load %arg19[%get3A_1556] {strides = array<i32>} : memref<3328xf32, #tpu.memory_space<vmem>>, vector<16xf32>,
      %get3A_1558 = vector.shape_cast %get3A_1557 : vector<16xf32> to vector<16xf32>
      %add3A_1559 = arith.addf %add3A_1553, %get3A_1558 : vector<16xf32>
      %add3A_1560 = arith.constant 160 : i32
      %add3A_1561 = arith.addi %mul3A_1503, %add3A_1560 : i32
      %get3A_1562 = arith.index_cast %add3A_1561 : i32 to index
      %get3A_1563 = tpu.vector_load %arg19[%get3A_1562] {strides = array<i32>} : memref<3328xf32, #tpu.memory_space<vmem>>, vector<16xf32>,
      %get3A_1564 = vector.shape_cast %get3A_1563 : vector<16xf32> to vector<16xf32>
      %add3A_1565 = arith.addf %add3A_1559, %get3A_1564 : vector<16xf32>
      %add3A_1566 = arith.constant 176 : i32
      %add3A_1567 = arith.addi %mul3A_1503, %add3A_1566 : i32
      %get3A_1568 = arith.index_cast %add3A_1567 : i32 to index
      %get3A_1569 = tpu.vector_load %arg19[%get3A_1568] {strides = array<i32>} : memref<3328xf32, #tpu.memory_space<vmem>>, vector<16xf32>,
      %get3A_1570 = vector.shape_cast %get3A_1569 : vector<16xf32> to vector<16xf32>
      %add3A_1571 = arith.addf %add3A_1565, %get3A_1570 : vector<16xf32>
      %add3A_1572 = arith.constant 192 : i32
      %add3A_1573 = arith.addi %mul3A_1503, %add3A_1572 : i32
      %get3A_1574 = arith.index_cast %add3A_1573 : i32 to index
      %get3A_1575 = tpu.vector_load %arg19[%get3A_1574] {strides = array<i32>} : memref<3328xf32, #tpu.memory_space<vmem>>, vector<16xf32>,
      %get3A_1576 = vector.shape_cast %get3A_1575 : vector<16xf32> to vector<16xf32>
      %add3A_1577 = arith.addf %add3A_1571, %get3A_1576 : vector<16xf32>
      %add3A_1578 = arith.constant 208 : i32
      %add3A_1579 = arith.addi %mul3A_1503, %add3A_1578 : i32
      %get3A_1580 = arith.index_cast %add3A_1579 : i32 to index
      %get3A_1581 = tpu.vector_load %arg19[%get3A_1580] {strides = array<i32>} : memref<3328xf32, #tpu.memory_space<vmem>>, vector<16xf32>,
      %get3A_1582 = vector.shape_cast %get3A_1581 : vector<16xf32> to vector<16xf32>
      %add3A_1583 = arith.addf %add3A_1577, %get3A_1582 : vector<16xf32>
      %add3A_1584 = arith.constant 224 : i32
      %add3A_1585 = arith.addi %mul3A_1503, %add3A_1584 : i32
      %get3A_1586 = arith.index_cast %add3A_1585 : i32 to index
      %get3A_1587 = tpu.vector_load %arg19[%get3A_1586] {strides = array<i32>} : memref<3328xf32, #tpu.memory_space<vmem>>, vector<16xf32>,
      %get3A_1588 = vector.shape_cast %get3A_1587 : vector<16xf32> to vector<16xf32>
      %add3A_1589 = arith.addf %add3A_1583, %get3A_1588 : vector<16xf32>
      %add3A_1590 = arith.constant 240 : i32
      %add3A_1591 = arith.addi %mul3A_1503, %add3A_1590 : i32
      %get3A_1592 = arith.index_cast %add3A_1591 : i32 to index
      %get3A_1593 = tpu.vector_load %arg19[%get3A_1592] {strides = array<i32>} : memref<3328xf32, #tpu.memory_space<vmem>>, vector<16xf32>,
      %get3A_1594 = vector.shape_cast %get3A_1593 : vector<16xf32> to vector<16xf32>
      %add3A_1595 = arith.addf %add3A_1589, %get3A_1594 : vector<16xf32>
      %add3A_1596 = arith.constant 256 : i32
      %add3A_1597 = arith.addi %mul3A_1503, %add3A_1596 : i32
      %get3A_1598 = arith.index_cast %add3A_1597 : i32 to index
      %get3A_1599 = tpu.vector_load %arg19[%get3A_1598] {strides = array<i32>} : memref<3328xf32, #tpu.memory_space<vmem>>, vector<16xf32>,
      %get3A_1600 = vector.shape_cast %get3A_1599 : vector<16xf32> to vector<16xf32>
      %add3A_1601 = arith.addf %add3A_1595, %get3A_1600 : vector<16xf32>
      %add3A_1602 = arith.constant 272 : i32
      %add3A_1603 = arith.addi %mul3A_1503, %add3A_1602 : i32
      %get3A_1604 = arith.index_cast %add3A_1603 : i32 to index
      %get3A_1605 = tpu.vector_load %arg19[%get3A_1604] {strides = array<i32>} : memref<3328xf32, #tpu.memory_space<vmem>>, vector<16xf32>,
      %get3A_1606 = vector.shape_cast %get3A_1605 : vector<16xf32> to vector<16xf32>
      %add3A_1607 = arith.addf %add3A_1601, %get3A_1606 : vector<16xf32>
      %add3A_1608 = arith.constant 288 : i32
      %add3A_1609 = arith.addi %mul3A_1503, %add3A_1608 : i32
      %get3A_1610 = arith.index_cast %add3A_1609 : i32 to index
      %get3A_1611 = tpu.vector_load %arg19[%get3A_1610] {strides = array<i32>} : memref<3328xf32, #tpu.memory_space<vmem>>, vector<16xf32>,
      %get3A_1612 = vector.shape_cast %get3A_1611 : vector<16xf32> to vector<16xf32>
      %add3A_1613 = arith.addf %add3A_1607, %get3A_1612 : vector<16xf32>
      %add3A_1614 = arith.constant 304 : i32
      %add3A_1615 = arith.addi %mul3A_1503, %add3A_1614 : i32
      %get3A_1616 = arith.index_cast %add3A_1615 : i32 to index
      %get3A_1617 = tpu.vector_load %arg19[%get3A_1616] {strides = array<i32>} : memref<3328xf32, #tpu.memory_space<vmem>>, vector<16xf32>,
      %get3A_1618 = vector.shape_cast %get3A_1617 : vector<16xf32> to vector<16xf32>
      %add3A_1619 = arith.addf %add3A_1613, %get3A_1618 : vector<16xf32>
      %add3A_1620 = arith.constant 320 : i32
      %add3A_1621 = arith.addi %mul3A_1503, %add3A_1620 : i32
      %get3A_1622 = arith.index_cast %add3A_1621 : i32 to index
      %get3A_1623 = tpu.vector_load %arg19[%get3A_1622] {strides = array<i32>} : memref<3328xf32, #tpu.memory_space<vmem>>, vector<16xf32>,
      %get3A_1624 = vector.shape_cast %get3A_1623 : vector<16xf32> to vector<16xf32>
      %add3A_1625 = arith.addf %add3A_1619, %get3A_1624 : vector<16xf32>
      %add3A_1626 = arith.constant 336 : i32
      %add3A_1627 = arith.addi %mul3A_1503, %add3A_1626 : i32
      %get3A_1628 = arith.index_cast %add3A_1627 : i32 to index
      %get3A_1629 = tpu.vector_load %arg19[%get3A_1628] {strides = array<i32>} : memref<3328xf32, #tpu.memory_space<vmem>>, vector<16xf32>,
      %get3A_1630 = vector.shape_cast %get3A_1629 : vector<16xf32> to vector<16xf32>
      %add3A_1631 = arith.addf %add3A_1625, %get3A_1630 : vector<16xf32>
      %add3A_1632 = arith.constant 352 : i32
      %add3A_1633 = arith.addi %mul3A_1503, %add3A_1632 : i32
      %get3A_1634 = arith.index_cast %add3A_1633 : i32 to index
      %get3A_1635 = tpu.vector_load %arg19[%get3A_1634] {strides = array<i32>} : memref<3328xf32, #tpu.memory_space<vmem>>, vector<16xf32>,
      %get3A_1636 = vector.shape_cast %get3A_1635 : vector<16xf32> to vector<16xf32>
      %add3A_1637 = arith.addf %add3A_1631, %get3A_1636 : vector<16xf32>
      %add3A_1638 = arith.constant 368 : i32
      %add3A_1639 = arith.addi %mul3A_1503, %add3A_1638 : i32
      %get3A_1640 = arith.index_cast %add3A_1639 : i32 to index
      %get3A_1641 = tpu.vector_load %arg19[%get3A_1640] {strides = array<i32>} : memref<3328xf32, #tpu.memory_space<vmem>>, vector<16xf32>,
      %get3A_1642 = vector.shape_cast %get3A_1641 : vector<16xf32> to vector<16xf32>
      %add3A_1643 = arith.addf %add3A_1637, %get3A_1642 : vector<16xf32>
      %add3A_1644 = arith.constant 384 : i32
      %add3A_1645 = arith.addi %mul3A_1503, %add3A_1644 : i32
      %get3A_1646 = arith.index_cast %add3A_1645 : i32 to index
      %get3A_1647 = tpu.vector_load %arg19[%get3A_1646] {strides = array<i32>} : memref<3328xf32, #tpu.memory_space<vmem>>, vector<16xf32>,
      %get3A_1648 = vector.shape_cast %get3A_1647 : vector<16xf32> to vector<16xf32>
      %add3A_1649 = arith.addf %add3A_1643, %get3A_1648 : vector<16xf32>
      %add3A_1650 = arith.constant 400 : i32
      %add3A_1651 = arith.addi %mul3A_1503, %add3A_1650 : i32
      %get3A_1652 = arith.index_cast %add3A_1651 : i32 to index
      %get3A_1653 = tpu.vector_load %arg19[%get3A_1652] {strides = array<i32>} : memref<3328xf32, #tpu.memory_space<vmem>>, vector<16xf32>,
      %get3A_1654 = vector.shape_cast %get3A_1653 : vector<16xf32> to vector<16xf32>
      %add3A_1655 = arith.addf %add3A_1649, %get3A_1654 : vector<16xf32>
      %mul3A_1656 = arith.constant 16 : i32
      %mul3A_1657 = arith.muli %scan3A_1500, %mul3A_1656 : i32
      %swap3A = arith.index_cast %mul3A_1657 : i32 to index
      %swap3A_1658 = tpu.vector_load %arg22[%swap3A] {strides = array<i32>} : memref<128xf32, #tpu.memory_space<vmem>>, vector<16xf32>,
      %swap3A_1659 = vector.shape_cast %swap3A_1658 : vector<16xf32> to vector<16xf32>
      %swap3A_1660 = vector.shape_cast %add3A_1655 : vector<16xf32> to vector<16xf32>
      tpu.vector_store %arg22[%swap3A], %swap3A_1660 {strides = array<i32>} : memref<128xf32, #tpu.memory_space<vmem>>, vector<16xf32>,
      %scan3A_1661 = arith.constant 0 : i32
      scf.yield %scan3A_1661 : i32
    }
    %scan3A_749 = arith.constant 8 : i32
    "tpu.region"() ({
      %run_scoped3A = tpu.sem_alloc : memref<!tpu.dma_semaphore, #tpu.memory_space<semaphore_mem>>
      %dma_start3A_1500 = arith.constant 0 : i32
      %dma_start3A_1501 = tpu.memref_slice %arg10[%mul3A_2, %dma_start3A_1500] : memref<4096x16xf32, #tpu.memory_space<hbm>> -> memref<128x16xf32, #tpu.memory_space<hbm>>
      %dma_start3A_1502 = arith.constant 0 : i32
      %dma_start3A_1503 = tpu.memref_slice %arg10[%mul3A_2, %dma_start3A_1502] : memref<4096x16xf32, #tpu.memory_space<hbm>> -> memref<128x16xf32, #tpu.memory_space<hbm>>
      tpu.enqueue_dma source(%arg20 : memref<128x16xf32, #tpu.memory_space<vmem>>) target(%dma_start3A_1503 : memref<128x16xf32, #tpu.memory_space<hbm>>) target_semaphore(%run_scoped3A : memref<!tpu.dma_semaphore, #tpu.memory_space<semaphore_mem>>)
      %dma_wait3A_1504 = arith.constant 0 : i32
      %dma_wait3A_1505 = tpu.memref_slice %arg10[%mul3A_2, %dma_wait3A_1504] : memref<4096x16xf32, #tpu.memory_space<hbm>> -> memref<128x16xf32, #tpu.memory_space<hbm>>
      %dma_wait3A_1506 = arith.constant 0 : i32
      %dma_wait3A_1507 = tpu.memref_slice %arg10[%mul3A_2, %dma_wait3A_1506] : memref<4096x16xf32, #tpu.memory_space<hbm>> -> memref<128x16xf32, #tpu.memory_space<hbm>>
      tpu.wait_dma2 semaphore(%run_scoped3A : memref<!tpu.dma_semaphore, #tpu.memory_space<semaphore_mem>>) src(%arg20 : memref<128x16xf32, #tpu.memory_space<vmem>>) dst(%dma_wait3A_1507 : memref<128x16xf32, #tpu.memory_space<hbm>>)
      tpu.yield
    }) : () -> ()
    "tpu.region"() ({
      %run_scoped3A = tpu.sem_alloc : memref<!tpu.dma_semaphore, #tpu.memory_space<semaphore_mem>>
      %dma_start3A_1500 = arith.constant 0 : i32
      %dma_start3A_1501 = tpu.memref_slice %arg11[%mul3A_2, %dma_start3A_1500] : memref<4096x16xf32, #tpu.memory_space<hbm>> -> memref<128x16xf32, #tpu.memory_space<hbm>>
      %dma_start3A_1502 = arith.constant 0 : i32
      %dma_start3A_1503 = tpu.memref_slice %arg11[%mul3A_2, %dma_start3A_1502] : memref<4096x16xf32, #tpu.memory_space<hbm>> -> memref<128x16xf32, #tpu.memory_space<hbm>>
      tpu.enqueue_dma source(%arg21 : memref<128x16xf32, #tpu.memory_space<vmem>>) target(%dma_start3A_1503 : memref<128x16xf32, #tpu.memory_space<hbm>>) target_semaphore(%run_scoped3A : memref<!tpu.dma_semaphore, #tpu.memory_space<semaphore_mem>>)
      %dma_wait3A_1504 = arith.constant 0 : i32
      %dma_wait3A_1505 = tpu.memref_slice %arg11[%mul3A_2, %dma_wait3A_1504] : memref<4096x16xf32, #tpu.memory_space<hbm>> -> memref<128x16xf32, #tpu.memory_space<hbm>>
      %dma_wait3A_1506 = arith.constant 0 : i32
      %dma_wait3A_1507 = tpu.memref_slice %arg11[%mul3A_2, %dma_wait3A_1506] : memref<4096x16xf32, #tpu.memory_space<hbm>> -> memref<128x16xf32, #tpu.memory_space<hbm>>
      tpu.wait_dma2 semaphore(%run_scoped3A : memref<!tpu.dma_semaphore, #tpu.memory_space<semaphore_mem>>) src(%arg21 : memref<128x16xf32, #tpu.memory_space<vmem>>) dst(%dma_wait3A_1507 : memref<128x16xf32, #tpu.memory_space<hbm>>)
      tpu.yield
    }) : () -> ()
    "tpu.region"() ({
      %run_scoped3A = tpu.sem_alloc : memref<!tpu.dma_semaphore, #tpu.memory_space<semaphore_mem>>
      %dma_start3A_1500 = tpu.memref_slice %arg12[%mul3A_2] : memref<4096xf32, #tpu.memory_space<hbm>> -> memref<128xf32, #tpu.memory_space<hbm>>
      %dma_start3A_1501 = tpu.memref_slice %arg12[%mul3A_2] : memref<4096xf32, #tpu.memory_space<hbm>> -> memref<128xf32, #tpu.memory_space<hbm>>
      tpu.enqueue_dma source(%arg22 : memref<128xf32, #tpu.memory_space<vmem>>) target(%dma_start3A_1501 : memref<128xf32, #tpu.memory_space<hbm>>) target_semaphore(%run_scoped3A : memref<!tpu.dma_semaphore, #tpu.memory_space<semaphore_mem>>)
      %dma_wait3A_1502 = tpu.memref_slice %arg12[%mul3A_2] : memref<4096xf32, #tpu.memory_space<hbm>> -> memref<128xf32, #tpu.memory_space<hbm>>
      %dma_wait3A_1503 = tpu.memref_slice %arg12[%mul3A_2] : memref<4096xf32, #tpu.memory_space<hbm>> -> memref<128xf32, #tpu.memory_space<hbm>>
      tpu.wait_dma2 semaphore(%run_scoped3A : memref<!tpu.dma_semaphore, #tpu.memory_space<semaphore_mem>>) src(%arg22 : memref<128xf32, #tpu.memory_space<vmem>>) dst(%dma_wait3A_1503 : memref<128xf32, #tpu.memory_space<hbm>>)
      tpu.yield
    }) : () -> ()
    %mul3A_750 = arith.constant 128 : i32
    %mul3A_751 = arith.muli %add3A, %mul3A_750 : i32
    %mul3A_752 = arith.constant 26 : i32
    %mul3A_753 = arith.muli %mul3A_751, %mul3A_752 : i32
    "tpu.region"() ({
      %run_scoped3A = tpu.sem_alloc : memref<!tpu.dma_semaphore, #tpu.memory_space<semaphore_mem>>
      %dma_start3A_1500 = tpu.memref_slice %arg7[%mul3A_753] : memref<106496xi32, #tpu.memory_space<hbm>> -> memref<3328xi32, #tpu.memory_space<hbm>>
      %dma_start3A_1501 = tpu.memref_slice %arg7[%mul3A_753] : memref<106496xi32, #tpu.memory_space<hbm>> -> memref<3328xi32, #tpu.memory_space<hbm>>
      tpu.enqueue_dma source(%dma_start3A_1501 : memref<3328xi32, #tpu.memory_space<hbm>>) target(%arg16 : memref<3328xi32, #tpu.memory_space<vmem>>) target_semaphore(%run_scoped3A : memref<!tpu.dma_semaphore, #tpu.memory_space<semaphore_mem>>)
      %dma_wait3A_1502 = tpu.memref_slice %arg7[%mul3A_753] : memref<106496xi32, #tpu.memory_space<hbm>> -> memref<3328xi32, #tpu.memory_space<hbm>>
      %dma_wait3A_1503 = tpu.memref_slice %arg7[%mul3A_753] : memref<106496xi32, #tpu.memory_space<hbm>> -> memref<3328xi32, #tpu.memory_space<hbm>>
      tpu.wait_dma2 semaphore(%run_scoped3A : memref<!tpu.dma_semaphore, #tpu.memory_space<semaphore_mem>>) src(%dma_wait3A_1503 : memref<3328xi32, #tpu.memory_space<hbm>>) dst(%arg16 : memref<3328xi32, #tpu.memory_space<vmem>>)
      tpu.yield
    }) : () -> ()
    %mul3A_754 = arith.constant 128 : i32
    %mul3A_755 = arith.muli %add3A, %mul3A_754 : i32
    %mul3A_756 = arith.constant 26 : i32
    %mul3A_757 = arith.muli %mul3A_755, %mul3A_756 : i32
    "tpu.region"() ({
      %run_scoped3A = tpu.sem_alloc : memref<!tpu.dma_semaphore, #tpu.memory_space<semaphore_mem>>
      %dma_start3A_1500 = tpu.memref_slice %arg9[%mul3A_757] : memref<106496xi32, #tpu.memory_space<hbm>> -> memref<3328xi32, #tpu.memory_space<hbm>>
      %dma_start3A_1501 = tpu.memref_slice %arg9[%mul3A_757] : memref<106496xi32, #tpu.memory_space<hbm>> -> memref<3328xi32, #tpu.memory_space<hbm>>
      tpu.enqueue_dma source(%dma_start3A_1501 : memref<3328xi32, #tpu.memory_space<hbm>>) target(%arg17 : memref<3328xi32, #tpu.memory_space<vmem>>) target_semaphore(%run_scoped3A : memref<!tpu.dma_semaphore, #tpu.memory_space<semaphore_mem>>)
      %dma_wait3A_1502 = tpu.memref_slice %arg9[%mul3A_757] : memref<106496xi32, #tpu.memory_space<hbm>> -> memref<3328xi32, #tpu.memory_space<hbm>>
      %dma_wait3A_1503 = tpu.memref_slice %arg9[%mul3A_757] : memref<106496xi32, #tpu.memory_space<hbm>> -> memref<3328xi32, #tpu.memory_space<hbm>>
      tpu.wait_dma2 semaphore(%run_scoped3A : memref<!tpu.dma_semaphore, #tpu.memory_space<semaphore_mem>>) src(%dma_wait3A_1503 : memref<3328xi32, #tpu.memory_space<hbm>>) dst(%arg17 : memref<3328xi32, #tpu.memory_space<vmem>>)
      tpu.yield
    }) : () -> ()
    %dma_start3A_758 = arith.constant 0 : i32
    %dma_start3A_759 = arith.constant 0 : i32
    %dma_start3A_760 = tpu.memref_slice %arg18[%dma_start3A_758, %dma_start3A_759] : memref<3328x16xf32, #tpu.memory_space<vmem>> -> memref<128x16xf32, #tpu.memory_space<vmem>>
    %dma_start3A_761 = arith.constant 0 : i32
    %dma_start3A_762 = tpu.memref_slice %arg16[%dma_start3A_761] : memref<3328xi32, #tpu.memory_space<vmem>> -> memref<128xi32, #tpu.memory_space<vmem>>
    %dma_start3A_763 = arith.constant 0 : i32
    %dma_start3A_764 = arith.constant 0 : i32
    %dma_start3A_765 = tpu.memref_slice %arg3[%dma_start3A_763, %dma_start3A_764] : memref<1000000x16xf32, #tpu.memory_space<hbm>> -> memref<1000000x16xf32, #tpu.memory_space<hbm>>
    tpu.enqueue_indirect_dma source(%dma_start3A_765 : memref<1000000x16xf32, #tpu.memory_space<hbm>>) target(%dma_start3A_760 : memref<128x16xf32, #tpu.memory_space<vmem>>) offsets(%dma_start3A_762 : memref<128xi32, #tpu.memory_space<vmem>>) semaphore(%arg23 : memref<!tpu.dma_semaphore, #tpu.memory_space<semaphore_mem>>)
    %dma_start3A_766 = arith.constant 0 : i32
    %dma_start3A_767 = tpu.memref_slice %arg19[%dma_start3A_766] : memref<3328xf32, #tpu.memory_space<vmem>> -> memref<128xf32, #tpu.memory_space<vmem>>
    %dma_start3A_768 = arith.constant 0 : i32
    %dma_start3A_769 = tpu.memref_slice %arg17[%dma_start3A_768] : memref<3328xi32, #tpu.memory_space<vmem>> -> memref<128xi32, #tpu.memory_space<vmem>>
    %dma_start3A_770 = arith.constant 0 : i32
    %dma_start3A_771 = tpu.memref_slice %arg5[%dma_start3A_770] : memref<1000000xf32, #tpu.memory_space<hbm>> -> memref<1000000xf32, #tpu.memory_space<hbm>>
    tpu.enqueue_indirect_dma source(%dma_start3A_771 : memref<1000000xf32, #tpu.memory_space<hbm>>) target(%dma_start3A_767 : memref<128xf32, #tpu.memory_space<vmem>>) offsets(%dma_start3A_769 : memref<128xi32, #tpu.memory_space<vmem>>) semaphore(%arg24 : memref<!tpu.dma_semaphore, #tpu.memory_space<semaphore_mem>>)
    %dma_start3A_772 = arith.constant 128 : i32
    %dma_start3A_773 = arith.constant 0 : i32
    %dma_start3A_774 = tpu.memref_slice %arg18[%dma_start3A_772, %dma_start3A_773] : memref<3328x16xf32, #tpu.memory_space<vmem>> -> memref<128x16xf32, #tpu.memory_space<vmem>>
    %dma_start3A_775 = arith.constant 128 : i32
    %dma_start3A_776 = tpu.memref_slice %arg16[%dma_start3A_775] : memref<3328xi32, #tpu.memory_space<vmem>> -> memref<128xi32, #tpu.memory_space<vmem>>
    %dma_start3A_777 = arith.constant 0 : i32
    %dma_start3A_778 = arith.constant 0 : i32
    %dma_start3A_779 = tpu.memref_slice %arg3[%dma_start3A_777, %dma_start3A_778] : memref<1000000x16xf32, #tpu.memory_space<hbm>> -> memref<1000000x16xf32, #tpu.memory_space<hbm>>
    tpu.enqueue_indirect_dma source(%dma_start3A_779 : memref<1000000x16xf32, #tpu.memory_space<hbm>>) target(%dma_start3A_774 : memref<128x16xf32, #tpu.memory_space<vmem>>) offsets(%dma_start3A_776 : memref<128xi32, #tpu.memory_space<vmem>>) semaphore(%arg23 : memref<!tpu.dma_semaphore, #tpu.memory_space<semaphore_mem>>)
    %dma_start3A_780 = arith.constant 128 : i32
    %dma_start3A_781 = tpu.memref_slice %arg19[%dma_start3A_780] : memref<3328xf32, #tpu.memory_space<vmem>> -> memref<128xf32, #tpu.memory_space<vmem>>
    %dma_start3A_782 = arith.constant 128 : i32
    %dma_start3A_783 = tpu.memref_slice %arg17[%dma_start3A_782] : memref<3328xi32, #tpu.memory_space<vmem>> -> memref<128xi32, #tpu.memory_space<vmem>>
    %dma_start3A_784 = arith.constant 0 : i32
    %dma_start3A_785 = tpu.memref_slice %arg5[%dma_start3A_784] : memref<1000000xf32, #tpu.memory_space<hbm>> -> memref<1000000xf32, #tpu.memory_space<hbm>>
    tpu.enqueue_indirect_dma source(%dma_start3A_785 : memref<1000000xf32, #tpu.memory_space<hbm>>) target(%dma_start3A_781 : memref<128xf32, #tpu.memory_space<vmem>>) offsets(%dma_start3A_783 : memref<128xi32, #tpu.memory_space<vmem>>) semaphore(%arg24 : memref<!tpu.dma_semaphore, #tpu.memory_space<semaphore_mem>>)
    %dma_start3A_786 = arith.constant 256 : i32
    %dma_start3A_787 = arith.constant 0 : i32
    %dma_start3A_788 = tpu.memref_slice %arg18[%dma_start3A_786, %dma_start3A_787] : memref<3328x16xf32, #tpu.memory_space<vmem>> -> memref<128x16xf32, #tpu.memory_space<vmem>>
    %dma_start3A_789 = arith.constant 256 : i32
    %dma_start3A_790 = tpu.memref_slice %arg16[%dma_start3A_789] : memref<3328xi32, #tpu.memory_space<vmem>> -> memref<128xi32, #tpu.memory_space<vmem>>
    %dma_start3A_791 = arith.constant 0 : i32
    %dma_start3A_792 = arith.constant 0 : i32
    %dma_start3A_793 = tpu.memref_slice %arg3[%dma_start3A_791, %dma_start3A_792] : memref<1000000x16xf32, #tpu.memory_space<hbm>> -> memref<1000000x16xf32, #tpu.memory_space<hbm>>
    tpu.enqueue_indirect_dma source(%dma_start3A_793 : memref<1000000x16xf32, #tpu.memory_space<hbm>>) target(%dma_start3A_788 : memref<128x16xf32, #tpu.memory_space<vmem>>) offsets(%dma_start3A_790 : memref<128xi32, #tpu.memory_space<vmem>>) semaphore(%arg23 : memref<!tpu.dma_semaphore, #tpu.memory_space<semaphore_mem>>)
    %dma_start3A_794 = arith.constant 256 : i32
    %dma_start3A_795 = tpu.memref_slice %arg19[%dma_start3A_794] : memref<3328xf32, #tpu.memory_space<vmem>> -> memref<128xf32, #tpu.memory_space<vmem>>
    %dma_start3A_796 = arith.constant 256 : i32
    %dma_start3A_797 = tpu.memref_slice %arg17[%dma_start3A_796] : memref<3328xi32, #tpu.memory_space<vmem>> -> memref<128xi32, #tpu.memory_space<vmem>>
    %dma_start3A_798 = arith.constant 0 : i32
    %dma_start3A_799 = tpu.memref_slice %arg5[%dma_start3A_798] : memref<1000000xf32, #tpu.memory_space<hbm>> -> memref<1000000xf32, #tpu.memory_space<hbm>>
    tpu.enqueue_indirect_dma source(%dma_start3A_799 : memref<1000000xf32, #tpu.memory_space<hbm>>) target(%dma_start3A_795 : memref<128xf32, #tpu.memory_space<vmem>>) offsets(%dma_start3A_797 : memref<128xi32, #tpu.memory_space<vmem>>) semaphore(%arg24 : memref<!tpu.dma_semaphore, #tpu.memory_space<semaphore_mem>>)
    %dma_start3A_800 = arith.constant 384 : i32
    %dma_start3A_801 = arith.constant 0 : i32
    %dma_start3A_802 = tpu.memref_slice %arg18[%dma_start3A_800, %dma_start3A_801] : memref<3328x16xf32, #tpu.memory_space<vmem>> -> memref<128x16xf32, #tpu.memory_space<vmem>>
    %dma_start3A_803 = arith.constant 384 : i32
    %dma_start3A_804 = tpu.memref_slice %arg16[%dma_start3A_803] : memref<3328xi32, #tpu.memory_space<vmem>> -> memref<128xi32, #tpu.memory_space<vmem>>
    %dma_start3A_805 = arith.constant 0 : i32
    %dma_start3A_806 = arith.constant 0 : i32
    %dma_start3A_807 = tpu.memref_slice %arg3[%dma_start3A_805, %dma_start3A_806] : memref<1000000x16xf32, #tpu.memory_space<hbm>> -> memref<1000000x16xf32, #tpu.memory_space<hbm>>
    tpu.enqueue_indirect_dma source(%dma_start3A_807 : memref<1000000x16xf32, #tpu.memory_space<hbm>>) target(%dma_start3A_802 : memref<128x16xf32, #tpu.memory_space<vmem>>) offsets(%dma_start3A_804 : memref<128xi32, #tpu.memory_space<vmem>>) semaphore(%arg23 : memref<!tpu.dma_semaphore, #tpu.memory_space<semaphore_mem>>)
    %dma_start3A_808 = arith.constant 384 : i32
    %dma_start3A_809 = tpu.memref_slice %arg19[%dma_start3A_808] : memref<3328xf32, #tpu.memory_space<vmem>> -> memref<128xf32, #tpu.memory_space<vmem>>
    %dma_start3A_810 = arith.constant 384 : i32
    %dma_start3A_811 = tpu.memref_slice %arg17[%dma_start3A_810] : memref<3328xi32, #tpu.memory_space<vmem>> -> memref<128xi32, #tpu.memory_space<vmem>>
    %dma_start3A_812 = arith.constant 0 : i32
    %dma_start3A_813 = tpu.memref_slice %arg5[%dma_start3A_812] : memref<1000000xf32, #tpu.memory_space<hbm>> -> memref<1000000xf32, #tpu.memory_space<hbm>>
    tpu.enqueue_indirect_dma source(%dma_start3A_813 : memref<1000000xf32, #tpu.memory_space<hbm>>) target(%dma_start3A_809 : memref<128xf32, #tpu.memory_space<vmem>>) offsets(%dma_start3A_811 : memref<128xi32, #tpu.memory_space<vmem>>) semaphore(%arg24 : memref<!tpu.dma_semaphore, #tpu.memory_space<semaphore_mem>>)
    %dma_start3A_814 = arith.constant 512 : i32
    %dma_start3A_815 = arith.constant 0 : i32
    %dma_start3A_816 = tpu.memref_slice %arg18[%dma_start3A_814, %dma_start3A_815] : memref<3328x16xf32, #tpu.memory_space<vmem>> -> memref<128x16xf32, #tpu.memory_space<vmem>>
    %dma_start3A_817 = arith.constant 512 : i32
    %dma_start3A_818 = tpu.memref_slice %arg16[%dma_start3A_817] : memref<3328xi32, #tpu.memory_space<vmem>> -> memref<128xi32, #tpu.memory_space<vmem>>
    %dma_start3A_819 = arith.constant 0 : i32
    %dma_start3A_820 = arith.constant 0 : i32
    %dma_start3A_821 = tpu.memref_slice %arg3[%dma_start3A_819, %dma_start3A_820] : memref<1000000x16xf32, #tpu.memory_space<hbm>> -> memref<1000000x16xf32, #tpu.memory_space<hbm>>
    tpu.enqueue_indirect_dma source(%dma_start3A_821 : memref<1000000x16xf32, #tpu.memory_space<hbm>>) target(%dma_start3A_816 : memref<128x16xf32, #tpu.memory_space<vmem>>) offsets(%dma_start3A_818 : memref<128xi32, #tpu.memory_space<vmem>>) semaphore(%arg23 : memref<!tpu.dma_semaphore, #tpu.memory_space<semaphore_mem>>)
    %dma_start3A_822 = arith.constant 512 : i32
    %dma_start3A_823 = tpu.memref_slice %arg19[%dma_start3A_822] : memref<3328xf32, #tpu.memory_space<vmem>> -> memref<128xf32, #tpu.memory_space<vmem>>
    %dma_start3A_824 = arith.constant 512 : i32
    %dma_start3A_825 = tpu.memref_slice %arg17[%dma_start3A_824] : memref<3328xi32, #tpu.memory_space<vmem>> -> memref<128xi32, #tpu.memory_space<vmem>>
    %dma_start3A_826 = arith.constant 0 : i32
    %dma_start3A_827 = tpu.memref_slice %arg5[%dma_start3A_826] : memref<1000000xf32, #tpu.memory_space<hbm>> -> memref<1000000xf32, #tpu.memory_space<hbm>>
    tpu.enqueue_indirect_dma source(%dma_start3A_827 : memref<1000000xf32, #tpu.memory_space<hbm>>) target(%dma_start3A_823 : memref<128xf32, #tpu.memory_space<vmem>>) offsets(%dma_start3A_825 : memref<128xi32, #tpu.memory_space<vmem>>) semaphore(%arg24 : memref<!tpu.dma_semaphore, #tpu.memory_space<semaphore_mem>>)
    %dma_start3A_828 = arith.constant 640 : i32
    %dma_start3A_829 = arith.constant 0 : i32
    %dma_start3A_830 = tpu.memref_slice %arg18[%dma_start3A_828, %dma_start3A_829] : memref<3328x16xf32, #tpu.memory_space<vmem>> -> memref<128x16xf32, #tpu.memory_space<vmem>>
    %dma_start3A_831 = arith.constant 640 : i32
    %dma_start3A_832 = tpu.memref_slice %arg16[%dma_start3A_831] : memref<3328xi32, #tpu.memory_space<vmem>> -> memref<128xi32, #tpu.memory_space<vmem>>
    %dma_start3A_833 = arith.constant 0 : i32
    %dma_start3A_834 = arith.constant 0 : i32
    %dma_start3A_835 = tpu.memref_slice %arg3[%dma_start3A_833, %dma_start3A_834] : memref<1000000x16xf32, #tpu.memory_space<hbm>> -> memref<1000000x16xf32, #tpu.memory_space<hbm>>
    tpu.enqueue_indirect_dma source(%dma_start3A_835 : memref<1000000x16xf32, #tpu.memory_space<hbm>>) target(%dma_start3A_830 : memref<128x16xf32, #tpu.memory_space<vmem>>) offsets(%dma_start3A_832 : memref<128xi32, #tpu.memory_space<vmem>>) semaphore(%arg23 : memref<!tpu.dma_semaphore, #tpu.memory_space<semaphore_mem>>)
    %dma_start3A_836 = arith.constant 640 : i32
    %dma_start3A_837 = tpu.memref_slice %arg19[%dma_start3A_836] : memref<3328xf32, #tpu.memory_space<vmem>> -> memref<128xf32, #tpu.memory_space<vmem>>
    %dma_start3A_838 = arith.constant 640 : i32
    %dma_start3A_839 = tpu.memref_slice %arg17[%dma_start3A_838] : memref<3328xi32, #tpu.memory_space<vmem>> -> memref<128xi32, #tpu.memory_space<vmem>>
    %dma_start3A_840 = arith.constant 0 : i32
    %dma_start3A_841 = tpu.memref_slice %arg5[%dma_start3A_840] : memref<1000000xf32, #tpu.memory_space<hbm>> -> memref<1000000xf32, #tpu.memory_space<hbm>>
    tpu.enqueue_indirect_dma source(%dma_start3A_841 : memref<1000000xf32, #tpu.memory_space<hbm>>) target(%dma_start3A_837 : memref<128xf32, #tpu.memory_space<vmem>>) offsets(%dma_start3A_839 : memref<128xi32, #tpu.memory_space<vmem>>) semaphore(%arg24 : memref<!tpu.dma_semaphore, #tpu.memory_space<semaphore_mem>>)
    %dma_start3A_842 = arith.constant 768 : i32
    %dma_start3A_843 = arith.constant 0 : i32
    %dma_start3A_844 = tpu.memref_slice %arg18[%dma_start3A_842, %dma_start3A_843] : memref<3328x16xf32, #tpu.memory_space<vmem>> -> memref<128x16xf32, #tpu.memory_space<vmem>>
    %dma_start3A_845 = arith.constant 768 : i32
    %dma_start3A_846 = tpu.memref_slice %arg16[%dma_start3A_845] : memref<3328xi32, #tpu.memory_space<vmem>> -> memref<128xi32, #tpu.memory_space<vmem>>
    %dma_start3A_847 = arith.constant 0 : i32
    %dma_start3A_848 = arith.constant 0 : i32
    %dma_start3A_849 = tpu.memref_slice %arg3[%dma_start3A_847, %dma_start3A_848] : memref<1000000x16xf32, #tpu.memory_space<hbm>> -> memref<1000000x16xf32, #tpu.memory_space<hbm>>
    tpu.enqueue_indirect_dma source(%dma_start3A_849 : memref<1000000x16xf32, #tpu.memory_space<hbm>>) target(%dma_start3A_844 : memref<128x16xf32, #tpu.memory_space<vmem>>) offsets(%dma_start3A_846 : memref<128xi32, #tpu.memory_space<vmem>>) semaphore(%arg23 : memref<!tpu.dma_semaphore, #tpu.memory_space<semaphore_mem>>)
    %dma_start3A_850 = arith.constant 768 : i32
    %dma_start3A_851 = tpu.memref_slice %arg19[%dma_start3A_850] : memref<3328xf32, #tpu.memory_space<vmem>> -> memref<128xf32, #tpu.memory_space<vmem>>
    %dma_start3A_852 = arith.constant 768 : i32
    %dma_start3A_853 = tpu.memref_slice %arg17[%dma_start3A_852] : memref<3328xi32, #tpu.memory_space<vmem>> -> memref<128xi32, #tpu.memory_space<vmem>>
    %dma_start3A_854 = arith.constant 0 : i32
    %dma_start3A_855 = tpu.memref_slice %arg5[%dma_start3A_854] : memref<1000000xf32, #tpu.memory_space<hbm>> -> memref<1000000xf32, #tpu.memory_space<hbm>>
    tpu.enqueue_indirect_dma source(%dma_start3A_855 : memref<1000000xf32, #tpu.memory_space<hbm>>) target(%dma_start3A_851 : memref<128xf32, #tpu.memory_space<vmem>>) offsets(%dma_start3A_853 : memref<128xi32, #tpu.memory_space<vmem>>) semaphore(%arg24 : memref<!tpu.dma_semaphore, #tpu.memory_space<semaphore_mem>>)
    %dma_start3A_856 = arith.constant 896 : i32
    %dma_start3A_857 = arith.constant 0 : i32
    %dma_start3A_858 = tpu.memref_slice %arg18[%dma_start3A_856, %dma_start3A_857] : memref<3328x16xf32, #tpu.memory_space<vmem>> -> memref<128x16xf32, #tpu.memory_space<vmem>>
    %dma_start3A_859 = arith.constant 896 : i32
    %dma_start3A_860 = tpu.memref_slice %arg16[%dma_start3A_859] : memref<3328xi32, #tpu.memory_space<vmem>> -> memref<128xi32, #tpu.memory_space<vmem>>
    %dma_start3A_861 = arith.constant 0 : i32
    %dma_start3A_862 = arith.constant 0 : i32
    %dma_start3A_863 = tpu.memref_slice %arg3[%dma_start3A_861, %dma_start3A_862] : memref<1000000x16xf32, #tpu.memory_space<hbm>> -> memref<1000000x16xf32, #tpu.memory_space<hbm>>
    tpu.enqueue_indirect_dma source(%dma_start3A_863 : memref<1000000x16xf32, #tpu.memory_space<hbm>>) target(%dma_start3A_858 : memref<128x16xf32, #tpu.memory_space<vmem>>) offsets(%dma_start3A_860 : memref<128xi32, #tpu.memory_space<vmem>>) semaphore(%arg23 : memref<!tpu.dma_semaphore, #tpu.memory_space<semaphore_mem>>)
    %dma_start3A_864 = arith.constant 896 : i32
    %dma_start3A_865 = tpu.memref_slice %arg19[%dma_start3A_864] : memref<3328xf32, #tpu.memory_space<vmem>> -> memref<128xf32, #tpu.memory_space<vmem>>
    %dma_start3A_866 = arith.constant 896 : i32
    %dma_start3A_867 = tpu.memref_slice %arg17[%dma_start3A_866] : memref<3328xi32, #tpu.memory_space<vmem>> -> memref<128xi32, #tpu.memory_space<vmem>>
    %dma_start3A_868 = arith.constant 0 : i32
    %dma_start3A_869 = tpu.memref_slice %arg5[%dma_start3A_868] : memref<1000000xf32, #tpu.memory_space<hbm>> -> memref<1000000xf32, #tpu.memory_space<hbm>>
    tpu.enqueue_indirect_dma source(%dma_start3A_869 : memref<1000000xf32, #tpu.memory_space<hbm>>) target(%dma_start3A_865 : memref<128xf32, #tpu.memory_space<vmem>>) offsets(%dma_start3A_867 : memref<128xi32, #tpu.memory_space<vmem>>) semaphore(%arg24 : memref<!tpu.dma_semaphore, #tpu.memory_space<semaphore_mem>>)
    %dma_start3A_870 = arith.constant 1024 : i32
    %dma_start3A_871 = arith.constant 0 : i32
    %dma_start3A_872 = tpu.memref_slice %arg18[%dma_start3A_870, %dma_start3A_871] : memref<3328x16xf32, #tpu.memory_space<vmem>> -> memref<128x16xf32, #tpu.memory_space<vmem>>
    %dma_start3A_873 = arith.constant 1024 : i32
    %dma_start3A_874 = tpu.memref_slice %arg16[%dma_start3A_873] : memref<3328xi32, #tpu.memory_space<vmem>> -> memref<128xi32, #tpu.memory_space<vmem>>
    %dma_start3A_875 = arith.constant 0 : i32
    %dma_start3A_876 = arith.constant 0 : i32
    %dma_start3A_877 = tpu.memref_slice %arg3[%dma_start3A_875, %dma_start3A_876] : memref<1000000x16xf32, #tpu.memory_space<hbm>> -> memref<1000000x16xf32, #tpu.memory_space<hbm>>
    tpu.enqueue_indirect_dma source(%dma_start3A_877 : memref<1000000x16xf32, #tpu.memory_space<hbm>>) target(%dma_start3A_872 : memref<128x16xf32, #tpu.memory_space<vmem>>) offsets(%dma_start3A_874 : memref<128xi32, #tpu.memory_space<vmem>>) semaphore(%arg23 : memref<!tpu.dma_semaphore, #tpu.memory_space<semaphore_mem>>)
    %dma_start3A_878 = arith.constant 1024 : i32
    %dma_start3A_879 = tpu.memref_slice %arg19[%dma_start3A_878] : memref<3328xf32, #tpu.memory_space<vmem>> -> memref<128xf32, #tpu.memory_space<vmem>>
    %dma_start3A_880 = arith.constant 1024 : i32
    %dma_start3A_881 = tpu.memref_slice %arg17[%dma_start3A_880] : memref<3328xi32, #tpu.memory_space<vmem>> -> memref<128xi32, #tpu.memory_space<vmem>>
    %dma_start3A_882 = arith.constant 0 : i32
    %dma_start3A_883 = tpu.memref_slice %arg5[%dma_start3A_882] : memref<1000000xf32, #tpu.memory_space<hbm>> -> memref<1000000xf32, #tpu.memory_space<hbm>>
    tpu.enqueue_indirect_dma source(%dma_start3A_883 : memref<1000000xf32, #tpu.memory_space<hbm>>) target(%dma_start3A_879 : memref<128xf32, #tpu.memory_space<vmem>>) offsets(%dma_start3A_881 : memref<128xi32, #tpu.memory_space<vmem>>) semaphore(%arg24 : memref<!tpu.dma_semaphore, #tpu.memory_space<semaphore_mem>>)
    %dma_start3A_884 = arith.constant 1152 : i32
    %dma_start3A_885 = arith.constant 0 : i32
    %dma_start3A_886 = tpu.memref_slice %arg18[%dma_start3A_884, %dma_start3A_885] : memref<3328x16xf32, #tpu.memory_space<vmem>> -> memref<128x16xf32, #tpu.memory_space<vmem>>
    %dma_start3A_887 = arith.constant 1152 : i32
    %dma_start3A_888 = tpu.memref_slice %arg16[%dma_start3A_887] : memref<3328xi32, #tpu.memory_space<vmem>> -> memref<128xi32, #tpu.memory_space<vmem>>
    %dma_start3A_889 = arith.constant 0 : i32
    %dma_start3A_890 = arith.constant 0 : i32
    %dma_start3A_891 = tpu.memref_slice %arg3[%dma_start3A_889, %dma_start3A_890] : memref<1000000x16xf32, #tpu.memory_space<hbm>> -> memref<1000000x16xf32, #tpu.memory_space<hbm>>
    tpu.enqueue_indirect_dma source(%dma_start3A_891 : memref<1000000x16xf32, #tpu.memory_space<hbm>>) target(%dma_start3A_886 : memref<128x16xf32, #tpu.memory_space<vmem>>) offsets(%dma_start3A_888 : memref<128xi32, #tpu.memory_space<vmem>>) semaphore(%arg23 : memref<!tpu.dma_semaphore, #tpu.memory_space<semaphore_mem>>)
    %dma_start3A_892 = arith.constant 1152 : i32
    %dma_start3A_893 = tpu.memref_slice %arg19[%dma_start3A_892] : memref<3328xf32, #tpu.memory_space<vmem>> -> memref<128xf32, #tpu.memory_space<vmem>>
    %dma_start3A_894 = arith.constant 1152 : i32
    %dma_start3A_895 = tpu.memref_slice %arg17[%dma_start3A_894] : memref<3328xi32, #tpu.memory_space<vmem>> -> memref<128xi32, #tpu.memory_space<vmem>>
    %dma_start3A_896 = arith.constant 0 : i32
    %dma_start3A_897 = tpu.memref_slice %arg5[%dma_start3A_896] : memref<1000000xf32, #tpu.memory_space<hbm>> -> memref<1000000xf32, #tpu.memory_space<hbm>>
    tpu.enqueue_indirect_dma source(%dma_start3A_897 : memref<1000000xf32, #tpu.memory_space<hbm>>) target(%dma_start3A_893 : memref<128xf32, #tpu.memory_space<vmem>>) offsets(%dma_start3A_895 : memref<128xi32, #tpu.memory_space<vmem>>) semaphore(%arg24 : memref<!tpu.dma_semaphore, #tpu.memory_space<semaphore_mem>>)
    %dma_start3A_898 = arith.constant 1280 : i32
    %dma_start3A_899 = arith.constant 0 : i32
    %dma_start3A_900 = tpu.memref_slice %arg18[%dma_start3A_898, %dma_start3A_899] : memref<3328x16xf32, #tpu.memory_space<vmem>> -> memref<128x16xf32, #tpu.memory_space<vmem>>
    %dma_start3A_901 = arith.constant 1280 : i32
    %dma_start3A_902 = tpu.memref_slice %arg16[%dma_start3A_901] : memref<3328xi32, #tpu.memory_space<vmem>> -> memref<128xi32, #tpu.memory_space<vmem>>
    %dma_start3A_903 = arith.constant 0 : i32
    %dma_start3A_904 = arith.constant 0 : i32
    %dma_start3A_905 = tpu.memref_slice %arg3[%dma_start3A_903, %dma_start3A_904] : memref<1000000x16xf32, #tpu.memory_space<hbm>> -> memref<1000000x16xf32, #tpu.memory_space<hbm>>
    tpu.enqueue_indirect_dma source(%dma_start3A_905 : memref<1000000x16xf32, #tpu.memory_space<hbm>>) target(%dma_start3A_900 : memref<128x16xf32, #tpu.memory_space<vmem>>) offsets(%dma_start3A_902 : memref<128xi32, #tpu.memory_space<vmem>>) semaphore(%arg23 : memref<!tpu.dma_semaphore, #tpu.memory_space<semaphore_mem>>)
    %dma_start3A_906 = arith.constant 1280 : i32
    %dma_start3A_907 = tpu.memref_slice %arg19[%dma_start3A_906] : memref<3328xf32, #tpu.memory_space<vmem>> -> memref<128xf32, #tpu.memory_space<vmem>>
    %dma_start3A_908 = arith.constant 1280 : i32
    %dma_start3A_909 = tpu.memref_slice %arg17[%dma_start3A_908] : memref<3328xi32, #tpu.memory_space<vmem>> -> memref<128xi32, #tpu.memory_space<vmem>>
    %dma_start3A_910 = arith.constant 0 : i32
    %dma_start3A_911 = tpu.memref_slice %arg5[%dma_start3A_910] : memref<1000000xf32, #tpu.memory_space<hbm>> -> memref<1000000xf32, #tpu.memory_space<hbm>>
    tpu.enqueue_indirect_dma source(%dma_start3A_911 : memref<1000000xf32, #tpu.memory_space<hbm>>) target(%dma_start3A_907 : memref<128xf32, #tpu.memory_space<vmem>>) offsets(%dma_start3A_909 : memref<128xi32, #tpu.memory_space<vmem>>) semaphore(%arg24 : memref<!tpu.dma_semaphore, #tpu.memory_space<semaphore_mem>>)
    %dma_start3A_912 = arith.constant 1408 : i32
    %dma_start3A_913 = arith.constant 0 : i32
    %dma_start3A_914 = tpu.memref_slice %arg18[%dma_start3A_912, %dma_start3A_913] : memref<3328x16xf32, #tpu.memory_space<vmem>> -> memref<128x16xf32, #tpu.memory_space<vmem>>
    %dma_start3A_915 = arith.constant 1408 : i32
    %dma_start3A_916 = tpu.memref_slice %arg16[%dma_start3A_915] : memref<3328xi32, #tpu.memory_space<vmem>> -> memref<128xi32, #tpu.memory_space<vmem>>
    %dma_start3A_917 = arith.constant 0 : i32
    %dma_start3A_918 = arith.constant 0 : i32
    %dma_start3A_919 = tpu.memref_slice %arg3[%dma_start3A_917, %dma_start3A_918] : memref<1000000x16xf32, #tpu.memory_space<hbm>> -> memref<1000000x16xf32, #tpu.memory_space<hbm>>
    tpu.enqueue_indirect_dma source(%dma_start3A_919 : memref<1000000x16xf32, #tpu.memory_space<hbm>>) target(%dma_start3A_914 : memref<128x16xf32, #tpu.memory_space<vmem>>) offsets(%dma_start3A_916 : memref<128xi32, #tpu.memory_space<vmem>>) semaphore(%arg23 : memref<!tpu.dma_semaphore, #tpu.memory_space<semaphore_mem>>)
    %dma_start3A_920 = arith.constant 1408 : i32
    %dma_start3A_921 = tpu.memref_slice %arg19[%dma_start3A_920] : memref<3328xf32, #tpu.memory_space<vmem>> -> memref<128xf32, #tpu.memory_space<vmem>>
    %dma_start3A_922 = arith.constant 1408 : i32
    %dma_start3A_923 = tpu.memref_slice %arg17[%dma_start3A_922] : memref<3328xi32, #tpu.memory_space<vmem>> -> memref<128xi32, #tpu.memory_space<vmem>>
    %dma_start3A_924 = arith.constant 0 : i32
    %dma_start3A_925 = tpu.memref_slice %arg5[%dma_start3A_924] : memref<1000000xf32, #tpu.memory_space<hbm>> -> memref<1000000xf32, #tpu.memory_space<hbm>>
    tpu.enqueue_indirect_dma source(%dma_start3A_925 : memref<1000000xf32, #tpu.memory_space<hbm>>) target(%dma_start3A_921 : memref<128xf32, #tpu.memory_space<vmem>>) offsets(%dma_start3A_923 : memref<128xi32, #tpu.memory_space<vmem>>) semaphore(%arg24 : memref<!tpu.dma_semaphore, #tpu.memory_space<semaphore_mem>>)
    %dma_start3A_926 = arith.constant 1536 : i32
    %dma_start3A_927 = arith.constant 0 : i32
    %dma_start3A_928 = tpu.memref_slice %arg18[%dma_start3A_926, %dma_start3A_927] : memref<3328x16xf32, #tpu.memory_space<vmem>> -> memref<128x16xf32, #tpu.memory_space<vmem>>
    %dma_start3A_929 = arith.constant 1536 : i32
    %dma_start3A_930 = tpu.memref_slice %arg16[%dma_start3A_929] : memref<3328xi32, #tpu.memory_space<vmem>> -> memref<128xi32, #tpu.memory_space<vmem>>
    %dma_start3A_931 = arith.constant 0 : i32
    %dma_start3A_932 = arith.constant 0 : i32
    %dma_start3A_933 = tpu.memref_slice %arg3[%dma_start3A_931, %dma_start3A_932] : memref<1000000x16xf32, #tpu.memory_space<hbm>> -> memref<1000000x16xf32, #tpu.memory_space<hbm>>
    tpu.enqueue_indirect_dma source(%dma_start3A_933 : memref<1000000x16xf32, #tpu.memory_space<hbm>>) target(%dma_start3A_928 : memref<128x16xf32, #tpu.memory_space<vmem>>) offsets(%dma_start3A_930 : memref<128xi32, #tpu.memory_space<vmem>>) semaphore(%arg23 : memref<!tpu.dma_semaphore, #tpu.memory_space<semaphore_mem>>)
    %dma_start3A_934 = arith.constant 1536 : i32
    %dma_start3A_935 = tpu.memref_slice %arg19[%dma_start3A_934] : memref<3328xf32, #tpu.memory_space<vmem>> -> memref<128xf32, #tpu.memory_space<vmem>>
    %dma_start3A_936 = arith.constant 1536 : i32
    %dma_start3A_937 = tpu.memref_slice %arg17[%dma_start3A_936] : memref<3328xi32, #tpu.memory_space<vmem>> -> memref<128xi32, #tpu.memory_space<vmem>>
    %dma_start3A_938 = arith.constant 0 : i32
    %dma_start3A_939 = tpu.memref_slice %arg5[%dma_start3A_938] : memref<1000000xf32, #tpu.memory_space<hbm>> -> memref<1000000xf32, #tpu.memory_space<hbm>>
    tpu.enqueue_indirect_dma source(%dma_start3A_939 : memref<1000000xf32, #tpu.memory_space<hbm>>) target(%dma_start3A_935 : memref<128xf32, #tpu.memory_space<vmem>>) offsets(%dma_start3A_937 : memref<128xi32, #tpu.memory_space<vmem>>) semaphore(%arg24 : memref<!tpu.dma_semaphore, #tpu.memory_space<semaphore_mem>>)
    %dma_start3A_940 = arith.constant 1664 : i32
    %dma_start3A_941 = arith.constant 0 : i32
    %dma_start3A_942 = tpu.memref_slice %arg18[%dma_start3A_940, %dma_start3A_941] : memref<3328x16xf32, #tpu.memory_space<vmem>> -> memref<128x16xf32, #tpu.memory_space<vmem>>
    %dma_start3A_943 = arith.constant 1664 : i32
    %dma_start3A_944 = tpu.memref_slice %arg16[%dma_start3A_943] : memref<3328xi32, #tpu.memory_space<vmem>> -> memref<128xi32, #tpu.memory_space<vmem>>
    %dma_start3A_945 = arith.constant 0 : i32
    %dma_start3A_946 = arith.constant 0 : i32
    %dma_start3A_947 = tpu.memref_slice %arg3[%dma_start3A_945, %dma_start3A_946] : memref<1000000x16xf32, #tpu.memory_space<hbm>> -> memref<1000000x16xf32, #tpu.memory_space<hbm>>
    tpu.enqueue_indirect_dma source(%dma_start3A_947 : memref<1000000x16xf32, #tpu.memory_space<hbm>>) target(%dma_start3A_942 : memref<128x16xf32, #tpu.memory_space<vmem>>) offsets(%dma_start3A_944 : memref<128xi32, #tpu.memory_space<vmem>>) semaphore(%arg23 : memref<!tpu.dma_semaphore, #tpu.memory_space<semaphore_mem>>)
    %dma_start3A_948 = arith.constant 1664 : i32
    %dma_start3A_949 = tpu.memref_slice %arg19[%dma_start3A_948] : memref<3328xf32, #tpu.memory_space<vmem>> -> memref<128xf32, #tpu.memory_space<vmem>>
    %dma_start3A_950 = arith.constant 1664 : i32
    %dma_start3A_951 = tpu.memref_slice %arg17[%dma_start3A_950] : memref<3328xi32, #tpu.memory_space<vmem>> -> memref<128xi32, #tpu.memory_space<vmem>>
    %dma_start3A_952 = arith.constant 0 : i32
    %dma_start3A_953 = tpu.memref_slice %arg5[%dma_start3A_952] : memref<1000000xf32, #tpu.memory_space<hbm>> -> memref<1000000xf32, #tpu.memory_space<hbm>>
    tpu.enqueue_indirect_dma source(%dma_start3A_953 : memref<1000000xf32, #tpu.memory_space<hbm>>) target(%dma_start3A_949 : memref<128xf32, #tpu.memory_space<vmem>>) offsets(%dma_start3A_951 : memref<128xi32, #tpu.memory_space<vmem>>) semaphore(%arg24 : memref<!tpu.dma_semaphore, #tpu.memory_space<semaphore_mem>>)
    %dma_start3A_954 = arith.constant 1792 : i32
    %dma_start3A_955 = arith.constant 0 : i32
    %dma_start3A_956 = tpu.memref_slice %arg18[%dma_start3A_954, %dma_start3A_955] : memref<3328x16xf32, #tpu.memory_space<vmem>> -> memref<128x16xf32, #tpu.memory_space<vmem>>
    %dma_start3A_957 = arith.constant 1792 : i32
    %dma_start3A_958 = tpu.memref_slice %arg16[%dma_start3A_957] : memref<3328xi32, #tpu.memory_space<vmem>> -> memref<128xi32, #tpu.memory_space<vmem>>
    %dma_start3A_959 = arith.constant 0 : i32
    %dma_start3A_960 = arith.constant 0 : i32
    %dma_start3A_961 = tpu.memref_slice %arg3[%dma_start3A_959, %dma_start3A_960] : memref<1000000x16xf32, #tpu.memory_space<hbm>> -> memref<1000000x16xf32, #tpu.memory_space<hbm>>
    tpu.enqueue_indirect_dma source(%dma_start3A_961 : memref<1000000x16xf32, #tpu.memory_space<hbm>>) target(%dma_start3A_956 : memref<128x16xf32, #tpu.memory_space<vmem>>) offsets(%dma_start3A_958 : memref<128xi32, #tpu.memory_space<vmem>>) semaphore(%arg23 : memref<!tpu.dma_semaphore, #tpu.memory_space<semaphore_mem>>)
    %dma_start3A_962 = arith.constant 1792 : i32
    %dma_start3A_963 = tpu.memref_slice %arg19[%dma_start3A_962] : memref<3328xf32, #tpu.memory_space<vmem>> -> memref<128xf32, #tpu.memory_space<vmem>>
    %dma_start3A_964 = arith.constant 1792 : i32
    %dma_start3A_965 = tpu.memref_slice %arg17[%dma_start3A_964] : memref<3328xi32, #tpu.memory_space<vmem>> -> memref<128xi32, #tpu.memory_space<vmem>>
    %dma_start3A_966 = arith.constant 0 : i32
    %dma_start3A_967 = tpu.memref_slice %arg5[%dma_start3A_966] : memref<1000000xf32, #tpu.memory_space<hbm>> -> memref<1000000xf32, #tpu.memory_space<hbm>>
    tpu.enqueue_indirect_dma source(%dma_start3A_967 : memref<1000000xf32, #tpu.memory_space<hbm>>) target(%dma_start3A_963 : memref<128xf32, #tpu.memory_space<vmem>>) offsets(%dma_start3A_965 : memref<128xi32, #tpu.memory_space<vmem>>) semaphore(%arg24 : memref<!tpu.dma_semaphore, #tpu.memory_space<semaphore_mem>>)
    %dma_start3A_968 = arith.constant 1920 : i32
    %dma_start3A_969 = arith.constant 0 : i32
    %dma_start3A_970 = tpu.memref_slice %arg18[%dma_start3A_968, %dma_start3A_969] : memref<3328x16xf32, #tpu.memory_space<vmem>> -> memref<128x16xf32, #tpu.memory_space<vmem>>
    %dma_start3A_971 = arith.constant 1920 : i32
    %dma_start3A_972 = tpu.memref_slice %arg16[%dma_start3A_971] : memref<3328xi32, #tpu.memory_space<vmem>> -> memref<128xi32, #tpu.memory_space<vmem>>
    %dma_start3A_973 = arith.constant 0 : i32
    %dma_start3A_974 = arith.constant 0 : i32
    %dma_start3A_975 = tpu.memref_slice %arg3[%dma_start3A_973, %dma_start3A_974] : memref<1000000x16xf32, #tpu.memory_space<hbm>> -> memref<1000000x16xf32, #tpu.memory_space<hbm>>
    tpu.enqueue_indirect_dma source(%dma_start3A_975 : memref<1000000x16xf32, #tpu.memory_space<hbm>>) target(%dma_start3A_970 : memref<128x16xf32, #tpu.memory_space<vmem>>) offsets(%dma_start3A_972 : memref<128xi32, #tpu.memory_space<vmem>>) semaphore(%arg23 : memref<!tpu.dma_semaphore, #tpu.memory_space<semaphore_mem>>)
    %dma_start3A_976 = arith.constant 1920 : i32
    %dma_start3A_977 = tpu.memref_slice %arg19[%dma_start3A_976] : memref<3328xf32, #tpu.memory_space<vmem>> -> memref<128xf32, #tpu.memory_space<vmem>>
    %dma_start3A_978 = arith.constant 1920 : i32
    %dma_start3A_979 = tpu.memref_slice %arg17[%dma_start3A_978] : memref<3328xi32, #tpu.memory_space<vmem>> -> memref<128xi32, #tpu.memory_space<vmem>>
    %dma_start3A_980 = arith.constant 0 : i32
    %dma_start3A_981 = tpu.memref_slice %arg5[%dma_start3A_980] : memref<1000000xf32, #tpu.memory_space<hbm>> -> memref<1000000xf32, #tpu.memory_space<hbm>>
    tpu.enqueue_indirect_dma source(%dma_start3A_981 : memref<1000000xf32, #tpu.memory_space<hbm>>) target(%dma_start3A_977 : memref<128xf32, #tpu.memory_space<vmem>>) offsets(%dma_start3A_979 : memref<128xi32, #tpu.memory_space<vmem>>) semaphore(%arg24 : memref<!tpu.dma_semaphore, #tpu.memory_space<semaphore_mem>>)
    %dma_start3A_982 = arith.constant 2048 : i32
    %dma_start3A_983 = arith.constant 0 : i32
    %dma_start3A_984 = tpu.memref_slice %arg18[%dma_start3A_982, %dma_start3A_983] : memref<3328x16xf32, #tpu.memory_space<vmem>> -> memref<128x16xf32, #tpu.memory_space<vmem>>
    %dma_start3A_985 = arith.constant 2048 : i32
    %dma_start3A_986 = tpu.memref_slice %arg16[%dma_start3A_985] : memref<3328xi32, #tpu.memory_space<vmem>> -> memref<128xi32, #tpu.memory_space<vmem>>
    %dma_start3A_987 = arith.constant 0 : i32
    %dma_start3A_988 = arith.constant 0 : i32
    %dma_start3A_989 = tpu.memref_slice %arg3[%dma_start3A_987, %dma_start3A_988] : memref<1000000x16xf32, #tpu.memory_space<hbm>> -> memref<1000000x16xf32, #tpu.memory_space<hbm>>
    tpu.enqueue_indirect_dma source(%dma_start3A_989 : memref<1000000x16xf32, #tpu.memory_space<hbm>>) target(%dma_start3A_984 : memref<128x16xf32, #tpu.memory_space<vmem>>) offsets(%dma_start3A_986 : memref<128xi32, #tpu.memory_space<vmem>>) semaphore(%arg23 : memref<!tpu.dma_semaphore, #tpu.memory_space<semaphore_mem>>)
    %dma_start3A_990 = arith.constant 2048 : i32
    %dma_start3A_991 = tpu.memref_slice %arg19[%dma_start3A_990] : memref<3328xf32, #tpu.memory_space<vmem>> -> memref<128xf32, #tpu.memory_space<vmem>>
    %dma_start3A_992 = arith.constant 2048 : i32
    %dma_start3A_993 = tpu.memref_slice %arg17[%dma_start3A_992] : memref<3328xi32, #tpu.memory_space<vmem>> -> memref<128xi32, #tpu.memory_space<vmem>>
    %dma_start3A_994 = arith.constant 0 : i32
    %dma_start3A_995 = tpu.memref_slice %arg5[%dma_start3A_994] : memref<1000000xf32, #tpu.memory_space<hbm>> -> memref<1000000xf32, #tpu.memory_space<hbm>>
    tpu.enqueue_indirect_dma source(%dma_start3A_995 : memref<1000000xf32, #tpu.memory_space<hbm>>) target(%dma_start3A_991 : memref<128xf32, #tpu.memory_space<vmem>>) offsets(%dma_start3A_993 : memref<128xi32, #tpu.memory_space<vmem>>) semaphore(%arg24 : memref<!tpu.dma_semaphore, #tpu.memory_space<semaphore_mem>>)
    %dma_start3A_996 = arith.constant 2176 : i32
    %dma_start3A_997 = arith.constant 0 : i32
    %dma_start3A_998 = tpu.memref_slice %arg18[%dma_start3A_996, %dma_start3A_997] : memref<3328x16xf32, #tpu.memory_space<vmem>> -> memref<128x16xf32, #tpu.memory_space<vmem>>
    %dma_start3A_999 = arith.constant 2176 : i32
    %dma_start3A_1000 = tpu.memref_slice %arg16[%dma_start3A_999] : memref<3328xi32, #tpu.memory_space<vmem>> -> memref<128xi32, #tpu.memory_space<vmem>>
    %dma_start3A_1001 = arith.constant 0 : i32
    %dma_start3A_1002 = arith.constant 0 : i32
    %dma_start3A_1003 = tpu.memref_slice %arg3[%dma_start3A_1001, %dma_start3A_1002] : memref<1000000x16xf32, #tpu.memory_space<hbm>> -> memref<1000000x16xf32, #tpu.memory_space<hbm>>
    tpu.enqueue_indirect_dma source(%dma_start3A_1003 : memref<1000000x16xf32, #tpu.memory_space<hbm>>) target(%dma_start3A_998 : memref<128x16xf32, #tpu.memory_space<vmem>>) offsets(%dma_start3A_1000 : memref<128xi32, #tpu.memory_space<vmem>>) semaphore(%arg23 : memref<!tpu.dma_semaphore, #tpu.memory_space<semaphore_mem>>)
    %dma_start3A_1004 = arith.constant 2176 : i32
    %dma_start3A_1005 = tpu.memref_slice %arg19[%dma_start3A_1004] : memref<3328xf32, #tpu.memory_space<vmem>> -> memref<128xf32, #tpu.memory_space<vmem>>
    %dma_start3A_1006 = arith.constant 2176 : i32
    %dma_start3A_1007 = tpu.memref_slice %arg17[%dma_start3A_1006] : memref<3328xi32, #tpu.memory_space<vmem>> -> memref<128xi32, #tpu.memory_space<vmem>>
    %dma_start3A_1008 = arith.constant 0 : i32
    %dma_start3A_1009 = tpu.memref_slice %arg5[%dma_start3A_1008] : memref<1000000xf32, #tpu.memory_space<hbm>> -> memref<1000000xf32, #tpu.memory_space<hbm>>
    tpu.enqueue_indirect_dma source(%dma_start3A_1009 : memref<1000000xf32, #tpu.memory_space<hbm>>) target(%dma_start3A_1005 : memref<128xf32, #tpu.memory_space<vmem>>) offsets(%dma_start3A_1007 : memref<128xi32, #tpu.memory_space<vmem>>) semaphore(%arg24 : memref<!tpu.dma_semaphore, #tpu.memory_space<semaphore_mem>>)
    %dma_start3A_1010 = arith.constant 2304 : i32
    %dma_start3A_1011 = arith.constant 0 : i32
    %dma_start3A_1012 = tpu.memref_slice %arg18[%dma_start3A_1010, %dma_start3A_1011] : memref<3328x16xf32, #tpu.memory_space<vmem>> -> memref<128x16xf32, #tpu.memory_space<vmem>>
    %dma_start3A_1013 = arith.constant 2304 : i32
    %dma_start3A_1014 = tpu.memref_slice %arg16[%dma_start3A_1013] : memref<3328xi32, #tpu.memory_space<vmem>> -> memref<128xi32, #tpu.memory_space<vmem>>
    %dma_start3A_1015 = arith.constant 0 : i32
    %dma_start3A_1016 = arith.constant 0 : i32
    %dma_start3A_1017 = tpu.memref_slice %arg3[%dma_start3A_1015, %dma_start3A_1016] : memref<1000000x16xf32, #tpu.memory_space<hbm>> -> memref<1000000x16xf32, #tpu.memory_space<hbm>>
    tpu.enqueue_indirect_dma source(%dma_start3A_1017 : memref<1000000x16xf32, #tpu.memory_space<hbm>>) target(%dma_start3A_1012 : memref<128x16xf32, #tpu.memory_space<vmem>>) offsets(%dma_start3A_1014 : memref<128xi32, #tpu.memory_space<vmem>>) semaphore(%arg23 : memref<!tpu.dma_semaphore, #tpu.memory_space<semaphore_mem>>)
    %dma_start3A_1018 = arith.constant 2304 : i32
    %dma_start3A_1019 = tpu.memref_slice %arg19[%dma_start3A_1018] : memref<3328xf32, #tpu.memory_space<vmem>> -> memref<128xf32, #tpu.memory_space<vmem>>
    %dma_start3A_1020 = arith.constant 2304 : i32
    %dma_start3A_1021 = tpu.memref_slice %arg17[%dma_start3A_1020] : memref<3328xi32, #tpu.memory_space<vmem>> -> memref<128xi32, #tpu.memory_space<vmem>>
    %dma_start3A_1022 = arith.constant 0 : i32
    %dma_start3A_1023 = tpu.memref_slice %arg5[%dma_start3A_1022] : memref<1000000xf32, #tpu.memory_space<hbm>> -> memref<1000000xf32, #tpu.memory_space<hbm>>
    tpu.enqueue_indirect_dma source(%dma_start3A_1023 : memref<1000000xf32, #tpu.memory_space<hbm>>) target(%dma_start3A_1019 : memref<128xf32, #tpu.memory_space<vmem>>) offsets(%dma_start3A_1021 : memref<128xi32, #tpu.memory_space<vmem>>) semaphore(%arg24 : memref<!tpu.dma_semaphore, #tpu.memory_space<semaphore_mem>>)
    %dma_start3A_1024 = arith.constant 2432 : i32
    %dma_start3A_1025 = arith.constant 0 : i32
    %dma_start3A_1026 = tpu.memref_slice %arg18[%dma_start3A_1024, %dma_start3A_1025] : memref<3328x16xf32, #tpu.memory_space<vmem>> -> memref<128x16xf32, #tpu.memory_space<vmem>>
    %dma_start3A_1027 = arith.constant 2432 : i32
    %dma_start3A_1028 = tpu.memref_slice %arg16[%dma_start3A_1027] : memref<3328xi32, #tpu.memory_space<vmem>> -> memref<128xi32, #tpu.memory_space<vmem>>
    %dma_start3A_1029 = arith.constant 0 : i32
    %dma_start3A_1030 = arith.constant 0 : i32
    %dma_start3A_1031 = tpu.memref_slice %arg3[%dma_start3A_1029, %dma_start3A_1030] : memref<1000000x16xf32, #tpu.memory_space<hbm>> -> memref<1000000x16xf32, #tpu.memory_space<hbm>>
    tpu.enqueue_indirect_dma source(%dma_start3A_1031 : memref<1000000x16xf32, #tpu.memory_space<hbm>>) target(%dma_start3A_1026 : memref<128x16xf32, #tpu.memory_space<vmem>>) offsets(%dma_start3A_1028 : memref<128xi32, #tpu.memory_space<vmem>>) semaphore(%arg23 : memref<!tpu.dma_semaphore, #tpu.memory_space<semaphore_mem>>)
    %dma_start3A_1032 = arith.constant 2432 : i32
    %dma_start3A_1033 = tpu.memref_slice %arg19[%dma_start3A_1032] : memref<3328xf32, #tpu.memory_space<vmem>> -> memref<128xf32, #tpu.memory_space<vmem>>
    %dma_start3A_1034 = arith.constant 2432 : i32
    %dma_start3A_1035 = tpu.memref_slice %arg17[%dma_start3A_1034] : memref<3328xi32, #tpu.memory_space<vmem>> -> memref<128xi32, #tpu.memory_space<vmem>>
    %dma_start3A_1036 = arith.constant 0 : i32
    %dma_start3A_1037 = tpu.memref_slice %arg5[%dma_start3A_1036] : memref<1000000xf32, #tpu.memory_space<hbm>> -> memref<1000000xf32, #tpu.memory_space<hbm>>
    tpu.enqueue_indirect_dma source(%dma_start3A_1037 : memref<1000000xf32, #tpu.memory_space<hbm>>) target(%dma_start3A_1033 : memref<128xf32, #tpu.memory_space<vmem>>) offsets(%dma_start3A_1035 : memref<128xi32, #tpu.memory_space<vmem>>) semaphore(%arg24 : memref<!tpu.dma_semaphore, #tpu.memory_space<semaphore_mem>>)
    %dma_start3A_1038 = arith.constant 2560 : i32
    %dma_start3A_1039 = arith.constant 0 : i32
    %dma_start3A_1040 = tpu.memref_slice %arg18[%dma_start3A_1038, %dma_start3A_1039] : memref<3328x16xf32, #tpu.memory_space<vmem>> -> memref<128x16xf32, #tpu.memory_space<vmem>>
    %dma_start3A_1041 = arith.constant 2560 : i32
    %dma_start3A_1042 = tpu.memref_slice %arg16[%dma_start3A_1041] : memref<3328xi32, #tpu.memory_space<vmem>> -> memref<128xi32, #tpu.memory_space<vmem>>
    %dma_start3A_1043 = arith.constant 0 : i32
    %dma_start3A_1044 = arith.constant 0 : i32
    %dma_start3A_1045 = tpu.memref_slice %arg3[%dma_start3A_1043, %dma_start3A_1044] : memref<1000000x16xf32, #tpu.memory_space<hbm>> -> memref<1000000x16xf32, #tpu.memory_space<hbm>>
    tpu.enqueue_indirect_dma source(%dma_start3A_1045 : memref<1000000x16xf32, #tpu.memory_space<hbm>>) target(%dma_start3A_1040 : memref<128x16xf32, #tpu.memory_space<vmem>>) offsets(%dma_start3A_1042 : memref<128xi32, #tpu.memory_space<vmem>>) semaphore(%arg23 : memref<!tpu.dma_semaphore, #tpu.memory_space<semaphore_mem>>)
    %dma_start3A_1046 = arith.constant 2560 : i32
    %dma_start3A_1047 = tpu.memref_slice %arg19[%dma_start3A_1046] : memref<3328xf32, #tpu.memory_space<vmem>> -> memref<128xf32, #tpu.memory_space<vmem>>
    %dma_start3A_1048 = arith.constant 2560 : i32
    %dma_start3A_1049 = tpu.memref_slice %arg17[%dma_start3A_1048] : memref<3328xi32, #tpu.memory_space<vmem>> -> memref<128xi32, #tpu.memory_space<vmem>>
    %dma_start3A_1050 = arith.constant 0 : i32
    %dma_start3A_1051 = tpu.memref_slice %arg5[%dma_start3A_1050] : memref<1000000xf32, #tpu.memory_space<hbm>> -> memref<1000000xf32, #tpu.memory_space<hbm>>
    tpu.enqueue_indirect_dma source(%dma_start3A_1051 : memref<1000000xf32, #tpu.memory_space<hbm>>) target(%dma_start3A_1047 : memref<128xf32, #tpu.memory_space<vmem>>) offsets(%dma_start3A_1049 : memref<128xi32, #tpu.memory_space<vmem>>) semaphore(%arg24 : memref<!tpu.dma_semaphore, #tpu.memory_space<semaphore_mem>>)
    %dma_start3A_1052 = arith.constant 2688 : i32
    %dma_start3A_1053 = arith.constant 0 : i32
    %dma_start3A_1054 = tpu.memref_slice %arg18[%dma_start3A_1052, %dma_start3A_1053] : memref<3328x16xf32, #tpu.memory_space<vmem>> -> memref<128x16xf32, #tpu.memory_space<vmem>>
    %dma_start3A_1055 = arith.constant 2688 : i32
    %dma_start3A_1056 = tpu.memref_slice %arg16[%dma_start3A_1055] : memref<3328xi32, #tpu.memory_space<vmem>> -> memref<128xi32, #tpu.memory_space<vmem>>
    %dma_start3A_1057 = arith.constant 0 : i32
    %dma_start3A_1058 = arith.constant 0 : i32
    %dma_start3A_1059 = tpu.memref_slice %arg3[%dma_start3A_1057, %dma_start3A_1058] : memref<1000000x16xf32, #tpu.memory_space<hbm>> -> memref<1000000x16xf32, #tpu.memory_space<hbm>>
    tpu.enqueue_indirect_dma source(%dma_start3A_1059 : memref<1000000x16xf32, #tpu.memory_space<hbm>>) target(%dma_start3A_1054 : memref<128x16xf32, #tpu.memory_space<vmem>>) offsets(%dma_start3A_1056 : memref<128xi32, #tpu.memory_space<vmem>>) semaphore(%arg23 : memref<!tpu.dma_semaphore, #tpu.memory_space<semaphore_mem>>)
    %dma_start3A_1060 = arith.constant 2688 : i32
    %dma_start3A_1061 = tpu.memref_slice %arg19[%dma_start3A_1060] : memref<3328xf32, #tpu.memory_space<vmem>> -> memref<128xf32, #tpu.memory_space<vmem>>
    %dma_start3A_1062 = arith.constant 2688 : i32
    %dma_start3A_1063 = tpu.memref_slice %arg17[%dma_start3A_1062] : memref<3328xi32, #tpu.memory_space<vmem>> -> memref<128xi32, #tpu.memory_space<vmem>>
    %dma_start3A_1064 = arith.constant 0 : i32
    %dma_start3A_1065 = tpu.memref_slice %arg5[%dma_start3A_1064] : memref<1000000xf32, #tpu.memory_space<hbm>> -> memref<1000000xf32, #tpu.memory_space<hbm>>
    tpu.enqueue_indirect_dma source(%dma_start3A_1065 : memref<1000000xf32, #tpu.memory_space<hbm>>) target(%dma_start3A_1061 : memref<128xf32, #tpu.memory_space<vmem>>) offsets(%dma_start3A_1063 : memref<128xi32, #tpu.memory_space<vmem>>) semaphore(%arg24 : memref<!tpu.dma_semaphore, #tpu.memory_space<semaphore_mem>>)
    %dma_start3A_1066 = arith.constant 2816 : i32
    %dma_start3A_1067 = arith.constant 0 : i32
    %dma_start3A_1068 = tpu.memref_slice %arg18[%dma_start3A_1066, %dma_start3A_1067] : memref<3328x16xf32, #tpu.memory_space<vmem>> -> memref<128x16xf32, #tpu.memory_space<vmem>>
    %dma_start3A_1069 = arith.constant 2816 : i32
    %dma_start3A_1070 = tpu.memref_slice %arg16[%dma_start3A_1069] : memref<3328xi32, #tpu.memory_space<vmem>> -> memref<128xi32, #tpu.memory_space<vmem>>
    %dma_start3A_1071 = arith.constant 0 : i32
    %dma_start3A_1072 = arith.constant 0 : i32
    %dma_start3A_1073 = tpu.memref_slice %arg3[%dma_start3A_1071, %dma_start3A_1072] : memref<1000000x16xf32, #tpu.memory_space<hbm>> -> memref<1000000x16xf32, #tpu.memory_space<hbm>>
    tpu.enqueue_indirect_dma source(%dma_start3A_1073 : memref<1000000x16xf32, #tpu.memory_space<hbm>>) target(%dma_start3A_1068 : memref<128x16xf32, #tpu.memory_space<vmem>>) offsets(%dma_start3A_1070 : memref<128xi32, #tpu.memory_space<vmem>>) semaphore(%arg23 : memref<!tpu.dma_semaphore, #tpu.memory_space<semaphore_mem>>)
    %dma_start3A_1074 = arith.constant 2816 : i32
    %dma_start3A_1075 = tpu.memref_slice %arg19[%dma_start3A_1074] : memref<3328xf32, #tpu.memory_space<vmem>> -> memref<128xf32, #tpu.memory_space<vmem>>
    %dma_start3A_1076 = arith.constant 2816 : i32
    %dma_start3A_1077 = tpu.memref_slice %arg17[%dma_start3A_1076] : memref<3328xi32, #tpu.memory_space<vmem>> -> memref<128xi32, #tpu.memory_space<vmem>>
    %dma_start3A_1078 = arith.constant 0 : i32
    %dma_start3A_1079 = tpu.memref_slice %arg5[%dma_start3A_1078] : memref<1000000xf32, #tpu.memory_space<hbm>> -> memref<1000000xf32, #tpu.memory_space<hbm>>
    tpu.enqueue_indirect_dma source(%dma_start3A_1079 : memref<1000000xf32, #tpu.memory_space<hbm>>) target(%dma_start3A_1075 : memref<128xf32, #tpu.memory_space<vmem>>) offsets(%dma_start3A_1077 : memref<128xi32, #tpu.memory_space<vmem>>) semaphore(%arg24 : memref<!tpu.dma_semaphore, #tpu.memory_space<semaphore_mem>>)
    %dma_start3A_1080 = arith.constant 2944 : i32
    %dma_start3A_1081 = arith.constant 0 : i32
    %dma_start3A_1082 = tpu.memref_slice %arg18[%dma_start3A_1080, %dma_start3A_1081] : memref<3328x16xf32, #tpu.memory_space<vmem>> -> memref<128x16xf32, #tpu.memory_space<vmem>>
    %dma_start3A_1083 = arith.constant 2944 : i32
    %dma_start3A_1084 = tpu.memref_slice %arg16[%dma_start3A_1083] : memref<3328xi32, #tpu.memory_space<vmem>> -> memref<128xi32, #tpu.memory_space<vmem>>
    %dma_start3A_1085 = arith.constant 0 : i32
    %dma_start3A_1086 = arith.constant 0 : i32
    %dma_start3A_1087 = tpu.memref_slice %arg3[%dma_start3A_1085, %dma_start3A_1086] : memref<1000000x16xf32, #tpu.memory_space<hbm>> -> memref<1000000x16xf32, #tpu.memory_space<hbm>>
    tpu.enqueue_indirect_dma source(%dma_start3A_1087 : memref<1000000x16xf32, #tpu.memory_space<hbm>>) target(%dma_start3A_1082 : memref<128x16xf32, #tpu.memory_space<vmem>>) offsets(%dma_start3A_1084 : memref<128xi32, #tpu.memory_space<vmem>>) semaphore(%arg23 : memref<!tpu.dma_semaphore, #tpu.memory_space<semaphore_mem>>)
    %dma_start3A_1088 = arith.constant 2944 : i32
    %dma_start3A_1089 = tpu.memref_slice %arg19[%dma_start3A_1088] : memref<3328xf32, #tpu.memory_space<vmem>> -> memref<128xf32, #tpu.memory_space<vmem>>
    %dma_start3A_1090 = arith.constant 2944 : i32
    %dma_start3A_1091 = tpu.memref_slice %arg17[%dma_start3A_1090] : memref<3328xi32, #tpu.memory_space<vmem>> -> memref<128xi32, #tpu.memory_space<vmem>>
    %dma_start3A_1092 = arith.constant 0 : i32
    %dma_start3A_1093 = tpu.memref_slice %arg5[%dma_start3A_1092] : memref<1000000xf32, #tpu.memory_space<hbm>> -> memref<1000000xf32, #tpu.memory_space<hbm>>
    tpu.enqueue_indirect_dma source(%dma_start3A_1093 : memref<1000000xf32, #tpu.memory_space<hbm>>) target(%dma_start3A_1089 : memref<128xf32, #tpu.memory_space<vmem>>) offsets(%dma_start3A_1091 : memref<128xi32, #tpu.memory_space<vmem>>) semaphore(%arg24 : memref<!tpu.dma_semaphore, #tpu.memory_space<semaphore_mem>>)
    %dma_start3A_1094 = arith.constant 3072 : i32
    %dma_start3A_1095 = arith.constant 0 : i32
    %dma_start3A_1096 = tpu.memref_slice %arg18[%dma_start3A_1094, %dma_start3A_1095] : memref<3328x16xf32, #tpu.memory_space<vmem>> -> memref<128x16xf32, #tpu.memory_space<vmem>>
    %dma_start3A_1097 = arith.constant 3072 : i32
    %dma_start3A_1098 = tpu.memref_slice %arg16[%dma_start3A_1097] : memref<3328xi32, #tpu.memory_space<vmem>> -> memref<128xi32, #tpu.memory_space<vmem>>
    %dma_start3A_1099 = arith.constant 0 : i32
    %dma_start3A_1100 = arith.constant 0 : i32
    %dma_start3A_1101 = tpu.memref_slice %arg3[%dma_start3A_1099, %dma_start3A_1100] : memref<1000000x16xf32, #tpu.memory_space<hbm>> -> memref<1000000x16xf32, #tpu.memory_space<hbm>>
    tpu.enqueue_indirect_dma source(%dma_start3A_1101 : memref<1000000x16xf32, #tpu.memory_space<hbm>>) target(%dma_start3A_1096 : memref<128x16xf32, #tpu.memory_space<vmem>>) offsets(%dma_start3A_1098 : memref<128xi32, #tpu.memory_space<vmem>>) semaphore(%arg23 : memref<!tpu.dma_semaphore, #tpu.memory_space<semaphore_mem>>)
    %dma_start3A_1102 = arith.constant 3072 : i32
    %dma_start3A_1103 = tpu.memref_slice %arg19[%dma_start3A_1102] : memref<3328xf32, #tpu.memory_space<vmem>> -> memref<128xf32, #tpu.memory_space<vmem>>
    %dma_start3A_1104 = arith.constant 3072 : i32
    %dma_start3A_1105 = tpu.memref_slice %arg17[%dma_start3A_1104] : memref<3328xi32, #tpu.memory_space<vmem>> -> memref<128xi32, #tpu.memory_space<vmem>>
    %dma_start3A_1106 = arith.constant 0 : i32
    %dma_start3A_1107 = tpu.memref_slice %arg5[%dma_start3A_1106] : memref<1000000xf32, #tpu.memory_space<hbm>> -> memref<1000000xf32, #tpu.memory_space<hbm>>
    tpu.enqueue_indirect_dma source(%dma_start3A_1107 : memref<1000000xf32, #tpu.memory_space<hbm>>) target(%dma_start3A_1103 : memref<128xf32, #tpu.memory_space<vmem>>) offsets(%dma_start3A_1105 : memref<128xi32, #tpu.memory_space<vmem>>) semaphore(%arg24 : memref<!tpu.dma_semaphore, #tpu.memory_space<semaphore_mem>>)
    %dma_start3A_1108 = arith.constant 3200 : i32
    %dma_start3A_1109 = arith.constant 0 : i32
    %dma_start3A_1110 = tpu.memref_slice %arg18[%dma_start3A_1108, %dma_start3A_1109] : memref<3328x16xf32, #tpu.memory_space<vmem>> -> memref<128x16xf32, #tpu.memory_space<vmem>>
    %dma_start3A_1111 = arith.constant 3200 : i32
    %dma_start3A_1112 = tpu.memref_slice %arg16[%dma_start3A_1111] : memref<3328xi32, #tpu.memory_space<vmem>> -> memref<128xi32, #tpu.memory_space<vmem>>
    %dma_start3A_1113 = arith.constant 0 : i32
    %dma_start3A_1114 = arith.constant 0 : i32
    %dma_start3A_1115 = tpu.memref_slice %arg3[%dma_start3A_1113, %dma_start3A_1114] : memref<1000000x16xf32, #tpu.memory_space<hbm>> -> memref<1000000x16xf32, #tpu.memory_space<hbm>>
    tpu.enqueue_indirect_dma source(%dma_start3A_1115 : memref<1000000x16xf32, #tpu.memory_space<hbm>>) target(%dma_start3A_1110 : memref<128x16xf32, #tpu.memory_space<vmem>>) offsets(%dma_start3A_1112 : memref<128xi32, #tpu.memory_space<vmem>>) semaphore(%arg23 : memref<!tpu.dma_semaphore, #tpu.memory_space<semaphore_mem>>)
    %dma_start3A_1116 = arith.constant 3200 : i32
    %dma_start3A_1117 = tpu.memref_slice %arg19[%dma_start3A_1116] : memref<3328xf32, #tpu.memory_space<vmem>> -> memref<128xf32, #tpu.memory_space<vmem>>
    %dma_start3A_1118 = arith.constant 3200 : i32
    %dma_start3A_1119 = tpu.memref_slice %arg17[%dma_start3A_1118] : memref<3328xi32, #tpu.memory_space<vmem>> -> memref<128xi32, #tpu.memory_space<vmem>>
    %dma_start3A_1120 = arith.constant 0 : i32
    %dma_start3A_1121 = tpu.memref_slice %arg5[%dma_start3A_1120] : memref<1000000xf32, #tpu.memory_space<hbm>> -> memref<1000000xf32, #tpu.memory_space<hbm>>
    tpu.enqueue_indirect_dma source(%dma_start3A_1121 : memref<1000000xf32, #tpu.memory_space<hbm>>) target(%dma_start3A_1117 : memref<128xf32, #tpu.memory_space<vmem>>) offsets(%dma_start3A_1119 : memref<128xi32, #tpu.memory_space<vmem>>) semaphore(%arg24 : memref<!tpu.dma_semaphore, #tpu.memory_space<semaphore_mem>>)
    %dma_wait3A_1122 = arith.constant 0 : i32
    %dma_wait3A_1123 = arith.constant 0 : i32
    %dma_wait3A_1124 = tpu.memref_slice %arg18[%dma_wait3A_1122, %dma_wait3A_1123] : memref<3328x16xf32, #tpu.memory_space<vmem>> -> memref<128x16xf32, #tpu.memory_space<vmem>>
    %dma_wait3A_1125 = arith.constant 0 : i32
    %dma_wait3A_1126 = tpu.memref_slice %arg16[%dma_wait3A_1125] : memref<3328xi32, #tpu.memory_space<vmem>> -> memref<128xi32, #tpu.memory_space<vmem>>
    %dma_wait3A_1127 = arith.constant 0 : i32
    %dma_wait3A_1128 = arith.constant 0 : i32
    %dma_wait3A_1129 = tpu.memref_slice %arg3[%dma_wait3A_1127, %dma_wait3A_1128] : memref<1000000x16xf32, #tpu.memory_space<hbm>> -> memref<1000000x16xf32, #tpu.memory_space<hbm>>
    tpu.wait_indirect_dma semaphore(%arg23 : memref<!tpu.dma_semaphore, #tpu.memory_space<semaphore_mem>>) src(%dma_wait3A_1129 : memref<1000000x16xf32, #tpu.memory_space<hbm>>) dst(%dma_wait3A_1124 : memref<128x16xf32, #tpu.memory_space<vmem>>)
    %dma_wait3A_1130 = arith.constant 0 : i32
    %dma_wait3A_1131 = tpu.memref_slice %arg19[%dma_wait3A_1130] : memref<3328xf32, #tpu.memory_space<vmem>> -> memref<128xf32, #tpu.memory_space<vmem>>
    %dma_wait3A_1132 = arith.constant 0 : i32
    %dma_wait3A_1133 = tpu.memref_slice %arg17[%dma_wait3A_1132] : memref<3328xi32, #tpu.memory_space<vmem>> -> memref<128xi32, #tpu.memory_space<vmem>>
    %dma_wait3A_1134 = arith.constant 0 : i32
    %dma_wait3A_1135 = tpu.memref_slice %arg5[%dma_wait3A_1134] : memref<1000000xf32, #tpu.memory_space<hbm>> -> memref<1000000xf32, #tpu.memory_space<hbm>>
    tpu.wait_indirect_dma semaphore(%arg24 : memref<!tpu.dma_semaphore, #tpu.memory_space<semaphore_mem>>) src(%dma_wait3A_1135 : memref<1000000xf32, #tpu.memory_space<hbm>>) dst(%dma_wait3A_1131 : memref<128xf32, #tpu.memory_space<vmem>>)
    %dma_wait3A_1136 = arith.constant 128 : i32
    %dma_wait3A_1137 = arith.constant 0 : i32
    %dma_wait3A_1138 = tpu.memref_slice %arg18[%dma_wait3A_1136, %dma_wait3A_1137] : memref<3328x16xf32, #tpu.memory_space<vmem>> -> memref<128x16xf32, #tpu.memory_space<vmem>>
    %dma_wait3A_1139 = arith.constant 128 : i32
    %dma_wait3A_1140 = tpu.memref_slice %arg16[%dma_wait3A_1139] : memref<3328xi32, #tpu.memory_space<vmem>> -> memref<128xi32, #tpu.memory_space<vmem>>
    %dma_wait3A_1141 = arith.constant 0 : i32
    %dma_wait3A_1142 = arith.constant 0 : i32
    %dma_wait3A_1143 = tpu.memref_slice %arg3[%dma_wait3A_1141, %dma_wait3A_1142] : memref<1000000x16xf32, #tpu.memory_space<hbm>> -> memref<1000000x16xf32, #tpu.memory_space<hbm>>
    tpu.wait_indirect_dma semaphore(%arg23 : memref<!tpu.dma_semaphore, #tpu.memory_space<semaphore_mem>>) src(%dma_wait3A_1143 : memref<1000000x16xf32, #tpu.memory_space<hbm>>) dst(%dma_wait3A_1138 : memref<128x16xf32, #tpu.memory_space<vmem>>)
    %dma_wait3A_1144 = arith.constant 128 : i32
    %dma_wait3A_1145 = tpu.memref_slice %arg19[%dma_wait3A_1144] : memref<3328xf32, #tpu.memory_space<vmem>> -> memref<128xf32, #tpu.memory_space<vmem>>
    %dma_wait3A_1146 = arith.constant 128 : i32
    %dma_wait3A_1147 = tpu.memref_slice %arg17[%dma_wait3A_1146] : memref<3328xi32, #tpu.memory_space<vmem>> -> memref<128xi32, #tpu.memory_space<vmem>>
    %dma_wait3A_1148 = arith.constant 0 : i32
    %dma_wait3A_1149 = tpu.memref_slice %arg5[%dma_wait3A_1148] : memref<1000000xf32, #tpu.memory_space<hbm>> -> memref<1000000xf32, #tpu.memory_space<hbm>>
    tpu.wait_indirect_dma semaphore(%arg24 : memref<!tpu.dma_semaphore, #tpu.memory_space<semaphore_mem>>) src(%dma_wait3A_1149 : memref<1000000xf32, #tpu.memory_space<hbm>>) dst(%dma_wait3A_1145 : memref<128xf32, #tpu.memory_space<vmem>>)
    %dma_wait3A_1150 = arith.constant 256 : i32
    %dma_wait3A_1151 = arith.constant 0 : i32
    %dma_wait3A_1152 = tpu.memref_slice %arg18[%dma_wait3A_1150, %dma_wait3A_1151] : memref<3328x16xf32, #tpu.memory_space<vmem>> -> memref<128x16xf32, #tpu.memory_space<vmem>>
    %dma_wait3A_1153 = arith.constant 256 : i32
    %dma_wait3A_1154 = tpu.memref_slice %arg16[%dma_wait3A_1153] : memref<3328xi32, #tpu.memory_space<vmem>> -> memref<128xi32, #tpu.memory_space<vmem>>
    %dma_wait3A_1155 = arith.constant 0 : i32
    %dma_wait3A_1156 = arith.constant 0 : i32
    %dma_wait3A_1157 = tpu.memref_slice %arg3[%dma_wait3A_1155, %dma_wait3A_1156] : memref<1000000x16xf32, #tpu.memory_space<hbm>> -> memref<1000000x16xf32, #tpu.memory_space<hbm>>
    tpu.wait_indirect_dma semaphore(%arg23 : memref<!tpu.dma_semaphore, #tpu.memory_space<semaphore_mem>>) src(%dma_wait3A_1157 : memref<1000000x16xf32, #tpu.memory_space<hbm>>) dst(%dma_wait3A_1152 : memref<128x16xf32, #tpu.memory_space<vmem>>)
    %dma_wait3A_1158 = arith.constant 256 : i32
    %dma_wait3A_1159 = tpu.memref_slice %arg19[%dma_wait3A_1158] : memref<3328xf32, #tpu.memory_space<vmem>> -> memref<128xf32, #tpu.memory_space<vmem>>
    %dma_wait3A_1160 = arith.constant 256 : i32
    %dma_wait3A_1161 = tpu.memref_slice %arg17[%dma_wait3A_1160] : memref<3328xi32, #tpu.memory_space<vmem>> -> memref<128xi32, #tpu.memory_space<vmem>>
    %dma_wait3A_1162 = arith.constant 0 : i32
    %dma_wait3A_1163 = tpu.memref_slice %arg5[%dma_wait3A_1162] : memref<1000000xf32, #tpu.memory_space<hbm>> -> memref<1000000xf32, #tpu.memory_space<hbm>>
    tpu.wait_indirect_dma semaphore(%arg24 : memref<!tpu.dma_semaphore, #tpu.memory_space<semaphore_mem>>) src(%dma_wait3A_1163 : memref<1000000xf32, #tpu.memory_space<hbm>>) dst(%dma_wait3A_1159 : memref<128xf32, #tpu.memory_space<vmem>>)
    %dma_wait3A_1164 = arith.constant 384 : i32
    %dma_wait3A_1165 = arith.constant 0 : i32
    %dma_wait3A_1166 = tpu.memref_slice %arg18[%dma_wait3A_1164, %dma_wait3A_1165] : memref<3328x16xf32, #tpu.memory_space<vmem>> -> memref<128x16xf32, #tpu.memory_space<vmem>>
    %dma_wait3A_1167 = arith.constant 384 : i32
    %dma_wait3A_1168 = tpu.memref_slice %arg16[%dma_wait3A_1167] : memref<3328xi32, #tpu.memory_space<vmem>> -> memref<128xi32, #tpu.memory_space<vmem>>
    %dma_wait3A_1169 = arith.constant 0 : i32
    %dma_wait3A_1170 = arith.constant 0 : i32
    %dma_wait3A_1171 = tpu.memref_slice %arg3[%dma_wait3A_1169, %dma_wait3A_1170] : memref<1000000x16xf32, #tpu.memory_space<hbm>> -> memref<1000000x16xf32, #tpu.memory_space<hbm>>
    tpu.wait_indirect_dma semaphore(%arg23 : memref<!tpu.dma_semaphore, #tpu.memory_space<semaphore_mem>>) src(%dma_wait3A_1171 : memref<1000000x16xf32, #tpu.memory_space<hbm>>) dst(%dma_wait3A_1166 : memref<128x16xf32, #tpu.memory_space<vmem>>)
    %dma_wait3A_1172 = arith.constant 384 : i32
    %dma_wait3A_1173 = tpu.memref_slice %arg19[%dma_wait3A_1172] : memref<3328xf32, #tpu.memory_space<vmem>> -> memref<128xf32, #tpu.memory_space<vmem>>
    %dma_wait3A_1174 = arith.constant 384 : i32
    %dma_wait3A_1175 = tpu.memref_slice %arg17[%dma_wait3A_1174] : memref<3328xi32, #tpu.memory_space<vmem>> -> memref<128xi32, #tpu.memory_space<vmem>>
    %dma_wait3A_1176 = arith.constant 0 : i32
    %dma_wait3A_1177 = tpu.memref_slice %arg5[%dma_wait3A_1176] : memref<1000000xf32, #tpu.memory_space<hbm>> -> memref<1000000xf32, #tpu.memory_space<hbm>>
    tpu.wait_indirect_dma semaphore(%arg24 : memref<!tpu.dma_semaphore, #tpu.memory_space<semaphore_mem>>) src(%dma_wait3A_1177 : memref<1000000xf32, #tpu.memory_space<hbm>>) dst(%dma_wait3A_1173 : memref<128xf32, #tpu.memory_space<vmem>>)
    %dma_wait3A_1178 = arith.constant 512 : i32
    %dma_wait3A_1179 = arith.constant 0 : i32
    %dma_wait3A_1180 = tpu.memref_slice %arg18[%dma_wait3A_1178, %dma_wait3A_1179] : memref<3328x16xf32, #tpu.memory_space<vmem>> -> memref<128x16xf32, #tpu.memory_space<vmem>>
    %dma_wait3A_1181 = arith.constant 512 : i32
    %dma_wait3A_1182 = tpu.memref_slice %arg16[%dma_wait3A_1181] : memref<3328xi32, #tpu.memory_space<vmem>> -> memref<128xi32, #tpu.memory_space<vmem>>
    %dma_wait3A_1183 = arith.constant 0 : i32
    %dma_wait3A_1184 = arith.constant 0 : i32
    %dma_wait3A_1185 = tpu.memref_slice %arg3[%dma_wait3A_1183, %dma_wait3A_1184] : memref<1000000x16xf32, #tpu.memory_space<hbm>> -> memref<1000000x16xf32, #tpu.memory_space<hbm>>
    tpu.wait_indirect_dma semaphore(%arg23 : memref<!tpu.dma_semaphore, #tpu.memory_space<semaphore_mem>>) src(%dma_wait3A_1185 : memref<1000000x16xf32, #tpu.memory_space<hbm>>) dst(%dma_wait3A_1180 : memref<128x16xf32, #tpu.memory_space<vmem>>)
    %dma_wait3A_1186 = arith.constant 512 : i32
    %dma_wait3A_1187 = tpu.memref_slice %arg19[%dma_wait3A_1186] : memref<3328xf32, #tpu.memory_space<vmem>> -> memref<128xf32, #tpu.memory_space<vmem>>
    %dma_wait3A_1188 = arith.constant 512 : i32
    %dma_wait3A_1189 = tpu.memref_slice %arg17[%dma_wait3A_1188] : memref<3328xi32, #tpu.memory_space<vmem>> -> memref<128xi32, #tpu.memory_space<vmem>>
    %dma_wait3A_1190 = arith.constant 0 : i32
    %dma_wait3A_1191 = tpu.memref_slice %arg5[%dma_wait3A_1190] : memref<1000000xf32, #tpu.memory_space<hbm>> -> memref<1000000xf32, #tpu.memory_space<hbm>>
    tpu.wait_indirect_dma semaphore(%arg24 : memref<!tpu.dma_semaphore, #tpu.memory_space<semaphore_mem>>) src(%dma_wait3A_1191 : memref<1000000xf32, #tpu.memory_space<hbm>>) dst(%dma_wait3A_1187 : memref<128xf32, #tpu.memory_space<vmem>>)
    %dma_wait3A_1192 = arith.constant 640 : i32
    %dma_wait3A_1193 = arith.constant 0 : i32
    %dma_wait3A_1194 = tpu.memref_slice %arg18[%dma_wait3A_1192, %dma_wait3A_1193] : memref<3328x16xf32, #tpu.memory_space<vmem>> -> memref<128x16xf32, #tpu.memory_space<vmem>>
    %dma_wait3A_1195 = arith.constant 640 : i32
    %dma_wait3A_1196 = tpu.memref_slice %arg16[%dma_wait3A_1195] : memref<3328xi32, #tpu.memory_space<vmem>> -> memref<128xi32, #tpu.memory_space<vmem>>
    %dma_wait3A_1197 = arith.constant 0 : i32
    %dma_wait3A_1198 = arith.constant 0 : i32
    %dma_wait3A_1199 = tpu.memref_slice %arg3[%dma_wait3A_1197, %dma_wait3A_1198] : memref<1000000x16xf32, #tpu.memory_space<hbm>> -> memref<1000000x16xf32, #tpu.memory_space<hbm>>
    tpu.wait_indirect_dma semaphore(%arg23 : memref<!tpu.dma_semaphore, #tpu.memory_space<semaphore_mem>>) src(%dma_wait3A_1199 : memref<1000000x16xf32, #tpu.memory_space<hbm>>) dst(%dma_wait3A_1194 : memref<128x16xf32, #tpu.memory_space<vmem>>)
    %dma_wait3A_1200 = arith.constant 640 : i32
    %dma_wait3A_1201 = tpu.memref_slice %arg19[%dma_wait3A_1200] : memref<3328xf32, #tpu.memory_space<vmem>> -> memref<128xf32, #tpu.memory_space<vmem>>
    %dma_wait3A_1202 = arith.constant 640 : i32
    %dma_wait3A_1203 = tpu.memref_slice %arg17[%dma_wait3A_1202] : memref<3328xi32, #tpu.memory_space<vmem>> -> memref<128xi32, #tpu.memory_space<vmem>>
    %dma_wait3A_1204 = arith.constant 0 : i32
    %dma_wait3A_1205 = tpu.memref_slice %arg5[%dma_wait3A_1204] : memref<1000000xf32, #tpu.memory_space<hbm>> -> memref<1000000xf32, #tpu.memory_space<hbm>>
    tpu.wait_indirect_dma semaphore(%arg24 : memref<!tpu.dma_semaphore, #tpu.memory_space<semaphore_mem>>) src(%dma_wait3A_1205 : memref<1000000xf32, #tpu.memory_space<hbm>>) dst(%dma_wait3A_1201 : memref<128xf32, #tpu.memory_space<vmem>>)
    %dma_wait3A_1206 = arith.constant 768 : i32
    %dma_wait3A_1207 = arith.constant 0 : i32
    %dma_wait3A_1208 = tpu.memref_slice %arg18[%dma_wait3A_1206, %dma_wait3A_1207] : memref<3328x16xf32, #tpu.memory_space<vmem>> -> memref<128x16xf32, #tpu.memory_space<vmem>>
    %dma_wait3A_1209 = arith.constant 768 : i32
    %dma_wait3A_1210 = tpu.memref_slice %arg16[%dma_wait3A_1209] : memref<3328xi32, #tpu.memory_space<vmem>> -> memref<128xi32, #tpu.memory_space<vmem>>
    %dma_wait3A_1211 = arith.constant 0 : i32
    %dma_wait3A_1212 = arith.constant 0 : i32
    %dma_wait3A_1213 = tpu.memref_slice %arg3[%dma_wait3A_1211, %dma_wait3A_1212] : memref<1000000x16xf32, #tpu.memory_space<hbm>> -> memref<1000000x16xf32, #tpu.memory_space<hbm>>
    tpu.wait_indirect_dma semaphore(%arg23 : memref<!tpu.dma_semaphore, #tpu.memory_space<semaphore_mem>>) src(%dma_wait3A_1213 : memref<1000000x16xf32, #tpu.memory_space<hbm>>) dst(%dma_wait3A_1208 : memref<128x16xf32, #tpu.memory_space<vmem>>)
    %dma_wait3A_1214 = arith.constant 768 : i32
    %dma_wait3A_1215 = tpu.memref_slice %arg19[%dma_wait3A_1214] : memref<3328xf32, #tpu.memory_space<vmem>> -> memref<128xf32, #tpu.memory_space<vmem>>
    %dma_wait3A_1216 = arith.constant 768 : i32
    %dma_wait3A_1217 = tpu.memref_slice %arg17[%dma_wait3A_1216] : memref<3328xi32, #tpu.memory_space<vmem>> -> memref<128xi32, #tpu.memory_space<vmem>>
    %dma_wait3A_1218 = arith.constant 0 : i32
    %dma_wait3A_1219 = tpu.memref_slice %arg5[%dma_wait3A_1218] : memref<1000000xf32, #tpu.memory_space<hbm>> -> memref<1000000xf32, #tpu.memory_space<hbm>>
    tpu.wait_indirect_dma semaphore(%arg24 : memref<!tpu.dma_semaphore, #tpu.memory_space<semaphore_mem>>) src(%dma_wait3A_1219 : memref<1000000xf32, #tpu.memory_space<hbm>>) dst(%dma_wait3A_1215 : memref<128xf32, #tpu.memory_space<vmem>>)
    %dma_wait3A_1220 = arith.constant 896 : i32
    %dma_wait3A_1221 = arith.constant 0 : i32
    %dma_wait3A_1222 = tpu.memref_slice %arg18[%dma_wait3A_1220, %dma_wait3A_1221] : memref<3328x16xf32, #tpu.memory_space<vmem>> -> memref<128x16xf32, #tpu.memory_space<vmem>>
    %dma_wait3A_1223 = arith.constant 896 : i32
    %dma_wait3A_1224 = tpu.memref_slice %arg16[%dma_wait3A_1223] : memref<3328xi32, #tpu.memory_space<vmem>> -> memref<128xi32, #tpu.memory_space<vmem>>
    %dma_wait3A_1225 = arith.constant 0 : i32
    %dma_wait3A_1226 = arith.constant 0 : i32
    %dma_wait3A_1227 = tpu.memref_slice %arg3[%dma_wait3A_1225, %dma_wait3A_1226] : memref<1000000x16xf32, #tpu.memory_space<hbm>> -> memref<1000000x16xf32, #tpu.memory_space<hbm>>
    tpu.wait_indirect_dma semaphore(%arg23 : memref<!tpu.dma_semaphore, #tpu.memory_space<semaphore_mem>>) src(%dma_wait3A_1227 : memref<1000000x16xf32, #tpu.memory_space<hbm>>) dst(%dma_wait3A_1222 : memref<128x16xf32, #tpu.memory_space<vmem>>)
    %dma_wait3A_1228 = arith.constant 896 : i32
    %dma_wait3A_1229 = tpu.memref_slice %arg19[%dma_wait3A_1228] : memref<3328xf32, #tpu.memory_space<vmem>> -> memref<128xf32, #tpu.memory_space<vmem>>
    %dma_wait3A_1230 = arith.constant 896 : i32
    %dma_wait3A_1231 = tpu.memref_slice %arg17[%dma_wait3A_1230] : memref<3328xi32, #tpu.memory_space<vmem>> -> memref<128xi32, #tpu.memory_space<vmem>>
    %dma_wait3A_1232 = arith.constant 0 : i32
    %dma_wait3A_1233 = tpu.memref_slice %arg5[%dma_wait3A_1232] : memref<1000000xf32, #tpu.memory_space<hbm>> -> memref<1000000xf32, #tpu.memory_space<hbm>>
    tpu.wait_indirect_dma semaphore(%arg24 : memref<!tpu.dma_semaphore, #tpu.memory_space<semaphore_mem>>) src(%dma_wait3A_1233 : memref<1000000xf32, #tpu.memory_space<hbm>>) dst(%dma_wait3A_1229 : memref<128xf32, #tpu.memory_space<vmem>>)
    %dma_wait3A_1234 = arith.constant 1024 : i32
    %dma_wait3A_1235 = arith.constant 0 : i32
    %dma_wait3A_1236 = tpu.memref_slice %arg18[%dma_wait3A_1234, %dma_wait3A_1235] : memref<3328x16xf32, #tpu.memory_space<vmem>> -> memref<128x16xf32, #tpu.memory_space<vmem>>
    %dma_wait3A_1237 = arith.constant 1024 : i32
    %dma_wait3A_1238 = tpu.memref_slice %arg16[%dma_wait3A_1237] : memref<3328xi32, #tpu.memory_space<vmem>> -> memref<128xi32, #tpu.memory_space<vmem>>
    %dma_wait3A_1239 = arith.constant 0 : i32
    %dma_wait3A_1240 = arith.constant 0 : i32
    %dma_wait3A_1241 = tpu.memref_slice %arg3[%dma_wait3A_1239, %dma_wait3A_1240] : memref<1000000x16xf32, #tpu.memory_space<hbm>> -> memref<1000000x16xf32, #tpu.memory_space<hbm>>
    tpu.wait_indirect_dma semaphore(%arg23 : memref<!tpu.dma_semaphore, #tpu.memory_space<semaphore_mem>>) src(%dma_wait3A_1241 : memref<1000000x16xf32, #tpu.memory_space<hbm>>) dst(%dma_wait3A_1236 : memref<128x16xf32, #tpu.memory_space<vmem>>)
    %dma_wait3A_1242 = arith.constant 1024 : i32
    %dma_wait3A_1243 = tpu.memref_slice %arg19[%dma_wait3A_1242] : memref<3328xf32, #tpu.memory_space<vmem>> -> memref<128xf32, #tpu.memory_space<vmem>>
    %dma_wait3A_1244 = arith.constant 1024 : i32
    %dma_wait3A_1245 = tpu.memref_slice %arg17[%dma_wait3A_1244] : memref<3328xi32, #tpu.memory_space<vmem>> -> memref<128xi32, #tpu.memory_space<vmem>>
    %dma_wait3A_1246 = arith.constant 0 : i32
    %dma_wait3A_1247 = tpu.memref_slice %arg5[%dma_wait3A_1246] : memref<1000000xf32, #tpu.memory_space<hbm>> -> memref<1000000xf32, #tpu.memory_space<hbm>>
    tpu.wait_indirect_dma semaphore(%arg24 : memref<!tpu.dma_semaphore, #tpu.memory_space<semaphore_mem>>) src(%dma_wait3A_1247 : memref<1000000xf32, #tpu.memory_space<hbm>>) dst(%dma_wait3A_1243 : memref<128xf32, #tpu.memory_space<vmem>>)
    %dma_wait3A_1248 = arith.constant 1152 : i32
    %dma_wait3A_1249 = arith.constant 0 : i32
    %dma_wait3A_1250 = tpu.memref_slice %arg18[%dma_wait3A_1248, %dma_wait3A_1249] : memref<3328x16xf32, #tpu.memory_space<vmem>> -> memref<128x16xf32, #tpu.memory_space<vmem>>
    %dma_wait3A_1251 = arith.constant 1152 : i32
    %dma_wait3A_1252 = tpu.memref_slice %arg16[%dma_wait3A_1251] : memref<3328xi32, #tpu.memory_space<vmem>> -> memref<128xi32, #tpu.memory_space<vmem>>
    %dma_wait3A_1253 = arith.constant 0 : i32
    %dma_wait3A_1254 = arith.constant 0 : i32
    %dma_wait3A_1255 = tpu.memref_slice %arg3[%dma_wait3A_1253, %dma_wait3A_1254] : memref<1000000x16xf32, #tpu.memory_space<hbm>> -> memref<1000000x16xf32, #tpu.memory_space<hbm>>
    tpu.wait_indirect_dma semaphore(%arg23 : memref<!tpu.dma_semaphore, #tpu.memory_space<semaphore_mem>>) src(%dma_wait3A_1255 : memref<1000000x16xf32, #tpu.memory_space<hbm>>) dst(%dma_wait3A_1250 : memref<128x16xf32, #tpu.memory_space<vmem>>)
    %dma_wait3A_1256 = arith.constant 1152 : i32
    %dma_wait3A_1257 = tpu.memref_slice %arg19[%dma_wait3A_1256] : memref<3328xf32, #tpu.memory_space<vmem>> -> memref<128xf32, #tpu.memory_space<vmem>>
    %dma_wait3A_1258 = arith.constant 1152 : i32
    %dma_wait3A_1259 = tpu.memref_slice %arg17[%dma_wait3A_1258] : memref<3328xi32, #tpu.memory_space<vmem>> -> memref<128xi32, #tpu.memory_space<vmem>>
    %dma_wait3A_1260 = arith.constant 0 : i32
    %dma_wait3A_1261 = tpu.memref_slice %arg5[%dma_wait3A_1260] : memref<1000000xf32, #tpu.memory_space<hbm>> -> memref<1000000xf32, #tpu.memory_space<hbm>>
    tpu.wait_indirect_dma semaphore(%arg24 : memref<!tpu.dma_semaphore, #tpu.memory_space<semaphore_mem>>) src(%dma_wait3A_1261 : memref<1000000xf32, #tpu.memory_space<hbm>>) dst(%dma_wait3A_1257 : memref<128xf32, #tpu.memory_space<vmem>>)
    %dma_wait3A_1262 = arith.constant 1280 : i32
    %dma_wait3A_1263 = arith.constant 0 : i32
    %dma_wait3A_1264 = tpu.memref_slice %arg18[%dma_wait3A_1262, %dma_wait3A_1263] : memref<3328x16xf32, #tpu.memory_space<vmem>> -> memref<128x16xf32, #tpu.memory_space<vmem>>
    %dma_wait3A_1265 = arith.constant 1280 : i32
    %dma_wait3A_1266 = tpu.memref_slice %arg16[%dma_wait3A_1265] : memref<3328xi32, #tpu.memory_space<vmem>> -> memref<128xi32, #tpu.memory_space<vmem>>
    %dma_wait3A_1267 = arith.constant 0 : i32
    %dma_wait3A_1268 = arith.constant 0 : i32
    %dma_wait3A_1269 = tpu.memref_slice %arg3[%dma_wait3A_1267, %dma_wait3A_1268] : memref<1000000x16xf32, #tpu.memory_space<hbm>> -> memref<1000000x16xf32, #tpu.memory_space<hbm>>
    tpu.wait_indirect_dma semaphore(%arg23 : memref<!tpu.dma_semaphore, #tpu.memory_space<semaphore_mem>>) src(%dma_wait3A_1269 : memref<1000000x16xf32, #tpu.memory_space<hbm>>) dst(%dma_wait3A_1264 : memref<128x16xf32, #tpu.memory_space<vmem>>)
    %dma_wait3A_1270 = arith.constant 1280 : i32
    %dma_wait3A_1271 = tpu.memref_slice %arg19[%dma_wait3A_1270] : memref<3328xf32, #tpu.memory_space<vmem>> -> memref<128xf32, #tpu.memory_space<vmem>>
    %dma_wait3A_1272 = arith.constant 1280 : i32
    %dma_wait3A_1273 = tpu.memref_slice %arg17[%dma_wait3A_1272] : memref<3328xi32, #tpu.memory_space<vmem>> -> memref<128xi32, #tpu.memory_space<vmem>>
    %dma_wait3A_1274 = arith.constant 0 : i32
    %dma_wait3A_1275 = tpu.memref_slice %arg5[%dma_wait3A_1274] : memref<1000000xf32, #tpu.memory_space<hbm>> -> memref<1000000xf32, #tpu.memory_space<hbm>>
    tpu.wait_indirect_dma semaphore(%arg24 : memref<!tpu.dma_semaphore, #tpu.memory_space<semaphore_mem>>) src(%dma_wait3A_1275 : memref<1000000xf32, #tpu.memory_space<hbm>>) dst(%dma_wait3A_1271 : memref<128xf32, #tpu.memory_space<vmem>>)
    %dma_wait3A_1276 = arith.constant 1408 : i32
    %dma_wait3A_1277 = arith.constant 0 : i32
    %dma_wait3A_1278 = tpu.memref_slice %arg18[%dma_wait3A_1276, %dma_wait3A_1277] : memref<3328x16xf32, #tpu.memory_space<vmem>> -> memref<128x16xf32, #tpu.memory_space<vmem>>
    %dma_wait3A_1279 = arith.constant 1408 : i32
    %dma_wait3A_1280 = tpu.memref_slice %arg16[%dma_wait3A_1279] : memref<3328xi32, #tpu.memory_space<vmem>> -> memref<128xi32, #tpu.memory_space<vmem>>
    %dma_wait3A_1281 = arith.constant 0 : i32
    %dma_wait3A_1282 = arith.constant 0 : i32
    %dma_wait3A_1283 = tpu.memref_slice %arg3[%dma_wait3A_1281, %dma_wait3A_1282] : memref<1000000x16xf32, #tpu.memory_space<hbm>> -> memref<1000000x16xf32, #tpu.memory_space<hbm>>
    tpu.wait_indirect_dma semaphore(%arg23 : memref<!tpu.dma_semaphore, #tpu.memory_space<semaphore_mem>>) src(%dma_wait3A_1283 : memref<1000000x16xf32, #tpu.memory_space<hbm>>) dst(%dma_wait3A_1278 : memref<128x16xf32, #tpu.memory_space<vmem>>)
    %dma_wait3A_1284 = arith.constant 1408 : i32
    %dma_wait3A_1285 = tpu.memref_slice %arg19[%dma_wait3A_1284] : memref<3328xf32, #tpu.memory_space<vmem>> -> memref<128xf32, #tpu.memory_space<vmem>>
    %dma_wait3A_1286 = arith.constant 1408 : i32
    %dma_wait3A_1287 = tpu.memref_slice %arg17[%dma_wait3A_1286] : memref<3328xi32, #tpu.memory_space<vmem>> -> memref<128xi32, #tpu.memory_space<vmem>>
    %dma_wait3A_1288 = arith.constant 0 : i32
    %dma_wait3A_1289 = tpu.memref_slice %arg5[%dma_wait3A_1288] : memref<1000000xf32, #tpu.memory_space<hbm>> -> memref<1000000xf32, #tpu.memory_space<hbm>>
    tpu.wait_indirect_dma semaphore(%arg24 : memref<!tpu.dma_semaphore, #tpu.memory_space<semaphore_mem>>) src(%dma_wait3A_1289 : memref<1000000xf32, #tpu.memory_space<hbm>>) dst(%dma_wait3A_1285 : memref<128xf32, #tpu.memory_space<vmem>>)
    %dma_wait3A_1290 = arith.constant 1536 : i32
    %dma_wait3A_1291 = arith.constant 0 : i32
    %dma_wait3A_1292 = tpu.memref_slice %arg18[%dma_wait3A_1290, %dma_wait3A_1291] : memref<3328x16xf32, #tpu.memory_space<vmem>> -> memref<128x16xf32, #tpu.memory_space<vmem>>
    %dma_wait3A_1293 = arith.constant 1536 : i32
    %dma_wait3A_1294 = tpu.memref_slice %arg16[%dma_wait3A_1293] : memref<3328xi32, #tpu.memory_space<vmem>> -> memref<128xi32, #tpu.memory_space<vmem>>
    %dma_wait3A_1295 = arith.constant 0 : i32
    %dma_wait3A_1296 = arith.constant 0 : i32
    %dma_wait3A_1297 = tpu.memref_slice %arg3[%dma_wait3A_1295, %dma_wait3A_1296] : memref<1000000x16xf32, #tpu.memory_space<hbm>> -> memref<1000000x16xf32, #tpu.memory_space<hbm>>
    tpu.wait_indirect_dma semaphore(%arg23 : memref<!tpu.dma_semaphore, #tpu.memory_space<semaphore_mem>>) src(%dma_wait3A_1297 : memref<1000000x16xf32, #tpu.memory_space<hbm>>) dst(%dma_wait3A_1292 : memref<128x16xf32, #tpu.memory_space<vmem>>)
    %dma_wait3A_1298 = arith.constant 1536 : i32
    %dma_wait3A_1299 = tpu.memref_slice %arg19[%dma_wait3A_1298] : memref<3328xf32, #tpu.memory_space<vmem>> -> memref<128xf32, #tpu.memory_space<vmem>>
    %dma_wait3A_1300 = arith.constant 1536 : i32
    %dma_wait3A_1301 = tpu.memref_slice %arg17[%dma_wait3A_1300] : memref<3328xi32, #tpu.memory_space<vmem>> -> memref<128xi32, #tpu.memory_space<vmem>>
    %dma_wait3A_1302 = arith.constant 0 : i32
    %dma_wait3A_1303 = tpu.memref_slice %arg5[%dma_wait3A_1302] : memref<1000000xf32, #tpu.memory_space<hbm>> -> memref<1000000xf32, #tpu.memory_space<hbm>>
    tpu.wait_indirect_dma semaphore(%arg24 : memref<!tpu.dma_semaphore, #tpu.memory_space<semaphore_mem>>) src(%dma_wait3A_1303 : memref<1000000xf32, #tpu.memory_space<hbm>>) dst(%dma_wait3A_1299 : memref<128xf32, #tpu.memory_space<vmem>>)
    %dma_wait3A_1304 = arith.constant 1664 : i32
    %dma_wait3A_1305 = arith.constant 0 : i32
    %dma_wait3A_1306 = tpu.memref_slice %arg18[%dma_wait3A_1304, %dma_wait3A_1305] : memref<3328x16xf32, #tpu.memory_space<vmem>> -> memref<128x16xf32, #tpu.memory_space<vmem>>
    %dma_wait3A_1307 = arith.constant 1664 : i32
    %dma_wait3A_1308 = tpu.memref_slice %arg16[%dma_wait3A_1307] : memref<3328xi32, #tpu.memory_space<vmem>> -> memref<128xi32, #tpu.memory_space<vmem>>
    %dma_wait3A_1309 = arith.constant 0 : i32
    %dma_wait3A_1310 = arith.constant 0 : i32
    %dma_wait3A_1311 = tpu.memref_slice %arg3[%dma_wait3A_1309, %dma_wait3A_1310] : memref<1000000x16xf32, #tpu.memory_space<hbm>> -> memref<1000000x16xf32, #tpu.memory_space<hbm>>
    tpu.wait_indirect_dma semaphore(%arg23 : memref<!tpu.dma_semaphore, #tpu.memory_space<semaphore_mem>>) src(%dma_wait3A_1311 : memref<1000000x16xf32, #tpu.memory_space<hbm>>) dst(%dma_wait3A_1306 : memref<128x16xf32, #tpu.memory_space<vmem>>)
    %dma_wait3A_1312 = arith.constant 1664 : i32
    %dma_wait3A_1313 = tpu.memref_slice %arg19[%dma_wait3A_1312] : memref<3328xf32, #tpu.memory_space<vmem>> -> memref<128xf32, #tpu.memory_space<vmem>>
    %dma_wait3A_1314 = arith.constant 1664 : i32
    %dma_wait3A_1315 = tpu.memref_slice %arg17[%dma_wait3A_1314] : memref<3328xi32, #tpu.memory_space<vmem>> -> memref<128xi32, #tpu.memory_space<vmem>>
    %dma_wait3A_1316 = arith.constant 0 : i32
    %dma_wait3A_1317 = tpu.memref_slice %arg5[%dma_wait3A_1316] : memref<1000000xf32, #tpu.memory_space<hbm>> -> memref<1000000xf32, #tpu.memory_space<hbm>>
    tpu.wait_indirect_dma semaphore(%arg24 : memref<!tpu.dma_semaphore, #tpu.memory_space<semaphore_mem>>) src(%dma_wait3A_1317 : memref<1000000xf32, #tpu.memory_space<hbm>>) dst(%dma_wait3A_1313 : memref<128xf32, #tpu.memory_space<vmem>>)
    %dma_wait3A_1318 = arith.constant 1792 : i32
    %dma_wait3A_1319 = arith.constant 0 : i32
    %dma_wait3A_1320 = tpu.memref_slice %arg18[%dma_wait3A_1318, %dma_wait3A_1319] : memref<3328x16xf32, #tpu.memory_space<vmem>> -> memref<128x16xf32, #tpu.memory_space<vmem>>
    %dma_wait3A_1321 = arith.constant 1792 : i32
    %dma_wait3A_1322 = tpu.memref_slice %arg16[%dma_wait3A_1321] : memref<3328xi32, #tpu.memory_space<vmem>> -> memref<128xi32, #tpu.memory_space<vmem>>
    %dma_wait3A_1323 = arith.constant 0 : i32
    %dma_wait3A_1324 = arith.constant 0 : i32
    %dma_wait3A_1325 = tpu.memref_slice %arg3[%dma_wait3A_1323, %dma_wait3A_1324] : memref<1000000x16xf32, #tpu.memory_space<hbm>> -> memref<1000000x16xf32, #tpu.memory_space<hbm>>
    tpu.wait_indirect_dma semaphore(%arg23 : memref<!tpu.dma_semaphore, #tpu.memory_space<semaphore_mem>>) src(%dma_wait3A_1325 : memref<1000000x16xf32, #tpu.memory_space<hbm>>) dst(%dma_wait3A_1320 : memref<128x16xf32, #tpu.memory_space<vmem>>)
    %dma_wait3A_1326 = arith.constant 1792 : i32
    %dma_wait3A_1327 = tpu.memref_slice %arg19[%dma_wait3A_1326] : memref<3328xf32, #tpu.memory_space<vmem>> -> memref<128xf32, #tpu.memory_space<vmem>>
    %dma_wait3A_1328 = arith.constant 1792 : i32
    %dma_wait3A_1329 = tpu.memref_slice %arg17[%dma_wait3A_1328] : memref<3328xi32, #tpu.memory_space<vmem>> -> memref<128xi32, #tpu.memory_space<vmem>>
    %dma_wait3A_1330 = arith.constant 0 : i32
    %dma_wait3A_1331 = tpu.memref_slice %arg5[%dma_wait3A_1330] : memref<1000000xf32, #tpu.memory_space<hbm>> -> memref<1000000xf32, #tpu.memory_space<hbm>>
    tpu.wait_indirect_dma semaphore(%arg24 : memref<!tpu.dma_semaphore, #tpu.memory_space<semaphore_mem>>) src(%dma_wait3A_1331 : memref<1000000xf32, #tpu.memory_space<hbm>>) dst(%dma_wait3A_1327 : memref<128xf32, #tpu.memory_space<vmem>>)
    %dma_wait3A_1332 = arith.constant 1920 : i32
    %dma_wait3A_1333 = arith.constant 0 : i32
    %dma_wait3A_1334 = tpu.memref_slice %arg18[%dma_wait3A_1332, %dma_wait3A_1333] : memref<3328x16xf32, #tpu.memory_space<vmem>> -> memref<128x16xf32, #tpu.memory_space<vmem>>
    %dma_wait3A_1335 = arith.constant 1920 : i32
    %dma_wait3A_1336 = tpu.memref_slice %arg16[%dma_wait3A_1335] : memref<3328xi32, #tpu.memory_space<vmem>> -> memref<128xi32, #tpu.memory_space<vmem>>
    %dma_wait3A_1337 = arith.constant 0 : i32
    %dma_wait3A_1338 = arith.constant 0 : i32
    %dma_wait3A_1339 = tpu.memref_slice %arg3[%dma_wait3A_1337, %dma_wait3A_1338] : memref<1000000x16xf32, #tpu.memory_space<hbm>> -> memref<1000000x16xf32, #tpu.memory_space<hbm>>
    tpu.wait_indirect_dma semaphore(%arg23 : memref<!tpu.dma_semaphore, #tpu.memory_space<semaphore_mem>>) src(%dma_wait3A_1339 : memref<1000000x16xf32, #tpu.memory_space<hbm>>) dst(%dma_wait3A_1334 : memref<128x16xf32, #tpu.memory_space<vmem>>)
    %dma_wait3A_1340 = arith.constant 1920 : i32
    %dma_wait3A_1341 = tpu.memref_slice %arg19[%dma_wait3A_1340] : memref<3328xf32, #tpu.memory_space<vmem>> -> memref<128xf32, #tpu.memory_space<vmem>>
    %dma_wait3A_1342 = arith.constant 1920 : i32
    %dma_wait3A_1343 = tpu.memref_slice %arg17[%dma_wait3A_1342] : memref<3328xi32, #tpu.memory_space<vmem>> -> memref<128xi32, #tpu.memory_space<vmem>>
    %dma_wait3A_1344 = arith.constant 0 : i32
    %dma_wait3A_1345 = tpu.memref_slice %arg5[%dma_wait3A_1344] : memref<1000000xf32, #tpu.memory_space<hbm>> -> memref<1000000xf32, #tpu.memory_space<hbm>>
    tpu.wait_indirect_dma semaphore(%arg24 : memref<!tpu.dma_semaphore, #tpu.memory_space<semaphore_mem>>) src(%dma_wait3A_1345 : memref<1000000xf32, #tpu.memory_space<hbm>>) dst(%dma_wait3A_1341 : memref<128xf32, #tpu.memory_space<vmem>>)
    %dma_wait3A_1346 = arith.constant 2048 : i32
    %dma_wait3A_1347 = arith.constant 0 : i32
    %dma_wait3A_1348 = tpu.memref_slice %arg18[%dma_wait3A_1346, %dma_wait3A_1347] : memref<3328x16xf32, #tpu.memory_space<vmem>> -> memref<128x16xf32, #tpu.memory_space<vmem>>
    %dma_wait3A_1349 = arith.constant 2048 : i32
    %dma_wait3A_1350 = tpu.memref_slice %arg16[%dma_wait3A_1349] : memref<3328xi32, #tpu.memory_space<vmem>> -> memref<128xi32, #tpu.memory_space<vmem>>
    %dma_wait3A_1351 = arith.constant 0 : i32
    %dma_wait3A_1352 = arith.constant 0 : i32
    %dma_wait3A_1353 = tpu.memref_slice %arg3[%dma_wait3A_1351, %dma_wait3A_1352] : memref<1000000x16xf32, #tpu.memory_space<hbm>> -> memref<1000000x16xf32, #tpu.memory_space<hbm>>
    tpu.wait_indirect_dma semaphore(%arg23 : memref<!tpu.dma_semaphore, #tpu.memory_space<semaphore_mem>>) src(%dma_wait3A_1353 : memref<1000000x16xf32, #tpu.memory_space<hbm>>) dst(%dma_wait3A_1348 : memref<128x16xf32, #tpu.memory_space<vmem>>)
    %dma_wait3A_1354 = arith.constant 2048 : i32
    %dma_wait3A_1355 = tpu.memref_slice %arg19[%dma_wait3A_1354] : memref<3328xf32, #tpu.memory_space<vmem>> -> memref<128xf32, #tpu.memory_space<vmem>>
    %dma_wait3A_1356 = arith.constant 2048 : i32
    %dma_wait3A_1357 = tpu.memref_slice %arg17[%dma_wait3A_1356] : memref<3328xi32, #tpu.memory_space<vmem>> -> memref<128xi32, #tpu.memory_space<vmem>>
    %dma_wait3A_1358 = arith.constant 0 : i32
    %dma_wait3A_1359 = tpu.memref_slice %arg5[%dma_wait3A_1358] : memref<1000000xf32, #tpu.memory_space<hbm>> -> memref<1000000xf32, #tpu.memory_space<hbm>>
    tpu.wait_indirect_dma semaphore(%arg24 : memref<!tpu.dma_semaphore, #tpu.memory_space<semaphore_mem>>) src(%dma_wait3A_1359 : memref<1000000xf32, #tpu.memory_space<hbm>>) dst(%dma_wait3A_1355 : memref<128xf32, #tpu.memory_space<vmem>>)
    %dma_wait3A_1360 = arith.constant 2176 : i32
    %dma_wait3A_1361 = arith.constant 0 : i32
    %dma_wait3A_1362 = tpu.memref_slice %arg18[%dma_wait3A_1360, %dma_wait3A_1361] : memref<3328x16xf32, #tpu.memory_space<vmem>> -> memref<128x16xf32, #tpu.memory_space<vmem>>
    %dma_wait3A_1363 = arith.constant 2176 : i32
    %dma_wait3A_1364 = tpu.memref_slice %arg16[%dma_wait3A_1363] : memref<3328xi32, #tpu.memory_space<vmem>> -> memref<128xi32, #tpu.memory_space<vmem>>
    %dma_wait3A_1365 = arith.constant 0 : i32
    %dma_wait3A_1366 = arith.constant 0 : i32
    %dma_wait3A_1367 = tpu.memref_slice %arg3[%dma_wait3A_1365, %dma_wait3A_1366] : memref<1000000x16xf32, #tpu.memory_space<hbm>> -> memref<1000000x16xf32, #tpu.memory_space<hbm>>
    tpu.wait_indirect_dma semaphore(%arg23 : memref<!tpu.dma_semaphore, #tpu.memory_space<semaphore_mem>>) src(%dma_wait3A_1367 : memref<1000000x16xf32, #tpu.memory_space<hbm>>) dst(%dma_wait3A_1362 : memref<128x16xf32, #tpu.memory_space<vmem>>)
    %dma_wait3A_1368 = arith.constant 2176 : i32
    %dma_wait3A_1369 = tpu.memref_slice %arg19[%dma_wait3A_1368] : memref<3328xf32, #tpu.memory_space<vmem>> -> memref<128xf32, #tpu.memory_space<vmem>>
    %dma_wait3A_1370 = arith.constant 2176 : i32
    %dma_wait3A_1371 = tpu.memref_slice %arg17[%dma_wait3A_1370] : memref<3328xi32, #tpu.memory_space<vmem>> -> memref<128xi32, #tpu.memory_space<vmem>>
    %dma_wait3A_1372 = arith.constant 0 : i32
    %dma_wait3A_1373 = tpu.memref_slice %arg5[%dma_wait3A_1372] : memref<1000000xf32, #tpu.memory_space<hbm>> -> memref<1000000xf32, #tpu.memory_space<hbm>>
    tpu.wait_indirect_dma semaphore(%arg24 : memref<!tpu.dma_semaphore, #tpu.memory_space<semaphore_mem>>) src(%dma_wait3A_1373 : memref<1000000xf32, #tpu.memory_space<hbm>>) dst(%dma_wait3A_1369 : memref<128xf32, #tpu.memory_space<vmem>>)
    %dma_wait3A_1374 = arith.constant 2304 : i32
    %dma_wait3A_1375 = arith.constant 0 : i32
    %dma_wait3A_1376 = tpu.memref_slice %arg18[%dma_wait3A_1374, %dma_wait3A_1375] : memref<3328x16xf32, #tpu.memory_space<vmem>> -> memref<128x16xf32, #tpu.memory_space<vmem>>
    %dma_wait3A_1377 = arith.constant 2304 : i32
    %dma_wait3A_1378 = tpu.memref_slice %arg16[%dma_wait3A_1377] : memref<3328xi32, #tpu.memory_space<vmem>> -> memref<128xi32, #tpu.memory_space<vmem>>
    %dma_wait3A_1379 = arith.constant 0 : i32
    %dma_wait3A_1380 = arith.constant 0 : i32
    %dma_wait3A_1381 = tpu.memref_slice %arg3[%dma_wait3A_1379, %dma_wait3A_1380] : memref<1000000x16xf32, #tpu.memory_space<hbm>> -> memref<1000000x16xf32, #tpu.memory_space<hbm>>
    tpu.wait_indirect_dma semaphore(%arg23 : memref<!tpu.dma_semaphore, #tpu.memory_space<semaphore_mem>>) src(%dma_wait3A_1381 : memref<1000000x16xf32, #tpu.memory_space<hbm>>) dst(%dma_wait3A_1376 : memref<128x16xf32, #tpu.memory_space<vmem>>)
    %dma_wait3A_1382 = arith.constant 2304 : i32
    %dma_wait3A_1383 = tpu.memref_slice %arg19[%dma_wait3A_1382] : memref<3328xf32, #tpu.memory_space<vmem>> -> memref<128xf32, #tpu.memory_space<vmem>>
    %dma_wait3A_1384 = arith.constant 2304 : i32
    %dma_wait3A_1385 = tpu.memref_slice %arg17[%dma_wait3A_1384] : memref<3328xi32, #tpu.memory_space<vmem>> -> memref<128xi32, #tpu.memory_space<vmem>>
    %dma_wait3A_1386 = arith.constant 0 : i32
    %dma_wait3A_1387 = tpu.memref_slice %arg5[%dma_wait3A_1386] : memref<1000000xf32, #tpu.memory_space<hbm>> -> memref<1000000xf32, #tpu.memory_space<hbm>>
    tpu.wait_indirect_dma semaphore(%arg24 : memref<!tpu.dma_semaphore, #tpu.memory_space<semaphore_mem>>) src(%dma_wait3A_1387 : memref<1000000xf32, #tpu.memory_space<hbm>>) dst(%dma_wait3A_1383 : memref<128xf32, #tpu.memory_space<vmem>>)
    %dma_wait3A_1388 = arith.constant 2432 : i32
    %dma_wait3A_1389 = arith.constant 0 : i32
    %dma_wait3A_1390 = tpu.memref_slice %arg18[%dma_wait3A_1388, %dma_wait3A_1389] : memref<3328x16xf32, #tpu.memory_space<vmem>> -> memref<128x16xf32, #tpu.memory_space<vmem>>
    %dma_wait3A_1391 = arith.constant 2432 : i32
    %dma_wait3A_1392 = tpu.memref_slice %arg16[%dma_wait3A_1391] : memref<3328xi32, #tpu.memory_space<vmem>> -> memref<128xi32, #tpu.memory_space<vmem>>
    %dma_wait3A_1393 = arith.constant 0 : i32
    %dma_wait3A_1394 = arith.constant 0 : i32
    %dma_wait3A_1395 = tpu.memref_slice %arg3[%dma_wait3A_1393, %dma_wait3A_1394] : memref<1000000x16xf32, #tpu.memory_space<hbm>> -> memref<1000000x16xf32, #tpu.memory_space<hbm>>
    tpu.wait_indirect_dma semaphore(%arg23 : memref<!tpu.dma_semaphore, #tpu.memory_space<semaphore_mem>>) src(%dma_wait3A_1395 : memref<1000000x16xf32, #tpu.memory_space<hbm>>) dst(%dma_wait3A_1390 : memref<128x16xf32, #tpu.memory_space<vmem>>)
    %dma_wait3A_1396 = arith.constant 2432 : i32
    %dma_wait3A_1397 = tpu.memref_slice %arg19[%dma_wait3A_1396] : memref<3328xf32, #tpu.memory_space<vmem>> -> memref<128xf32, #tpu.memory_space<vmem>>
    %dma_wait3A_1398 = arith.constant 2432 : i32
    %dma_wait3A_1399 = tpu.memref_slice %arg17[%dma_wait3A_1398] : memref<3328xi32, #tpu.memory_space<vmem>> -> memref<128xi32, #tpu.memory_space<vmem>>
    %dma_wait3A_1400 = arith.constant 0 : i32
    %dma_wait3A_1401 = tpu.memref_slice %arg5[%dma_wait3A_1400] : memref<1000000xf32, #tpu.memory_space<hbm>> -> memref<1000000xf32, #tpu.memory_space<hbm>>
    tpu.wait_indirect_dma semaphore(%arg24 : memref<!tpu.dma_semaphore, #tpu.memory_space<semaphore_mem>>) src(%dma_wait3A_1401 : memref<1000000xf32, #tpu.memory_space<hbm>>) dst(%dma_wait3A_1397 : memref<128xf32, #tpu.memory_space<vmem>>)
    %dma_wait3A_1402 = arith.constant 2560 : i32
    %dma_wait3A_1403 = arith.constant 0 : i32
    %dma_wait3A_1404 = tpu.memref_slice %arg18[%dma_wait3A_1402, %dma_wait3A_1403] : memref<3328x16xf32, #tpu.memory_space<vmem>> -> memref<128x16xf32, #tpu.memory_space<vmem>>
    %dma_wait3A_1405 = arith.constant 2560 : i32
    %dma_wait3A_1406 = tpu.memref_slice %arg16[%dma_wait3A_1405] : memref<3328xi32, #tpu.memory_space<vmem>> -> memref<128xi32, #tpu.memory_space<vmem>>
    %dma_wait3A_1407 = arith.constant 0 : i32
    %dma_wait3A_1408 = arith.constant 0 : i32
    %dma_wait3A_1409 = tpu.memref_slice %arg3[%dma_wait3A_1407, %dma_wait3A_1408] : memref<1000000x16xf32, #tpu.memory_space<hbm>> -> memref<1000000x16xf32, #tpu.memory_space<hbm>>
    tpu.wait_indirect_dma semaphore(%arg23 : memref<!tpu.dma_semaphore, #tpu.memory_space<semaphore_mem>>) src(%dma_wait3A_1409 : memref<1000000x16xf32, #tpu.memory_space<hbm>>) dst(%dma_wait3A_1404 : memref<128x16xf32, #tpu.memory_space<vmem>>)
    %dma_wait3A_1410 = arith.constant 2560 : i32
    %dma_wait3A_1411 = tpu.memref_slice %arg19[%dma_wait3A_1410] : memref<3328xf32, #tpu.memory_space<vmem>> -> memref<128xf32, #tpu.memory_space<vmem>>
    %dma_wait3A_1412 = arith.constant 2560 : i32
    %dma_wait3A_1413 = tpu.memref_slice %arg17[%dma_wait3A_1412] : memref<3328xi32, #tpu.memory_space<vmem>> -> memref<128xi32, #tpu.memory_space<vmem>>
    %dma_wait3A_1414 = arith.constant 0 : i32
    %dma_wait3A_1415 = tpu.memref_slice %arg5[%dma_wait3A_1414] : memref<1000000xf32, #tpu.memory_space<hbm>> -> memref<1000000xf32, #tpu.memory_space<hbm>>
    tpu.wait_indirect_dma semaphore(%arg24 : memref<!tpu.dma_semaphore, #tpu.memory_space<semaphore_mem>>) src(%dma_wait3A_1415 : memref<1000000xf32, #tpu.memory_space<hbm>>) dst(%dma_wait3A_1411 : memref<128xf32, #tpu.memory_space<vmem>>)
    %dma_wait3A_1416 = arith.constant 2688 : i32
    %dma_wait3A_1417 = arith.constant 0 : i32
    %dma_wait3A_1418 = tpu.memref_slice %arg18[%dma_wait3A_1416, %dma_wait3A_1417] : memref<3328x16xf32, #tpu.memory_space<vmem>> -> memref<128x16xf32, #tpu.memory_space<vmem>>
    %dma_wait3A_1419 = arith.constant 2688 : i32
    %dma_wait3A_1420 = tpu.memref_slice %arg16[%dma_wait3A_1419] : memref<3328xi32, #tpu.memory_space<vmem>> -> memref<128xi32, #tpu.memory_space<vmem>>
    %dma_wait3A_1421 = arith.constant 0 : i32
    %dma_wait3A_1422 = arith.constant 0 : i32
    %dma_wait3A_1423 = tpu.memref_slice %arg3[%dma_wait3A_1421, %dma_wait3A_1422] : memref<1000000x16xf32, #tpu.memory_space<hbm>> -> memref<1000000x16xf32, #tpu.memory_space<hbm>>
    tpu.wait_indirect_dma semaphore(%arg23 : memref<!tpu.dma_semaphore, #tpu.memory_space<semaphore_mem>>) src(%dma_wait3A_1423 : memref<1000000x16xf32, #tpu.memory_space<hbm>>) dst(%dma_wait3A_1418 : memref<128x16xf32, #tpu.memory_space<vmem>>)
    %dma_wait3A_1424 = arith.constant 2688 : i32
    %dma_wait3A_1425 = tpu.memref_slice %arg19[%dma_wait3A_1424] : memref<3328xf32, #tpu.memory_space<vmem>> -> memref<128xf32, #tpu.memory_space<vmem>>
    %dma_wait3A_1426 = arith.constant 2688 : i32
    %dma_wait3A_1427 = tpu.memref_slice %arg17[%dma_wait3A_1426] : memref<3328xi32, #tpu.memory_space<vmem>> -> memref<128xi32, #tpu.memory_space<vmem>>
    %dma_wait3A_1428 = arith.constant 0 : i32
    %dma_wait3A_1429 = tpu.memref_slice %arg5[%dma_wait3A_1428] : memref<1000000xf32, #tpu.memory_space<hbm>> -> memref<1000000xf32, #tpu.memory_space<hbm>>
    tpu.wait_indirect_dma semaphore(%arg24 : memref<!tpu.dma_semaphore, #tpu.memory_space<semaphore_mem>>) src(%dma_wait3A_1429 : memref<1000000xf32, #tpu.memory_space<hbm>>) dst(%dma_wait3A_1425 : memref<128xf32, #tpu.memory_space<vmem>>)
    %dma_wait3A_1430 = arith.constant 2816 : i32
    %dma_wait3A_1431 = arith.constant 0 : i32
    %dma_wait3A_1432 = tpu.memref_slice %arg18[%dma_wait3A_1430, %dma_wait3A_1431] : memref<3328x16xf32, #tpu.memory_space<vmem>> -> memref<128x16xf32, #tpu.memory_space<vmem>>
    %dma_wait3A_1433 = arith.constant 2816 : i32
    %dma_wait3A_1434 = tpu.memref_slice %arg16[%dma_wait3A_1433] : memref<3328xi32, #tpu.memory_space<vmem>> -> memref<128xi32, #tpu.memory_space<vmem>>
    %dma_wait3A_1435 = arith.constant 0 : i32
    %dma_wait3A_1436 = arith.constant 0 : i32
    %dma_wait3A_1437 = tpu.memref_slice %arg3[%dma_wait3A_1435, %dma_wait3A_1436] : memref<1000000x16xf32, #tpu.memory_space<hbm>> -> memref<1000000x16xf32, #tpu.memory_space<hbm>>
    tpu.wait_indirect_dma semaphore(%arg23 : memref<!tpu.dma_semaphore, #tpu.memory_space<semaphore_mem>>) src(%dma_wait3A_1437 : memref<1000000x16xf32, #tpu.memory_space<hbm>>) dst(%dma_wait3A_1432 : memref<128x16xf32, #tpu.memory_space<vmem>>)
    %dma_wait3A_1438 = arith.constant 2816 : i32
    %dma_wait3A_1439 = tpu.memref_slice %arg19[%dma_wait3A_1438] : memref<3328xf32, #tpu.memory_space<vmem>> -> memref<128xf32, #tpu.memory_space<vmem>>
    %dma_wait3A_1440 = arith.constant 2816 : i32
    %dma_wait3A_1441 = tpu.memref_slice %arg17[%dma_wait3A_1440] : memref<3328xi32, #tpu.memory_space<vmem>> -> memref<128xi32, #tpu.memory_space<vmem>>
    %dma_wait3A_1442 = arith.constant 0 : i32
    %dma_wait3A_1443 = tpu.memref_slice %arg5[%dma_wait3A_1442] : memref<1000000xf32, #tpu.memory_space<hbm>> -> memref<1000000xf32, #tpu.memory_space<hbm>>
    tpu.wait_indirect_dma semaphore(%arg24 : memref<!tpu.dma_semaphore, #tpu.memory_space<semaphore_mem>>) src(%dma_wait3A_1443 : memref<1000000xf32, #tpu.memory_space<hbm>>) dst(%dma_wait3A_1439 : memref<128xf32, #tpu.memory_space<vmem>>)
    %dma_wait3A_1444 = arith.constant 2944 : i32
    %dma_wait3A_1445 = arith.constant 0 : i32
    %dma_wait3A_1446 = tpu.memref_slice %arg18[%dma_wait3A_1444, %dma_wait3A_1445] : memref<3328x16xf32, #tpu.memory_space<vmem>> -> memref<128x16xf32, #tpu.memory_space<vmem>>
    %dma_wait3A_1447 = arith.constant 2944 : i32
    %dma_wait3A_1448 = tpu.memref_slice %arg16[%dma_wait3A_1447] : memref<3328xi32, #tpu.memory_space<vmem>> -> memref<128xi32, #tpu.memory_space<vmem>>
    %dma_wait3A_1449 = arith.constant 0 : i32
    %dma_wait3A_1450 = arith.constant 0 : i32
    %dma_wait3A_1451 = tpu.memref_slice %arg3[%dma_wait3A_1449, %dma_wait3A_1450] : memref<1000000x16xf32, #tpu.memory_space<hbm>> -> memref<1000000x16xf32, #tpu.memory_space<hbm>>
    tpu.wait_indirect_dma semaphore(%arg23 : memref<!tpu.dma_semaphore, #tpu.memory_space<semaphore_mem>>) src(%dma_wait3A_1451 : memref<1000000x16xf32, #tpu.memory_space<hbm>>) dst(%dma_wait3A_1446 : memref<128x16xf32, #tpu.memory_space<vmem>>)
    %dma_wait3A_1452 = arith.constant 2944 : i32
    %dma_wait3A_1453 = tpu.memref_slice %arg19[%dma_wait3A_1452] : memref<3328xf32, #tpu.memory_space<vmem>> -> memref<128xf32, #tpu.memory_space<vmem>>
    %dma_wait3A_1454 = arith.constant 2944 : i32
    %dma_wait3A_1455 = tpu.memref_slice %arg17[%dma_wait3A_1454] : memref<3328xi32, #tpu.memory_space<vmem>> -> memref<128xi32, #tpu.memory_space<vmem>>
    %dma_wait3A_1456 = arith.constant 0 : i32
    %dma_wait3A_1457 = tpu.memref_slice %arg5[%dma_wait3A_1456] : memref<1000000xf32, #tpu.memory_space<hbm>> -> memref<1000000xf32, #tpu.memory_space<hbm>>
    tpu.wait_indirect_dma semaphore(%arg24 : memref<!tpu.dma_semaphore, #tpu.memory_space<semaphore_mem>>) src(%dma_wait3A_1457 : memref<1000000xf32, #tpu.memory_space<hbm>>) dst(%dma_wait3A_1453 : memref<128xf32, #tpu.memory_space<vmem>>)
    %dma_wait3A_1458 = arith.constant 3072 : i32
    %dma_wait3A_1459 = arith.constant 0 : i32
    %dma_wait3A_1460 = tpu.memref_slice %arg18[%dma_wait3A_1458, %dma_wait3A_1459] : memref<3328x16xf32, #tpu.memory_space<vmem>> -> memref<128x16xf32, #tpu.memory_space<vmem>>
    %dma_wait3A_1461 = arith.constant 3072 : i32
    %dma_wait3A_1462 = tpu.memref_slice %arg16[%dma_wait3A_1461] : memref<3328xi32, #tpu.memory_space<vmem>> -> memref<128xi32, #tpu.memory_space<vmem>>
    %dma_wait3A_1463 = arith.constant 0 : i32
    %dma_wait3A_1464 = arith.constant 0 : i32
    %dma_wait3A_1465 = tpu.memref_slice %arg3[%dma_wait3A_1463, %dma_wait3A_1464] : memref<1000000x16xf32, #tpu.memory_space<hbm>> -> memref<1000000x16xf32, #tpu.memory_space<hbm>>
    tpu.wait_indirect_dma semaphore(%arg23 : memref<!tpu.dma_semaphore, #tpu.memory_space<semaphore_mem>>) src(%dma_wait3A_1465 : memref<1000000x16xf32, #tpu.memory_space<hbm>>) dst(%dma_wait3A_1460 : memref<128x16xf32, #tpu.memory_space<vmem>>)
    %dma_wait3A_1466 = arith.constant 3072 : i32
    %dma_wait3A_1467 = tpu.memref_slice %arg19[%dma_wait3A_1466] : memref<3328xf32, #tpu.memory_space<vmem>> -> memref<128xf32, #tpu.memory_space<vmem>>
    %dma_wait3A_1468 = arith.constant 3072 : i32
    %dma_wait3A_1469 = tpu.memref_slice %arg17[%dma_wait3A_1468] : memref<3328xi32, #tpu.memory_space<vmem>> -> memref<128xi32, #tpu.memory_space<vmem>>
    %dma_wait3A_1470 = arith.constant 0 : i32
    %dma_wait3A_1471 = tpu.memref_slice %arg5[%dma_wait3A_1470] : memref<1000000xf32, #tpu.memory_space<hbm>> -> memref<1000000xf32, #tpu.memory_space<hbm>>
    tpu.wait_indirect_dma semaphore(%arg24 : memref<!tpu.dma_semaphore, #tpu.memory_space<semaphore_mem>>) src(%dma_wait3A_1471 : memref<1000000xf32, #tpu.memory_space<hbm>>) dst(%dma_wait3A_1467 : memref<128xf32, #tpu.memory_space<vmem>>)
    %dma_wait3A_1472 = arith.constant 3200 : i32
    %dma_wait3A_1473 = arith.constant 0 : i32
    %dma_wait3A_1474 = tpu.memref_slice %arg18[%dma_wait3A_1472, %dma_wait3A_1473] : memref<3328x16xf32, #tpu.memory_space<vmem>> -> memref<128x16xf32, #tpu.memory_space<vmem>>
    %dma_wait3A_1475 = arith.constant 3200 : i32
    %dma_wait3A_1476 = tpu.memref_slice %arg16[%dma_wait3A_1475] : memref<3328xi32, #tpu.memory_space<vmem>> -> memref<128xi32, #tpu.memory_space<vmem>>
    %dma_wait3A_1477 = arith.constant 0 : i32
    %dma_wait3A_1478 = arith.constant 0 : i32
    %dma_wait3A_1479 = tpu.memref_slice %arg3[%dma_wait3A_1477, %dma_wait3A_1478] : memref<1000000x16xf32, #tpu.memory_space<hbm>> -> memref<1000000x16xf32, #tpu.memory_space<hbm>>
    tpu.wait_indirect_dma semaphore(%arg23 : memref<!tpu.dma_semaphore, #tpu.memory_space<semaphore_mem>>) src(%dma_wait3A_1479 : memref<1000000x16xf32, #tpu.memory_space<hbm>>) dst(%dma_wait3A_1474 : memref<128x16xf32, #tpu.memory_space<vmem>>)
    %dma_wait3A_1480 = arith.constant 3200 : i32
    %dma_wait3A_1481 = tpu.memref_slice %arg19[%dma_wait3A_1480] : memref<3328xf32, #tpu.memory_space<vmem>> -> memref<128xf32, #tpu.memory_space<vmem>>
    %dma_wait3A_1482 = arith.constant 3200 : i32
    %dma_wait3A_1483 = tpu.memref_slice %arg17[%dma_wait3A_1482] : memref<3328xi32, #tpu.memory_space<vmem>> -> memref<128xi32, #tpu.memory_space<vmem>>
    %dma_wait3A_1484 = arith.constant 0 : i32
    %dma_wait3A_1485 = tpu.memref_slice %arg5[%dma_wait3A_1484] : memref<1000000xf32, #tpu.memory_space<hbm>> -> memref<1000000xf32, #tpu.memory_space<hbm>>
    tpu.wait_indirect_dma semaphore(%arg24 : memref<!tpu.dma_semaphore, #tpu.memory_space<semaphore_mem>>) src(%dma_wait3A_1485 : memref<1000000xf32, #tpu.memory_space<hbm>>) dst(%dma_wait3A_1481 : memref<128xf32, #tpu.memory_space<vmem>>)
    %scan3A_1486 = arith.constant 0 : i32
    %scan3A_1487 = arith.constant 0 : i32
    %scan3A_1488 = arith.constant 128 : i32
    %scan3A_1489 = arith.addi %scan3A_1487, %scan3A_1488 : i32
    %scan3A_1490 = arith.constant 1 : i32
    %scan3A_1491 = scf.for %scan3A_1500 = %scan3A_1487 to %scan3A_1489 step %scan3A_1490 iter_args(%scan3A_1501 = %scan3A_1486) -> (i32)  : i32 {
      %mul3A_1502 = arith.constant 26 : i32
      %mul3A_1503 = arith.muli %scan3A_1500, %mul3A_1502 : i32
      %get3A = arith.index_cast %mul3A_1503 : i32 to index
      %get3A_1504 = arith.constant 0 : index
      %get3A_1505 = tpu.vector_load %arg18[%get3A, %get3A_1504] {strides = array<i32>} : memref<3328x16xf32, #tpu.memory_space<vmem>>, vector<1x16xf32>,
      %get3A_1506 = vector.shape_cast %get3A_1505 : vector<1x16xf32> to vector<16xf32>
      %mul3A_1507 = arith.mulf %get3A_1506, %get3A_1506 : vector<16xf32>
      %add3A_1508 = arith.constant 1 : i32
      %add3A_1509 = arith.addi %mul3A_1503, %add3A_1508 : i32
      %get3A_1510 = arith.index_cast %add3A_1509 : i32 to index
      %get3A_1511 = arith.constant 0 : index
      %get3A_1512 = tpu.vector_load %arg18[%get3A_1510, %get3A_1511] {strides = array<i32>} : memref<3328x16xf32, #tpu.memory_space<vmem>>, vector<1x16xf32>,
      %get3A_1513 = vector.shape_cast %get3A_1512 : vector<1x16xf32> to vector<16xf32>
      %add3A_1514 = arith.addf %get3A_1506, %get3A_1513 : vector<16xf32>
      %mul3A_1515 = arith.mulf %get3A_1513, %get3A_1513 : vector<16xf32>
      %add3A_1516 = arith.addf %mul3A_1507, %mul3A_1515 : vector<16xf32>
      %add3A_1517 = arith.constant 2 : i32
      %add3A_1518 = arith.addi %mul3A_1503, %add3A_1517 : i32
      %get3A_1519 = arith.index_cast %add3A_1518 : i32 to index
      %get3A_1520 = arith.constant 0 : index
      %get3A_1521 = tpu.vector_load %arg18[%get3A_1519, %get3A_1520] {strides = array<i32>} : memref<3328x16xf32, #tpu.memory_space<vmem>>, vector<1x16xf32>,
      %get3A_1522 = vector.shape_cast %get3A_1521 : vector<1x16xf32> to vector<16xf32>
      %add3A_1523 = arith.addf %add3A_1514, %get3A_1522 : vector<16xf32>
      %mul3A_1524 = arith.mulf %get3A_1522, %get3A_1522 : vector<16xf32>
      %add3A_1525 = arith.addf %add3A_1516, %mul3A_1524 : vector<16xf32>
      %add3A_1526 = arith.constant 3 : i32
      %add3A_1527 = arith.addi %mul3A_1503, %add3A_1526 : i32
      %get3A_1528 = arith.index_cast %add3A_1527 : i32 to index
      %get3A_1529 = arith.constant 0 : index
      %get3A_1530 = tpu.vector_load %arg18[%get3A_1528, %get3A_1529] {strides = array<i32>} : memref<3328x16xf32, #tpu.memory_space<vmem>>, vector<1x16xf32>,
      %get3A_1531 = vector.shape_cast %get3A_1530 : vector<1x16xf32> to vector<16xf32>
      %add3A_1532 = arith.addf %add3A_1523, %get3A_1531 : vector<16xf32>
      %mul3A_1533 = arith.mulf %get3A_1531, %get3A_1531 : vector<16xf32>
      %add3A_1534 = arith.addf %add3A_1525, %mul3A_1533 : vector<16xf32>
      %add3A_1535 = arith.constant 4 : i32
      %add3A_1536 = arith.addi %mul3A_1503, %add3A_1535 : i32
      %get3A_1537 = arith.index_cast %add3A_1536 : i32 to index
      %get3A_1538 = arith.constant 0 : index
      %get3A_1539 = tpu.vector_load %arg18[%get3A_1537, %get3A_1538] {strides = array<i32>} : memref<3328x16xf32, #tpu.memory_space<vmem>>, vector<1x16xf32>,
      %get3A_1540 = vector.shape_cast %get3A_1539 : vector<1x16xf32> to vector<16xf32>
      %add3A_1541 = arith.addf %add3A_1532, %get3A_1540 : vector<16xf32>
      %mul3A_1542 = arith.mulf %get3A_1540, %get3A_1540 : vector<16xf32>
      %add3A_1543 = arith.addf %add3A_1534, %mul3A_1542 : vector<16xf32>
      %add3A_1544 = arith.constant 5 : i32
      %add3A_1545 = arith.addi %mul3A_1503, %add3A_1544 : i32
      %get3A_1546 = arith.index_cast %add3A_1545 : i32 to index
      %get3A_1547 = arith.constant 0 : index
      %get3A_1548 = tpu.vector_load %arg18[%get3A_1546, %get3A_1547] {strides = array<i32>} : memref<3328x16xf32, #tpu.memory_space<vmem>>, vector<1x16xf32>,
      %get3A_1549 = vector.shape_cast %get3A_1548 : vector<1x16xf32> to vector<16xf32>
      %add3A_1550 = arith.addf %add3A_1541, %get3A_1549 : vector<16xf32>
      %mul3A_1551 = arith.mulf %get3A_1549, %get3A_1549 : vector<16xf32>
      %add3A_1552 = arith.addf %add3A_1543, %mul3A_1551 : vector<16xf32>
      %add3A_1553 = arith.constant 6 : i32
      %add3A_1554 = arith.addi %mul3A_1503, %add3A_1553 : i32
      %get3A_1555 = arith.index_cast %add3A_1554 : i32 to index
      %get3A_1556 = arith.constant 0 : index
      %get3A_1557 = tpu.vector_load %arg18[%get3A_1555, %get3A_1556] {strides = array<i32>} : memref<3328x16xf32, #tpu.memory_space<vmem>>, vector<1x16xf32>,
      %get3A_1558 = vector.shape_cast %get3A_1557 : vector<1x16xf32> to vector<16xf32>
      %add3A_1559 = arith.addf %add3A_1550, %get3A_1558 : vector<16xf32>
      %mul3A_1560 = arith.mulf %get3A_1558, %get3A_1558 : vector<16xf32>
      %add3A_1561 = arith.addf %add3A_1552, %mul3A_1560 : vector<16xf32>
      %add3A_1562 = arith.constant 7 : i32
      %add3A_1563 = arith.addi %mul3A_1503, %add3A_1562 : i32
      %get3A_1564 = arith.index_cast %add3A_1563 : i32 to index
      %get3A_1565 = arith.constant 0 : index
      %get3A_1566 = tpu.vector_load %arg18[%get3A_1564, %get3A_1565] {strides = array<i32>} : memref<3328x16xf32, #tpu.memory_space<vmem>>, vector<1x16xf32>,
      %get3A_1567 = vector.shape_cast %get3A_1566 : vector<1x16xf32> to vector<16xf32>
      %add3A_1568 = arith.addf %add3A_1559, %get3A_1567 : vector<16xf32>
      %mul3A_1569 = arith.mulf %get3A_1567, %get3A_1567 : vector<16xf32>
      %add3A_1570 = arith.addf %add3A_1561, %mul3A_1569 : vector<16xf32>
      %add3A_1571 = arith.constant 8 : i32
      %add3A_1572 = arith.addi %mul3A_1503, %add3A_1571 : i32
      %get3A_1573 = arith.index_cast %add3A_1572 : i32 to index
      %get3A_1574 = arith.constant 0 : index
      %get3A_1575 = tpu.vector_load %arg18[%get3A_1573, %get3A_1574] {strides = array<i32>} : memref<3328x16xf32, #tpu.memory_space<vmem>>, vector<1x16xf32>,
      %get3A_1576 = vector.shape_cast %get3A_1575 : vector<1x16xf32> to vector<16xf32>
      %add3A_1577 = arith.addf %add3A_1568, %get3A_1576 : vector<16xf32>
      %mul3A_1578 = arith.mulf %get3A_1576, %get3A_1576 : vector<16xf32>
      %add3A_1579 = arith.addf %add3A_1570, %mul3A_1578 : vector<16xf32>
      %add3A_1580 = arith.constant 9 : i32
      %add3A_1581 = arith.addi %mul3A_1503, %add3A_1580 : i32
      %get3A_1582 = arith.index_cast %add3A_1581 : i32 to index
      %get3A_1583 = arith.constant 0 : index
      %get3A_1584 = tpu.vector_load %arg18[%get3A_1582, %get3A_1583] {strides = array<i32>} : memref<3328x16xf32, #tpu.memory_space<vmem>>, vector<1x16xf32>,
      %get3A_1585 = vector.shape_cast %get3A_1584 : vector<1x16xf32> to vector<16xf32>
      %add3A_1586 = arith.addf %add3A_1577, %get3A_1585 : vector<16xf32>
      %mul3A_1587 = arith.mulf %get3A_1585, %get3A_1585 : vector<16xf32>
      %add3A_1588 = arith.addf %add3A_1579, %mul3A_1587 : vector<16xf32>
      %add3A_1589 = arith.constant 10 : i32
      %add3A_1590 = arith.addi %mul3A_1503, %add3A_1589 : i32
      %get3A_1591 = arith.index_cast %add3A_1590 : i32 to index
      %get3A_1592 = arith.constant 0 : index
      %get3A_1593 = tpu.vector_load %arg18[%get3A_1591, %get3A_1592] {strides = array<i32>} : memref<3328x16xf32, #tpu.memory_space<vmem>>, vector<1x16xf32>,
      %get3A_1594 = vector.shape_cast %get3A_1593 : vector<1x16xf32> to vector<16xf32>
      %add3A_1595 = arith.addf %add3A_1586, %get3A_1594 : vector<16xf32>
      %mul3A_1596 = arith.mulf %get3A_1594, %get3A_1594 : vector<16xf32>
      %add3A_1597 = arith.addf %add3A_1588, %mul3A_1596 : vector<16xf32>
      %add3A_1598 = arith.constant 11 : i32
      %add3A_1599 = arith.addi %mul3A_1503, %add3A_1598 : i32
      %get3A_1600 = arith.index_cast %add3A_1599 : i32 to index
      %get3A_1601 = arith.constant 0 : index
      %get3A_1602 = tpu.vector_load %arg18[%get3A_1600, %get3A_1601] {strides = array<i32>} : memref<3328x16xf32, #tpu.memory_space<vmem>>, vector<1x16xf32>,
      %get3A_1603 = vector.shape_cast %get3A_1602 : vector<1x16xf32> to vector<16xf32>
      %add3A_1604 = arith.addf %add3A_1595, %get3A_1603 : vector<16xf32>
      %mul3A_1605 = arith.mulf %get3A_1603, %get3A_1603 : vector<16xf32>
      %add3A_1606 = arith.addf %add3A_1597, %mul3A_1605 : vector<16xf32>
      %add3A_1607 = arith.constant 12 : i32
      %add3A_1608 = arith.addi %mul3A_1503, %add3A_1607 : i32
      %get3A_1609 = arith.index_cast %add3A_1608 : i32 to index
      %get3A_1610 = arith.constant 0 : index
      %get3A_1611 = tpu.vector_load %arg18[%get3A_1609, %get3A_1610] {strides = array<i32>} : memref<3328x16xf32, #tpu.memory_space<vmem>>, vector<1x16xf32>,
      %get3A_1612 = vector.shape_cast %get3A_1611 : vector<1x16xf32> to vector<16xf32>
      %add3A_1613 = arith.addf %add3A_1604, %get3A_1612 : vector<16xf32>
      %mul3A_1614 = arith.mulf %get3A_1612, %get3A_1612 : vector<16xf32>
      %add3A_1615 = arith.addf %add3A_1606, %mul3A_1614 : vector<16xf32>
      %add3A_1616 = arith.constant 13 : i32
      %add3A_1617 = arith.addi %mul3A_1503, %add3A_1616 : i32
      %get3A_1618 = arith.index_cast %add3A_1617 : i32 to index
      %get3A_1619 = arith.constant 0 : index
      %get3A_1620 = tpu.vector_load %arg18[%get3A_1618, %get3A_1619] {strides = array<i32>} : memref<3328x16xf32, #tpu.memory_space<vmem>>, vector<1x16xf32>,
      %get3A_1621 = vector.shape_cast %get3A_1620 : vector<1x16xf32> to vector<16xf32>
      %add3A_1622 = arith.addf %add3A_1613, %get3A_1621 : vector<16xf32>
      %mul3A_1623 = arith.mulf %get3A_1621, %get3A_1621 : vector<16xf32>
      %add3A_1624 = arith.addf %add3A_1615, %mul3A_1623 : vector<16xf32>
      %add3A_1625 = arith.constant 14 : i32
      %add3A_1626 = arith.addi %mul3A_1503, %add3A_1625 : i32
      %get3A_1627 = arith.index_cast %add3A_1626 : i32 to index
      %get3A_1628 = arith.constant 0 : index
      %get3A_1629 = tpu.vector_load %arg18[%get3A_1627, %get3A_1628] {strides = array<i32>} : memref<3328x16xf32, #tpu.memory_space<vmem>>, vector<1x16xf32>,
      %get3A_1630 = vector.shape_cast %get3A_1629 : vector<1x16xf32> to vector<16xf32>
      %add3A_1631 = arith.addf %add3A_1622, %get3A_1630 : vector<16xf32>
      %mul3A_1632 = arith.mulf %get3A_1630, %get3A_1630 : vector<16xf32>
      %add3A_1633 = arith.addf %add3A_1624, %mul3A_1632 : vector<16xf32>
      %add3A_1634 = arith.constant 15 : i32
      %add3A_1635 = arith.addi %mul3A_1503, %add3A_1634 : i32
      %get3A_1636 = arith.index_cast %add3A_1635 : i32 to index
      %get3A_1637 = arith.constant 0 : index
      %get3A_1638 = tpu.vector_load %arg18[%get3A_1636, %get3A_1637] {strides = array<i32>} : memref<3328x16xf32, #tpu.memory_space<vmem>>, vector<1x16xf32>,
      %get3A_1639 = vector.shape_cast %get3A_1638 : vector<1x16xf32> to vector<16xf32>
      %add3A_1640 = arith.addf %add3A_1631, %get3A_1639 : vector<16xf32>
      %mul3A_1641 = arith.mulf %get3A_1639, %get3A_1639 : vector<16xf32>
      %add3A_1642 = arith.addf %add3A_1633, %mul3A_1641 : vector<16xf32>
      %add3A_1643 = arith.constant 16 : i32
      %add3A_1644 = arith.addi %mul3A_1503, %add3A_1643 : i32
      %get3A_1645 = arith.index_cast %add3A_1644 : i32 to index
      %get3A_1646 = arith.constant 0 : index
      %get3A_1647 = tpu.vector_load %arg18[%get3A_1645, %get3A_1646] {strides = array<i32>} : memref<3328x16xf32, #tpu.memory_space<vmem>>, vector<1x16xf32>,
      %get3A_1648 = vector.shape_cast %get3A_1647 : vector<1x16xf32> to vector<16xf32>
      %add3A_1649 = arith.addf %add3A_1640, %get3A_1648 : vector<16xf32>
      %mul3A_1650 = arith.mulf %get3A_1648, %get3A_1648 : vector<16xf32>
      %add3A_1651 = arith.addf %add3A_1642, %mul3A_1650 : vector<16xf32>
      %add3A_1652 = arith.constant 17 : i32
      %add3A_1653 = arith.addi %mul3A_1503, %add3A_1652 : i32
      %get3A_1654 = arith.index_cast %add3A_1653 : i32 to index
      %get3A_1655 = arith.constant 0 : index
      %get3A_1656 = tpu.vector_load %arg18[%get3A_1654, %get3A_1655] {strides = array<i32>} : memref<3328x16xf32, #tpu.memory_space<vmem>>, vector<1x16xf32>,
      %get3A_1657 = vector.shape_cast %get3A_1656 : vector<1x16xf32> to vector<16xf32>
      %add3A_1658 = arith.addf %add3A_1649, %get3A_1657 : vector<16xf32>
      %mul3A_1659 = arith.mulf %get3A_1657, %get3A_1657 : vector<16xf32>
      %add3A_1660 = arith.addf %add3A_1651, %mul3A_1659 : vector<16xf32>
      %add3A_1661 = arith.constant 18 : i32
      %add3A_1662 = arith.addi %mul3A_1503, %add3A_1661 : i32
      %get3A_1663 = arith.index_cast %add3A_1662 : i32 to index
      %get3A_1664 = arith.constant 0 : index
      %get3A_1665 = tpu.vector_load %arg18[%get3A_1663, %get3A_1664] {strides = array<i32>} : memref<3328x16xf32, #tpu.memory_space<vmem>>, vector<1x16xf32>,
      %get3A_1666 = vector.shape_cast %get3A_1665 : vector<1x16xf32> to vector<16xf32>
      %add3A_1667 = arith.addf %add3A_1658, %get3A_1666 : vector<16xf32>
      %mul3A_1668 = arith.mulf %get3A_1666, %get3A_1666 : vector<16xf32>
      %add3A_1669 = arith.addf %add3A_1660, %mul3A_1668 : vector<16xf32>
      %add3A_1670 = arith.constant 19 : i32
      %add3A_1671 = arith.addi %mul3A_1503, %add3A_1670 : i32
      %get3A_1672 = arith.index_cast %add3A_1671 : i32 to index
      %get3A_1673 = arith.constant 0 : index
      %get3A_1674 = tpu.vector_load %arg18[%get3A_1672, %get3A_1673] {strides = array<i32>} : memref<3328x16xf32, #tpu.memory_space<vmem>>, vector<1x16xf32>,
      %get3A_1675 = vector.shape_cast %get3A_1674 : vector<1x16xf32> to vector<16xf32>
      %add3A_1676 = arith.addf %add3A_1667, %get3A_1675 : vector<16xf32>
      %mul3A_1677 = arith.mulf %get3A_1675, %get3A_1675 : vector<16xf32>
      %add3A_1678 = arith.addf %add3A_1669, %mul3A_1677 : vector<16xf32>
      %add3A_1679 = arith.constant 20 : i32
      %add3A_1680 = arith.addi %mul3A_1503, %add3A_1679 : i32
      %get3A_1681 = arith.index_cast %add3A_1680 : i32 to index
      %get3A_1682 = arith.constant 0 : index
      %get3A_1683 = tpu.vector_load %arg18[%get3A_1681, %get3A_1682] {strides = array<i32>} : memref<3328x16xf32, #tpu.memory_space<vmem>>, vector<1x16xf32>,
      %get3A_1684 = vector.shape_cast %get3A_1683 : vector<1x16xf32> to vector<16xf32>
      %add3A_1685 = arith.addf %add3A_1676, %get3A_1684 : vector<16xf32>
      %mul3A_1686 = arith.mulf %get3A_1684, %get3A_1684 : vector<16xf32>
      %add3A_1687 = arith.addf %add3A_1678, %mul3A_1686 : vector<16xf32>
      %add3A_1688 = arith.constant 21 : i32
      %add3A_1689 = arith.addi %mul3A_1503, %add3A_1688 : i32
      %get3A_1690 = arith.index_cast %add3A_1689 : i32 to index
      %get3A_1691 = arith.constant 0 : index
      %get3A_1692 = tpu.vector_load %arg18[%get3A_1690, %get3A_1691] {strides = array<i32>} : memref<3328x16xf32, #tpu.memory_space<vmem>>, vector<1x16xf32>,
      %get3A_1693 = vector.shape_cast %get3A_1692 : vector<1x16xf32> to vector<16xf32>
      %add3A_1694 = arith.addf %add3A_1685, %get3A_1693 : vector<16xf32>
      %mul3A_1695 = arith.mulf %get3A_1693, %get3A_1693 : vector<16xf32>
      %add3A_1696 = arith.addf %add3A_1687, %mul3A_1695 : vector<16xf32>
      %add3A_1697 = arith.constant 22 : i32
      %add3A_1698 = arith.addi %mul3A_1503, %add3A_1697 : i32
      %get3A_1699 = arith.index_cast %add3A_1698 : i32 to index
      %get3A_1700 = arith.constant 0 : index
      %get3A_1701 = tpu.vector_load %arg18[%get3A_1699, %get3A_1700] {strides = array<i32>} : memref<3328x16xf32, #tpu.memory_space<vmem>>, vector<1x16xf32>,
      %get3A_1702 = vector.shape_cast %get3A_1701 : vector<1x16xf32> to vector<16xf32>
      %add3A_1703 = arith.addf %add3A_1694, %get3A_1702 : vector<16xf32>
      %mul3A_1704 = arith.mulf %get3A_1702, %get3A_1702 : vector<16xf32>
      %add3A_1705 = arith.addf %add3A_1696, %mul3A_1704 : vector<16xf32>
      %add3A_1706 = arith.constant 23 : i32
      %add3A_1707 = arith.addi %mul3A_1503, %add3A_1706 : i32
      %get3A_1708 = arith.index_cast %add3A_1707 : i32 to index
      %get3A_1709 = arith.constant 0 : index
      %get3A_1710 = tpu.vector_load %arg18[%get3A_1708, %get3A_1709] {strides = array<i32>} : memref<3328x16xf32, #tpu.memory_space<vmem>>, vector<1x16xf32>,
      %get3A_1711 = vector.shape_cast %get3A_1710 : vector<1x16xf32> to vector<16xf32>
      %add3A_1712 = arith.addf %add3A_1703, %get3A_1711 : vector<16xf32>
      %mul3A_1713 = arith.mulf %get3A_1711, %get3A_1711 : vector<16xf32>
      %add3A_1714 = arith.addf %add3A_1705, %mul3A_1713 : vector<16xf32>
      %add3A_1715 = arith.constant 24 : i32
      %add3A_1716 = arith.addi %mul3A_1503, %add3A_1715 : i32
      %get3A_1717 = arith.index_cast %add3A_1716 : i32 to index
      %get3A_1718 = arith.constant 0 : index
      %get3A_1719 = tpu.vector_load %arg18[%get3A_1717, %get3A_1718] {strides = array<i32>} : memref<3328x16xf32, #tpu.memory_space<vmem>>, vector<1x16xf32>,
      %get3A_1720 = vector.shape_cast %get3A_1719 : vector<1x16xf32> to vector<16xf32>
      %add3A_1721 = arith.addf %add3A_1712, %get3A_1720 : vector<16xf32>
      %mul3A_1722 = arith.mulf %get3A_1720, %get3A_1720 : vector<16xf32>
      %add3A_1723 = arith.addf %add3A_1714, %mul3A_1722 : vector<16xf32>
      %add3A_1724 = arith.constant 25 : i32
      %add3A_1725 = arith.addi %mul3A_1503, %add3A_1724 : i32
      %get3A_1726 = arith.index_cast %add3A_1725 : i32 to index
      %get3A_1727 = arith.constant 0 : index
      %get3A_1728 = tpu.vector_load %arg18[%get3A_1726, %get3A_1727] {strides = array<i32>} : memref<3328x16xf32, #tpu.memory_space<vmem>>, vector<1x16xf32>,
      %get3A_1729 = vector.shape_cast %get3A_1728 : vector<1x16xf32> to vector<16xf32>
      %add3A_1730 = arith.addf %add3A_1721, %get3A_1729 : vector<16xf32>
      %mul3A_1731 = arith.mulf %get3A_1729, %get3A_1729 : vector<16xf32>
      %add3A_1732 = arith.addf %add3A_1723, %mul3A_1731 : vector<16xf32>
      %swap3A = arith.index_cast %scan3A_1500 : i32 to index
      %swap3A_1733 = arith.constant 0 : index
      %swap3A_1734 = tpu.vector_load %arg20[%swap3A, %swap3A_1733] {strides = array<i32>} : memref<128x16xf32, #tpu.memory_space<vmem>>, vector<1x16xf32>,
      %swap3A_1735 = vector.shape_cast %swap3A_1734 : vector<1x16xf32> to vector<16xf32>
      %swap3A_1736 = vector.shape_cast %add3A_1730 : vector<16xf32> to vector<1x16xf32>
      tpu.vector_store %arg20[%swap3A, %swap3A_1733], %swap3A_1736 {strides = array<i32>} : memref<128x16xf32, #tpu.memory_space<vmem>>, vector<1x16xf32>,
      %swap3A_1737 = arith.index_cast %scan3A_1500 : i32 to index
      %swap3A_1738 = arith.constant 0 : index
      %swap3A_1739 = tpu.vector_load %arg21[%swap3A_1737, %swap3A_1738] {strides = array<i32>} : memref<128x16xf32, #tpu.memory_space<vmem>>, vector<1x16xf32>,
      %swap3A_1740 = vector.shape_cast %swap3A_1739 : vector<1x16xf32> to vector<16xf32>
      %swap3A_1741 = vector.shape_cast %add3A_1732 : vector<16xf32> to vector<1x16xf32>
      tpu.vector_store %arg21[%swap3A_1737, %swap3A_1738], %swap3A_1741 {strides = array<i32>} : memref<128x16xf32, #tpu.memory_space<vmem>>, vector<1x16xf32>,
      %scan3A_1742 = arith.constant 0 : i32
      scf.yield %scan3A_1742 : i32
    }
    %scan3A_1492 = arith.constant 128 : i32
    %scan3A_1493 = arith.constant 0 : i32
    %scan3A_1494 = arith.constant 0 : i32
    %scan3A_1495 = arith.constant 8 : i32
    %scan3A_1496 = arith.addi %scan3A_1494, %scan3A_1495 : i32
    %scan3A_1497 = arith.constant 1 : i32
    %scan3A_1498 = scf.for %scan3A_1500 = %scan3A_1494 to %scan3A_1496 step %scan3A_1497 iter_args(%scan3A_1501 = %scan3A_1493) -> (i32)  : i32 {
      %mul3A_1502 = arith.constant 416 : i32
      %mul3A_1503 = arith.muli %scan3A_1500, %mul3A_1502 : i32
      %get3A = arith.index_cast %mul3A_1503 : i32 to index
      %get3A_1504 = tpu.vector_load %arg19[%get3A] {strides = array<i32>} : memref<3328xf32, #tpu.memory_space<vmem>>, vector<16xf32>,
      %get3A_1505 = vector.shape_cast %get3A_1504 : vector<16xf32> to vector<16xf32>
      %add3A_1506 = arith.constant 16 : i32
      %add3A_1507 = arith.addi %mul3A_1503, %add3A_1506 : i32
      %get3A_1508 = arith.index_cast %add3A_1507 : i32 to index
      %get3A_1509 = tpu.vector_load %arg19[%get3A_1508] {strides = array<i32>} : memref<3328xf32, #tpu.memory_space<vmem>>, vector<16xf32>,
      %get3A_1510 = vector.shape_cast %get3A_1509 : vector<16xf32> to vector<16xf32>
      %add3A_1511 = arith.addf %get3A_1505, %get3A_1510 : vector<16xf32>
      %add3A_1512 = arith.constant 32 : i32
      %add3A_1513 = arith.addi %mul3A_1503, %add3A_1512 : i32
      %get3A_1514 = arith.index_cast %add3A_1513 : i32 to index
      %get3A_1515 = tpu.vector_load %arg19[%get3A_1514] {strides = array<i32>} : memref<3328xf32, #tpu.memory_space<vmem>>, vector<16xf32>,
      %get3A_1516 = vector.shape_cast %get3A_1515 : vector<16xf32> to vector<16xf32>
      %add3A_1517 = arith.addf %add3A_1511, %get3A_1516 : vector<16xf32>
      %add3A_1518 = arith.constant 48 : i32
      %add3A_1519 = arith.addi %mul3A_1503, %add3A_1518 : i32
      %get3A_1520 = arith.index_cast %add3A_1519 : i32 to index
      %get3A_1521 = tpu.vector_load %arg19[%get3A_1520] {strides = array<i32>} : memref<3328xf32, #tpu.memory_space<vmem>>, vector<16xf32>,
      %get3A_1522 = vector.shape_cast %get3A_1521 : vector<16xf32> to vector<16xf32>
      %add3A_1523 = arith.addf %add3A_1517, %get3A_1522 : vector<16xf32>
      %add3A_1524 = arith.constant 64 : i32
      %add3A_1525 = arith.addi %mul3A_1503, %add3A_1524 : i32
      %get3A_1526 = arith.index_cast %add3A_1525 : i32 to index
      %get3A_1527 = tpu.vector_load %arg19[%get3A_1526] {strides = array<i32>} : memref<3328xf32, #tpu.memory_space<vmem>>, vector<16xf32>,
      %get3A_1528 = vector.shape_cast %get3A_1527 : vector<16xf32> to vector<16xf32>
      %add3A_1529 = arith.addf %add3A_1523, %get3A_1528 : vector<16xf32>
      %add3A_1530 = arith.constant 80 : i32
      %add3A_1531 = arith.addi %mul3A_1503, %add3A_1530 : i32
      %get3A_1532 = arith.index_cast %add3A_1531 : i32 to index
      %get3A_1533 = tpu.vector_load %arg19[%get3A_1532] {strides = array<i32>} : memref<3328xf32, #tpu.memory_space<vmem>>, vector<16xf32>,
      %get3A_1534 = vector.shape_cast %get3A_1533 : vector<16xf32> to vector<16xf32>
      %add3A_1535 = arith.addf %add3A_1529, %get3A_1534 : vector<16xf32>
      %add3A_1536 = arith.constant 96 : i32
      %add3A_1537 = arith.addi %mul3A_1503, %add3A_1536 : i32
      %get3A_1538 = arith.index_cast %add3A_1537 : i32 to index
      %get3A_1539 = tpu.vector_load %arg19[%get3A_1538] {strides = array<i32>} : memref<3328xf32, #tpu.memory_space<vmem>>, vector<16xf32>,
      %get3A_1540 = vector.shape_cast %get3A_1539 : vector<16xf32> to vector<16xf32>
      %add3A_1541 = arith.addf %add3A_1535, %get3A_1540 : vector<16xf32>
      %add3A_1542 = arith.constant 112 : i32
      %add3A_1543 = arith.addi %mul3A_1503, %add3A_1542 : i32
      %get3A_1544 = arith.index_cast %add3A_1543 : i32 to index
      %get3A_1545 = tpu.vector_load %arg19[%get3A_1544] {strides = array<i32>} : memref<3328xf32, #tpu.memory_space<vmem>>, vector<16xf32>,
      %get3A_1546 = vector.shape_cast %get3A_1545 : vector<16xf32> to vector<16xf32>
      %add3A_1547 = arith.addf %add3A_1541, %get3A_1546 : vector<16xf32>
      %add3A_1548 = arith.constant 128 : i32
      %add3A_1549 = arith.addi %mul3A_1503, %add3A_1548 : i32
      %get3A_1550 = arith.index_cast %add3A_1549 : i32 to index
      %get3A_1551 = tpu.vector_load %arg19[%get3A_1550] {strides = array<i32>} : memref<3328xf32, #tpu.memory_space<vmem>>, vector<16xf32>,
      %get3A_1552 = vector.shape_cast %get3A_1551 : vector<16xf32> to vector<16xf32>
      %add3A_1553 = arith.addf %add3A_1547, %get3A_1552 : vector<16xf32>
      %add3A_1554 = arith.constant 144 : i32
      %add3A_1555 = arith.addi %mul3A_1503, %add3A_1554 : i32
      %get3A_1556 = arith.index_cast %add3A_1555 : i32 to index
      %get3A_1557 = tpu.vector_load %arg19[%get3A_1556] {strides = array<i32>} : memref<3328xf32, #tpu.memory_space<vmem>>, vector<16xf32>,
      %get3A_1558 = vector.shape_cast %get3A_1557 : vector<16xf32> to vector<16xf32>
      %add3A_1559 = arith.addf %add3A_1553, %get3A_1558 : vector<16xf32>
      %add3A_1560 = arith.constant 160 : i32
      %add3A_1561 = arith.addi %mul3A_1503, %add3A_1560 : i32
      %get3A_1562 = arith.index_cast %add3A_1561 : i32 to index
      %get3A_1563 = tpu.vector_load %arg19[%get3A_1562] {strides = array<i32>} : memref<3328xf32, #tpu.memory_space<vmem>>, vector<16xf32>,
      %get3A_1564 = vector.shape_cast %get3A_1563 : vector<16xf32> to vector<16xf32>
      %add3A_1565 = arith.addf %add3A_1559, %get3A_1564 : vector<16xf32>
      %add3A_1566 = arith.constant 176 : i32
      %add3A_1567 = arith.addi %mul3A_1503, %add3A_1566 : i32
      %get3A_1568 = arith.index_cast %add3A_1567 : i32 to index
      %get3A_1569 = tpu.vector_load %arg19[%get3A_1568] {strides = array<i32>} : memref<3328xf32, #tpu.memory_space<vmem>>, vector<16xf32>,
      %get3A_1570 = vector.shape_cast %get3A_1569 : vector<16xf32> to vector<16xf32>
      %add3A_1571 = arith.addf %add3A_1565, %get3A_1570 : vector<16xf32>
      %add3A_1572 = arith.constant 192 : i32
      %add3A_1573 = arith.addi %mul3A_1503, %add3A_1572 : i32
      %get3A_1574 = arith.index_cast %add3A_1573 : i32 to index
      %get3A_1575 = tpu.vector_load %arg19[%get3A_1574] {strides = array<i32>} : memref<3328xf32, #tpu.memory_space<vmem>>, vector<16xf32>,
      %get3A_1576 = vector.shape_cast %get3A_1575 : vector<16xf32> to vector<16xf32>
      %add3A_1577 = arith.addf %add3A_1571, %get3A_1576 : vector<16xf32>
      %add3A_1578 = arith.constant 208 : i32
      %add3A_1579 = arith.addi %mul3A_1503, %add3A_1578 : i32
      %get3A_1580 = arith.index_cast %add3A_1579 : i32 to index
      %get3A_1581 = tpu.vector_load %arg19[%get3A_1580] {strides = array<i32>} : memref<3328xf32, #tpu.memory_space<vmem>>, vector<16xf32>,
      %get3A_1582 = vector.shape_cast %get3A_1581 : vector<16xf32> to vector<16xf32>
      %add3A_1583 = arith.addf %add3A_1577, %get3A_1582 : vector<16xf32>
      %add3A_1584 = arith.constant 224 : i32
      %add3A_1585 = arith.addi %mul3A_1503, %add3A_1584 : i32
      %get3A_1586 = arith.index_cast %add3A_1585 : i32 to index
      %get3A_1587 = tpu.vector_load %arg19[%get3A_1586] {strides = array<i32>} : memref<3328xf32, #tpu.memory_space<vmem>>, vector<16xf32>,
      %get3A_1588 = vector.shape_cast %get3A_1587 : vector<16xf32> to vector<16xf32>
      %add3A_1589 = arith.addf %add3A_1583, %get3A_1588 : vector<16xf32>
      %add3A_1590 = arith.constant 240 : i32
      %add3A_1591 = arith.addi %mul3A_1503, %add3A_1590 : i32
      %get3A_1592 = arith.index_cast %add3A_1591 : i32 to index
      %get3A_1593 = tpu.vector_load %arg19[%get3A_1592] {strides = array<i32>} : memref<3328xf32, #tpu.memory_space<vmem>>, vector<16xf32>,
      %get3A_1594 = vector.shape_cast %get3A_1593 : vector<16xf32> to vector<16xf32>
      %add3A_1595 = arith.addf %add3A_1589, %get3A_1594 : vector<16xf32>
      %add3A_1596 = arith.constant 256 : i32
      %add3A_1597 = arith.addi %mul3A_1503, %add3A_1596 : i32
      %get3A_1598 = arith.index_cast %add3A_1597 : i32 to index
      %get3A_1599 = tpu.vector_load %arg19[%get3A_1598] {strides = array<i32>} : memref<3328xf32, #tpu.memory_space<vmem>>, vector<16xf32>,
      %get3A_1600 = vector.shape_cast %get3A_1599 : vector<16xf32> to vector<16xf32>
      %add3A_1601 = arith.addf %add3A_1595, %get3A_1600 : vector<16xf32>
      %add3A_1602 = arith.constant 272 : i32
      %add3A_1603 = arith.addi %mul3A_1503, %add3A_1602 : i32
      %get3A_1604 = arith.index_cast %add3A_1603 : i32 to index
      %get3A_1605 = tpu.vector_load %arg19[%get3A_1604] {strides = array<i32>} : memref<3328xf32, #tpu.memory_space<vmem>>, vector<16xf32>,
      %get3A_1606 = vector.shape_cast %get3A_1605 : vector<16xf32> to vector<16xf32>
      %add3A_1607 = arith.addf %add3A_1601, %get3A_1606 : vector<16xf32>
      %add3A_1608 = arith.constant 288 : i32
      %add3A_1609 = arith.addi %mul3A_1503, %add3A_1608 : i32
      %get3A_1610 = arith.index_cast %add3A_1609 : i32 to index
      %get3A_1611 = tpu.vector_load %arg19[%get3A_1610] {strides = array<i32>} : memref<3328xf32, #tpu.memory_space<vmem>>, vector<16xf32>,
      %get3A_1612 = vector.shape_cast %get3A_1611 : vector<16xf32> to vector<16xf32>
      %add3A_1613 = arith.addf %add3A_1607, %get3A_1612 : vector<16xf32>
      %add3A_1614 = arith.constant 304 : i32
      %add3A_1615 = arith.addi %mul3A_1503, %add3A_1614 : i32
      %get3A_1616 = arith.index_cast %add3A_1615 : i32 to index
      %get3A_1617 = tpu.vector_load %arg19[%get3A_1616] {strides = array<i32>} : memref<3328xf32, #tpu.memory_space<vmem>>, vector<16xf32>,
      %get3A_1618 = vector.shape_cast %get3A_1617 : vector<16xf32> to vector<16xf32>
      %add3A_1619 = arith.addf %add3A_1613, %get3A_1618 : vector<16xf32>
      %add3A_1620 = arith.constant 320 : i32
      %add3A_1621 = arith.addi %mul3A_1503, %add3A_1620 : i32
      %get3A_1622 = arith.index_cast %add3A_1621 : i32 to index
      %get3A_1623 = tpu.vector_load %arg19[%get3A_1622] {strides = array<i32>} : memref<3328xf32, #tpu.memory_space<vmem>>, vector<16xf32>,
      %get3A_1624 = vector.shape_cast %get3A_1623 : vector<16xf32> to vector<16xf32>
      %add3A_1625 = arith.addf %add3A_1619, %get3A_1624 : vector<16xf32>
      %add3A_1626 = arith.constant 336 : i32
      %add3A_1627 = arith.addi %mul3A_1503, %add3A_1626 : i32
      %get3A_1628 = arith.index_cast %add3A_1627 : i32 to index
      %get3A_1629 = tpu.vector_load %arg19[%get3A_1628] {strides = array<i32>} : memref<3328xf32, #tpu.memory_space<vmem>>, vector<16xf32>,
      %get3A_1630 = vector.shape_cast %get3A_1629 : vector<16xf32> to vector<16xf32>
      %add3A_1631 = arith.addf %add3A_1625, %get3A_1630 : vector<16xf32>
      %add3A_1632 = arith.constant 352 : i32
      %add3A_1633 = arith.addi %mul3A_1503, %add3A_1632 : i32
      %get3A_1634 = arith.index_cast %add3A_1633 : i32 to index
      %get3A_1635 = tpu.vector_load %arg19[%get3A_1634] {strides = array<i32>} : memref<3328xf32, #tpu.memory_space<vmem>>, vector<16xf32>,
      %get3A_1636 = vector.shape_cast %get3A_1635 : vector<16xf32> to vector<16xf32>
      %add3A_1637 = arith.addf %add3A_1631, %get3A_1636 : vector<16xf32>
      %add3A_1638 = arith.constant 368 : i32
      %add3A_1639 = arith.addi %mul3A_1503, %add3A_1638 : i32
      %get3A_1640 = arith.index_cast %add3A_1639 : i32 to index
      %get3A_1641 = tpu.vector_load %arg19[%get3A_1640] {strides = array<i32>} : memref<3328xf32, #tpu.memory_space<vmem>>, vector<16xf32>,
      %get3A_1642 = vector.shape_cast %get3A_1641 : vector<16xf32> to vector<16xf32>
      %add3A_1643 = arith.addf %add3A_1637, %get3A_1642 : vector<16xf32>
      %add3A_1644 = arith.constant 384 : i32
      %add3A_1645 = arith.addi %mul3A_1503, %add3A_1644 : i32
      %get3A_1646 = arith.index_cast %add3A_1645 : i32 to index
      %get3A_1647 = tpu.vector_load %arg19[%get3A_1646] {strides = array<i32>} : memref<3328xf32, #tpu.memory_space<vmem>>, vector<16xf32>,
      %get3A_1648 = vector.shape_cast %get3A_1647 : vector<16xf32> to vector<16xf32>
      %add3A_1649 = arith.addf %add3A_1643, %get3A_1648 : vector<16xf32>
      %add3A_1650 = arith.constant 400 : i32
      %add3A_1651 = arith.addi %mul3A_1503, %add3A_1650 : i32
      %get3A_1652 = arith.index_cast %add3A_1651 : i32 to index
      %get3A_1653 = tpu.vector_load %arg19[%get3A_1652] {strides = array<i32>} : memref<3328xf32, #tpu.memory_space<vmem>>, vector<16xf32>,
      %get3A_1654 = vector.shape_cast %get3A_1653 : vector<16xf32> to vector<16xf32>
      %add3A_1655 = arith.addf %add3A_1649, %get3A_1654 : vector<16xf32>
      %mul3A_1656 = arith.constant 16 : i32
      %mul3A_1657 = arith.muli %scan3A_1500, %mul3A_1656 : i32
      %swap3A = arith.index_cast %mul3A_1657 : i32 to index
      %swap3A_1658 = tpu.vector_load %arg22[%swap3A] {strides = array<i32>} : memref<128xf32, #tpu.memory_space<vmem>>, vector<16xf32>,
      %swap3A_1659 = vector.shape_cast %swap3A_1658 : vector<16xf32> to vector<16xf32>
      %swap3A_1660 = vector.shape_cast %add3A_1655 : vector<16xf32> to vector<16xf32>
      tpu.vector_store %arg22[%swap3A], %swap3A_1660 {strides = array<i32>} : memref<128xf32, #tpu.memory_space<vmem>>, vector<16xf32>,
      %scan3A_1661 = arith.constant 0 : i32
      scf.yield %scan3A_1661 : i32
    }
    %scan3A_1499 = arith.constant 8 : i32
    "tpu.region"() ({
      %run_scoped3A = tpu.sem_alloc : memref<!tpu.dma_semaphore, #tpu.memory_space<semaphore_mem>>
      %dma_start3A_1500 = arith.constant 0 : i32
      %dma_start3A_1501 = tpu.memref_slice %arg13[%mul3A_2, %dma_start3A_1500] : memref<4096x16xf32, #tpu.memory_space<hbm>> -> memref<128x16xf32, #tpu.memory_space<hbm>>
      %dma_start3A_1502 = arith.constant 0 : i32
      %dma_start3A_1503 = tpu.memref_slice %arg13[%mul3A_2, %dma_start3A_1502] : memref<4096x16xf32, #tpu.memory_space<hbm>> -> memref<128x16xf32, #tpu.memory_space<hbm>>
      tpu.enqueue_dma source(%arg20 : memref<128x16xf32, #tpu.memory_space<vmem>>) target(%dma_start3A_1503 : memref<128x16xf32, #tpu.memory_space<hbm>>) target_semaphore(%run_scoped3A : memref<!tpu.dma_semaphore, #tpu.memory_space<semaphore_mem>>)
      %dma_wait3A_1504 = arith.constant 0 : i32
      %dma_wait3A_1505 = tpu.memref_slice %arg13[%mul3A_2, %dma_wait3A_1504] : memref<4096x16xf32, #tpu.memory_space<hbm>> -> memref<128x16xf32, #tpu.memory_space<hbm>>
      %dma_wait3A_1506 = arith.constant 0 : i32
      %dma_wait3A_1507 = tpu.memref_slice %arg13[%mul3A_2, %dma_wait3A_1506] : memref<4096x16xf32, #tpu.memory_space<hbm>> -> memref<128x16xf32, #tpu.memory_space<hbm>>
      tpu.wait_dma2 semaphore(%run_scoped3A : memref<!tpu.dma_semaphore, #tpu.memory_space<semaphore_mem>>) src(%arg20 : memref<128x16xf32, #tpu.memory_space<vmem>>) dst(%dma_wait3A_1507 : memref<128x16xf32, #tpu.memory_space<hbm>>)
      tpu.yield
    }) : () -> ()
    "tpu.region"() ({
      %run_scoped3A = tpu.sem_alloc : memref<!tpu.dma_semaphore, #tpu.memory_space<semaphore_mem>>
      %dma_start3A_1500 = arith.constant 0 : i32
      %dma_start3A_1501 = tpu.memref_slice %arg14[%mul3A_2, %dma_start3A_1500] : memref<4096x16xf32, #tpu.memory_space<hbm>> -> memref<128x16xf32, #tpu.memory_space<hbm>>
      %dma_start3A_1502 = arith.constant 0 : i32
      %dma_start3A_1503 = tpu.memref_slice %arg14[%mul3A_2, %dma_start3A_1502] : memref<4096x16xf32, #tpu.memory_space<hbm>> -> memref<128x16xf32, #tpu.memory_space<hbm>>
      tpu.enqueue_dma source(%arg21 : memref<128x16xf32, #tpu.memory_space<vmem>>) target(%dma_start3A_1503 : memref<128x16xf32, #tpu.memory_space<hbm>>) target_semaphore(%run_scoped3A : memref<!tpu.dma_semaphore, #tpu.memory_space<semaphore_mem>>)
      %dma_wait3A_1504 = arith.constant 0 : i32
      %dma_wait3A_1505 = tpu.memref_slice %arg14[%mul3A_2, %dma_wait3A_1504] : memref<4096x16xf32, #tpu.memory_space<hbm>> -> memref<128x16xf32, #tpu.memory_space<hbm>>
      %dma_wait3A_1506 = arith.constant 0 : i32
      %dma_wait3A_1507 = tpu.memref_slice %arg14[%mul3A_2, %dma_wait3A_1506] : memref<4096x16xf32, #tpu.memory_space<hbm>> -> memref<128x16xf32, #tpu.memory_space<hbm>>
      tpu.wait_dma2 semaphore(%run_scoped3A : memref<!tpu.dma_semaphore, #tpu.memory_space<semaphore_mem>>) src(%arg21 : memref<128x16xf32, #tpu.memory_space<vmem>>) dst(%dma_wait3A_1507 : memref<128x16xf32, #tpu.memory_space<hbm>>)
      tpu.yield
    }) : () -> ()
    "tpu.region"() ({
      %run_scoped3A = tpu.sem_alloc : memref<!tpu.dma_semaphore, #tpu.memory_space<semaphore_mem>>
      %dma_start3A_1500 = tpu.memref_slice %arg15[%mul3A_2] : memref<4096xf32, #tpu.memory_space<hbm>> -> memref<128xf32, #tpu.memory_space<hbm>>
      %dma_start3A_1501 = tpu.memref_slice %arg15[%mul3A_2] : memref<4096xf32, #tpu.memory_space<hbm>> -> memref<128xf32, #tpu.memory_space<hbm>>
      tpu.enqueue_dma source(%arg22 : memref<128xf32, #tpu.memory_space<vmem>>) target(%dma_start3A_1501 : memref<128xf32, #tpu.memory_space<hbm>>) target_semaphore(%run_scoped3A : memref<!tpu.dma_semaphore, #tpu.memory_space<semaphore_mem>>)
      %dma_wait3A_1502 = tpu.memref_slice %arg15[%mul3A_2] : memref<4096xf32, #tpu.memory_space<hbm>> -> memref<128xf32, #tpu.memory_space<hbm>>
      %dma_wait3A_1503 = tpu.memref_slice %arg15[%mul3A_2] : memref<4096xf32, #tpu.memory_space<hbm>> -> memref<128xf32, #tpu.memory_space<hbm>>
      tpu.wait_dma2 semaphore(%run_scoped3A : memref<!tpu.dma_semaphore, #tpu.memory_space<semaphore_mem>>) src(%arg22 : memref<128xf32, #tpu.memory_space<vmem>>) dst(%dma_wait3A_1503 : memref<128xf32, #tpu.memory_space<hbm>>)
      tpu.yield
    }) : () -> ()
    return
  }
}

#map = affine_map<(d0, d1) -> (0, 0)>
#map1 = affine_map<(d0, d1) -> (0)>
module attributes {stable_mosaic.version = 14 : i64} {
  func.func @_sc_pair_body(%arg0: i32, %arg1: i32, %arg2: memref<4096x16xf32, #tpu.memory_space<hbm>>, %arg3: memref<4096x16xf32, #tpu.memory_space<hbm>>, %arg4: memref<4096xf32, #tpu.memory_space<hbm>>, %arg5: memref<4096x16xf32, #tpu.memory_space<hbm>>, %arg6: memref<4096x16xf32, #tpu.memory_space<hbm>>, %arg7: memref<4096xf32, #tpu.memory_space<hbm>>, %arg8: memref<4096xi32, #tpu.memory_space<hbm>>, %arg9: memref<4096xi32, #tpu.memory_space<hbm>>, %arg10: memref<4096x16xf32, #tpu.memory_space<hbm>>, %arg11: memref<4096x16xf32, #tpu.memory_space<hbm>>, %arg12: memref<4096xf32, #tpu.memory_space<hbm>>, %arg13: memref<4096x16xf32, #tpu.memory_space<hbm>>, %arg14: memref<4096x16xf32, #tpu.memory_space<hbm>>, %arg15: memref<4096xf32, #tpu.memory_space<hbm>>, %arg16: memref<128xi32, #tpu.memory_space<vmem>>, %arg17: memref<128xi32, #tpu.memory_space<vmem>>, %arg18: memref<128x16xf32, #tpu.memory_space<vmem>>, %arg19: memref<128x16xf32, #tpu.memory_space<vmem>>, %arg20: memref<128xf32, #tpu.memory_space<vmem>>, %arg21: memref<!tpu.dma_semaphore, #tpu.memory_space<semaphore_mem>>) attributes {dimension_semantics = [#tpu.dimension_semantics<core_parallel>, #tpu.dimension_semantics<subcore_parallel>], iteration_bounds = array<i64: 2, 16>, scalar_prefetch = 0 : i64, scratch_operands = 6 : i64, tpu.core_type = #tpu.core_type<sc_vector_subcore>, window_params = [{transform_indices = #map}, {transform_indices = #map}, {transform_indices = #map1}, {transform_indices = #map}, {transform_indices = #map}, {transform_indices = #map1}, {transform_indices = #map1}, {transform_indices = #map1}, {transform_indices = #map}, {transform_indices = #map}, {transform_indices = #map1}, {transform_indices = #map}, {transform_indices = #map}, {transform_indices = #map1}]} {
    %mul3A = arith.constant 2 : i32
    %mul3A_0 = arith.muli %arg1, %mul3A : i32
    %add3A = arith.addi %mul3A_0, %arg0 : i32
    %mul3A_1 = arith.constant 128 : i32
    %mul3A_2 = arith.muli %add3A, %mul3A_1 : i32
    "tpu.region"() ({
      %run_scoped3A = tpu.sem_alloc : memref<!tpu.dma_semaphore, #tpu.memory_space<semaphore_mem>>
      %dma_start3A_33 = tpu.memref_slice %arg8[%mul3A_2] : memref<4096xi32, #tpu.memory_space<hbm>> -> memref<128xi32, #tpu.memory_space<hbm>>
      %dma_start3A_34 = tpu.memref_slice %arg8[%mul3A_2] : memref<4096xi32, #tpu.memory_space<hbm>> -> memref<128xi32, #tpu.memory_space<hbm>>
      tpu.enqueue_dma source(%dma_start3A_34 : memref<128xi32, #tpu.memory_space<hbm>>) target(%arg16 : memref<128xi32, #tpu.memory_space<vmem>>) target_semaphore(%run_scoped3A : memref<!tpu.dma_semaphore, #tpu.memory_space<semaphore_mem>>)
      %dma_wait3A_35 = tpu.memref_slice %arg8[%mul3A_2] : memref<4096xi32, #tpu.memory_space<hbm>> -> memref<128xi32, #tpu.memory_space<hbm>>
      %dma_wait3A_36 = tpu.memref_slice %arg8[%mul3A_2] : memref<4096xi32, #tpu.memory_space<hbm>> -> memref<128xi32, #tpu.memory_space<hbm>>
      tpu.wait_dma2 semaphore(%run_scoped3A : memref<!tpu.dma_semaphore, #tpu.memory_space<semaphore_mem>>) src(%dma_wait3A_36 : memref<128xi32, #tpu.memory_space<hbm>>) dst(%arg16 : memref<128xi32, #tpu.memory_space<vmem>>)
      tpu.yield
    }) : () -> ()
    "tpu.region"() ({
      %run_scoped3A = tpu.sem_alloc : memref<!tpu.dma_semaphore, #tpu.memory_space<semaphore_mem>>
      %dma_start3A_33 = tpu.memref_slice %arg9[%mul3A_2] : memref<4096xi32, #tpu.memory_space<hbm>> -> memref<128xi32, #tpu.memory_space<hbm>>
      %dma_start3A_34 = tpu.memref_slice %arg9[%mul3A_2] : memref<4096xi32, #tpu.memory_space<hbm>> -> memref<128xi32, #tpu.memory_space<hbm>>
      tpu.enqueue_dma source(%dma_start3A_34 : memref<128xi32, #tpu.memory_space<hbm>>) target(%arg17 : memref<128xi32, #tpu.memory_space<vmem>>) target_semaphore(%run_scoped3A : memref<!tpu.dma_semaphore, #tpu.memory_space<semaphore_mem>>)
      %dma_wait3A_35 = tpu.memref_slice %arg9[%mul3A_2] : memref<4096xi32, #tpu.memory_space<hbm>> -> memref<128xi32, #tpu.memory_space<hbm>>
      %dma_wait3A_36 = tpu.memref_slice %arg9[%mul3A_2] : memref<4096xi32, #tpu.memory_space<hbm>> -> memref<128xi32, #tpu.memory_space<hbm>>
      tpu.wait_dma2 semaphore(%run_scoped3A : memref<!tpu.dma_semaphore, #tpu.memory_space<semaphore_mem>>) src(%dma_wait3A_36 : memref<128xi32, #tpu.memory_space<hbm>>) dst(%arg17 : memref<128xi32, #tpu.memory_space<vmem>>)
      tpu.yield
    }) : () -> ()
    %dma_start3A = arith.constant 0 : i32
    %dma_start3A_3 = arith.constant 0 : i32
    %dma_start3A_4 = tpu.memref_slice %arg2[%dma_start3A, %dma_start3A_3] : memref<4096x16xf32, #tpu.memory_space<hbm>> -> memref<4096x16xf32, #tpu.memory_space<hbm>>
    tpu.enqueue_indirect_dma source(%dma_start3A_4 : memref<4096x16xf32, #tpu.memory_space<hbm>>) target(%arg18 : memref<128x16xf32, #tpu.memory_space<vmem>>) offsets(%arg16 : memref<128xi32, #tpu.memory_space<vmem>>) semaphore(%arg21 : memref<!tpu.dma_semaphore, #tpu.memory_space<semaphore_mem>>)
    %dma_wait3A = arith.constant 0 : i32
    %dma_wait3A_5 = arith.constant 0 : i32
    %dma_wait3A_6 = tpu.memref_slice %arg2[%dma_wait3A, %dma_wait3A_5] : memref<4096x16xf32, #tpu.memory_space<hbm>> -> memref<4096x16xf32, #tpu.memory_space<hbm>>
    tpu.wait_indirect_dma semaphore(%arg21 : memref<!tpu.dma_semaphore, #tpu.memory_space<semaphore_mem>>) src(%dma_wait3A_6 : memref<4096x16xf32, #tpu.memory_space<hbm>>) dst(%arg18 : memref<128x16xf32, #tpu.memory_space<vmem>>)
    "tpu.region"() ({
      %run_scoped3A = tpu.sem_alloc : memref<!tpu.dma_semaphore, #tpu.memory_space<semaphore_mem>>
      %dma_start3A_33 = arith.constant 0 : i32
      %dma_start3A_34 = tpu.memref_slice %arg10[%mul3A_2, %dma_start3A_33] : memref<4096x16xf32, #tpu.memory_space<hbm>> -> memref<128x16xf32, #tpu.memory_space<hbm>>
      %dma_start3A_35 = arith.constant 0 : i32
      %dma_start3A_36 = tpu.memref_slice %arg10[%mul3A_2, %dma_start3A_35] : memref<4096x16xf32, #tpu.memory_space<hbm>> -> memref<128x16xf32, #tpu.memory_space<hbm>>
      tpu.enqueue_dma source(%arg18 : memref<128x16xf32, #tpu.memory_space<vmem>>) target(%dma_start3A_36 : memref<128x16xf32, #tpu.memory_space<hbm>>) target_semaphore(%run_scoped3A : memref<!tpu.dma_semaphore, #tpu.memory_space<semaphore_mem>>)
      %dma_wait3A_37 = arith.constant 0 : i32
      %dma_wait3A_38 = tpu.memref_slice %arg10[%mul3A_2, %dma_wait3A_37] : memref<4096x16xf32, #tpu.memory_space<hbm>> -> memref<128x16xf32, #tpu.memory_space<hbm>>
      %dma_wait3A_39 = arith.constant 0 : i32
      %dma_wait3A_40 = tpu.memref_slice %arg10[%mul3A_2, %dma_wait3A_39] : memref<4096x16xf32, #tpu.memory_space<hbm>> -> memref<128x16xf32, #tpu.memory_space<hbm>>
      tpu.wait_dma2 semaphore(%run_scoped3A : memref<!tpu.dma_semaphore, #tpu.memory_space<semaphore_mem>>) src(%arg18 : memref<128x16xf32, #tpu.memory_space<vmem>>) dst(%dma_wait3A_40 : memref<128x16xf32, #tpu.memory_space<hbm>>)
      tpu.yield
    }) : () -> ()
    %dma_start3A_7 = arith.constant 0 : i32
    %dma_start3A_8 = arith.constant 0 : i32
    %dma_start3A_9 = tpu.memref_slice %arg3[%dma_start3A_7, %dma_start3A_8] : memref<4096x16xf32, #tpu.memory_space<hbm>> -> memref<4096x16xf32, #tpu.memory_space<hbm>>
    tpu.enqueue_indirect_dma source(%dma_start3A_9 : memref<4096x16xf32, #tpu.memory_space<hbm>>) target(%arg19 : memref<128x16xf32, #tpu.memory_space<vmem>>) offsets(%arg16 : memref<128xi32, #tpu.memory_space<vmem>>) semaphore(%arg21 : memref<!tpu.dma_semaphore, #tpu.memory_space<semaphore_mem>>)
    %dma_wait3A_10 = arith.constant 0 : i32
    %dma_wait3A_11 = arith.constant 0 : i32
    %dma_wait3A_12 = tpu.memref_slice %arg3[%dma_wait3A_10, %dma_wait3A_11] : memref<4096x16xf32, #tpu.memory_space<hbm>> -> memref<4096x16xf32, #tpu.memory_space<hbm>>
    tpu.wait_indirect_dma semaphore(%arg21 : memref<!tpu.dma_semaphore, #tpu.memory_space<semaphore_mem>>) src(%dma_wait3A_12 : memref<4096x16xf32, #tpu.memory_space<hbm>>) dst(%arg19 : memref<128x16xf32, #tpu.memory_space<vmem>>)
    "tpu.region"() ({
      %run_scoped3A = tpu.sem_alloc : memref<!tpu.dma_semaphore, #tpu.memory_space<semaphore_mem>>
      %dma_start3A_33 = arith.constant 0 : i32
      %dma_start3A_34 = tpu.memref_slice %arg11[%mul3A_2, %dma_start3A_33] : memref<4096x16xf32, #tpu.memory_space<hbm>> -> memref<128x16xf32, #tpu.memory_space<hbm>>
      %dma_start3A_35 = arith.constant 0 : i32
      %dma_start3A_36 = tpu.memref_slice %arg11[%mul3A_2, %dma_start3A_35] : memref<4096x16xf32, #tpu.memory_space<hbm>> -> memref<128x16xf32, #tpu.memory_space<hbm>>
      tpu.enqueue_dma source(%arg19 : memref<128x16xf32, #tpu.memory_space<vmem>>) target(%dma_start3A_36 : memref<128x16xf32, #tpu.memory_space<hbm>>) target_semaphore(%run_scoped3A : memref<!tpu.dma_semaphore, #tpu.memory_space<semaphore_mem>>)
      %dma_wait3A_37 = arith.constant 0 : i32
      %dma_wait3A_38 = tpu.memref_slice %arg11[%mul3A_2, %dma_wait3A_37] : memref<4096x16xf32, #tpu.memory_space<hbm>> -> memref<128x16xf32, #tpu.memory_space<hbm>>
      %dma_wait3A_39 = arith.constant 0 : i32
      %dma_wait3A_40 = tpu.memref_slice %arg11[%mul3A_2, %dma_wait3A_39] : memref<4096x16xf32, #tpu.memory_space<hbm>> -> memref<128x16xf32, #tpu.memory_space<hbm>>
      tpu.wait_dma2 semaphore(%run_scoped3A : memref<!tpu.dma_semaphore, #tpu.memory_space<semaphore_mem>>) src(%arg19 : memref<128x16xf32, #tpu.memory_space<vmem>>) dst(%dma_wait3A_40 : memref<128x16xf32, #tpu.memory_space<hbm>>)
      tpu.yield
    }) : () -> ()
    %dma_start3A_13 = arith.constant 0 : i32
    %dma_start3A_14 = tpu.memref_slice %arg4[%dma_start3A_13] : memref<4096xf32, #tpu.memory_space<hbm>> -> memref<4096xf32, #tpu.memory_space<hbm>>
    tpu.enqueue_indirect_dma source(%dma_start3A_14 : memref<4096xf32, #tpu.memory_space<hbm>>) target(%arg20 : memref<128xf32, #tpu.memory_space<vmem>>) offsets(%arg16 : memref<128xi32, #tpu.memory_space<vmem>>) semaphore(%arg21 : memref<!tpu.dma_semaphore, #tpu.memory_space<semaphore_mem>>)
    %dma_wait3A_15 = arith.constant 0 : i32
    %dma_wait3A_16 = tpu.memref_slice %arg4[%dma_wait3A_15] : memref<4096xf32, #tpu.memory_space<hbm>> -> memref<4096xf32, #tpu.memory_space<hbm>>
    tpu.wait_indirect_dma semaphore(%arg21 : memref<!tpu.dma_semaphore, #tpu.memory_space<semaphore_mem>>) src(%dma_wait3A_16 : memref<4096xf32, #tpu.memory_space<hbm>>) dst(%arg20 : memref<128xf32, #tpu.memory_space<vmem>>)
    "tpu.region"() ({
      %run_scoped3A = tpu.sem_alloc : memref<!tpu.dma_semaphore, #tpu.memory_space<semaphore_mem>>
      %dma_start3A_33 = tpu.memref_slice %arg12[%mul3A_2] : memref<4096xf32, #tpu.memory_space<hbm>> -> memref<128xf32, #tpu.memory_space<hbm>>
      %dma_start3A_34 = tpu.memref_slice %arg12[%mul3A_2] : memref<4096xf32, #tpu.memory_space<hbm>> -> memref<128xf32, #tpu.memory_space<hbm>>
      tpu.enqueue_dma source(%arg20 : memref<128xf32, #tpu.memory_space<vmem>>) target(%dma_start3A_34 : memref<128xf32, #tpu.memory_space<hbm>>) target_semaphore(%run_scoped3A : memref<!tpu.dma_semaphore, #tpu.memory_space<semaphore_mem>>)
      %dma_wait3A_35 = tpu.memref_slice %arg12[%mul3A_2] : memref<4096xf32, #tpu.memory_space<hbm>> -> memref<128xf32, #tpu.memory_space<hbm>>
      %dma_wait3A_36 = tpu.memref_slice %arg12[%mul3A_2] : memref<4096xf32, #tpu.memory_space<hbm>> -> memref<128xf32, #tpu.memory_space<hbm>>
      tpu.wait_dma2 semaphore(%run_scoped3A : memref<!tpu.dma_semaphore, #tpu.memory_space<semaphore_mem>>) src(%arg20 : memref<128xf32, #tpu.memory_space<vmem>>) dst(%dma_wait3A_36 : memref<128xf32, #tpu.memory_space<hbm>>)
      tpu.yield
    }) : () -> ()
    %dma_start3A_17 = arith.constant 0 : i32
    %dma_start3A_18 = arith.constant 0 : i32
    %dma_start3A_19 = tpu.memref_slice %arg5[%dma_start3A_17, %dma_start3A_18] : memref<4096x16xf32, #tpu.memory_space<hbm>> -> memref<4096x16xf32, #tpu.memory_space<hbm>>
    tpu.enqueue_indirect_dma source(%dma_start3A_19 : memref<4096x16xf32, #tpu.memory_space<hbm>>) target(%arg18 : memref<128x16xf32, #tpu.memory_space<vmem>>) offsets(%arg17 : memref<128xi32, #tpu.memory_space<vmem>>) semaphore(%arg21 : memref<!tpu.dma_semaphore, #tpu.memory_space<semaphore_mem>>)
    %dma_wait3A_20 = arith.constant 0 : i32
    %dma_wait3A_21 = arith.constant 0 : i32
    %dma_wait3A_22 = tpu.memref_slice %arg5[%dma_wait3A_20, %dma_wait3A_21] : memref<4096x16xf32, #tpu.memory_space<hbm>> -> memref<4096x16xf32, #tpu.memory_space<hbm>>
    tpu.wait_indirect_dma semaphore(%arg21 : memref<!tpu.dma_semaphore, #tpu.memory_space<semaphore_mem>>) src(%dma_wait3A_22 : memref<4096x16xf32, #tpu.memory_space<hbm>>) dst(%arg18 : memref<128x16xf32, #tpu.memory_space<vmem>>)
    "tpu.region"() ({
      %run_scoped3A = tpu.sem_alloc : memref<!tpu.dma_semaphore, #tpu.memory_space<semaphore_mem>>
      %dma_start3A_33 = arith.constant 0 : i32
      %dma_start3A_34 = tpu.memref_slice %arg13[%mul3A_2, %dma_start3A_33] : memref<4096x16xf32, #tpu.memory_space<hbm>> -> memref<128x16xf32, #tpu.memory_space<hbm>>
      %dma_start3A_35 = arith.constant 0 : i32
      %dma_start3A_36 = tpu.memref_slice %arg13[%mul3A_2, %dma_start3A_35] : memref<4096x16xf32, #tpu.memory_space<hbm>> -> memref<128x16xf32, #tpu.memory_space<hbm>>
      tpu.enqueue_dma source(%arg18 : memref<128x16xf32, #tpu.memory_space<vmem>>) target(%dma_start3A_36 : memref<128x16xf32, #tpu.memory_space<hbm>>) target_semaphore(%run_scoped3A : memref<!tpu.dma_semaphore, #tpu.memory_space<semaphore_mem>>)
      %dma_wait3A_37 = arith.constant 0 : i32
      %dma_wait3A_38 = tpu.memref_slice %arg13[%mul3A_2, %dma_wait3A_37] : memref<4096x16xf32, #tpu.memory_space<hbm>> -> memref<128x16xf32, #tpu.memory_space<hbm>>
      %dma_wait3A_39 = arith.constant 0 : i32
      %dma_wait3A_40 = tpu.memref_slice %arg13[%mul3A_2, %dma_wait3A_39] : memref<4096x16xf32, #tpu.memory_space<hbm>> -> memref<128x16xf32, #tpu.memory_space<hbm>>
      tpu.wait_dma2 semaphore(%run_scoped3A : memref<!tpu.dma_semaphore, #tpu.memory_space<semaphore_mem>>) src(%arg18 : memref<128x16xf32, #tpu.memory_space<vmem>>) dst(%dma_wait3A_40 : memref<128x16xf32, #tpu.memory_space<hbm>>)
      tpu.yield
    }) : () -> ()
    %dma_start3A_23 = arith.constant 0 : i32
    %dma_start3A_24 = arith.constant 0 : i32
    %dma_start3A_25 = tpu.memref_slice %arg6[%dma_start3A_23, %dma_start3A_24] : memref<4096x16xf32, #tpu.memory_space<hbm>> -> memref<4096x16xf32, #tpu.memory_space<hbm>>
    tpu.enqueue_indirect_dma source(%dma_start3A_25 : memref<4096x16xf32, #tpu.memory_space<hbm>>) target(%arg19 : memref<128x16xf32, #tpu.memory_space<vmem>>) offsets(%arg17 : memref<128xi32, #tpu.memory_space<vmem>>) semaphore(%arg21 : memref<!tpu.dma_semaphore, #tpu.memory_space<semaphore_mem>>)
    %dma_wait3A_26 = arith.constant 0 : i32
    %dma_wait3A_27 = arith.constant 0 : i32
    %dma_wait3A_28 = tpu.memref_slice %arg6[%dma_wait3A_26, %dma_wait3A_27] : memref<4096x16xf32, #tpu.memory_space<hbm>> -> memref<4096x16xf32, #tpu.memory_space<hbm>>
    tpu.wait_indirect_dma semaphore(%arg21 : memref<!tpu.dma_semaphore, #tpu.memory_space<semaphore_mem>>) src(%dma_wait3A_28 : memref<4096x16xf32, #tpu.memory_space<hbm>>) dst(%arg19 : memref<128x16xf32, #tpu.memory_space<vmem>>)
    "tpu.region"() ({
      %run_scoped3A = tpu.sem_alloc : memref<!tpu.dma_semaphore, #tpu.memory_space<semaphore_mem>>
      %dma_start3A_33 = arith.constant 0 : i32
      %dma_start3A_34 = tpu.memref_slice %arg14[%mul3A_2, %dma_start3A_33] : memref<4096x16xf32, #tpu.memory_space<hbm>> -> memref<128x16xf32, #tpu.memory_space<hbm>>
      %dma_start3A_35 = arith.constant 0 : i32
      %dma_start3A_36 = tpu.memref_slice %arg14[%mul3A_2, %dma_start3A_35] : memref<4096x16xf32, #tpu.memory_space<hbm>> -> memref<128x16xf32, #tpu.memory_space<hbm>>
      tpu.enqueue_dma source(%arg19 : memref<128x16xf32, #tpu.memory_space<vmem>>) target(%dma_start3A_36 : memref<128x16xf32, #tpu.memory_space<hbm>>) target_semaphore(%run_scoped3A : memref<!tpu.dma_semaphore, #tpu.memory_space<semaphore_mem>>)
      %dma_wait3A_37 = arith.constant 0 : i32
      %dma_wait3A_38 = tpu.memref_slice %arg14[%mul3A_2, %dma_wait3A_37] : memref<4096x16xf32, #tpu.memory_space<hbm>> -> memref<128x16xf32, #tpu.memory_space<hbm>>
      %dma_wait3A_39 = arith.constant 0 : i32
      %dma_wait3A_40 = tpu.memref_slice %arg14[%mul3A_2, %dma_wait3A_39] : memref<4096x16xf32, #tpu.memory_space<hbm>> -> memref<128x16xf32, #tpu.memory_space<hbm>>
      tpu.wait_dma2 semaphore(%run_scoped3A : memref<!tpu.dma_semaphore, #tpu.memory_space<semaphore_mem>>) src(%arg19 : memref<128x16xf32, #tpu.memory_space<vmem>>) dst(%dma_wait3A_40 : memref<128x16xf32, #tpu.memory_space<hbm>>)
      tpu.yield
    }) : () -> ()
    %dma_start3A_29 = arith.constant 0 : i32
    %dma_start3A_30 = tpu.memref_slice %arg7[%dma_start3A_29] : memref<4096xf32, #tpu.memory_space<hbm>> -> memref<4096xf32, #tpu.memory_space<hbm>>
    tpu.enqueue_indirect_dma source(%dma_start3A_30 : memref<4096xf32, #tpu.memory_space<hbm>>) target(%arg20 : memref<128xf32, #tpu.memory_space<vmem>>) offsets(%arg17 : memref<128xi32, #tpu.memory_space<vmem>>) semaphore(%arg21 : memref<!tpu.dma_semaphore, #tpu.memory_space<semaphore_mem>>)
    %dma_wait3A_31 = arith.constant 0 : i32
    %dma_wait3A_32 = tpu.memref_slice %arg7[%dma_wait3A_31] : memref<4096xf32, #tpu.memory_space<hbm>> -> memref<4096xf32, #tpu.memory_space<hbm>>
    tpu.wait_indirect_dma semaphore(%arg21 : memref<!tpu.dma_semaphore, #tpu.memory_space<semaphore_mem>>) src(%dma_wait3A_32 : memref<4096xf32, #tpu.memory_space<hbm>>) dst(%arg20 : memref<128xf32, #tpu.memory_space<vmem>>)
    "tpu.region"() ({
      %run_scoped3A = tpu.sem_alloc : memref<!tpu.dma_semaphore, #tpu.memory_space<semaphore_mem>>
      %dma_start3A_33 = tpu.memref_slice %arg15[%mul3A_2] : memref<4096xf32, #tpu.memory_space<hbm>> -> memref<128xf32, #tpu.memory_space<hbm>>
      %dma_start3A_34 = tpu.memref_slice %arg15[%mul3A_2] : memref<4096xf32, #tpu.memory_space<hbm>> -> memref<128xf32, #tpu.memory_space<hbm>>
      tpu.enqueue_dma source(%arg20 : memref<128xf32, #tpu.memory_space<vmem>>) target(%dma_start3A_34 : memref<128xf32, #tpu.memory_space<hbm>>) target_semaphore(%run_scoped3A : memref<!tpu.dma_semaphore, #tpu.memory_space<semaphore_mem>>)
      %dma_wait3A_35 = tpu.memref_slice %arg15[%mul3A_2] : memref<4096xf32, #tpu.memory_space<hbm>> -> memref<128xf32, #tpu.memory_space<hbm>>
      %dma_wait3A_36 = tpu.memref_slice %arg15[%mul3A_2] : memref<4096xf32, #tpu.memory_space<hbm>> -> memref<128xf32, #tpu.memory_space<hbm>>
      tpu.wait_dma2 semaphore(%run_scoped3A : memref<!tpu.dma_semaphore, #tpu.memory_space<semaphore_mem>>) src(%arg20 : memref<128xf32, #tpu.memory_space<vmem>>) dst(%dma_wait3A_36 : memref<128xf32, #tpu.memory_space<hbm>>)
      tpu.yield
    }) : () -> ()
    return
  }
}

module attributes {stable_mosaic.version = 14 : i64} {
  func.func @_conv_body(%arg0: i32, %arg1: memref<16x8192xf32, #tpu.memory_space<vmem>>, %arg2: memref<1024x128xf32, #tpu.memory_space<vmem>>) attributes {dimension_semantics = [#tpu.dimension_semantics<arbitrary>], iteration_bounds = array<i64: 123>, scalar_prefetch = 0 : i64, scratch_operands = 0 : i64, tpu.core_type = #tpu.core_type<tc>, window_params = [{transform_indices = @transform_0, window_bounds = array<i64: 16, 8192>}, {transform_indices = @transform_1, window_bounds = array<i64: 1024, 128>}]} {
    %get3A = arith.constant 0 : index
    %get3A_0 = arith.constant 0 : index
    %get3A_1 = vector.load %arg1[%get3A, %get3A_0] : memref<16x8192xf32, #tpu.memory_space<vmem>>, vector<16x8192xf32>
    %transpose3A = tpu.transpose %get3A_1, [1, 0] : vector<16x8192xf32> -> vector<8192x16xf32>
    %reshape3A = vector.shape_cast %transpose3A : vector<8192x16xf32> to vector<1024x8x16xf32>
    %slice3A = vector.extract_strided_slice %reshape3A {offsets = [0, 0, 0], sizes = [1024, 1, 16], strides = [1, 1, 1]} : vector<1024x8x16xf32> to vector<1024x1x16xf32>
    %squeeze3A = vector.shape_cast %slice3A : vector<1024x1x16xf32> to vector<1024x16xf32>
    %swap3A = arith.constant 0 : index
    %swap3A_2 = arith.constant 0 : index
    %swap3A_3 = vector.load %arg2[%swap3A, %swap3A_2] : memref<1024x128xf32, #tpu.memory_space<vmem>>, vector<1024x16xf32>
    tpu.vector_store %arg2[%swap3A, %swap3A_2], %squeeze3A {strides = array<i32>} : memref<1024x128xf32, #tpu.memory_space<vmem>>, vector<1024x16xf32>,
    %slice3A_4 = vector.extract_strided_slice %reshape3A {offsets = [0, 1, 0], sizes = [1024, 1, 16], strides = [1, 1, 1]} : vector<1024x8x16xf32> to vector<1024x1x16xf32>
    %squeeze3A_5 = vector.shape_cast %slice3A_4 : vector<1024x1x16xf32> to vector<1024x16xf32>
    %swap3A_6 = arith.constant 0 : index
    %swap3A_7 = arith.constant 16 : index
    %swap3A_8 = vector.load %arg2[%swap3A_6, %swap3A_7] : memref<1024x128xf32, #tpu.memory_space<vmem>>, vector<1024x16xf32>
    tpu.vector_store %arg2[%swap3A_6, %swap3A_7], %squeeze3A_5 {strides = array<i32>} : memref<1024x128xf32, #tpu.memory_space<vmem>>, vector<1024x16xf32>,
    %slice3A_9 = vector.extract_strided_slice %reshape3A {offsets = [0, 2, 0], sizes = [1024, 1, 16], strides = [1, 1, 1]} : vector<1024x8x16xf32> to vector<1024x1x16xf32>
    %squeeze3A_10 = vector.shape_cast %slice3A_9 : vector<1024x1x16xf32> to vector<1024x16xf32>
    %swap3A_11 = arith.constant 0 : index
    %swap3A_12 = arith.constant 32 : index
    %swap3A_13 = vector.load %arg2[%swap3A_11, %swap3A_12] : memref<1024x128xf32, #tpu.memory_space<vmem>>, vector<1024x16xf32>
    tpu.vector_store %arg2[%swap3A_11, %swap3A_12], %squeeze3A_10 {strides = array<i32>} : memref<1024x128xf32, #tpu.memory_space<vmem>>, vector<1024x16xf32>,
    %slice3A_14 = vector.extract_strided_slice %reshape3A {offsets = [0, 3, 0], sizes = [1024, 1, 16], strides = [1, 1, 1]} : vector<1024x8x16xf32> to vector<1024x1x16xf32>
    %squeeze3A_15 = vector.shape_cast %slice3A_14 : vector<1024x1x16xf32> to vector<1024x16xf32>
    %swap3A_16 = arith.constant 0 : index
    %swap3A_17 = arith.constant 48 : index
    %swap3A_18 = vector.load %arg2[%swap3A_16, %swap3A_17] : memref<1024x128xf32, #tpu.memory_space<vmem>>, vector<1024x16xf32>
    tpu.vector_store %arg2[%swap3A_16, %swap3A_17], %squeeze3A_15 {strides = array<i32>} : memref<1024x128xf32, #tpu.memory_space<vmem>>, vector<1024x16xf32>,
    %slice3A_19 = vector.extract_strided_slice %reshape3A {offsets = [0, 4, 0], sizes = [1024, 1, 16], strides = [1, 1, 1]} : vector<1024x8x16xf32> to vector<1024x1x16xf32>
    %squeeze3A_20 = vector.shape_cast %slice3A_19 : vector<1024x1x16xf32> to vector<1024x16xf32>
    %swap3A_21 = arith.constant 0 : index
    %swap3A_22 = arith.constant 64 : index
    %swap3A_23 = vector.load %arg2[%swap3A_21, %swap3A_22] : memref<1024x128xf32, #tpu.memory_space<vmem>>, vector<1024x16xf32>
    tpu.vector_store %arg2[%swap3A_21, %swap3A_22], %squeeze3A_20 {strides = array<i32>} : memref<1024x128xf32, #tpu.memory_space<vmem>>, vector<1024x16xf32>,
    %slice3A_24 = vector.extract_strided_slice %reshape3A {offsets = [0, 5, 0], sizes = [1024, 1, 16], strides = [1, 1, 1]} : vector<1024x8x16xf32> to vector<1024x1x16xf32>
    %squeeze3A_25 = vector.shape_cast %slice3A_24 : vector<1024x1x16xf32> to vector<1024x16xf32>
    %swap3A_26 = arith.constant 0 : index
    %swap3A_27 = arith.constant 80 : index
    %swap3A_28 = vector.load %arg2[%swap3A_26, %swap3A_27] : memref<1024x128xf32, #tpu.memory_space<vmem>>, vector<1024x16xf32>
    tpu.vector_store %arg2[%swap3A_26, %swap3A_27], %squeeze3A_25 {strides = array<i32>} : memref<1024x128xf32, #tpu.memory_space<vmem>>, vector<1024x16xf32>,
    %slice3A_29 = vector.extract_strided_slice %reshape3A {offsets = [0, 6, 0], sizes = [1024, 1, 16], strides = [1, 1, 1]} : vector<1024x8x16xf32> to vector<1024x1x16xf32>
    %squeeze3A_30 = vector.shape_cast %slice3A_29 : vector<1024x1x16xf32> to vector<1024x16xf32>
    %swap3A_31 = arith.constant 0 : index
    %swap3A_32 = arith.constant 96 : index
    %swap3A_33 = vector.load %arg2[%swap3A_31, %swap3A_32] : memref<1024x128xf32, #tpu.memory_space<vmem>>, vector<1024x16xf32>
    tpu.vector_store %arg2[%swap3A_31, %swap3A_32], %squeeze3A_30 {strides = array<i32>} : memref<1024x128xf32, #tpu.memory_space<vmem>>, vector<1024x16xf32>,
    %slice3A_34 = vector.extract_strided_slice %reshape3A {offsets = [0, 7, 0], sizes = [1024, 1, 16], strides = [1, 1, 1]} : vector<1024x8x16xf32> to vector<1024x1x16xf32>
    %squeeze3A_35 = vector.shape_cast %slice3A_34 : vector<1024x1x16xf32> to vector<1024x16xf32>
    %swap3A_36 = arith.constant 0 : index
    %swap3A_37 = arith.constant 112 : index
    %swap3A_38 = vector.load %arg2[%swap3A_36, %swap3A_37] : memref<1024x128xf32, #tpu.memory_space<vmem>>, vector<1024x16xf32>
    tpu.vector_store %arg2[%swap3A_36, %swap3A_37], %squeeze3A_35 {strides = array<i32>} : memref<1024x128xf32, #tpu.memory_space<vmem>>, vector<1024x16xf32>,
    return
  }
  func.func @transform_0(%arg0: i32) -> (i32, i32) {
    %c0_i32 = arith.constant 0 : i32
    %c0_i32_0 = arith.constant 0 : i32
    return %c0_i32, %arg0 : i32, i32
  }
  func.func @transform_1(%arg0: i32) -> (i32, i32) {
    %c0_i32 = arith.constant 0 : i32
    %c0_i32_0 = arith.constant 0 : i32
    return %arg0, %c0_i32 : i32, i32
  }
}

module attributes {stable_mosaic.version = 14 : i64} {
  func.func @_tc_final_body(%arg0: memref<4096x16xf32, #tpu.memory_space<vmem>>, %arg1: memref<4096x16xf32, #tpu.memory_space<vmem>>, %arg2: memref<4096x16xf32, #tpu.memory_space<vmem>>, %arg3: memref<4096x16xf32, #tpu.memory_space<vmem>>, %arg4: memref<4096x1xf32, #tpu.memory_space<vmem>>, %arg5: memref<4096x16xf32, #tpu.memory_space<vmem>>, %arg6: memref<4096x16xf32, #tpu.memory_space<vmem>>, %arg7: memref<4096x1xf32, #tpu.memory_space<vmem>>, %arg8: memref<1x16xf32, #tpu.memory_space<vmem>>, %arg9: memref<1x16xf32, #tpu.memory_space<vmem>>, %arg10: memref<1x1xf32, #tpu.memory_space<vmem>>, %arg11: memref<1x1xf32, #tpu.memory_space<vmem>>) attributes {dimension_semantics = [], scalar_prefetch = 0 : i64, scratch_operands = 0 : i64, tpu.core_type = #tpu.core_type<tc>} {
    %get3A = arith.constant 0 : index
    %get3A_0 = arith.constant 0 : index
    %get3A_1 = vector.load %arg0[%get3A, %get3A_0] : memref<4096x16xf32, #tpu.memory_space<vmem>>, vector<4096x16xf32>
    %get3A_2 = arith.constant 0 : index
    %get3A_3 = arith.constant 0 : index
    %get3A_4 = vector.load %arg1[%get3A_2, %get3A_3] : memref<4096x16xf32, #tpu.memory_space<vmem>>, vector<4096x16xf32>
    %dot_general3A = arith.constant dense<0.000000e+00> : vector<16x16xf32>
    %dot_general3A_5 = tpu.matmul %get3A_1, %get3A_1, %dot_general3A {dimension_numbers = #tpu.dot_dimension_numbers<[0], [0], [1], [1], [0, 1, 1, 1], [], []>, precision = #tpu.contract_precision<fp32>, transpose_lhs_hint = false} : vector<4096x16xf32>, vector<4096x16xf32>, vector<16x16xf32> -> vector<16x16xf32>
    %dot_general3A_6 = arith.constant dense<0.000000e+00> : vector<16x16xf32>
    %dot_general3A_7 = tpu.matmul %get3A_4, %get3A_4, %dot_general3A_6 {dimension_numbers = #tpu.dot_dimension_numbers<[0], [0], [1], [1], [0, 1, 1, 1], [], []>, precision = #tpu.contract_precision<fp32>, transpose_lhs_hint = false} : vector<4096x16xf32>, vector<4096x16xf32>, vector<16x16xf32> -> vector<16x16xf32>
    %get3A_8 = arith.constant 0 : index
    %get3A_9 = arith.constant 0 : index
    %get3A_10 = vector.load %arg9[%get3A_8, %get3A_9] : memref<1x16xf32, #tpu.memory_space<vmem>>, vector<1x16xf32>
    %mul3A = arith.mulf %dot_general3A_5, %dot_general3A_7 : vector<16x16xf32>
    %dot_general3A_11 = arith.constant dense<0.000000e+00> : vector<1x16xf32>
    %dot_general3A_12 = tpu.matmul %get3A_10, %mul3A, %dot_general3A_11 {dimension_numbers = #tpu.dot_dimension_numbers<[1], [0], [0], [1], [0, 0, 1, 1], [], []>, precision = #tpu.contract_precision<fp32>, transpose_lhs_hint = false} : vector<1x16xf32>, vector<16x16xf32>, vector<1x16xf32> -> vector<1x16xf32>
    %mul3A_13 = arith.mulf %dot_general3A_12, %get3A_10 : vector<1x16xf32>
    %reduce_sum3A = vector.shape_cast %mul3A_13 : vector<1x16xf32> to vector<1x1x16xf32>
    %reduce_sum3A_14 = arith.constant dense<0.000000e+00> : vector<1xf32>
    %reduce_sum3A_15 = vector.multi_reduction <add>, %reduce_sum3A, %reduce_sum3A_14 [1, 2] : vector<1x1x16xf32> to vector<1xf32>
    %reduce_sum3A_16 = vector.shape_cast %reduce_sum3A_15 : vector<1xf32> to vector<1x1x1xf32>
    %reduce_sum3A_17 = vector.extract %reduce_sum3A_16[0, 0, 0] : f32 from vector<1x1x1xf32>
    %mul3A_18 = arith.constant 5.000000e-01 : f32
    %mul3A_19 = arith.mulf %mul3A_18, %reduce_sum3A_17 : f32
    %get3A_20 = arith.constant 0 : index
    %get3A_21 = arith.constant 0 : index
    %get3A_22 = vector.load %arg8[%get3A_20, %get3A_21] : memref<1x16xf32, #tpu.memory_space<vmem>>, vector<1x16xf32>
    %get3A_23 = arith.constant 0 : index
    %get3A_24 = arith.constant 0 : index
    %get3A_25 = vector.load %arg2[%get3A_23, %get3A_24] : memref<4096x16xf32, #tpu.memory_space<vmem>>, vector<4096x16xf32>
    %get3A_26 = arith.constant 0 : index
    %get3A_27 = arith.constant 0 : index
    %get3A_28 = vector.load %arg5[%get3A_26, %get3A_27] : memref<4096x16xf32, #tpu.memory_space<vmem>>, vector<4096x16xf32>
    %mul3A_29 = arith.mulf %get3A_25, %get3A_25 : vector<4096x16xf32>
    %get3A_30 = arith.constant 0 : index
    %get3A_31 = arith.constant 0 : index
    %get3A_32 = vector.load %arg3[%get3A_30, %get3A_31] : memref<4096x16xf32, #tpu.memory_space<vmem>>, vector<4096x16xf32>
    %sub3A = arith.subf %mul3A_29, %get3A_32 : vector<4096x16xf32>
    %mul3A_33 = arith.constant 5.000000e-01 : f32
    %mul3A_34 = vector.broadcast %mul3A_33 : f32 to vector<4096x16xf32>
    %mul3A_35 = arith.mulf %mul3A_34, %sub3A : vector<4096x16xf32>
    %mul3A_36 = arith.mulf %get3A_28, %get3A_28 : vector<4096x16xf32>
    %get3A_37 = arith.constant 0 : index
    %get3A_38 = arith.constant 0 : index
    %get3A_39 = vector.load %arg6[%get3A_37, %get3A_38] : memref<4096x16xf32, #tpu.memory_space<vmem>>, vector<4096x16xf32>
    %sub3A_40 = arith.subf %mul3A_36, %get3A_39 : vector<4096x16xf32>
    %mul3A_41 = arith.constant 5.000000e-01 : f32
    %mul3A_42 = vector.broadcast %mul3A_41 : f32 to vector<4096x16xf32>
    %mul3A_43 = arith.mulf %mul3A_42, %sub3A_40 : vector<4096x16xf32>
    %mul3A_44 = vector.broadcast %get3A_22 : vector<1x16xf32> to vector<4096x16xf32>
    %mul3A_45 = arith.mulf %mul3A_35, %mul3A_44 : vector<4096x16xf32>
    %reduce_sum3A_46 = arith.constant dense<0.000000e+00> : vector<4096xf32>
    %reduce_sum3A_47 = vector.multi_reduction <add>, %mul3A_45, %reduce_sum3A_46 [1] : vector<4096x16xf32> to vector<4096xf32>
    %broadcast_in_dim3A = vector.shape_cast %reduce_sum3A_47 : vector<4096xf32> to vector<4096x1xf32>
    %get3A_48 = arith.constant 0 : index
    %get3A_49 = arith.constant 0 : index
    %get3A_50 = vector.load %arg4[%get3A_48, %get3A_49] : memref<4096x1xf32, #tpu.memory_space<vmem>>, vector<4096x1xf32>
    %add3A = arith.addf %broadcast_in_dim3A, %get3A_50 : vector<4096x1xf32>
    %get3A_51 = arith.constant 0 : index
    %get3A_52 = arith.constant 0 : index
    %get3A_53 = vector.load %arg10[%get3A_51, %get3A_52] : memref<1x1xf32, #tpu.memory_space<vmem>>, vector<1x1xf32>
    %get3A_54 = vector.extract %get3A_53[0, 0] : f32 from vector<1x1xf32>
    %add3A_55 = vector.broadcast %get3A_54 : f32 to vector<4096x1xf32>
    %add3A_56 = arith.addf %add3A, %add3A_55 : vector<4096x1xf32>
    %mul3A_57 = vector.broadcast %get3A_22 : vector<1x16xf32> to vector<4096x16xf32>
    %mul3A_58 = arith.mulf %mul3A_43, %mul3A_57 : vector<4096x16xf32>
    %reduce_sum3A_59 = arith.constant dense<0.000000e+00> : vector<4096xf32>
    %reduce_sum3A_60 = vector.multi_reduction <add>, %mul3A_58, %reduce_sum3A_59 [1] : vector<4096x16xf32> to vector<4096xf32>
    %broadcast_in_dim3A_61 = vector.shape_cast %reduce_sum3A_60 : vector<4096xf32> to vector<4096x1xf32>
    %get3A_62 = arith.constant 0 : index
    %get3A_63 = arith.constant 0 : index
    %get3A_64 = vector.load %arg7[%get3A_62, %get3A_63] : memref<4096x1xf32, #tpu.memory_space<vmem>>, vector<4096x1xf32>
    %add3A_65 = arith.addf %broadcast_in_dim3A_61, %get3A_64 : vector<4096x1xf32>
    %mul3A_66 = arith.mulf %get3A_25, %get3A_28 : vector<4096x16xf32>
    %mul3A_67 = vector.broadcast %get3A_10 : vector<1x16xf32> to vector<4096x16xf32>
    %mul3A_68 = arith.mulf %mul3A_66, %mul3A_67 : vector<4096x16xf32>
    %reduce_sum3A_69 = arith.constant dense<0.000000e+00> : vector<4096xf32>
    %reduce_sum3A_70 = vector.multi_reduction <add>, %mul3A_68, %reduce_sum3A_69 [1] : vector<4096x16xf32> to vector<4096xf32>
    %broadcast_in_dim3A_71 = vector.shape_cast %reduce_sum3A_70 : vector<4096xf32> to vector<4096x1xf32>
    %add3A_72 = arith.addf %broadcast_in_dim3A_71, %add3A_56 : vector<4096x1xf32>
    %add3A_73 = arith.addf %add3A_72, %add3A_65 : vector<4096x1xf32>
    %mul3A_74 = arith.constant 5.000000e-01 : f32
    %mul3A_75 = vector.broadcast %mul3A_74 : f32 to vector<4096x1xf32>
    %mul3A_76 = arith.mulf %mul3A_75, %add3A_73 : vector<4096x1xf32>
    %mul3A_77 = arith.mulf %mul3A_76, %add3A_73 : vector<4096x1xf32>
    %mul3A_78 = arith.constant 2.000000e+00 : f32
    %mul3A_79 = vector.broadcast %mul3A_78 : f32 to vector<4096x1xf32>
    %mul3A_80 = arith.mulf %mul3A_79, %add3A_73 : vector<4096x1xf32>
    %sub3A_81 = arith.subf %mul3A_77, %mul3A_80 : vector<4096x1xf32>
    %reduce_sum3A_82 = vector.shape_cast %sub3A_81 : vector<4096x1xf32> to vector<1x4096x1xf32>
    %reduce_sum3A_83 = arith.constant dense<0.000000e+00> : vector<1xf32>
    %reduce_sum3A_84 = vector.multi_reduction <add>, %reduce_sum3A_82, %reduce_sum3A_83 [1, 2] : vector<1x4096x1xf32> to vector<1xf32>
    %reduce_sum3A_85 = vector.shape_cast %reduce_sum3A_84 : vector<1xf32> to vector<1x1x1xf32>
    %reduce_sum3A_86 = vector.extract %reduce_sum3A_85[0, 0, 0] : f32 from vector<1x1x1xf32>
    %add3A_87 = arith.addf %mul3A_19, %reduce_sum3A_86 : f32
    %reshape3A = vector.broadcast %add3A_87 : f32 to vector<1x1xf32>
    %swap3A = arith.constant 0 : index
    %swap3A_88 = arith.constant 0 : index
    %swap3A_89 = vector.load %arg11[%swap3A, %swap3A_88] : memref<1x1xf32, #tpu.memory_space<vmem>>, vector<1x1xf32>
    tpu.vector_store %arg11[%swap3A, %swap3A_88], %reshape3A {strides = array<i32>} : memref<1x1xf32, #tpu.memory_space<vmem>>, vector<1x1xf32>,
    return
  }
}

</mosaic_0001>

<sc_bundles>
// kernel: kernel.10.cloned.1.call-start
scs
__scs_entry_jumppad:
0x0: {  	(pc) =	sbr.rel $0x88, $3  }
0x1: {  	(tag) =	ssettag $0x0;
	lr =	simm.s32 $0x1  }
0x2: {  	[smem:$0x3F97] =	sst lr;
	_ =	strace $0xD0000000  }
0x3: {  	_ = 	snop  }
0x4: {  	_ = 	snop  }
0x5: {  	_ = 	snop  }
0x6: {  	_ = 	snop  }
0x7: {  	_ = 	snop  }
__scs_overlays_trampoline_lowered:
0x8: {  	[smem:$0x3FA6] =	sst s0  }
0x9: {  	[smem:$0x3FA7] =	sst s1  }
0xa: {  	[smem:$0x3FA8] =	sst s2  }
0xb: {  	[smem:$0x3FA9] =	sst s3  }
0xc: {  	[smem:$0x3FAA] =	sst s4  }
0xd: {  	[smem:$0x3FAB] =	sst s5  }
0xe: {  	[smem:$0x3FAC] =	sst s6  }
0xf: {  	[smem:$0x3FAD] =	sst s7  }
0x10: {  	[smem:$0x3FAE] =	sst s8  }
0x11: {  	[smem:$0x3FAF] =	sst s9;
	s0 =	simm.s32 @!p0 $0x0  }
0x12: {  	s1 =	sld [smem:$0x3F95];
	s0 =	simm.s32 @p0 $0x1  }
0x13: {  	[smem:$0x3FB0] =	sst s0;
	s0 =	simm.s32 @!p1 $0x0  }
0x14: {  	s2 =	sld [smem:$0x3F94];
	s0 =	simm.s32 @p1 $0x1  }
0x15: {  	[smem:$0x3FB1] =	sst s0;
	s0 =	simm.s32 @!p2 $0x0  }
0x16: {  	s3 =	sld [smem:$0x3FDB];
	s0 =	simm.s32 @p2 $0x1  }
0x17: {  	s4 =	simm.s32 $0x1BF5;
	[smem:$0x3FB3] =	sst s0  }
0x18: {  	s0 =	sld [smem:$0x3F96];
	_ =	swait.ge [sflag:s4], $0x0  }
0x19: {  	s7 =	sld [smem:$0x3F97]  }
0x1a: {  	s8 =	sadd.s32 $0xFFFFE003, lr  }
0x1b: {  	s9 =	sadd.s32 $0xFFFFFEF7, lr;
	s5 =	simm.s32 $0xFFFFFFFF;
	p2 =	slt.u32 s8, $0xFFFFF086  }
0x1c: {  	p1 =	slt.u32 s9, $0xF7A;
	s5 =	simm.s32 @!p2 $0x0  }
0x1d: {  	s5 =	simm.s32 @p1 $0x1;
	p0 =	seq.s32 s7, s2  }
0x1e: {  	s7 =	smul.u32 @!p0 $0xF7A, s2;
	p2 =	seq.s32 @!p0 s5, $0x0  }
0x1f: {  	s9 =	smul.u32 $0xF7A, s1;
	s8 =	simm.s32 @!p0 $0x1BF5;
	p2 =	por !p2, p0  }
0x20: {  	[sflag:s8] =	ssyncset.s32 @!p0 $0xFFFFF086;
	s6 =	sadd.s32 @!p0 s3, s7;
	s7 =	simm.s32 @!p0 $0x108  }
0x21: {  	s3 =	sadd.s32 s3, s9;
	s6 =	sadd.s32 @!p0 $0x88, s6;
	s7 =	simm.s32 @p2 $0x1082  }
0x22: {  	[simem:s7], [sflag:s8] =	dma.local @!p0 [hbm:s6], $0xF7A  }
0x23: {  	s9 =	sor.u32 $0xD0000000, s2;
	s6 =	simm.s32 $0x108;
	_ =	swait.ge @!p0 [sflag:s8], $0x0  }
0x24: {  	s3 =	sadd.s32 $0x88, s3;
	s6 =	simm.s32 @!p1 $0x1082;
	[sflag:s4] =	ssyncset.s32 $0xFFFFF086  }
0x25: {  	[simem:s6], [sflag:s4] =	dma.local [hbm:s3], $0xF7A  }
0x26: {  	[smem:$0x3F97] =	sst s1;
	(tag) =	ssettag s2;
	_ =	strace s9  }
0x27: {  	s1 =	sld [smem:$0x3FA7]  }
0x28: {  	s2 =	sld [smem:$0x3FA8]  }
0x29: {  	s4 =	sld [smem:$0x3FAA]  }
0x2a: {  	p0 =	seq.s32 s5, $0x0;
	s5 =	sld [smem:$0x3FAB]  }
0x2b: {  	s6 =	sld [smem:$0x3FAC]  }
0x2c: {  	s7 =	sld [smem:$0x3FAD]  }
0x2d: {  	s3 =	simm.s32 $0x108;
	s8 =	sld [smem:$0x3FAE]  }
0x2e: {  	s3 =	simm.s32 @!p0 $0x1082;
	s9 =	sld [smem:$0x3FAF]  }
0x2f: {  	lr =	sadd.s32 s0, s3;
	s0 =	sld [smem:$0x3FA6]  }
0x30: {  	s3 =	sld [smem:$0x3FA9]  }
0x31: {  	[smem:$0x3FB2] =	sst s10  }
0x32: {  	s10 =	sld [smem:$0x3FB0];
	_ =	sdelay $0x3  }
0x33: {  	p0 =	seq.s32 s10, $0x1;
	s10 =	sld [smem:$0x3FB2];
	_ =	sdelay $0x3  }
0x34: {  	[smem:$0x3FB2] =	sst s10  }
0x35: {  	s10 =	sld [smem:$0x3FB1];
	_ =	sdelay $0x3  }
0x36: {  	p1 =	seq.s32 s10, $0x1;
	s10 =	sld [smem:$0x3FB2];
	_ =	sdelay $0x3  }
0x37: {  	[smem:$0x3FB2] =	sst s10  }
0x38: {  	s10 =	sld [smem:$0x3FB3]  }
0x39: {  	_ = 	snop;
	(pc) =	sbr.ind lr, $3  }
0x3a: {  	_ = 	snop  }
0x3b: {  	_ = 	snop  }
0x3c: {  	p2 =	seq.s32 s10, $0x1;
	s10 =	sld [smem:$0x3FB2]  }
0x3d: {  	_ =	shalt  }
0x3e: {  	_ =	shalt  }
0x3f: {  	_ =	shalt  }
0x40: {  	_ =	shalt  }
0x41: {  	_ =	shalt  }
0x42: {  	_ =	shalt  }
0x43: {  	_ =	shalt  }
0x44: {  	_ =	shalt  }
0x45: {  	_ =	shalt  }
0x46: {  	_ =	shalt  }
0x47: {  	_ =	shalt  }
0x48: {  	_ =	shalt  }
0x49: {  	_ =	shalt  }
0x4a: {  	_ =	shalt  }
0x4b: {  	_ =	shalt  }
0x4c: {  	_ =	shalt  }
0x4d: {  	_ =	shalt  }
0x4e: {  	_ =	shalt  }
0x4f: {  	_ =	shalt  }
0x50: {  	_ =	shalt  }
0x51: {  	_ =	shalt  }
0x52: {  	_ =	shalt  }
0x53: {  	_ =	shalt  }
0x54: {  	_ =	shalt  }
0x55: {  	_ =	shalt  }
0x56: {  	_ =	shalt  }
0x57: {  	_ =	shalt  }
0x58: {  	_ =	shalt  }
0x59: {  	_ =	shalt  }
0x5a: {  	_ =	shalt  }
0x5b: {  	_ =	shalt  }
0x5c: {  	_ =	shalt  }
0x5d: {  	_ =	shalt  }
0x5e: {  	_ =	shalt  }
0x5f: {  	_ =	shalt  }
0x60: {  	_ =	shalt  }
0x61: {  	_ =	shalt  }
0x62: {  	_ =	shalt  }
0x63: {  	_ =	shalt  }
0x64: {  	_ =	shalt  }
0x65: {  	_ =	shalt  }
0x66: {  	_ =	shalt  }
0x67: {  	_ =	shalt  }
0x68: {  	_ =	shalt  }
0x69: {  	_ =	shalt  }
0x6a: {  	_ =	shalt  }
0x6b: {  	_ =	shalt  }
0x6c: {  	_ =	shalt  }
0x6d: {  	_ =	shalt  }
0x6e: {  	_ =	shalt  }
0x6f: {  	_ =	shalt  }
0x70: {  	_ =	shalt  }
0x71: {  	_ =	shalt  }
0x72: {  	_ =	shalt  }
0x73: {  	_ =	shalt  }
0x74: {  	_ =	shalt  }
0x75: {  	_ =	shalt  }
0x76: {  	_ =	shalt  }
0x77: {  	_ =	shalt  }
0x78: {  	_ =	shalt  }
0x79: {  	_ =	shalt  }
0x7a: {  	_ =	shalt  }
0x7b: {  	_ =	shalt  }
0x7c: {  	_ =	shalt  }
0x7d: {  	_ =	shalt  }
0x7e: {  	_ =	shalt  }
0x7f: {  	_ =	shalt  }
0x80: {  	_ =	shalt  }
0x81: {  	_ =	shalt  }
0x82: {  	_ =	shalt  }
0x83: {  	_ =	shalt  }
0x84: {  	_ =	shalt  }
0x85: {  	_ =	shalt  }
0x86: {  	_ =	shalt  }
0x87: {  	_ =	shalt  }
.Lfunc_end0:
.L_simem_size_0:
called_computation.1_lowered:
.L_overlay_start_0:
0x88: {  	s2 =	sld [smem:$0x3FD9]  }
0x89: {  	s3 =	sld [smem:$0x3FFE];
	_ =	sdelay $0x1  }
0x8a: {  	s1 =	srdreg.scid  }
0x8b: {  	s0 =	sand.u32 $0x1, s1  }
0x8c: {  	s16 =	sshll.u32 s0, $0xA;
	s2 =	sadd.s32 s3, s2  }
0x8d: {  	s2 =	sadd.s32 s2, s16  }
0x8e: {  	[smem:$0x3FBE] =	sst s2  }
0x8f: {  	_ = 	snop  }
0x90: {  	(tm) =	ssettm $0x1  }
0x91: {  	s17 =	sld [smem:$0x3FFB];
	_ =	sdelay $0x3  }
0x92: {  	_ =	strace s17  }
0x93: {  	s2 =	sld [smem:$0x3FFC];
	_ =	sdelay $0x3  }
0x94: {  	_ =	strace s2  }
0x95: {  	s2 =	sld [smem:$0x3FFD];
	_ =	sdelay $0x3  }
0x96: {  	_ =	strace s2  }
0x97: {  	_ =	strace $0x8FFFFFFF  }
0x98: {  	s18 =	sld [smem:$0x3FDB];
	_ =	sdelay $0x1  }
0x99: {  	s19 =	simm.s32 $_scs_section_size  }
0x9a: {  	s4 =	simm.s32 $_size__tile_overlayer_lowered;
	s5 =	simm.s32 $_tile_overlayer_lowered  }
0x9b: {  	s22 =	simm.s32 $0x1BFF;
	s21 =	sshll.u32 s5, $0x1;
	s2 =	sadd.s32 s19, s18  }
0x9c: {  	s6 =	simm.s32 $0x0;
	s20 =	sshll.u32 s4, $0x1;
	s4 =	sadd.s32 s21, s2  }
0x9d: {  	[timem:s6], [sflag:s22] =	dma.local [hbm:s4], s20  }
0x9e: {  	_ =	swait.ge [sflag:s22], s20  }
0x9f: {  	s3 =	ssub.s32 $0x0, s20;
	[sflag:s22] =	ssyncset.done $0x0  }
0xa0: {  	[sflag:s22] =	ssyncadd.s32 s3;
	_ =	sdelay $0x1  }
0xa1: {  	s23 =	simm.s32 $0x1B8B  }
0xa2: {  	_ =	swait.ge [sflag:s23], $0x1  }
0xa3: {  	[sflag:s23] =	ssyncset.done $0x0  }
0xa4: {  	s25 =	simm.s32 $0x1B8E;
	s24 =	sld [smem:$0x3FFE];
	[sflag:s23] =	ssyncadd.s32 $0xFFFFFFFF  }
0xa5: {  	s26 =	simm.s32 $execute0_lowered;
	[smem:$0x3FD2] =	sst s25  }
0xa6: {  	s4 =	sshll.u32 s26, $0x1;
	_ =	strace $0x80000049;
	[dreg:$0x1] =	wrdreg $0xFFFFFFFF  }
0xa7: {  	s28 =	simm.s32 $_size_execute0_lowered;
	s2 =	sadd.s32 s2, s4;
	[dreg:$0x0] =	wrdreg $0x0  }
0xa8: {  	s4 =	sshll.u32 s28, $0x1;
	[dreg:$0x2] =	wrdreg s2  }
0xa9: {  	[dreg:$0x3] =	wrdreg s4  }
0xaa: {  	[dreg:$0x4] =	wrdreg $0xC0  }
0xab: {  	_ =	task [dreg:s6], $0x5FFFF  }
0xac: {  	[dreg:$0x1] =	wrdreg $0xFFFFFFFF  }
0xad: {  	[dreg:$0x0] =	wrdreg $0x60  }
0xae: {  	[dreg:$0x2] =	wrdreg s24  }
0xaf: {  	[dreg:$0x3] =	wrdreg $0x9  }
0xb0: {  	_ =	task.clear_ibuf [dreg:s6], $0x4FFFF;
	_ =	strace $0x90000049  }
0xb1: {  	s29 =	simm.s32 $0x9;
	_ =	strace $0x8000004B  }
0xb2: {  	_ =	swait.ge [sflag:s29], $0x1  }
0xb3: {  	[sflag:s29] =	ssyncadd.s32 $0xFFFFFFFF  }
0xb4: {  	_ =	strace $0x9000004B  }
0xb5: {  	_ =	sfence  }
0xb6: {  	s30 =	sld [smem:$0x0];
	_ =	sdelay $0x2  }
0xb7: {  	s31 =	sshll.u32 s1, $0xD;
	s1 =	sshrl.u32 s1, $0x2  }
0xb8: {  	s3 =	sand.u32 $0x4000, s31;
	s1 =	sadd.s32 s1, s30  }
0xb9: {  	s0 =	sor.u32 s3, s0;
	s1 =	sshll.u32 s1, $0x11  }
0xba: {  	s0 =	sor.u32 s1, s0  }
0xbb: {  	s0 =	sadd.s32 $0x8F2B, s0  }
0xbc: {  	[sflag:s0] =	ssyncadd.remote.s32 $0x1  }
0xbd: {  	_ =	sfence.sel $0xFFFF  }
0xbe: {  	[dreg:$0x0] =	wrdreg $0xFFFFFFFF;
	(pc) =	sbr.abs _section_cstart, $3  }
0xbf: {  	[dreg:$0x1] =	wrdreg $0xFFFFFFFF  }
0xc0: {  	_ =	task.clear_ibuf [dreg:s6], $0x2FFFF;
	_ =	strace $0x9FFFFFFF  }
0xc1: {  	(tm) =	ssettm $0x7FFFFFFF  }
tec
execute0_lowered:
.L_overlay_start_1:
0x0: {  	(tag) =	ssettag $0x1  }
0x1: {  	s1 =	srdreg.scid  }
0x2: {  	s0 =	stileid.u32;
	s22 =	sand.u32 $0x1, s1  }
0x3: {  	s30 =	sshll.u32 s0, $0x8;
	s2 =	sshll.u32 s22, $0x7  }
0x4: {  	s21 =	rddreg [dreg:$0x0];
	s10 =	sor.u32 s2, s30  }
0x5: {  	s1 =	rddreg [dreg:$0x1];
	s2 =	simm.s32 $0x0;
	s3 =	sshrl.u32 s10, $0x3  }
0x6: {  	[smem:$0x7FF] =	sst s2;
	s23 =	sadd.s32 s3, s21  }
0x7: {  	_ =	strace $0x8000004A;
	s3 =	simm.s32 $0x2;
	s4 =	sadd.s32 $0x3E8800, s23  }
0x8: {  	[tilespmem:s2], [sflag:$0x2] =	stream.linear.gather [hbm4b:s4+s2], $0x80, $0x38;
	[tilespmem:$0x1180] =	vst v63  }
0x9: {  	_ =	swait.ge [sflag:s3], $0x80  }
0xa: {  	[sflag:s3] =	ssyncset.done $0x0  }
0xb: {  	s6 =	simm.s32 $0x80;
	s5 =	sadd.s32 $0x3E8600, s23;
	[sflag:s3] =	ssyncadd.s32 $0xFFFFFF80  }
0xc: {  	[tilespmem:s6], [sflag:$0x2] =	stream.linear.gather [hbm4b:s5+s2], $0x80, $0x38;
	[tilespmem:$0x1180] =	vst v63  }
0xd: {  	_ =	swait.ge [sflag:s3], $0x80  }
0xe: {  	s8 =	simm.s32 $0x100;
	[sflag:s3] =	ssyncset.done $0x0  }
0xf: {  	s9 =	simm.s32 $0x1;
	s7 =	sadd.s32 $0x3E0200, s21;
	[sflag:s3] =	ssyncadd.s32 $0xFFFFFF80  }
0x10: {  	[tilespmem:s8], [sflag:$0x1] =	stream.indirect.gather [hbm4b:s7+s6], $0x10, s2, s6, $0xb8;
	[tilespmem:$0x1180] =	vst v63  }
0x11: {  	s10 =	sshll.u32 s10, $0x1;
	_ =	swait.ge [sflag:s9], $0x800  }
0x12: {  	s20 =	sadd.s32 s10, s21;
	[sflag:s9] =	ssyncset.done $0x0  }
0x13: {  	s10 =	sadd.s32 $0x4600, s20;
	[sflag:s9] =	ssyncadd.s32 $0xFFFFF800  }
0x14: {  	[hbm4b:s10+s2] =	stream.linear.scatter [tilespmem:s8], [sflag:$0x2], $0x800, $0x38;
	[tilespmem:$0x1180] =	vst v63  }
0x15: {  	_ =	swait.ge [sflag:s3], $0x800  }
0x16: {  	[sflag:s3] =	ssyncset.done $0x0  }
0x17: {  	s12 =	simm.s32 $0x900;
	s11 =	sadd.s32 $0x3E2200, s21;
	[sflag:s3] =	ssyncadd.s32 $0xFFFFF800  }
0x18: {  	[tilespmem:s12], [sflag:$0x1] =	stream.indirect.gather [hbm4b:s11+s6], $0x10, s2, s6, $0xb8;
	[tilespmem:$0x1180] =	vst v63  }
0x19: {  	_ =	swait.ge [sflag:s9], $0x800  }
0x1a: {  	[sflag:s9] =	ssyncset.done $0x0  }
0x1b: {  	s13 =	sadd.s32 $0x2600, s20;
	[sflag:s9] =	ssyncadd.s32 $0xFFFFF800  }
0x1c: {  	[hbm4b:s13+s2] =	stream.linear.scatter [tilespmem:s12], [sflag:$0x2], $0x800, $0x38;
	[tilespmem:$0x1180] =	vst v63  }
0x1d: {  	_ =	swait.ge [sflag:s3], $0x800  }
0x1e: {  	[sflag:s3] =	ssyncset.done $0x0  }
0x1f: {  	s15 =	simm.s32 $0x1100;
	s14 =	sadd.s32 $0x3E4200, s21;
	[sflag:s3] =	ssyncadd.s32 $0xFFFFF800  }
0x20: {  	[tilespmem:s15], [sflag:$0x1] =	stream.indirect.gather [hbm4b:s14+s6], $0x1, s2, s6, $0xb8;
	[tilespmem:$0x1180] =	vst v63  }
0x21: {  	_ =	swait.ge [sflag:s9], $0x80  }
0x22: {  	[sflag:s9] =	ssyncset.done $0x0  }
0x23: {  	s16 =	sadd.s32 $0x6600, s23;
	[sflag:s9] =	ssyncadd.s32 $0xFFFFFF80  }
0x24: {  	[hbm4b:s16+s2] =	stream.linear.scatter [tilespmem:s15], [sflag:$0x2], $0x80, $0x38;
	[tilespmem:$0x1180] =	vst v63  }
0x25: {  	_ =	swait.ge [sflag:s3], $0x80  }
0x26: {  	[sflag:s3] =	ssyncset.done $0x0  }
0x27: {  	s17 =	sadd.s32 $0x3E4400, s21;
	[sflag:s3] =	ssyncadd.s32 $0xFFFFFF80  }
0x28: {  	[tilespmem:s8], [sflag:$0x1] =	stream.indirect.gather [hbm4b:s17+s6], $0x10, s6, s6, $0xb8;
	[tilespmem:$0x1180] =	vst v63  }
0x29: {  	_ =	swait.ge [sflag:s9], $0x800  }
0x2a: {  	[sflag:s9] =	ssyncset.done $0x0  }
0x2b: {  	s18 =	sadd.s32 $0x6800, s20;
	[sflag:s9] =	ssyncadd.s32 $0xFFFFF800  }
0x2c: {  	[hbm4b:s18+s2] =	stream.linear.scatter [tilespmem:s8], [sflag:$0x2], $0x800, $0x38;
	[tilespmem:$0x1180] =	vst v63  }
0x2d: {  	_ =	swait.ge [sflag:s3], $0x800  }
0x2e: {  	[sflag:s3] =	ssyncset.done $0x0  }
0x2f: {  	s19 =	sadd.s32 $0x3E6400, s21;
	[sflag:s3] =	ssyncadd.s32 $0xFFFFF800  }
0x30: {  	[tilespmem:s12], [sflag:$0x1] =	stream.indirect.gather [hbm4b:s19+s6], $0x10, s6, s6, $0xb8;
	[tilespmem:$0x1180] =	vst v63  }
0x31: {  	_ =	swait.ge [sflag:s9], $0x800  }
0x32: {  	[sflag:s9] =	ssyncset.done $0x0  }
0x33: {  	s22 =	ssub.s32 $0x2, s22;
	s20 =	sadd.s32 $0x8800, s20;
	[sflag:s9] =	ssyncadd.s32 $0xFFFFF800  }
0x34: {  	[hbm4b:s20+s2] =	stream.linear.scatter [tilespmem:s12], [sflag:$0x2], $0x800, $0x38;
	[tilespmem:$0x1180] =	vst v63  }
0x35: {  	s24 =	sshrl.u32 s22, $0x1;
	_ =	swait.ge [sflag:s3], $0x800  }
0x36: {  	s24 =	ssub.s32 s22, s24;
	[sflag:s3] =	ssyncset.done $0x0  }
0x37: {  	s21 =	sadd.s32 $0x3E8400, s21;
	s31 =	smax.u32 s24, $0x1;
	[sflag:s3] =	ssyncadd.s32 $0xFFFFF800  }
0x38: {  	[tilespmem:s15], [sflag:$0x1] =	stream.indirect.gather [hbm4b:s21+s6], $0x1, s6, s6, $0xb8;
	[tilespmem:$0x1180] =	vst v63  }
0x39: {  	p0 =	sne.s32 s31, $0x1;
	_ =	swait.ge [sflag:s9], $0x80  }
.Ltmp0:
0x3a: {  	[sflag:s9] =	ssyncset.done $0x0;
	(pc) =	sbr.rel @!p0 .LBB2_2-.Ltmp0, $4  }
0x3b: {  	s22 =	sadd.s32 $0xA800, s23;
	[sflag:s9] =	ssyncadd.s32 $0xFFFFFF80  }
0x3c: {  	[hbm4b:s22+s2] =	stream.linear.scatter [tilespmem:s15], [sflag:$0x2], $0x80, $0x38;
	[tilespmem:$0x1180] =	vst v63  }
0x3d: {  	_ =	swait.ge [sflag:s3], $0x80  }
0x3e: {  	s23 =	sadd.s32 $0xFFFFFFFF, s31;
	[sflag:s3] =	ssyncset.done $0x0  }
.LBB2_1:
0x3f: {  	p0 =	sne.s32 s23, $0x1;
	s23 =	sadd.s32 $0xFFFFFFFF, s23;
	[sflag:s3] =	ssyncadd.s32 $0xFFFFFF80  }
0x40: {  	[tilespmem:s2], [sflag:$0x2] =	stream.linear.gather [hbm4b:s4+s2], $0x80, $0x38;
	[tilespmem:$0x1180] =	vst v63  }
0x41: {  	_ =	swait.ge [sflag:s3], $0x80  }
0x42: {  	[sflag:s3] =	ssyncset.done $0x0  }
0x43: {  	[sflag:s3] =	ssyncadd.s32 $0xFFFFFF80  }
0x44: {  	[tilespmem:s6], [sflag:$0x2] =	stream.linear.gather [hbm4b:s5+s2], $0x80, $0x38;
	[tilespmem:$0x1180] =	vst v63  }
0x45: {  	_ =	swait.ge [sflag:s3], $0x80  }
0x46: {  	[sflag:s3] =	ssyncset.done $0x0  }
0x47: {  	[sflag:s3] =	ssyncadd.s32 $0xFFFFFF80  }
0x48: {  	[tilespmem:s8], [sflag:$0x1] =	stream.indirect.gather [hbm4b:s7+s6], $0x10, s2, s6, $0xb8;
	[tilespmem:$0x1180] =	vst v63  }
0x49: {  	_ =	swait.ge [sflag:s9], $0x800  }
0x4a: {  	[sflag:s9] =	ssyncset.done $0x0  }
0x4b: {  	[sflag:s9] =	ssyncadd.s32 $0xFFFFF800  }
0x4c: {  	[hbm4b:s10+s2] =	stream.linear.scatter [tilespmem:s8], [sflag:$0x2], $0x800, $0x38;
	[tilespmem:$0x1180] =	vst v63  }
0x4d: {  	_ =	swait.ge [sflag:s3], $0x800  }
0x4e: {  	[sflag:s3] =	ssyncset.done $0x0  }
0x4f: {  	[sflag:s3] =	ssyncadd.s32 $0xFFFFF800  }
0x50: {  	[tilespmem:s12], [sflag:$0x1] =	stream.indirect.gather [hbm4b:s11+s6], $0x10, s2, s6, $0xb8;
	[tilespmem:$0x1180] =	vst v63  }
0x51: {  	_ =	swait.ge [sflag:s9], $0x800  }
0x52: {  	[sflag:s9] =	ssyncset.done $0x0  }
0x53: {  	[sflag:s9] =	ssyncadd.s32 $0xFFFFF800  }
0x54: {  	[hbm4b:s13+s2] =	stream.linear.scatter [tilespmem:s12], [sflag:$0x2], $0x800, $0x38;
	[tilespmem:$0x1180] =	vst v63  }
0x55: {  	_ =	swait.ge [sflag:s3], $0x800  }
0x56: {  	[sflag:s3] =	ssyncset.done $0x0  }
0x57: {  	[sflag:s3] =	ssyncadd.s32 $0xFFFFF800  }
0x58: {  	[tilespmem:s15], [sflag:$0x1] =	stream.indirect.gather [hbm4b:s14+s6], $0x1, s2, s6, $0xb8;
	[tilespmem:$0x1180] =	vst v63  }
0x59: {  	_ =	swait.ge [sflag:s9], $0x80  }
0x5a: {  	[sflag:s9] =	ssyncset.done $0x0  }
0x5b: {  	[sflag:s9] =	ssyncadd.s32 $0xFFFFFF80  }
0x5c: {  	[hbm4b:s16+s2] =	stream.linear.scatter [tilespmem:s15], [sflag:$0x2], $0x80, $0x38;
	[tilespmem:$0x1180] =	vst v63  }
0x5d: {  	_ =	swait.ge [sflag:s3], $0x80  }
0x5e: {  	[sflag:s3] =	ssyncset.done $0x0  }
0x5f: {  	[sflag:s3] =	ssyncadd.s32 $0xFFFFFF80  }
0x60: {  	[tilespmem:s8], [sflag:$0x1] =	stream.indirect.gather [hbm4b:s17+s6], $0x10, s6, s6, $0xb8;
	[tilespmem:$0x1180] =	vst v63  }
0x61: {  	_ =	swait.ge [sflag:s9], $0x800  }
0x62: {  	[sflag:s9] =	ssyncset.done $0x0  }
0x63: {  	[sflag:s9] =	ssyncadd.s32 $0xFFFFF800  }
0x64: {  	[hbm4b:s18+s2] =	stream.linear.scatter [tilespmem:s8], [sflag:$0x2], $0x800, $0x38;
	[tilespmem:$0x1180] =	vst v63  }
0x65: {  	_ =	swait.ge [sflag:s3], $0x800  }
0x66: {  	[sflag:s3] =	ssyncset.done $0x0  }
0x67: {  	[sflag:s3] =	ssyncadd.s32 $0xFFFFF800  }
0x68: {  	[tilespmem:s12], [sflag:$0x1] =	stream.indirect.gather [hbm4b:s19+s6], $0x10, s6, s6, $0xb8;
	[tilespmem:$0x1180] =	vst v63  }
0x69: {  	_ =	swait.ge [sflag:s9], $0x800  }
0x6a: {  	[sflag:s9] =	ssyncset.done $0x0  }
0x6b: {  	[sflag:s9] =	ssyncadd.s32 $0xFFFFF800  }
0x6c: {  	[hbm4b:s20+s2] =	stream.linear.scatter [tilespmem:s12], [sflag:$0x2], $0x800, $0x38;
	[tilespmem:$0x1180] =	vst v63  }
0x6d: {  	_ =	swait.ge [sflag:s3], $0x800  }
0x6e: {  	[sflag:s3] =	ssyncset.done $0x0  }
0x6f: {  	[sflag:s3] =	ssyncadd.s32 $0xFFFFF800  }
0x70: {  	[tilespmem:s15], [sflag:$0x1] =	stream.indirect.gather [hbm4b:s21+s6], $0x1, s6, s6, $0xb8;
	[tilespmem:$0x1180] =	vst v63  }
0x71: {  	_ =	swait.ge [sflag:s9], $0x80  }
.Ltmp1:
0x72: {  	[sflag:s9] =	ssyncset.done $0x0;
	(pc) =	sbr.rel @p0 .LBB2_1-.Ltmp1, $4  }
0x73: {  	[sflag:s9] =	ssyncadd.s32 $0xFFFFFF80  }
0x74: {  	[hbm4b:s22+s2] =	stream.linear.scatter [tilespmem:s15], [sflag:$0x2], $0x80, $0x38;
	[tilespmem:$0x1180] =	vst v63  }
0x75: {  	_ =	swait.ge [sflag:s3], $0x80  }
0x76: {  	[sflag:s3] =	ssyncset.done $0x0  }
.LBB2_2:
0x77: {  	[sflag:s3] =	ssyncadd.s32 $0xFFFFFF80  }
0x78: {  	_ =	sfence.sel $0x180000  }
0x79: {  	[bflag:$0x0] =	sbarrier.arrive $0xFFFF  }
0x7a: {  	p0 =	sne.s32 s0, $0x0;
	_ =	strace $0x9000004A  }
0x7b: {  	s0 =	sadd.s32 @!p0 $0x100000, s1;
	[bflag:$0x2] =	sbarrier.arrive $0xFFFF  }
0x7c: {  	[sflag:s0] =	ssyncadd.tile.s32 @!p0 $0x1;
	_ =	shalt  }
.Lfunc_end2:
_tile_overlayer_lowered:
.L_overlay_start_2:
0x7d: {  	(tag) =	ssettag $0x2  }
0x7e: {  	s0 =	rddreg [dreg:$0x0];
	s2 =	stileid.u32  }
0x7f: {  	s1 =	rddreg [dreg:$0x1];
	p0 =	sne.s32 s2, $0x0  }
0x80: {  	s3 =	rddreg [dreg:$0x2];
	[bflag:$0x3] =	sbarrier.arrive $0xFFFF;
	s2 =	simm.s32 @!p0 $0x1C02  }
0x81: {  	[timem:s3], [sflag:s2] =	dma.local @!p0 [hbm:s0], s1  }
0x82: {  	s0 =	simm.s32 @!p0 $0x2  }
0x83: {  	_ =	swait.ge @!p0 [sflag:s0], s1  }
0x84: {  	s1 =	ssub.s32 @!p0 $0x0, s1;
	[sflag:s0] =	ssyncset.done @!p0 $0x0  }
0x85: {  	[sflag:s0] =	ssyncadd.s32 @!p0 s1  }
0x86: {  	[bflag:$0x3] =	sbarrier.arrive $0xFFFF  }
0x87: {  	_ =	shalt  }

// kernel: kernel.7.cloned.1.call-start
scs
__scs_entry_jumppad:
0x0: {  	(pc) =	sbr.rel $0x88, $3  }
0x1: {  	(tag) =	ssettag $0x0;
	lr =	simm.s32 $0x1  }
0x2: {  	[smem:$0x3F97] =	sst lr;
	_ =	strace $0xD0000000  }
0x3: {  	_ = 	snop  }
0x4: {  	_ = 	snop  }
0x5: {  	_ = 	snop  }
0x6: {  	_ = 	snop  }
0x7: {  	_ = 	snop  }
__scs_overlays_trampoline_lowered:
0x8: {  	[smem:$0x3FA6] =	sst s0  }
0x9: {  	[smem:$0x3FA7] =	sst s1  }
0xa: {  	[smem:$0x3FA8] =	sst s2  }
0xb: {  	[smem:$0x3FA9] =	sst s3  }
0xc: {  	[smem:$0x3FAA] =	sst s4  }
0xd: {  	[smem:$0x3FAB] =	sst s5  }
0xe: {  	[smem:$0x3FAC] =	sst s6  }
0xf: {  	[smem:$0x3FAD] =	sst s7  }
0x10: {  	[smem:$0x3FAE] =	sst s8  }
0x11: {  	[smem:$0x3FAF] =	sst s9;
	s0 =	simm.s32 @!p0 $0x0  }
0x12: {  	s1 =	sld [smem:$0x3F95];
	s0 =	simm.s32 @p0 $0x1  }
0x13: {  	[smem:$0x3FB0] =	sst s0;
	s0 =	simm.s32 @!p1 $0x0  }
0x14: {  	s2 =	sld [smem:$0x3F94];
	s0 =	simm.s32 @p1 $0x1  }
0x15: {  	[smem:$0x3FB1] =	sst s0;
	s0 =	simm.s32 @!p2 $0x0  }
0x16: {  	s3 =	sld [smem:$0x3FDB];
	s0 =	simm.s32 @p2 $0x1  }
0x17: {  	s4 =	simm.s32 $0x1BF5;
	[smem:$0x3FB3] =	sst s0  }
0x18: {  	s0 =	sld [smem:$0x3F96];
	_ =	swait.ge [sflag:s4], $0x0  }
0x19: {  	s7 =	sld [smem:$0x3F97]  }
0x1a: {  	s8 =	sadd.s32 $0xFFFFE003, lr  }
0x1b: {  	s9 =	sadd.s32 $0xFFFFFEF7, lr;
	s5 =	simm.s32 $0xFFFFFFFF;
	p2 =	slt.u32 s8, $0xFFFFF086  }
0x1c: {  	p1 =	slt.u32 s9, $0xF7A;
	s5 =	simm.s32 @!p2 $0x0  }
0x1d: {  	s5 =	simm.s32 @p1 $0x1;
	p0 =	seq.s32 s7, s2  }
0x1e: {  	s7 =	smul.u32 @!p0 $0xF7A, s2;
	p2 =	seq.s32 @!p0 s5, $0x0  }
0x1f: {  	s9 =	smul.u32 $0xF7A, s1;
	s8 =	simm.s32 @!p0 $0x1BF5;
	p2 =	por !p2, p0  }
0x20: {  	[sflag:s8] =	ssyncset.s32 @!p0 $0xFFFFF086;
	s6 =	sadd.s32 @!p0 s3, s7;
	s7 =	simm.s32 @!p0 $0x108  }
0x21: {  	s3 =	sadd.s32 s3, s9;
	s6 =	sadd.s32 @!p0 $0x88, s6;
	s7 =	simm.s32 @p2 $0x1082  }
0x22: {  	[simem:s7], [sflag:s8] =	dma.local @!p0 [hbm:s6], $0xF7A  }
0x23: {  	s9 =	sor.u32 $0xD0000000, s2;
	s6 =	simm.s32 $0x108;
	_ =	swait.ge @!p0 [sflag:s8], $0x0  }
0x24: {  	s3 =	sadd.s32 $0x88, s3;
	s6 =	simm.s32 @!p1 $0x1082;
	[sflag:s4] =	ssyncset.s32 $0xFFFFF086  }
0x25: {  	[simem:s6], [sflag:s4] =	dma.local [hbm:s3], $0xF7A  }
0x26: {  	[smem:$0x3F97] =	sst s1;
	(tag) =	ssettag s2;
	_ =	strace s9  }
0x27: {  	s1 =	sld [smem:$0x3FA7]  }
0x28: {  	s2 =	sld [smem:$0x3FA8]  }
0x29: {  	s4 =	sld [smem:$0x3FAA]  }
0x2a: {  	p0 =	seq.s32 s5, $0x0;
	s5 =	sld [smem:$0x3FAB]  }
0x2b: {  	s6 =	sld [smem:$0x3FAC]  }
0x2c: {  	s7 =	sld [smem:$0x3FAD]  }
0x2d: {  	s3 =	simm.s32 $0x108;
	s8 =	sld [smem:$0x3FAE]  }
0x2e: {  	s3 =	simm.s32 @!p0 $0x1082;
	s9 =	sld [smem:$0x3FAF]  }
0x2f: {  	lr =	sadd.s32 s0, s3;
	s0 =	sld [smem:$0x3FA6]  }
0x30: {  	s3 =	sld [smem:$0x3FA9]  }
0x31: {  	[smem:$0x3FB2] =	sst s10  }
0x32: {  	s10 =	sld [smem:$0x3FB0];
	_ =	sdelay $0x3  }
0x33: {  	p0 =	seq.s32 s10, $0x1;
	s10 =	sld [smem:$0x3FB2];
	_ =	sdelay $0x3  }
0x34: {  	[smem:$0x3FB2] =	sst s10  }
0x35: {  	s10 =	sld [smem:$0x3FB1];
	_ =	sdelay $0x3  }
0x36: {  	p1 =	seq.s32 s10, $0x1;
	s10 =	sld [smem:$0x3FB2];
	_ =	sdelay $0x3  }
0x37: {  	[smem:$0x3FB2] =	sst s10  }
0x38: {  	s10 =	sld [smem:$0x3FB3]  }
0x39: {  	_ = 	snop;
	(pc) =	sbr.ind lr, $3  }
0x3a: {  	_ = 	snop  }
0x3b: {  	_ = 	snop  }
0x3c: {  	p2 =	seq.s32 s10, $0x1;
	s10 =	sld [smem:$0x3FB2]  }
0x3d: {  	_ =	shalt  }
0x3e: {  	_ =	shalt  }
0x3f: {  	_ =	shalt  }
0x40: {  	_ =	shalt  }
0x41: {  	_ =	shalt  }
0x42: {  	_ =	shalt  }
0x43: {  	_ =	shalt  }
0x44: {  	_ =	shalt  }
0x45: {  	_ =	shalt  }
0x46: {  	_ =	shalt  }
0x47: {  	_ =	shalt  }
0x48: {  	_ =	shalt  }
0x49: {  	_ =	shalt  }
0x4a: {  	_ =	shalt  }
0x4b: {  	_ =	shalt  }
0x4c: {  	_ =	shalt  }
0x4d: {  	_ =	shalt  }
0x4e: {  	_ =	shalt  }
0x4f: {  	_ =	shalt  }
0x50: {  	_ =	shalt  }
0x51: {  	_ =	shalt  }
0x52: {  	_ =	shalt  }
0x53: {  	_ =	shalt  }
0x54: {  	_ =	shalt  }
0x55: {  	_ =	shalt  }
0x56: {  	_ =	shalt  }
0x57: {  	_ =	shalt  }
0x58: {  	_ =	shalt  }
0x59: {  	_ =	shalt  }
0x5a: {  	_ =	shalt  }
0x5b: {  	_ =	shalt  }
0x5c: {  	_ =	shalt  }
0x5d: {  	_ =	shalt  }
0x5e: {  	_ =	shalt  }
0x5f: {  	_ =	shalt  }
0x60: {  	_ =	shalt  }
0x61: {  	_ =	shalt  }
0x62: {  	_ =	shalt  }
0x63: {  	_ =	shalt  }
0x64: {  	_ =	shalt  }
0x65: {  	_ =	shalt  }
0x66: {  	_ =	shalt  }
0x67: {  	_ =	shalt  }
0x68: {  	_ =	shalt  }
0x69: {  	_ =	shalt  }
0x6a: {  	_ =	shalt  }
0x6b: {  	_ =	shalt  }
0x6c: {  	_ =	shalt  }
0x6d: {  	_ =	shalt  }
0x6e: {  	_ =	shalt  }
0x6f: {  	_ =	shalt  }
0x70: {  	_ =	shalt  }
0x71: {  	_ =	shalt  }
0x72: {  	_ =	shalt  }
0x73: {  	_ =	shalt  }
0x74: {  	_ =	shalt  }
0x75: {  	_ =	shalt  }
0x76: {  	_ =	shalt  }
0x77: {  	_ =	shalt  }
0x78: {  	_ =	shalt  }
0x79: {  	_ =	shalt  }
0x7a: {  	_ =	shalt  }
0x7b: {  	_ =	shalt  }
0x7c: {  	_ =	shalt  }
0x7d: {  	_ =	shalt  }
0x7e: {  	_ =	shalt  }
0x7f: {  	_ =	shalt  }
0x80: {  	_ =	shalt  }
0x81: {  	_ =	shalt  }
0x82: {  	_ =	shalt  }
0x83: {  	_ =	shalt  }
0x84: {  	_ =	shalt  }
0x85: {  	_ =	shalt  }
0x86: {  	_ =	shalt  }
0x87: {  	_ =	shalt  }
.Lfunc_end0:
.L_simem_size_0:
called_computation_lowered:
.L_overlay_start_0:
0x88: {  	s2 =	sld [smem:$0x3FD9]  }
0x89: {  	s3 =	sld [smem:$0x3FFE];
	_ =	sdelay $0x1  }
0x8a: {  	s1 =	srdreg.scid  }
0x8b: {  	s0 =	sand.u32 $0x1, s1  }
0x8c: {  	s17 =	sshll.u32 s0, $0xA;
	s2 =	sadd.s32 s3, s2  }
0x8d: {  	s2 =	sadd.s32 s2, s17  }
0x8e: {  	[smem:$0x3FBE] =	sst s2  }
0x8f: {  	_ = 	snop  }
0x90: {  	s2 =	sld [smem:$0x3FC7]  }
0x91: {  	s18 =	sld [smem:$0x3FC6];
	(tm) =	ssettm $0x1  }
0x92: {  	s4 =	sld [smem:$0x3FFB];
	_ =	sdelay $0x3  }
0x93: {  	_ =	strace s4  }
0x94: {  	s4 =	sld [smem:$0x3FFC];
	_ =	sdelay $0x3  }
0x95: {  	_ =	strace s4  }
0x96: {  	s4 =	sld [smem:$0x3FFD];
	_ =	sdelay $0x3  }
0x97: {  	_ =	strace s4  }
0x98: {  	_ =	strace $0x8FFFFFFF  }
0x99: {  	s19 =	sld [smem:$0x3FDB];
	_ =	sdelay $0x1  }
0x9a: {  	s5 =	simm.s32 $_scs_section_size  }
0x9b: {  	s6 =	simm.s32 $_size__tile_overlayer_lowered;
	s7 =	simm.s32 $_tile_overlayer_lowered  }
0x9c: {  	s22 =	simm.s32 $0x1BFF;
	s21 =	sshll.u32 s7, $0x1;
	s4 =	sadd.s32 s5, s19  }
0x9d: {  	s8 =	simm.s32 $0x0;
	s20 =	sshll.u32 s6, $0x1;
	s6 =	sadd.s32 s21, s4  }
0x9e: {  	[timem:s8], [sflag:s22] =	dma.local [hbm:s6], s20  }
0x9f: {  	_ =	swait.ge [sflag:s22], s20  }
0xa0: {  	s5 =	ssub.s32 $0x0, s20;
	[sflag:s22] =	ssyncset.done $0x0  }
0xa1: {  	[sflag:s22] =	ssyncadd.s32 s5;
	_ =	sdelay $0x1  }
0xa2: {  	s23 =	simm.s32 $0x1B8B  }
0xa3: {  	_ =	swait.ge [sflag:s23], $0x1  }
0xa4: {  	[sflag:s23] =	ssyncset.done $0x0  }
0xa5: {  	s25 =	simm.s32 $0x1B8E;
	s24 =	sld [smem:$0x3FFE];
	[sflag:s23] =	ssyncadd.s32 $0xFFFFFFFF  }
0xa6: {  	s26 =	simm.s32 $execute0_lowered;
	[smem:$0x3FD2] =	sst s25  }
0xa7: {  	s6 =	sshll.u32 s26, $0x1;
	_ =	strace $0x80000046;
	[dreg:$0x1] =	wrdreg $0xFFFFFFFF  }
0xa8: {  	s28 =	simm.s32 $_size_execute0_lowered;
	s4 =	sadd.s32 s4, s6;
	[dreg:$0x0] =	wrdreg $0x0  }
0xa9: {  	s6 =	sshll.u32 s28, $0x1;
	[dreg:$0x2] =	wrdreg s4  }
0xaa: {  	[dreg:$0x3] =	wrdreg s6  }
0xab: {  	[dreg:$0x4] =	wrdreg $0xC0  }
0xac: {  	_ =	task [dreg:s8], $0x5FFFF  }
0xad: {  	[dreg:$0x1] =	wrdreg $0xFFFFFFFF  }
0xae: {  	[dreg:$0x0] =	wrdreg $0x60  }
0xaf: {  	[dreg:$0x2] =	wrdreg s24  }
0xb0: {  	[dreg:$0x3] =	wrdreg s2  }
0xb1: {  	[dreg:$0x4] =	wrdreg s18  }
0xb2: {  	[dreg:$0x5] =	wrdreg $0x9  }
0xb3: {  	_ =	task.clear_ibuf [dreg:s8], $0x6FFFF;
	_ =	strace $0x90000046  }
0xb4: {  	s29 =	simm.s32 $0x9;
	_ =	strace $0x80000048  }
0xb5: {  	_ =	swait.ge [sflag:s29], $0x1  }
0xb6: {  	[sflag:s29] =	ssyncadd.s32 $0xFFFFFFFF  }
0xb7: {  	_ =	strace $0x90000048  }
0xb8: {  	_ =	sfence  }
0xb9: {  	s30 =	sld [smem:$0x0];
	_ =	sdelay $0x2  }
0xba: {  	s31 =	sshll.u32 s1, $0xD;
	s1 =	sshrl.u32 s1, $0x2  }
0xbb: {  	s3 =	sand.u32 $0x4000, s31;
	s1 =	sadd.s32 s1, s30  }
0xbc: {  	s0 =	sor.u32 s3, s0;
	s1 =	sshll.u32 s1, $0x11  }
0xbd: {  	s0 =	sor.u32 s1, s0  }
0xbe: {  	s0 =	sadd.s32 $0x8F2B, s0  }
0xbf: {  	[sflag:s0] =	ssyncadd.remote.s32 $0x1  }
0xc0: {  	_ =	sfence.sel $0xFFFF  }
0xc1: {  	[dreg:$0x0] =	wrdreg $0xFFFFFFFF;
	(pc) =	sbr.abs _section_cstart, $3  }
0xc2: {  	[dreg:$0x1] =	wrdreg $0xFFFFFFFF  }
0xc3: {  	_ =	task.clear_ibuf [dreg:s8], $0x2FFFF;
	_ =	strace $0x9FFFFFFF  }
0xc4: {  	(tm) =	ssettm $0x7FFFFFFF  }
0xc5: {  	_ =	shalt  }
tec
execute0_lowered:
.L_overlay_start_1:
0x0: {  	(tag) =	ssettag $0x1  }
0x1: {  	s0 =	rddreg [dreg:$0x0]  }
0x2: {  	s2 =	rddreg [dreg:$0x1]  }
0x3: {  	s3 =	rddreg [dreg:$0x2]  }
0x4: {  	s1 =	srdreg.scid;
	s5 =	stileid.u32;
	s4 =	simm.s32 $0x0  }
0x5: {  	s18 =	simm.s32 $0x3;
	s29 =	simm.s32 $0xB80;
	s30 =	simm.s32 $0x1880  }
0x6: {  	s31 =	simm.s32 $0xC00;
	s11 =	simm.s32 $0xC80;
	s12 =	simm.s32 $0x1980  }
0x7: {  	s13 =	simm.s32 $0x1;
	s1 =	sand.u32 $0x1, s1;
	s5 =	sshll.u32 s5, $0x1  }
0x8: {  	s14 =	simm.s32 $0xF700;
	s15 =	simm.s32 $0x0;
	s7 =	sor.u32 s1, s5  }
0x9: {  	[smem:$0x7FF] =	sst s4;
	s6 =	sadd.s32 $0x1F7C00, s0;
	s9 =	sshll.u32 s7, $0x8  }
0xa: {  	_ =	strace $0x80000047;
	s5 =	sadd.s32 $0xF600, s0;
	s9 =	sadd.s32 s9, s0  }
0xb: {  	s1 =	ssub.s32 $0x2, s1;
	s8 =	smul.u32 $0x1A0, s7;
	s21 =	sadd.s32 $0x3E0200, s9  }
0xc: {  	s7 =	sshll.u32 s7, $0x4;
	s10 =	sadd.s32 $0x3E2200, s9;
	[dreg:$0x6] =	wrdreg s21  }
0xd: {  	s22 =	sshrl.u32 s1, $0x1;
	s25 =	sadd.s32 $0x3E4400, s9;
	[dreg:$0x7] =	wrdreg s10  }
0xe: {  	s1 =	ssub.s32 s1, s22;
	s26 =	sadd.s32 $0x3E6400, s9;
	[dreg:$0xb] =	wrdreg s25  }
0xf: {  	s8 =	sadd.s32 s8, s0;
	s28 =	smax.u32 s1, $0x1;
	[dreg:$0xc] =	wrdreg s26  }
0x10: {  	s22 =	simm.s32 $0xF680;
	s19 =	sadd.s32 $0x2600, s8;
	[dreg:$0xe] =	wrdreg s28  }
0x11: {  	s0 =	sadd.s32 s7, s0;
	s20 =	sadd.s32 $0x8E00, s8;
	[dreg:$0x4] =	wrdreg s19  }
0x12: {  	s7 =	simm.s32 $0xF500;
	s23 =	sadd.s32 $0x3E4200, s0;
	[dreg:$0x5] =	wrdreg s20  }
0x13: {  	s9 =	simm.s32 $0xF580;
	s24 =	sadd.s32 $0x5A00, s8;
	[dreg:$0x8] =	wrdreg s23  }
0x14: {  	s1 =	simm.s32 $0xF600;
	s8 =	sadd.s32 $0xC200, s8;
	[dreg:$0x9] =	wrdreg s24  }
0x15: {  	s0 =	sadd.s32 $0x3E8400, s0;
	s10 =	simm.s32 $0x1900;
	[dreg:$0xa] =	wrdreg s8  }
0x16: {  	s21 =	simm.s32 $0xE200;
	s25 =	simm.s32 $0x10700;
	[dreg:$0xd] =	wrdreg s0  }
0x17: {  	s19 =	simm.s32 $0xD00;
	s20 =	simm.s32 $0x80;
	s8 =	simm.s32 $0xD200  }
0x18: {  	s0 =	simm.s32 $0xDA00;
	s23 =	simm.s32 $0x2;
	s24 =	simm.s32 $0xFF00  }
.LBB2_1:
0x19: {  	s16 =	rddreg [dreg:$0x4]  }
0x1a: {  	[tilespmem:s4], [sflag:$0x3] =	stream.linear.gather [hbm4b:s16+s4], $0xD00, $0x38;
	[tilespmem:$0x10780] =	vst v63  }
0x1b: {  	_ =	swait.ge [sflag:s18], $0xD00  }
0x1c: {  	[sflag:s18] =	ssyncset.done $0x0  }
0x1d: {  	s26 =	rddreg [dreg:$0x5];
	[sflag:s18] =	ssyncadd.s32 $0xFFFFF300  }
0x1e: {  	[tilespmem:s19], [sflag:$0x3] =	stream.linear.gather [hbm4b:s26+s4], $0xD00, $0x38;
	[tilespmem:$0x10780] =	vst v63  }
0x1f: {  	_ =	swait.ge [sflag:s18], $0xD00  }
0x20: {  	[sflag:s18] =	ssyncset.done $0x0  }
0x21: {  	s28 =	simm.s32 $0x1A00;
	[sflag:s18] =	ssyncadd.s32 $0xFFFFF300  }
0x22: {  	[tilespmem:s28], [sflag:$0x1] =	stream.indirect.gather [hbm4b:s5+s20], $0x10, s4, s20, $0xb8;
	[tilespmem:$0x10780] =	vst v63  }
0x23: {  	s17 =	simm.s32 $0xEA00  }
0x24: {  	[tilespmem:s17], [sflag:$0x2] =	stream.indirect.gather [hbm4b:s2+s20], $0x1, s19, s20, $0xb8;
	[tilespmem:$0x10780] =	vst v63  }
0x25: {  	s26 =	simm.s32 $0x2200  }
0x26: {  	[tilespmem:s26], [sflag:$0x1] =	stream.indirect.gather [hbm4b:s5+s20], $0x10, s20, s20, $0xb8;
	[tilespmem:$0x10780] =	vst v63  }
0x27: {  	s28 =	simm.s32 $0xD80;
	s17 =	simm.s32 $0xEA80  }
0x28: {  	[tilespmem:s17], [sflag:$0x2] =	stream.indirect.gather [hbm4b:s2+s20], $0x1, s28, s20, $0xb8;
	[tilespmem:$0x10780] =	vst v63  }
0x29: {  	s26 =	simm.s32 $0x100;
	s28 =	simm.s32 $0x2A00  }
0x2a: {  	[tilespmem:s28], [sflag:$0x1] =	stream.indirect.gather [hbm4b:s5+s20], $0x10, s26, s20, $0xb8;
	[tilespmem:$0x10780] =	vst v63  }
0x2b: {  	s26 =	simm.s32 $0xE00;
	s28 =	simm.s32 $0xEB00  }
0x2c: {  	[tilespmem:s28], [sflag:$0x2] =	stream.indirect.gather [hbm4b:s2+s20], $0x1, s26, s20, $0xb8;
	[tilespmem:$0x10780] =	vst v63  }
0x2d: {  	s26 =	simm.s32 $0x180;
	s28 =	simm.s32 $0x3200  }
0x2e: {  	[tilespmem:s28], [sflag:$0x1] =	stream.indirect.gather [hbm4b:s5+s20], $0x10, s26, s20, $0xb8;
	[tilespmem:$0x10780] =	vst v63  }
0x2f: {  	s26 =	simm.s32 $0xE80;
	s28 =	simm.s32 $0xEB80  }
0x30: {  	[tilespmem:s28], [sflag:$0x2] =	stream.indirect.gather [hbm4b:s2+s20], $0x1, s26, s20, $0xb8;
	[tilespmem:$0x10780] =	vst v63  }
0x31: {  	s26 =	simm.s32 $0x200;
	s28 =	simm.s32 $0x3A00  }
0x32: {  	[tilespmem:s28], [sflag:$0x1] =	stream.indirect.gather [hbm4b:s5+s20], $0x10, s26, s20, $0xb8;
	[tilespmem:$0x10780] =	vst v63  }
0x33: {  	s26 =	simm.s32 $0xF00;
	s28 =	simm.s32 $0xEC00  }
0x34: {  	[tilespmem:s28], [sflag:$0x2] =	stream.indirect.gather [hbm4b:s2+s20], $0x1, s26, s20, $0xb8;
	[tilespmem:$0x10780] =	vst v63  }
0x35: {  	s26 =	simm.s32 $0x280;
	s28 =	simm.s32 $0x4200  }
0x36: {  	[tilespmem:s28], [sflag:$0x1] =	stream.indirect.gather [hbm4b:s5+s20], $0x10, s26, s20, $0xb8;
	[tilespmem:$0x10780] =	vst v63  }
0x37: {  	s26 =	simm.s32 $0xF80;
	s28 =	simm.s32 $0xEC80  }
0x38: {  	[tilespmem:s28], [sflag:$0x2] =	stream.indirect.gather [hbm4b:s2+s20], $0x1, s26, s20, $0xb8;
	[tilespmem:$0x10780] =	vst v63  }
0x39: {  	s26 =	simm.s32 $0x300;
	s28 =	simm.s32 $0x4A00  }
0x3a: {  	[tilespmem:s28], [sflag:$0x1] =	stream.indirect.gather [hbm4b:s5+s20], $0x10, s26, s20, $0xb8;
	[tilespmem:$0x10780] =	vst v63  }
0x3b: {  	s26 =	simm.s32 $0x1000;
	s28 =	simm.s32 $0xED00  }
0x3c: {  	[tilespmem:s28], [sflag:$0x2] =	stream.indirect.gather [hbm4b:s2+s20], $0x1, s26, s20, $0xb8;
	[tilespmem:$0x10780] =	vst v63  }
0x3d: {  	s26 =	simm.s32 $0x380;
	s28 =	simm.s32 $0x5200  }
0x3e: {  	[tilespmem:s28], [sflag:$0x1] =	stream.indirect.gather [hbm4b:s5+s20], $0x10, s26, s20, $0xb8;
	[tilespmem:$0x10780] =	vst v63  }
0x3f: {  	s26 =	simm.s32 $0x1080;
	s28 =	simm.s32 $0xED80  }
0x40: {  	[tilespmem:s28], [sflag:$0x2] =	stream.indirect.gather [hbm4b:s2+s20], $0x1, s26, s20, $0xb8;
	[tilespmem:$0x10780] =	vst v63  }
0x41: {  	s26 =	simm.s32 $0x400;
	s28 =	simm.s32 $0x5A00  }
0x42: {  	[tilespmem:s28], [sflag:$0x1] =	stream.indirect.gather [hbm4b:s5+s20], $0x10, s26, s20, $0xb8;
	[tilespmem:$0x10780] =	vst v63  }
0x43: {  	s26 =	simm.s32 $0x1100;
	s28 =	simm.s32 $0xEE00  }
0x44: {  	[tilespmem:s28], [sflag:$0x2] =	stream.indirect.gather [hbm4b:s2+s20], $0x1, s26, s20, $0xb8;
	[tilespmem:$0x10780] =	vst v63  }
0x45: {  	s26 =	simm.s32 $0x480;
	s28 =	simm.s32 $0x6200  }
0x46: {  	[tilespmem:s28], [sflag:$0x1] =	stream.indirect.gather [hbm4b:s5+s20], $0x10, s26, s20, $0xb8;
	[tilespmem:$0x10780] =	vst v63  }
0x47: {  	s26 =	simm.s32 $0x1180;
	s28 =	simm.s32 $0xEE80  }
0x48: {  	[tilespmem:s28], [sflag:$0x2] =	stream.indirect.gather [hbm4b:s2+s20], $0x1, s26, s20, $0xb8;
	[tilespmem:$0x10780] =	vst v63  }
0x49: {  	s26 =	simm.s32 $0x500;
	s28 =	simm.s32 $0x6A00  }
0x4a: {  	[tilespmem:s28], [sflag:$0x1] =	stream.indirect.gather [hbm4b:s5+s20], $0x10, s26, s20, $0xb8;
	[tilespmem:$0x10780] =	vst v63  }
0x4b: {  	s26 =	simm.s32 $0x1200;
	s28 =	simm.s32 $0xEF00  }
0x4c: {  	[tilespmem:s28], [sflag:$0x2] =	stream.indirect.gather [hbm4b:s2+s20], $0x1, s26, s20, $0xb8;
	[tilespmem:$0x10780] =	vst v63  }
0x4d: {  	s26 =	simm.s32 $0x580;
	s28 =	simm.s32 $0x7200  }
0x4e: {  	[tilespmem:s28], [sflag:$0x1] =	stream.indirect.gather [hbm4b:s5+s20], $0x10, s26, s20, $0xb8;
	[tilespmem:$0x10780] =	vst v63  }
0x4f: {  	s26 =	simm.s32 $0x1280;
	s28 =	simm.s32 $0xEF80  }
0x50: {  	[tilespmem:s28], [sflag:$0x2] =	stream.indirect.gather [hbm4b:s2+s20], $0x1, s26, s20, $0xb8;
	[tilespmem:$0x10780] =	vst v63  }
0x51: {  	s26 =	simm.s32 $0x600;
	s28 =	simm.s32 $0x7A00  }
0x52: {  	[tilespmem:s28], [sflag:$0x1] =	stream.indirect.gather [hbm4b:s5+s20], $0x10, s26, s20, $0xb8;
	[tilespmem:$0x10780] =	vst v63  }
0x53: {  	s26 =	simm.s32 $0x1300;
	s28 =	simm.s32 $0xF000  }
0x54: {  	[tilespmem:s28], [sflag:$0x2] =	stream.indirect.gather [hbm4b:s2+s20], $0x1, s26, s20, $0xb8;
	[tilespmem:$0x10780] =	vst v63  }
0x55: {  	s26 =	simm.s32 $0x680;
	s28 =	simm.s32 $0x8200  }
0x56: {  	[tilespmem:s28], [sflag:$0x1] =	stream.indirect.gather [hbm4b:s5+s20], $0x10, s26, s20, $0xb8;
	[tilespmem:$0x10780] =	vst v63  }
0x57: {  	s26 =	simm.s32 $0x1380;
	s28 =	simm.s32 $0xF080  }
0x58: {  	[tilespmem:s28], [sflag:$0x2] =	stream.indirect.gather [hbm4b:s2+s20], $0x1, s26, s20, $0xb8;
	[tilespmem:$0x10780] =	vst v63  }
0x59: {  	s26 =	simm.s32 $0x700;
	s28 =	simm.s32 $0x8A00  }
0x5a: {  	[tilespmem:s28], [sflag:$0x1] =	stream.indirect.gather [hbm4b:s5+s20], $0x10, s26, s20, $0xb8;
	[tilespmem:$0x10780] =	vst v63  }
0x5b: {  	s26 =	simm.s32 $0x1400;
	s28 =	simm.s32 $0xF100  }
0x5c: {  	[tilespmem:s28], [sflag:$0x2] =	stream.indirect.gather [hbm4b:s2+s20], $0x1, s26, s20, $0xb8;
	[tilespmem:$0x10780] =	vst v63  }
0x5d: {  	s26 =	simm.s32 $0x780;
	s28 =	simm.s32 $0x9200  }
0x5e: {  	[tilespmem:s28], [sflag:$0x1] =	stream.indirect.gather [hbm4b:s5+s20], $0x10, s26, s20, $0xb8;
	[tilespmem:$0x10780] =	vst v63  }
0x5f: {  	s26 =	simm.s32 $0x1480;
	s28 =	simm.s32 $0xF180  }
0x60: {  	[tilespmem:s28], [sflag:$0x2] =	stream.indirect.gather [hbm4b:s2+s20], $0x1, s26, s20, $0xb8;
	[tilespmem:$0x10780] =	vst v63  }
0x61: {  	s26 =	simm.s32 $0x800;
	s28 =	simm.s32 $0x9A00  }
0x62: {  	[tilespmem:s28], [sflag:$0x1] =	stream.indirect.gather [hbm4b:s5+s20], $0x10, s26, s20, $0xb8;
	[tilespmem:$0x10780] =	vst v63  }
0x63: {  	s26 =	simm.s32 $0x1500;
	s28 =	simm.s32 $0xF200  }
0x64: {  	[tilespmem:s28], [sflag:$0x2] =	stream.indirect.gather [hbm4b:s2+s20], $0x1, s26, s20, $0xb8;
	[tilespmem:$0x10780] =	vst v63  }
0x65: {  	s26 =	simm.s32 $0x880;
	s28 =	simm.s32 $0xA200  }
0x66: {  	[tilespmem:s28], [sflag:$0x1] =	stream.indirect.gather [hbm4b:s5+s20], $0x10, s26, s20, $0xb8;
	[tilespmem:$0x10780] =	vst v63  }
0x67: {  	s26 =	simm.s32 $0x1580;
	s28 =	simm.s32 $0xF280  }
0x68: {  	[tilespmem:s28], [sflag:$0x2] =	stream.indirect.gather [hbm4b:s2+s20], $0x1, s26, s20, $0xb8;
	[tilespmem:$0x10780] =	vst v63  }
0x69: {  	s26 =	simm.s32 $0x900;
	s28 =	simm.s32 $0xAA00  }
0x6a: {  	[tilespmem:s28], [sflag:$0x1] =	stream.indirect.gather [hbm4b:s5+s20], $0x10, s26, s20, $0xb8;
	[tilespmem:$0x10780] =	vst v63  }
0x6b: {  	s26 =	simm.s32 $0x1600;
	s28 =	simm.s32 $0xF300  }
0x6c: {  	[tilespmem:s28], [sflag:$0x2] =	stream.indirect.gather [hbm4b:s2+s20], $0x1, s26, s20, $0xb8;
	[tilespmem:$0x10780] =	vst v63  }
0x6d: {  	s26 =	simm.s32 $0x980;
	s28 =	simm.s32 $0xB200  }
0x6e: {  	[tilespmem:s28], [sflag:$0x1] =	stream.indirect.gather [hbm4b:s5+s20], $0x10, s26, s20, $0xb8;
	[tilespmem:$0x10780] =	vst v63  }
0x6f: {  	s26 =	simm.s32 $0x1680;
	s28 =	simm.s32 $0xF380  }
0x70: {  	[tilespmem:s28], [sflag:$0x2] =	stream.indirect.gather [hbm4b:s2+s20], $0x1, s26, s20, $0xb8;
	[tilespmem:$0x10780] =	vst v63  }
0x71: {  	s26 =	simm.s32 $0xA00;
	s28 =	simm.s32 $0xBA00  }
0x72: {  	[tilespmem:s28], [sflag:$0x1] =	stream.indirect.gather [hbm4b:s5+s20], $0x10, s26, s20, $0xb8;
	[tilespmem:$0x10780] =	vst v63  }
0x73: {  	s26 =	simm.s32 $0x1700;
	s28 =	simm.s32 $0xF400  }
0x74: {  	[tilespmem:s28], [sflag:$0x2] =	stream.indirect.gather [hbm4b:s2+s20], $0x1, s26, s20, $0xb8;
	[tilespmem:$0x10780] =	vst v63  }
0x75: {  	s26 =	simm.s32 $0xA80;
	s28 =	simm.s32 $0xC200  }
0x76: {  	[tilespmem:s28], [sflag:$0x1] =	stream.indirect.gather [hbm4b:s5+s20], $0x10, s26, s20, $0xb8;
	[tilespmem:$0x10780] =	vst v63  }
0x77: {  	s26 =	simm.s32 $0x1780;
	s28 =	simm.s32 $0xF480  }
0x78: {  	[tilespmem:s28], [sflag:$0x2] =	stream.indirect.gather [hbm4b:s2+s20], $0x1, s26, s20, $0xb8;
	[tilespmem:$0x10780] =	vst v63  }
0x79: {  	s17 =	simm.s32 $0xB00;
	s26 =	simm.s32 $0xCA00  }
0x7a: {  	[tilespmem:s26], [sflag:$0x1] =	stream.indirect.gather [hbm4b:s5+s20], $0x10, s17, s20, $0xb8;
	[tilespmem:$0x10780] =	vst v63  }
0x7b: {  	s28 =	simm.s32 $0x1800  }
0x7c: {  	[tilespmem:s7], [sflag:$0x2] =	stream.indirect.gather [hbm4b:s2+s20], $0x1, s28, s20, $0xb8;
	[tilespmem:$0x10780] =	vst v63  }
0x7d: {  	_ = 	snop  }
0x7e: {  	[tilespmem:s8], [sflag:$0x1] =	stream.indirect.gather [hbm4b:s5+s20], $0x10, s29, s20, $0xb8;
	[tilespmem:$0x10780] =	vst v63  }
0x7f: {  	_ = 	snop  }
0x80: {  	[tilespmem:s9], [sflag:$0x2] =	stream.indirect.gather [hbm4b:s2+s20], $0x1, s30, s20, $0xb8;
	[tilespmem:$0x10780] =	vst v63  }
0x81: {  	_ = 	snop  }
0x82: {  	[tilespmem:s0], [sflag:$0x1] =	stream.indirect.gather [hbm4b:s5+s20], $0x10, s31, s20, $0xb8;
	[tilespmem:$0x10780] =	vst v63  }
0x83: {  	_ = 	snop  }
0x84: {  	[tilespmem:s1], [sflag:$0x2] =	stream.indirect.gather [hbm4b:s2+s20], $0x1, s10, s20, $0xb8;
	[tilespmem:$0x10780] =	vst v63  }
0x85: {  	_ = 	snop  }
0x86: {  	[tilespmem:s21], [sflag:$0x1] =	stream.indirect.gather [hbm4b:s5+s20], $0x10, s11, s20, $0xb8;
	[tilespmem:$0x10780] =	vst v63  }
0x87: {  	_ = 	snop  }
0x88: {  	[tilespmem:s22], [sflag:$0x2] =	stream.indirect.gather [hbm4b:s2+s20], $0x1, s12, s20, $0xb8;
	[tilespmem:$0x10780] =	vst v63  }
0x89: {  	_ =	swait.ge [sflag:s13], $0x800  }
0x8a: {  	[sflag:s13] =	ssyncset.done $0x0  }
0x8b: {  	[sflag:s13] =	ssyncadd.s32 $0xFFFFF800  }
0x8c: {  	_ =	swait.ge [sflag:s23], $0x80  }
0x8d: {  	[sflag:s23] =	ssyncset.done $0x0  }
0x8e: {  	[sflag:s23] =	ssyncadd.s32 $0xFFFFFF80  }
0x8f: {  	_ =	swait.ge [sflag:s13], $0x800  }
0x90: {  	[sflag:s13] =	ssyncset.done $0x0  }
0x91: {  	[sflag:s13] =	ssyncadd.s32 $0xFFFFF800  }
0x92: {  	_ =	swait.ge [sflag:s23], $0x80  }
0x93: {  	[sflag:s23] =	ssyncset.done $0x0  }
0x94: {  	[sflag:s23] =	ssyncadd.s32 $0xFFFFFF80  }
0x95: {  	_ =	swait.ge [sflag:s13], $0x800  }
0x96: {  	[sflag:s13] =	ssyncset.done $0x0  }
0x97: {  	[sflag:s13] =	ssyncadd.s32 $0xFFFFF800  }
0x98: {  	_ =	swait.ge [sflag:s23], $0x80  }
0x99: {  	[sflag:s23] =	ssyncset.done $0x0  }
0x9a: {  	[sflag:s23] =	ssyncadd.s32 $0xFFFFFF80  }
0x9b: {  	_ =	swait.ge [sflag:s13], $0x800  }
0x9c: {  	[sflag:s13] =	ssyncset.done $0x0  }
0x9d: {  	[sflag:s13] =	ssyncadd.s32 $0xFFFFF800  }
0x9e: {  	_ =	swait.ge [sflag:s23], $0x80  }
0x9f: {  	[sflag:s23] =	ssyncset.done $0x0  }
0xa0: {  	[sflag:s23] =	ssyncadd.s32 $0xFFFFFF80  }
0xa1: {  	_ =	swait.ge [sflag:s13], $0x800  }
0xa2: {  	[sflag:s13] =	ssyncset.done $0x0  }
0xa3: {  	[sflag:s13] =	ssyncadd.s32 $0xFFFFF800  }
0xa4: {  	_ =	swait.ge [sflag:s23], $0x80  }
0xa5: {  	[sflag:s23] =	ssyncset.done $0x0  }
0xa6: {  	[sflag:s23] =	ssyncadd.s32 $0xFFFFFF80  }
0xa7: {  	_ =	swait.ge [sflag:s13], $0x800  }
0xa8: {  	[sflag:s13] =	ssyncset.done $0x0  }
0xa9: {  	[sflag:s13] =	ssyncadd.s32 $0xFFFFF800  }
0xaa: {  	_ =	swait.ge [sflag:s23], $0x80  }
0xab: {  	[sflag:s23] =	ssyncset.done $0x0  }
0xac: {  	[sflag:s23] =	ssyncadd.s32 $0xFFFFFF80  }
0xad: {  	_ =	swait.ge [sflag:s13], $0x800  }
0xae: {  	[sflag:s13] =	ssyncset.done $0x0  }
0xaf: {  	[sflag:s13] =	ssyncadd.s32 $0xFFFFF800  }
0xb0: {  	_ =	swait.ge [sflag:s23], $0x80  }
0xb1: {  	[sflag:s23] =	ssyncset.done $0x0  }
0xb2: {  	[sflag:s23] =	ssyncadd.s32 $0xFFFFFF80  }
0xb3: {  	_ =	swait.ge [sflag:s13], $0x800  }
0xb4: {  	[sflag:s13] =	ssyncset.done $0x0  }
0xb5: {  	[sflag:s13] =	ssyncadd.s32 $0xFFFFF800  }
0xb6: {  	_ =	swait.ge [sflag:s23], $0x80  }
0xb7: {  	[sflag:s23] =	ssyncset.done $0x0  }
0xb8: {  	[sflag:s23] =	ssyncadd.s32 $0xFFFFFF80  }
0xb9: {  	_ =	swait.ge [sflag:s13], $0x800  }
0xba: {  	[sflag:s13] =	ssyncset.done $0x0  }
0xbb: {  	[sflag:s13] =	ssyncadd.s32 $0xFFFFF800  }
0xbc: {  	_ =	swait.ge [sflag:s23], $0x80  }
0xbd: {  	[sflag:s23] =	ssyncset.done $0x0  }
0xbe: {  	[sflag:s23] =	ssyncadd.s32 $0xFFFFFF80  }
0xbf: {  	_ =	swait.ge [sflag:s13], $0x800  }
0xc0: {  	[sflag:s13] =	ssyncset.done $0x0  }
0xc1: {  	[sflag:s13] =	ssyncadd.s32 $0xFFFFF800  }
0xc2: {  	_ =	swait.ge [sflag:s23], $0x80  }
0xc3: {  	[sflag:s23] =	ssyncset.done $0x0  }
0xc4: {  	[sflag:s23] =	ssyncadd.s32 $0xFFFFFF80  }
0xc5: {  	_ =	swait.ge [sflag:s13], $0x800  }
0xc6: {  	[sflag:s13] =	ssyncset.done $0x0  }
0xc7: {  	[sflag:s13] =	ssyncadd.s32 $0xFFFFF800  }
0xc8: {  	_ =	swait.ge [sflag:s23], $0x80  }
0xc9: {  	[sflag:s23] =	ssyncset.done $0x0  }
0xca: {  	[sflag:s23] =	ssyncadd.s32 $0xFFFFFF80  }
0xcb: {  	_ =	swait.ge [sflag:s13], $0x800  }
0xcc: {  	[sflag:s13] =	ssyncset.done $0x0  }
0xcd: {  	[sflag:s13] =	ssyncadd.s32 $0xFFFFF800  }
0xce: {  	_ =	swait.ge [sflag:s23], $0x80  }
0xcf: {  	[sflag:s23] =	ssyncset.done $0x0  }
0xd0: {  	[sflag:s23] =	ssyncadd.s32 $0xFFFFFF80  }
0xd1: {  	_ =	swait.ge [sflag:s13], $0x800  }
0xd2: {  	[sflag:s13] =	ssyncset.done $0x0  }
0xd3: {  	[sflag:s13] =	ssyncadd.s32 $0xFFFFF800  }
0xd4: {  	_ =	swait.ge [sflag:s23], $0x80  }
0xd5: {  	[sflag:s23] =	ssyncset.done $0x0  }
0xd6: {  	[sflag:s23] =	ssyncadd.s32 $0xFFFFFF80  }
0xd7: {  	_ =	swait.ge [sflag:s13], $0x800  }
0xd8: {  	[sflag:s13] =	ssyncset.done $0x0  }
0xd9: {  	[sflag:s13] =	ssyncadd.s32 $0xFFFFF800  }
0xda: {  	_ =	swait.ge [sflag:s23], $0x80  }
0xdb: {  	[sflag:s23] =	ssyncset.done $0x0  }
0xdc: {  	[sflag:s23] =	ssyncadd.s32 $0xFFFFFF80  }
0xdd: {  	_ =	swait.ge [sflag:s13], $0x800  }
0xde: {  	[sflag:s13] =	ssyncset.done $0x0  }
0xdf: {  	[sflag:s13] =	ssyncadd.s32 $0xFFFFF800  }
0xe0: {  	_ =	swait.ge [sflag:s23], $0x80  }
0xe1: {  	[sflag:s23] =	ssyncset.done $0x0  }
0xe2: {  	[sflag:s23] =	ssyncadd.s32 $0xFFFFFF80  }
0xe3: {  	_ =	swait.ge [sflag:s13], $0x800  }
0xe4: {  	[sflag:s13] =	ssyncset.done $0x0  }
0xe5: {  	[sflag:s13] =	ssyncadd.s32 $0xFFFFF800  }
0xe6: {  	_ =	swait.ge [sflag:s23], $0x80  }
0xe7: {  	[sflag:s23] =	ssyncset.done $0x0  }
0xe8: {  	[sflag:s23] =	ssyncadd.s32 $0xFFFFFF80  }
0xe9: {  	_ =	swait.ge [sflag:s13], $0x800  }
0xea: {  	[sflag:s13] =	ssyncset.done $0x0  }
0xeb: {  	[sflag:s13] =	ssyncadd.s32 $0xFFFFF800  }
0xec: {  	_ =	swait.ge [sflag:s23], $0x80  }
0xed: {  	[sflag:s23] =	ssyncset.done $0x0  }
0xee: {  	[sflag:s23] =	ssyncadd.s32 $0xFFFFFF80  }
0xef: {  	_ =	swait.ge [sflag:s13], $0x800  }
0xf0: {  	[sflag:s13] =	ssyncset.done $0x0  }
0xf1: {  	[sflag:s13] =	ssyncadd.s32 $0xFFFFF800  }
0xf2: {  	_ =	swait.ge [sflag:s23], $0x80  }
0xf3: {  	[sflag:s23] =	ssyncset.done $0x0  }
0xf4: {  	[sflag:s23] =	ssyncadd.s32 $0xFFFFFF80  }
0xf5: {  	_ =	swait.ge [sflag:s13], $0x800  }
0xf6: {  	[sflag:s13] =	ssyncset.done $0x0  }
0xf7: {  	[sflag:s13] =	ssyncadd.s32 $0xFFFFF800  }
0xf8: {  	_ =	swait.ge [sflag:s23], $0x80  }
0xf9: {  	[sflag:s23] =	ssyncset.done $0x0  }
0xfa: {  	[sflag:s23] =	ssyncadd.s32 $0xFFFFFF80  }
0xfb: {  	_ =	swait.ge [sflag:s13], $0x800  }
0xfc: {  	[sflag:s13] =	ssyncset.done $0x0  }
0xfd: {  	[sflag:s13] =	ssyncadd.s32 $0xFFFFF800  }
0xfe: {  	_ =	swait.ge [sflag:s23], $0x80  }
0xff: {  	[sflag:s23] =	ssyncset.done $0x0  }
0x100: {  	[sflag:s23] =	ssyncadd.s32 $0xFFFFFF80  }
0x101: {  	_ =	swait.ge [sflag:s13], $0x800  }
0x102: {  	[sflag:s13] =	ssyncset.done $0x0  }
0x103: {  	[sflag:s13] =	ssyncadd.s32 $0xFFFFF800  }
0x104: {  	_ =	swait.ge [sflag:s23], $0x80  }
0x105: {  	[sflag:s23] =	ssyncset.done $0x0  }
0x106: {  	[sflag:s23] =	ssyncadd.s32 $0xFFFFFF80  }
0x107: {  	_ =	swait.ge [sflag:s13], $0x800  }
0x108: {  	[sflag:s13] =	ssyncset.done $0x0  }
0x109: {  	[sflag:s13] =	ssyncadd.s32 $0xFFFFF800  }
0x10a: {  	_ =	swait.ge [sflag:s23], $0x80  }
0x10b: {  	[sflag:s23] =	ssyncset.done $0x0  }
0x10c: {  	[sflag:s23] =	ssyncadd.s32 $0xFFFFFF80  }
0x10d: {  	_ =	swait.ge [sflag:s13], $0x800  }
0x10e: {  	[sflag:s13] =	ssyncset.done $0x0  }
0x10f: {  	[sflag:s13] =	ssyncadd.s32 $0xFFFFF800  }
0x110: {  	_ =	swait.ge [sflag:s23], $0x80  }
0x111: {  	[sflag:s23] =	ssyncset.done $0x0  }
0x112: {  	[sflag:s23] =	ssyncadd.s32 $0xFFFFFF80  }
0x113: {  	_ =	swait.ge [sflag:s13], $0x800  }
0x114: {  	[sflag:s13] =	ssyncset.done $0x0  }
0x115: {  	[sflag:s13] =	ssyncadd.s32 $0xFFFFF800  }
0x116: {  	_ =	swait.ge [sflag:s23], $0x80  }
0x117: {  	[sflag:s23] =	ssyncset.done $0x0  }
0x118: {  	[sflag:s23] =	ssyncadd.s32 $0xFFFFFF80  }
0x119: {  	_ =	swait.ge [sflag:s13], $0x800  }
0x11a: {  	[sflag:s13] =	ssyncset.done $0x0  }
0x11b: {  	[sflag:s13] =	ssyncadd.s32 $0xFFFFF800  }
0x11c: {  	_ =	swait.ge [sflag:s23], $0x80  }
0x11d: {  	[sflag:s23] =	ssyncset.done $0x0  }
0x11e: {  	[sflag:s23] =	ssyncadd.s32 $0xFFFFFF80  }
0x11f: {  	_ =	swait.ge [sflag:s13], $0x800  }
0x120: {  	[sflag:s13] =	ssyncset.done $0x0  }
0x121: {  	[sflag:s13] =	ssyncadd.s32 $0xFFFFF800  }
0x122: {  	_ =	swait.ge [sflag:s23], $0x80  }
0x123: {  	[sflag:s23] =	ssyncset.done $0x0  }
0x124: {  	s26 =	simm.s32 $0x1AD0;
	[sflag:s23] =	ssyncadd.s32 $0xFFFFFF80  }
0x125: {  	v0 =	vld [tilespmem:s26+$0xFFFFFF30]  }
0x126: {  	v1 =	vld [tilespmem:s26+$0xFFFFFF40];
	_ =	sdelay $0x1  }
0x127: {  	v2 =	vld [tilespmem:s26+$0xFFFFFF50];
	_ =	sdelay $0x1  }
0x128: {  	v3 =	vld [tilespmem:s26+$0xFFFFFF60]  }
0x129: {  	v4 =	vmul.f32 v0, v0;
	v0 =	vadd.f32 v1, v0;
	v1 =	vmul.f32 v1, v1  }
0x12a: {  	v5 =	vld [tilespmem:s26+$0xFFFFFF70]  }
0x12b: {  	v1 =	vadd.f32 v1, v4;
	v0 =	vadd.f32 v2, v0;
	v2 =	vmul.f32 v2, v2  }
0x12c: {  	v50 =	vld [tilespmem:s26+$0xFFFFFF80]  }
0x12d: {  	v1 =	vadd.f32 v2, v1;
	v0 =	vadd.f32 v3, v0;
	v2 =	vmul.f32 v3, v3  }
0x12e: {  	v3 =	vld [tilespmem:s26+$0xFFFFFF90]  }
0x12f: {  	v1 =	vadd.f32 v2, v1;
	v0 =	vadd.f32 v5, v0;
	v2 =	vmul.f32 v5, v5  }
0x130: {  	v51 =	vld [tilespmem:s26+$0xFFFFFFA0]  }
0x131: {  	v1 =	vadd.f32 v2, v1;
	v0 =	vadd.f32 v50, v0;
	v2 =	vmul.f32 v50, v50  }
0x132: {  	v52 =	vld [tilespmem:s26+$0xFFFFFFB0]  }
0x133: {  	v1 =	vadd.f32 v2, v1;
	v0 =	vadd.f32 v3, v0;
	v2 =	vmul.f32 v3, v3  }
0x134: {  	v3 =	vld [tilespmem:s26+$0xFFFFFFC0]  }
0x135: {  	v1 =	vadd.f32 v2, v1;
	v0 =	vadd.f32 v51, v0;
	v2 =	vmul.f32 v51, v51  }
0x136: {  	v53 =	vld [tilespmem:s26+$0xFFFFFFD0]  }
0x137: {  	v1 =	vadd.f32 v2, v1;
	v0 =	vadd.f32 v52, v0;
	v2 =	vmul.f32 v52, v52  }
0x138: {  	v54 =	vld [tilespmem:s26+$0xFFFFFFE0]  }
0x139: {  	v1 =	vadd.f32 v2, v1;
	v0 =	vadd.f32 v3, v0;
	v2 =	vmul.f32 v3, v3  }
0x13a: {  	v3 =	vld [tilespmem:s26+$0xFFFFFFF0]  }
0x13b: {  	v1 =	vadd.f32 v2, v1;
	v0 =	vadd.f32 v53, v0;
	v2 =	vmul.f32 v53, v53  }
0x13c: {  	v55 =	vld [tilespmem:s26+$0x0]  }
0x13d: {  	v1 =	vadd.f32 v2, v1;
	v0 =	vadd.f32 v54, v0;
	v2 =	vmul.f32 v54, v54  }
0x13e: {  	v56 =	vld [tilespmem:s26+$0x10]  }
0x13f: {  	v1 =	vadd.f32 v2, v1;
	v0 =	vadd.f32 v3, v0;
	v2 =	vmul.f32 v3, v3  }
0x140: {  	v3 =	vld [tilespmem:s26+$0x20]  }
0x141: {  	v1 =	vadd.f32 v2, v1;
	v0 =	vadd.f32 v55, v0;
	v2 =	vmul.f32 v55, v55  }
0x142: {  	v57 =	vld [tilespmem:s26+$0x30]  }
0x143: {  	v1 =	vadd.f32 v2, v1;
	v0 =	vadd.f32 v56, v0;
	v2 =	vmul.f32 v56, v56  }
0x144: {  	v58 =	vld [tilespmem:s26+$0x40]  }
0x145: {  	v1 =	vadd.f32 v2, v1;
	v0 =	vadd.f32 v3, v0;
	v2 =	vmul.f32 v3, v3  }
0x146: {  	v3 =	vld [tilespmem:s26+$0x50]  }
0x147: {  	v1 =	vadd.f32 v2, v1;
	v0 =	vadd.f32 v57, v0;
	v2 =	vmul.f32 v57, v57  }
0x148: {  	v59 =	vld [tilespmem:s26+$0x60]  }
0x149: {  	v1 =	vadd.f32 v2, v1;
	v0 =	vadd.f32 v58, v0;
	v2 =	vmul.f32 v58, v58  }
0x14a: {  	v60 =	vld [tilespmem:s26+$0x70]  }
0x14b: {  	v1 =	vadd.f32 v2, v1;
	v0 =	vadd.f32 v3, v0;
	v2 =	vmul.f32 v3, v3  }
0x14c: {  	v3 =	vld [tilespmem:s26+$0x80]  }
0x14d: {  	v1 =	vadd.f32 v2, v1;
	v0 =	vadd.f32 v59, v0;
	v2 =	vmul.f32 v59, v59  }
0x14e: {  	v61 =	vld [tilespmem:s26+$0x90]  }
0x14f: {  	v1 =	vadd.f32 v2, v1;
	v0 =	vadd.f32 v60, v0;
	v2 =	vmul.f32 v60, v60  }
0x150: {  	v62 =	vld [tilespmem:s26+$0xA0]  }
0x151: {  	v1 =	vadd.f32 v2, v1;
	v0 =	vadd.f32 v3, v0;
	v2 =	vmul.f32 v3, v3  }
0x152: {  	v3 =	vld [tilespmem:s26+$0xB0]  }
0x153: {  	v1 =	vadd.f32 v2, v1;
	v0 =	vadd.f32 v61, v0;
	v2 =	vmul.f32 v61, v61  }
0x154: {  	v63 =	vld [tilespmem:s26+$0xC0]  }
0x155: {  	v1 =	vadd.f32 v2, v1;
	v0 =	vadd.f32 v62, v0;
	v2 =	vmul.f32 v62, v62;
	_ =	sdelay $0x1  }
0x156: {  	v1 =	vadd.f32 v2, v1;
	v0 =	vadd.f32 v3, v0;
	v2 =	vmul.f32 v3, v3;
	_ =	sdelay $0x1  }
0x157: {  	v1 =	vadd.f32 v2, v1;
	v2 =	vadd.f32 v63, v0;
	v0 =	vmul.f32 v63, v63  }
0x158: {  	s17 =	simm.s32 $0x0  }
0x159: {  	s16 =	simm.s32 $0x40;
	v0 =	vadd.f32 v0, v1;
	[tilespmem:s17+$0xF700] =	vst v2  }
.LBB2_2:
0x15a: {  	p0 =	sne.s32 s16, $0x1FC0  }
0x15b: {  	s26 =	sadd.s32 $0x1A0, s26;
	s28 =	smov.u32 s16;
	s16 =	sadd.s32 $0x40, s16;
	[tilespmem:s17+$0xFF00] =	vst v0  }
0x15c: {  	v0 =	vld [tilespmem:s26+$0xFFFFFF30]  }
0x15d: {  	v1 =	vld [tilespmem:s26+$0xFFFFFF40];
	_ =	sdelay $0x1  }
0x15e: {  	v2 =	vld [tilespmem:s26+$0xFFFFFF50];
	_ =	sdelay $0x1  }
0x15f: {  	v3 =	vld [tilespmem:s26+$0xFFFFFF60]  }
0x160: {  	v4 =	vmul.f32 v0, v0;
	v0 =	vadd.f32 v1, v0;
	v1 =	vmul.f32 v1, v1  }
0x161: {  	v5 =	vld [tilespmem:s26+$0xFFFFFF70]  }
0x162: {  	v1 =	vadd.f32 v1, v4;
	v0 =	vadd.f32 v2, v0;
	v2 =	vmul.f32 v2, v2  }
0x163: {  	v4 =	vld [tilespmem:s26+$0xFFFFFF80]  }
0x164: {  	v1 =	vadd.f32 v2, v1;
	v0 =	vadd.f32 v3, v0;
	v2 =	vmul.f32 v3, v3  }
0x165: {  	v3 =	vld [tilespmem:s26+$0xFFFFFF90]  }
0x166: {  	v1 =	vadd.f32 v2, v1;
	v0 =	vadd.f32 v5, v0;
	v2 =	vmul.f32 v5, v5  }
0x167: {  	v5 =	vld [tilespmem:s26+$0xFFFFFFA0]  }
0x168: {  	v1 =	vadd.f32 v2, v1;
	v0 =	vadd.f32 v4, v0;
	v2 =	vmul.f32 v4, v4  }
0x169: {  	v4 =	vld [tilespmem:s26+$0xFFFFFFB0]  }
0x16a: {  	v1 =	vadd.f32 v2, v1;
	v0 =	vadd.f32 v3, v0;
	v2 =	vmul.f32 v3, v3  }
0x16b: {  	v3 =	vld [tilespmem:s26+$0xFFFFFFC0]  }
0x16c: {  	v1 =	vadd.f32 v2, v1;
	v0 =	vadd.f32 v5, v0;
	v2 =	vmul.f32 v5, v5  }
0x16d: {  	v5 =	vld [tilespmem:s26+$0xFFFFFFD0]  }
0x16e: {  	v1 =	vadd.f32 v2, v1;
	v0 =	vadd.f32 v4, v0;
	v2 =	vmul.f32 v4, v4  }
0x16f: {  	v4 =	vld [tilespmem:s26+$0xFFFFFFE0]  }
0x170: {  	v1 =	vadd.f32 v2, v1;
	v0 =	vadd.f32 v3, v0;
	v2 =	vmul.f32 v3, v3  }
0x171: {  	v3 =	vld [tilespmem:s26+$0xFFFFFFF0]  }
0x172: {  	v1 =	vadd.f32 v2, v1;
	v0 =	vadd.f32 v5, v0;
	v2 =	vmul.f32 v5, v5  }
0x173: {  	v5 =	vld [tilespmem:s26+$0x0]  }
0x174: {  	v1 =	vadd.f32 v2, v1;
	v0 =	vadd.f32 v4, v0;
	v2 =	vmul.f32 v4, v4  }
0x175: {  	v4 =	vld [tilespmem:s26+$0x10]  }
0x176: {  	v1 =	vadd.f32 v2, v1;
	v0 =	vadd.f32 v3, v0;
	v2 =	vmul.f32 v3, v3  }
0x177: {  	v3 =	vld [tilespmem:s26+$0x20]  }
0x178: {  	v1 =	vadd.f32 v2, v1;
	v0 =	vadd.f32 v5, v0;
	v2 =	vmul.f32 v5, v5  }
0x179: {  	v5 =	vld [tilespmem:s26+$0x30]  }
0x17a: {  	v1 =	vadd.f32 v2, v1;
	v0 =	vadd.f32 v4, v0;
	v2 =	vmul.f32 v4, v4  }
0x17b: {  	v4 =	vld [tilespmem:s26+$0x40]  }
0x17c: {  	v1 =	vadd.f32 v2, v1;
	v0 =	vadd.f32 v3, v0;
	v2 =	vmul.f32 v3, v3  }
0x17d: {  	v3 =	vld [tilespmem:s26+$0x50]  }
0x17e: {  	v1 =	vadd.f32 v2, v1;
	v0 =	vadd.f32 v5, v0;
	v2 =	vmul.f32 v5, v5  }
0x17f: {  	v5 =	vld [tilespmem:s26+$0x60]  }
0x180: {  	v1 =	vadd.f32 v2, v1;
	v0 =	vadd.f32 v4, v0;
	v2 =	vmul.f32 v4, v4  }
0x181: {  	v4 =	vld [tilespmem:s26+$0x70]  }
0x182: {  	v1 =	vadd.f32 v2, v1;
	v0 =	vadd.f32 v3, v0;
	v2 =	vmul.f32 v3, v3  }
0x183: {  	v3 =	vld [tilespmem:s26+$0x80]  }
0x184: {  	v1 =	vadd.f32 v2, v1;
	v0 =	vadd.f32 v5, v0;
	v2 =	vmul.f32 v5, v5  }
0x185: {  	v5 =	vld [tilespmem:s26+$0x90]  }
0x186: {  	v1 =	vadd.f32 v2, v1;
	v0 =	vadd.f32 v4, v0;
	v2 =	vmul.f32 v4, v4  }
0x187: {  	v4 =	vld [tilespmem:s26+$0xA0]  }
0x188: {  	v1 =	vadd.f32 v2, v1;
	v0 =	vadd.f32 v3, v0;
	v2 =	vmul.f32 v3, v3  }
0x189: {  	v3 =	vld [tilespmem:s26+$0xB0]  }
0x18a: {  	v1 =	vadd.f32 v2, v1;
	v0 =	vadd.f32 v5, v0;
	v2 =	vmul.f32 v5, v5  }
0x18b: {  	v5 =	vld [tilespmem:s26+$0xC0]  }
0x18c: {  	v1 =	vadd.f32 v2, v1;
	v0 =	vadd.f32 v4, v0;
	v2 =	vmul.f32 v4, v4;
	_ =	sdelay $0x1  }
.Ltmp0:
0x18d: {  	v1 =	vadd.f32 v2, v1;
	v0 =	vadd.f32 v3, v0;
	v2 =	vmul.f32 v3, v3;
	(pc) =	sbr.rel @p0 .LBB2_2-.Ltmp0, $4  }
0x18e: {  	_ = 	snop  }
0x18f: {  	v1 =	vadd.f32 v2, v1;
	v2 =	vadd.f32 v5, v0;
	v0 =	vmul.f32 v5, v5  }
0x190: {  	s17 =	sshra.s32 s28, $0x2  }
0x191: {  	v0 =	vadd.f32 v0, v1;
	[tilespmem:s17+$0xF700] =	vst v2  }
0x192: {  	_ = 	snop  }
0x193: {  	s26 =	simm.s32 $0xEAD0;
	[tilespmem:s17+$0xFF00] =	vst v0  }
0x194: {  	v0 =	vld [tilespmem:s26+$0xFFFFFF40]  }
0x195: {  	s16 =	simm.s32 $0x0;
	s17 =	simm.s32 $0x40;
	v1 =	vld [tilespmem:s26+$0xFFFFFF30]  }
.LBB2_4:
0x196: {  	p0 =	sne.s32 s17, $0x1C0  }
0x197: {  	v2 =	vld [tilespmem:s26+$0xFFFFFF50];
	_ =	sdelay $0x1  }
0x198: {  	v3 =	vld [tilespmem:s26+$0xFFFFFF60]  }
0x199: {  	v0 =	vadd.f32 v0, v1  }
0x19a: {  	v1 =	vld [tilespmem:s26+$0xFFFFFF70]  }
0x19b: {  	v0 =	vadd.f32 v2, v0  }
0x19c: {  	v2 =	vld [tilespmem:s26+$0xFFFFFF80]  }
0x19d: {  	v0 =	vadd.f32 v3, v0  }
0x19e: {  	v3 =	vld [tilespmem:s26+$0xFFFFFF90]  }
0x19f: {  	v0 =	vadd.f32 v1, v0  }
0x1a0: {  	v1 =	vld [tilespmem:s26+$0xFFFFFFA0]  }
0x1a1: {  	v0 =	vadd.f32 v2, v0  }
0x1a2: {  	v2 =	vld [tilespmem:s26+$0xFFFFFFB0]  }
0x1a3: {  	v0 =	vadd.f32 v3, v0  }
0x1a4: {  	v3 =	vld [tilespmem:s26+$0xFFFFFFC0]  }
0x1a5: {  	v0 =	vadd.f32 v1, v0  }
0x1a6: {  	v1 =	vld [tilespmem:s26+$0xFFFFFFD0]  }
0x1a7: {  	v0 =	vadd.f32 v2, v0  }
0x1a8: {  	v2 =	vld [tilespmem:s26+$0xFFFFFFE0]  }
0x1a9: {  	v0 =	vadd.f32 v3, v0  }
0x1aa: {  	v3 =	vld [tilespmem:s26+$0xFFFFFFF0]  }
0x1ab: {  	v0 =	vadd.f32 v1, v0  }
0x1ac: {  	v1 =	vld [tilespmem:s26+$0x0]  }
0x1ad: {  	v0 =	vadd.f32 v2, v0  }
0x1ae: {  	v2 =	vld [tilespmem:s26+$0x10]  }
0x1af: {  	v0 =	vadd.f32 v3, v0  }
0x1b0: {  	v3 =	vld [tilespmem:s26+$0x20]  }
0x1b1: {  	v0 =	vadd.f32 v1, v0  }
0x1b2: {  	v1 =	vld [tilespmem:s26+$0x30]  }
0x1b3: {  	v0 =	vadd.f32 v2, v0  }
0x1b4: {  	v2 =	vld [tilespmem:s26+$0x40]  }
0x1b5: {  	v0 =	vadd.f32 v3, v0  }
0x1b6: {  	v3 =	vld [tilespmem:s26+$0x50]  }
0x1b7: {  	v0 =	vadd.f32 v1, v0  }
0x1b8: {  	v1 =	vld [tilespmem:s26+$0x60]  }
0x1b9: {  	v0 =	vadd.f32 v2, v0  }
0x1ba: {  	v2 =	vld [tilespmem:s26+$0x70]  }
0x1bb: {  	v0 =	vadd.f32 v3, v0  }
0x1bc: {  	v3 =	vld [tilespmem:s26+$0x80]  }
0x1bd: {  	v0 =	vadd.f32 v1, v0  }
0x1be: {  	v1 =	vld [tilespmem:s26+$0x90]  }
0x1bf: {  	v0 =	vadd.f32 v2, v0  }
0x1c0: {  	v2 =	vld [tilespmem:s26+$0xA0]  }
0x1c1: {  	v0 =	vadd.f32 v3, v0  }
0x1c2: {  	v3 =	vld [tilespmem:s26+$0xB0]  }
0x1c3: {  	v0 =	vadd.f32 v1, v0  }
0x1c4: {  	v1 =	vld [tilespmem:s26+$0xC0]  }
0x1c5: {  	v0 =	vadd.f32 v2, v0;
	_ =	sdelay $0x1  }
0x1c6: {  	v0 =	vadd.f32 v3, v0;
	_ =	sdelay $0x1  }
.Ltmp1:
0x1c7: {  	v0 =	vadd.f32 v1, v0;
	(pc) =	sbr.rel @p0 .LBB2_4-.Ltmp1, $4  }
0x1c8: {  	s28 =	sshra.s32 s16, $0x2;
	s16 =	smov.u32 s17  }
0x1c9: {  	s26 =	sadd.s32 $0x1A0, s26;
	[tilespmem:s28+$0x10700] =	vst v0  }
0x1ca: {  	v0 =	vld [tilespmem:s26+$0xFFFFFF40]  }
0x1cb: {  	s17 =	sadd.s32 $0x40, s17;
	v1 =	vld [tilespmem:s26+$0xFFFFFF30]  }
0x1cc: {  	_ = 	snop  }
0x1cd: {  	v2 =	vld [tilespmem:s26+$0xFFFFFF50];
	_ =	sdelay $0x1  }
0x1ce: {  	v3 =	vld [tilespmem:s26+$0xFFFFFF60]  }
0x1cf: {  	v0 =	vadd.f32 v0, v1  }
0x1d0: {  	v1 =	vld [tilespmem:s26+$0xFFFFFF70]  }
0x1d1: {  	v0 =	vadd.f32 v2, v0  }
0x1d2: {  	v2 =	vld [tilespmem:s26+$0xFFFFFF80]  }
0x1d3: {  	v0 =	vadd.f32 v3, v0  }
0x1d4: {  	v3 =	vld [tilespmem:s26+$0xFFFFFF90]  }
0x1d5: {  	v0 =	vadd.f32 v1, v0  }
0x1d6: {  	v1 =	vld [tilespmem:s26+$0xFFFFFFA0]  }
0x1d7: {  	v0 =	vadd.f32 v2, v0  }
0x1d8: {  	v2 =	vld [tilespmem:s26+$0xFFFFFFB0]  }
0x1d9: {  	v0 =	vadd.f32 v3, v0  }
0x1da: {  	v3 =	vld [tilespmem:s26+$0xFFFFFFC0]  }
0x1db: {  	v0 =	vadd.f32 v1, v0  }
0x1dc: {  	v1 =	vld [tilespmem:s26+$0xFFFFFFD0]  }
0x1dd: {  	v0 =	vadd.f32 v2, v0  }
0x1de: {  	v2 =	vld [tilespmem:s26+$0xFFFFFFE0]  }
0x1df: {  	v0 =	vadd.f32 v3, v0  }
0x1e0: {  	v3 =	vld [tilespmem:s26+$0xFFFFFFF0]  }
0x1e1: {  	v0 =	vadd.f32 v1, v0  }
0x1e2: {  	v1 =	vld [tilespmem:s26+$0x0]  }
0x1e3: {  	v0 =	vadd.f32 v2, v0  }
0x1e4: {  	v2 =	vld [tilespmem:s26+$0x10]  }
0x1e5: {  	v0 =	vadd.f32 v3, v0  }
0x1e6: {  	v3 =	vld [tilespmem:s26+$0x20]  }
0x1e7: {  	v0 =	vadd.f32 v1, v0  }
0x1e8: {  	v1 =	vld [tilespmem:s26+$0x30]  }
0x1e9: {  	v0 =	vadd.f32 v2, v0  }
0x1ea: {  	v2 =	vld [tilespmem:s26+$0x40]  }
0x1eb: {  	v0 =	vadd.f32 v3, v0  }
0x1ec: {  	v3 =	vld [tilespmem:s26+$0x50]  }
0x1ed: {  	v0 =	vadd.f32 v1, v0  }
0x1ee: {  	v1 =	vld [tilespmem:s26+$0x60]  }
0x1ef: {  	v0 =	vadd.f32 v2, v0  }
0x1f0: {  	v2 =	vld [tilespmem:s26+$0x70]  }
0x1f1: {  	v0 =	vadd.f32 v3, v0  }
0x1f2: {  	v3 =	vld [tilespmem:s26+$0x80]  }
0x1f3: {  	v0 =	vadd.f32 v1, v0  }
0x1f4: {  	v1 =	vld [tilespmem:s26+$0x90]  }
0x1f5: {  	v0 =	vadd.f32 v2, v0  }
0x1f6: {  	v2 =	vld [tilespmem:s26+$0xA0]  }
0x1f7: {  	v0 =	vadd.f32 v3, v0  }
0x1f8: {  	v3 =	vld [tilespmem:s26+$0xB0]  }
0x1f9: {  	v0 =	vadd.f32 v1, v0  }
0x1fa: {  	v1 =	vld [tilespmem:s26+$0xC0]  }
0x1fb: {  	v0 =	vadd.f32 v2, v0;
	_ =	sdelay $0x1  }
0x1fc: {  	v0 =	vadd.f32 v3, v0;
	_ =	sdelay $0x1  }
0x1fd: {  	v0 =	vadd.f32 v1, v0  }
0x1fe: {  	s16 =	sshra.s32 s16, $0x2  }
0x1ff: {  	s17 =	rddreg [dreg:$0x6];
	s26 =	simm.s32 $0x0;
	[tilespmem:s16+$0x10700] =	vst v0  }
0x200: {  	[hbm4b:s17+s26] =	stream.linear.scatter [tilespmem:s14], [sflag:$0x3], $0x800, $0x38;
	[tilespmem:$0x10780] =	vst v63  }
0x201: {  	_ =	swait.ge [sflag:s18], $0x800  }
0x202: {  	[sflag:s18] =	ssyncset.done $0x0  }
0x203: {  	s17 =	rddreg [dreg:$0x7];
	[sflag:s18] =	ssyncadd.s32 $0xFFFFF800  }
0x204: {  	[hbm4b:s17+s26] =	stream.linear.scatter [tilespmem:s24], [sflag:$0x3], $0x800, $0x38;
	[tilespmem:$0x10780] =	vst v63  }
0x205: {  	_ =	swait.ge [sflag:s18], $0x800  }
0x206: {  	[sflag:s18] =	ssyncset.done $0x0  }
0x207: {  	s17 =	rddreg [dreg:$0x8];
	[sflag:s18] =	ssyncadd.s32 $0xFFFFF800  }
0x208: {  	[hbm4b:s17+s26] =	stream.linear.scatter [tilespmem:s25], [sflag:$0x3], $0x80, $0x38;
	[tilespmem:$0x10780] =	vst v63  }
0x209: {  	_ =	swait.ge [sflag:s18], $0x80  }
0x20a: {  	[sflag:s18] =	ssyncset.done $0x0  }
0x20b: {  	s17 =	rddreg [dreg:$0x9];
	[sflag:s18] =	ssyncadd.s32 $0xFFFFFF80  }
0x20c: {  	[tilespmem:s26], [sflag:$0x3] =	stream.linear.gather [hbm4b:s17+s26], $0xD00, $0x38;
	[tilespmem:$0x10780] =	vst v63  }
0x20d: {  	_ =	swait.ge [sflag:s18], $0xD00  }
0x20e: {  	[sflag:s18] =	ssyncset.done $0x0  }
0x20f: {  	s17 =	rddreg [dreg:$0xa];
	[sflag:s18] =	ssyncadd.s32 $0xFFFFF300  }
0x210: {  	[tilespmem:s19], [sflag:$0x3] =	stream.linear.gather [hbm4b:s17+s26], $0xD00, $0x38;
	[tilespmem:$0x10780] =	vst v63  }
0x211: {  	_ =	swait.ge [sflag:s18], $0xD00  }
0x212: {  	[sflag:s18] =	ssyncset.done $0x0  }
0x213: {  	s17 =	simm.s32 $0x1A00;
	[sflag:s18] =	ssyncadd.s32 $0xFFFFF300  }
0x214: {  	[tilespmem:s17], [sflag:$0x1] =	stream.indirect.gather [hbm4b:s6+s20], $0x10, s26, s20, $0xb8;
	[tilespmem:$0x10780] =	vst v63  }
0x215: {  	s17 =	simm.s32 $0xEA00  }
0x216: {  	[tilespmem:s17], [sflag:$0x2] =	stream.indirect.gather [hbm4b:s3+s20], $0x1, s19, s20, $0xb8;
	[tilespmem:$0x10780] =	vst v63  }
0x217: {  	s17 =	simm.s32 $0x2200  }
0x218: {  	[tilespmem:s17], [sflag:$0x1] =	stream.indirect.gather [hbm4b:s6+s20], $0x10, s20, s20, $0xb8;
	[tilespmem:$0x10780] =	vst v63  }
0x219: {  	s16 =	simm.s32 $0xD80;
	s17 =	simm.s32 $0xEA80  }
0x21a: {  	[tilespmem:s17], [sflag:$0x2] =	stream.indirect.gather [hbm4b:s3+s20], $0x1, s16, s20, $0xb8;
	[tilespmem:$0x10780] =	vst v63  }
0x21b: {  	s16 =	simm.s32 $0x100;
	s17 =	simm.s32 $0x2A00  }
0x21c: {  	[tilespmem:s17], [sflag:$0x1] =	stream.indirect.gather [hbm4b:s6+s20], $0x10, s16, s20, $0xb8;
	[tilespmem:$0x10780] =	vst v63  }
0x21d: {  	s16 =	simm.s32 $0xE00;
	s17 =	simm.s32 $0xEB00  }
0x21e: {  	[tilespmem:s17], [sflag:$0x2] =	stream.indirect.gather [hbm4b:s3+s20], $0x1, s16, s20, $0xb8;
	[tilespmem:$0x10780] =	vst v63  }
0x21f: {  	s16 =	simm.s32 $0x180;
	s17 =	simm.s32 $0x3200  }
0x220: {  	[tilespmem:s17], [sflag:$0x1] =	stream.indirect.gather [hbm4b:s6+s20], $0x10, s16, s20, $0xb8;
	[tilespmem:$0x10780] =	vst v63  }
0x221: {  	s16 =	simm.s32 $0xE80;
	s17 =	simm.s32 $0xEB80  }
0x222: {  	[tilespmem:s17], [sflag:$0x2] =	stream.indirect.gather [hbm4b:s3+s20], $0x1, s16, s20, $0xb8;
	[tilespmem:$0x10780] =	vst v63  }
0x223: {  	s16 =	simm.s32 $0x200;
	s17 =	simm.s32 $0x3A00  }
0x224: {  	[tilespmem:s17], [sflag:$0x1] =	stream.indirect.gather [hbm4b:s6+s20], $0x10, s16, s20, $0xb8;
	[tilespmem:$0x10780] =	vst v63  }
0x225: {  	s16 =	simm.s32 $0xF00;
	s17 =	simm.s32 $0xEC00  }
0x226: {  	[tilespmem:s17], [sflag:$0x2] =	stream.indirect.gather [hbm4b:s3+s20], $0x1, s16, s20, $0xb8;
	[tilespmem:$0x10780] =	vst v63  }
0x227: {  	s16 =	simm.s32 $0x280;
	s17 =	simm.s32 $0x4200  }
0x228: {  	[tilespmem:s17], [sflag:$0x1] =	stream.indirect.gather [hbm4b:s6+s20], $0x10, s16, s20, $0xb8;
	[tilespmem:$0x10780] =	vst v63  }
0x229: {  	s16 =	simm.s32 $0xF80;
	s17 =	simm.s32 $0xEC80  }
0x22a: {  	[tilespmem:s17], [sflag:$0x2] =	stream.indirect.gather [hbm4b:s3+s20], $0x1, s16, s20, $0xb8;
	[tilespmem:$0x10780] =	vst v63  }
0x22b: {  	s16 =	simm.s32 $0x300;
	s17 =	simm.s32 $0x4A00  }
0x22c: {  	[tilespmem:s17], [sflag:$0x1] =	stream.indirect.gather [hbm4b:s6+s20], $0x10, s16, s20, $0xb8;
	[tilespmem:$0x10780] =	vst v63  }
0x22d: {  	s16 =	simm.s32 $0x1000;
	s17 =	simm.s32 $0xED00  }
0x22e: {  	[tilespmem:s17], [sflag:$0x2] =	stream.indirect.gather [hbm4b:s3+s20], $0x1, s16, s20, $0xb8;
	[tilespmem:$0x10780] =	vst v63  }
0x22f: {  	s16 =	simm.s32 $0x380;
	s17 =	simm.s32 $0x5200  }
0x230: {  	[tilespmem:s17], [sflag:$0x1] =	stream.indirect.gather [hbm4b:s6+s20], $0x10, s16, s20, $0xb8;
	[tilespmem:$0x10780] =	vst v63  }
0x231: {  	s16 =	simm.s32 $0x1080;
	s17 =	simm.s32 $0xED80  }
0x232: {  	[tilespmem:s17], [sflag:$0x2] =	stream.indirect.gather [hbm4b:s3+s20], $0x1, s16, s20, $0xb8;
	[tilespmem:$0x10780] =	vst v63  }
0x233: {  	s16 =	simm.s32 $0x400;
	s17 =	simm.s32 $0x5A00  }
0x234: {  	[tilespmem:s17], [sflag:$0x1] =	stream.indirect.gather [hbm4b:s6+s20], $0x10, s16, s20, $0xb8;
	[tilespmem:$0x10780] =	vst v63  }
0x235: {  	s16 =	simm.s32 $0x1100;
	s17 =	simm.s32 $0xEE00  }
0x236: {  	[tilespmem:s17], [sflag:$0x2] =	stream.indirect.gather [hbm4b:s3+s20], $0x1, s16, s20, $0xb8;
	[tilespmem:$0x10780] =	vst v63  }
0x237: {  	s16 =	simm.s32 $0x480;
	s17 =	simm.s32 $0x6200  }
0x238: {  	[tilespmem:s17], [sflag:$0x1] =	stream.indirect.gather [hbm4b:s6+s20], $0x10, s16, s20, $0xb8;
	[tilespmem:$0x10780] =	vst v63  }
0x239: {  	s16 =	simm.s32 $0x1180;
	s17 =	simm.s32 $0xEE80  }
0x23a: {  	[tilespmem:s17], [sflag:$0x2] =	stream.indirect.gather [hbm4b:s3+s20], $0x1, s16, s20, $0xb8;
	[tilespmem:$0x10780] =	vst v63  }
0x23b: {  	s16 =	simm.s32 $0x500;
	s17 =	simm.s32 $0x6A00  }
0x23c: {  	[tilespmem:s17], [sflag:$0x1] =	stream.indirect.gather [hbm4b:s6+s20], $0x10, s16, s20, $0xb8;
	[tilespmem:$0x10780] =	vst v63  }
0x23d: {  	s16 =	simm.s32 $0x1200;
	s17 =	simm.s32 $0xEF00  }
0x23e: {  	[tilespmem:s17], [sflag:$0x2] =	stream.indirect.gather [hbm4b:s3+s20], $0x1, s16, s20, $0xb8;
	[tilespmem:$0x10780] =	vst v63  }
0x23f: {  	s16 =	simm.s32 $0x580;
	s17 =	simm.s32 $0x7200  }
0x240: {  	[tilespmem:s17], [sflag:$0x1] =	stream.indirect.gather [hbm4b:s6+s20], $0x10, s16, s20, $0xb8;
	[tilespmem:$0x10780] =	vst v63  }
0x241: {  	s16 =	simm.s32 $0x1280;
	s17 =	simm.s32 $0xEF80  }
0x242: {  	[tilespmem:s17], [sflag:$0x2] =	stream.indirect.gather [hbm4b:s3+s20], $0x1, s16, s20, $0xb8;
	[tilespmem:$0x10780] =	vst v63  }
0x243: {  	s16 =	simm.s32 $0x600;
	s17 =	simm.s32 $0x7A00  }
0x244: {  	[tilespmem:s17], [sflag:$0x1] =	stream.indirect.gather [hbm4b:s6+s20], $0x10, s16, s20, $0xb8;
	[tilespmem:$0x10780] =	vst v63  }
0x245: {  	s16 =	simm.s32 $0x1300;
	s17 =	simm.s32 $0xF000  }
0x246: {  	[tilespmem:s17], [sflag:$0x2] =	stream.indirect.gather [hbm4b:s3+s20], $0x1, s16, s20, $0xb8;
	[tilespmem:$0x10780] =	vst v63  }
0x247: {  	s16 =	simm.s32 $0x680;
	s17 =	simm.s32 $0x8200  }
0x248: {  	[tilespmem:s17], [sflag:$0x1] =	stream.indirect.gather [hbm4b:s6+s20], $0x10, s16, s20, $0xb8;
	[tilespmem:$0x10780] =	vst v63  }
0x249: {  	s16 =	simm.s32 $0x1380;
	s17 =	simm.s32 $0xF080  }
0x24a: {  	[tilespmem:s17], [sflag:$0x2] =	stream.indirect.gather [hbm4b:s3+s20], $0x1, s16, s20, $0xb8;
	[tilespmem:$0x10780] =	vst v63  }
0x24b: {  	s16 =	simm.s32 $0x700;
	s17 =	simm.s32 $0x8A00  }
0x24c: {  	[tilespmem:s17], [sflag:$0x1] =	stream.indirect.gather [hbm4b:s6+s20], $0x10, s16, s20, $0xb8;
	[tilespmem:$0x10780] =	vst v63  }
0x24d: {  	s16 =	simm.s32 $0x1400;
	s17 =	simm.s32 $0xF100  }
0x24e: {  	[tilespmem:s17], [sflag:$0x2] =	stream.indirect.gather [hbm4b:s3+s20], $0x1, s16, s20, $0xb8;
	[tilespmem:$0x10780] =	vst v63  }
0x24f: {  	s16 =	simm.s32 $0x780;
	s17 =	simm.s32 $0x9200  }
0x250: {  	[tilespmem:s17], [sflag:$0x1] =	stream.indirect.gather [hbm4b:s6+s20], $0x10, s16, s20, $0xb8;
	[tilespmem:$0x10780] =	vst v63  }
0x251: {  	s16 =	simm.s32 $0x1480;
	s17 =	simm.s32 $0xF180  }
0x252: {  	[tilespmem:s17], [sflag:$0x2] =	stream.indirect.gather [hbm4b:s3+s20], $0x1, s16, s20, $0xb8;
	[tilespmem:$0x10780] =	vst v63  }
0x253: {  	s16 =	simm.s32 $0x800;
	s17 =	simm.s32 $0x9A00  }
0x254: {  	[tilespmem:s17], [sflag:$0x1] =	stream.indirect.gather [hbm4b:s6+s20], $0x10, s16, s20, $0xb8;
	[tilespmem:$0x10780] =	vst v63  }
0x255: {  	s16 =	simm.s32 $0x1500;
	s17 =	simm.s32 $0xF200  }
0x256: {  	[tilespmem:s17], [sflag:$0x2] =	stream.indirect.gather [hbm4b:s3+s20], $0x1, s16, s20, $0xb8;
	[tilespmem:$0x10780] =	vst v63  }
0x257: {  	s16 =	simm.s32 $0x880;
	s17 =	simm.s32 $0xA200  }
0x258: {  	[tilespmem:s17], [sflag:$0x1] =	stream.indirect.gather [hbm4b:s6+s20], $0x10, s16, s20, $0xb8;
	[tilespmem:$0x10780] =	vst v63  }
0x259: {  	s16 =	simm.s32 $0x1580;
	s17 =	simm.s32 $0xF280  }
0x25a: {  	[tilespmem:s17], [sflag:$0x2] =	stream.indirect.gather [hbm4b:s3+s20], $0x1, s16, s20, $0xb8;
	[tilespmem:$0x10780] =	vst v63  }
0x25b: {  	s16 =	simm.s32 $0x900;
	s17 =	simm.s32 $0xAA00  }
0x25c: {  	[tilespmem:s17], [sflag:$0x1] =	stream.indirect.gather [hbm4b:s6+s20], $0x10, s16, s20, $0xb8;
	[tilespmem:$0x10780] =	vst v63  }
0x25d: {  	s16 =	simm.s32 $0x1600;
	s17 =	simm.s32 $0xF300  }
0x25e: {  	[tilespmem:s17], [sflag:$0x2] =	stream.indirect.gather [hbm4b:s3+s20], $0x1, s16, s20, $0xb8;
	[tilespmem:$0x10780] =	vst v63  }
0x25f: {  	s16 =	simm.s32 $0x980;
	s17 =	simm.s32 $0xB200  }
0x260: {  	[tilespmem:s17], [sflag:$0x1] =	stream.indirect.gather [hbm4b:s6+s20], $0x10, s16, s20, $0xb8;
	[tilespmem:$0x10780] =	vst v63  }
0x261: {  	s16 =	simm.s32 $0x1680;
	s17 =	simm.s32 $0xF380  }
0x262: {  	[tilespmem:s17], [sflag:$0x2] =	stream.indirect.gather [hbm4b:s3+s20], $0x1, s16, s20, $0xb8;
	[tilespmem:$0x10780] =	vst v63  }
0x263: {  	s16 =	simm.s32 $0xA00;
	s17 =	simm.s32 $0xBA00  }
0x264: {  	[tilespmem:s17], [sflag:$0x1] =	stream.indirect.gather [hbm4b:s6+s20], $0x10, s16, s20, $0xb8;
	[tilespmem:$0x10780] =	vst v63  }
0x265: {  	s16 =	simm.s32 $0x1700;
	s17 =	simm.s32 $0xF400  }
0x266: {  	[tilespmem:s17], [sflag:$0x2] =	stream.indirect.gather [hbm4b:s3+s20], $0x1, s16, s20, $0xb8;
	[tilespmem:$0x10780] =	vst v63  }
0x267: {  	s16 =	simm.s32 $0xA80;
	s17 =	simm.s32 $0xC200  }
0x268: {  	[tilespmem:s17], [sflag:$0x1] =	stream.indirect.gather [hbm4b:s6+s20], $0x10, s16, s20, $0xb8;
	[tilespmem:$0x10780] =	vst v63  }
0x269: {  	s16 =	simm.s32 $0x1780;
	s17 =	simm.s32 $0xF480  }
0x26a: {  	[tilespmem:s17], [sflag:$0x2] =	stream.indirect.gather [hbm4b:s3+s20], $0x1, s16, s20, $0xb8;
	[tilespmem:$0x10780] =	vst v63  }
0x26b: {  	s16 =	simm.s32 $0xB00;
	s17 =	simm.s32 $0xCA00  }
0x26c: {  	[tilespmem:s17], [sflag:$0x1] =	stream.indirect.gather [hbm4b:s6+s20], $0x10, s16, s20, $0xb8;
	[tilespmem:$0x10780] =	vst v63  }
0x26d: {  	s17 =	simm.s32 $0x1800  }
0x26e: {  	[tilespmem:s7], [sflag:$0x2] =	stream.indirect.gather [hbm4b:s3+s20], $0x1, s17, s20, $0xb8;
	[tilespmem:$0x10780] =	vst v63  }
0x26f: {  	_ = 	snop  }
0x270: {  	[tilespmem:s8], [sflag:$0x1] =	stream.indirect.gather [hbm4b:s6+s20], $0x10, s29, s20, $0xb8;
	[tilespmem:$0x10780] =	vst v63  }
0x271: {  	_ = 	snop  }
0x272: {  	[tilespmem:s9], [sflag:$0x2] =	stream.indirect.gather [hbm4b:s3+s20], $0x1, s30, s20, $0xb8;
	[tilespmem:$0x10780] =	vst v63  }
0x273: {  	_ = 	snop  }
0x274: {  	[tilespmem:s0], [sflag:$0x1] =	stream.indirect.gather [hbm4b:s6+s20], $0x10, s31, s20, $0xb8;
	[tilespmem:$0x10780] =	vst v63  }
0x275: {  	_ = 	snop  }
0x276: {  	[tilespmem:s1], [sflag:$0x2] =	stream.indirect.gather [hbm4b:s3+s20], $0x1, s10, s20, $0xb8;
	[tilespmem:$0x10780] =	vst v63  }
0x277: {  	_ = 	snop  }
0x278: {  	[tilespmem:s21], [sflag:$0x1] =	stream.indirect.gather [hbm4b:s6+s20], $0x10, s11, s20, $0xb8;
	[tilespmem:$0x10780] =	vst v63  }
0x279: {  	_ = 	snop  }
0x27a: {  	[tilespmem:s22], [sflag:$0x2] =	stream.indirect.gather [hbm4b:s3+s20], $0x1, s12, s20, $0xb8;
	[tilespmem:$0x10780] =	vst v63  }
0x27b: {  	_ =	swait.ge [sflag:s13], $0x800  }
0x27c: {  	[sflag:s13] =	ssyncset.done $0x0  }
0x27d: {  	[sflag:s13] =	ssyncadd.s32 $0xFFFFF800  }
0x27e: {  	_ =	swait.ge [sflag:s23], $0x80  }
0x27f: {  	[sflag:s23] =	ssyncset.done $0x0  }
0x280: {  	[sflag:s23] =	ssyncadd.s32 $0xFFFFFF80  }
0x281: {  	_ =	swait.ge [sflag:s13], $0x800  }
0x282: {  	[sflag:s13] =	ssyncset.done $0x0  }
0x283: {  	[sflag:s13] =	ssyncadd.s32 $0xFFFFF800  }
0x284: {  	_ =	swait.ge [sflag:s23], $0x80  }
0x285: {  	[sflag:s23] =	ssyncset.done $0x0  }
0x286: {  	[sflag:s23] =	ssyncadd.s32 $0xFFFFFF80  }
0x287: {  	_ =	swait.ge [sflag:s13], $0x800  }
0x288: {  	[sflag:s13] =	ssyncset.done $0x0  }
0x289: {  	[sflag:s13] =	ssyncadd.s32 $0xFFFFF800  }
0x28a: {  	_ =	swait.ge [sflag:s23], $0x80  }
0x28b: {  	[sflag:s23] =	ssyncset.done $0x0  }
0x28c: {  	[sflag:s23] =	ssyncadd.s32 $0xFFFFFF80  }
0x28d: {  	_ =	swait.ge [sflag:s13], $0x800  }
0x28e: {  	[sflag:s13] =	ssyncset.done $0x0  }
0x28f: {  	[sflag:s13] =	ssyncadd.s32 $0xFFFFF800  }
0x290: {  	_ =	swait.ge [sflag:s23], $0x80  }
0x291: {  	[sflag:s23] =	ssyncset.done $0x0  }
0x292: {  	[sflag:s23] =	ssyncadd.s32 $0xFFFFFF80  }
0x293: {  	_ =	swait.ge [sflag:s13], $0x800  }
0x294: {  	[sflag:s13] =	ssyncset.done $0x0  }
0x295: {  	[sflag:s13] =	ssyncadd.s32 $0xFFFFF800  }
0x296: {  	_ =	swait.ge [sflag:s23], $0x80  }
0x297: {  	[sflag:s23] =	ssyncset.done $0x0  }
0x298: {  	[sflag:s23] =	ssyncadd.s32 $0xFFFFFF80  }
0x299: {  	_ =	swait.ge [sflag:s13], $0x800  }
0x29a: {  	[sflag:s13] =	ssyncset.done $0x0  }
0x29b: {  	[sflag:s13] =	ssyncadd.s32 $0xFFFFF800  }
0x29c: {  	_ =	swait.ge [sflag:s23], $0x80  }
0x29d: {  	[sflag:s23] =	ssyncset.done $0x0  }
0x29e: {  	[sflag:s23] =	ssyncadd.s32 $0xFFFFFF80  }
0x29f: {  	_ =	swait.ge [sflag:s13], $0x800  }
0x2a0: {  	[sflag:s13] =	ssyncset.done $0x0  }
0x2a1: {  	[sflag:s13] =	ssyncadd.s32 $0xFFFFF800  }
0x2a2: {  	_ =	swait.ge [sflag:s23], $0x80  }
0x2a3: {  	[sflag:s23] =	ssyncset.done $0x0  }
0x2a4: {  	[sflag:s23] =	ssyncadd.s32 $0xFFFFFF80  }
0x2a5: {  	_ =	swait.ge [sflag:s13], $0x800  }
0x2a6: {  	[sflag:s13] =	ssyncset.done $0x0  }
0x2a7: {  	[sflag:s13] =	ssyncadd.s32 $0xFFFFF800  }
0x2a8: {  	_ =	swait.ge [sflag:s23], $0x80  }
0x2a9: {  	[sflag:s23] =	ssyncset.done $0x0  }
0x2aa: {  	[sflag:s23] =	ssyncadd.s32 $0xFFFFFF80  }
0x2ab: {  	_ =	swait.ge [sflag:s13], $0x800  }
0x2ac: {  	[sflag:s13] =	ssyncset.done $0x0  }
0x2ad: {  	[sflag:s13] =	ssyncadd.s32 $0xFFFFF800  }
0x2ae: {  	_ =	swait.ge [sflag:s23], $0x80  }
0x2af: {  	[sflag:s23] =	ssyncset.done $0x0  }
0x2b0: {  	[sflag:s23] =	ssyncadd.s32 $0xFFFFFF80  }
0x2b1: {  	_ =	swait.ge [sflag:s13], $0x800  }
0x2b2: {  	[sflag:s13] =	ssyncset.done $0x0  }
0x2b3: {  	[sflag:s13] =	ssyncadd.s32 $0xFFFFF800  }
0x2b4: {  	_ =	swait.ge [sflag:s23], $0x80  }
0x2b5: {  	[sflag:s23] =	ssyncset.done $0x0  }
0x2b6: {  	[sflag:s23] =	ssyncadd.s32 $0xFFFFFF80  }
0x2b7: {  	_ =	swait.ge [sflag:s13], $0x800  }
0x2b8: {  	[sflag:s13] =	ssyncset.done $0x0  }
0x2b9: {  	[sflag:s13] =	ssyncadd.s32 $0xFFFFF800  }
0x2ba: {  	_ =	swait.ge [sflag:s23], $0x80  }
0x2bb: {  	[sflag:s23] =	ssyncset.done $0x0  }
0x2bc: {  	[sflag:s23] =	ssyncadd.s32 $0xFFFFFF80  }
0x2bd: {  	_ =	swait.ge [sflag:s13], $0x800  }
0x2be: {  	[sflag:s13] =	ssyncset.done $0x0  }
0x2bf: {  	[sflag:s13] =	ssyncadd.s32 $0xFFFFF800  }
0x2c0: {  	_ =	swait.ge [sflag:s23], $0x80  }
0x2c1: {  	[sflag:s23] =	ssyncset.done $0x0  }
0x2c2: {  	[sflag:s23] =	ssyncadd.s32 $0xFFFFFF80  }
0x2c3: {  	_ =	swait.ge [sflag:s13], $0x800  }
0x2c4: {  	[sflag:s13] =	ssyncset.done $0x0  }
0x2c5: {  	[sflag:s13] =	ssyncadd.s32 $0xFFFFF800  }
0x2c6: {  	_ =	swait.ge [sflag:s23], $0x80  }
0x2c7: {  	[sflag:s23] =	ssyncset.done $0x0  }
0x2c8: {  	[sflag:s23] =	ssyncadd.s32 $0xFFFFFF80  }
0x2c9: {  	_ =	swait.ge [sflag:s13], $0x800  }
0x2ca: {  	[sflag:s13] =	ssyncset.done $0x0  }
0x2cb: {  	[sflag:s13] =	ssyncadd.s32 $0xFFFFF800  }
0x2cc: {  	_ =	swait.ge [sflag:s23], $0x80  }
0x2cd: {  	[sflag:s23] =	ssyncset.done $0x0  }
0x2ce: {  	[sflag:s23] =	ssyncadd.s32 $0xFFFFFF80  }
0x2cf: {  	_ =	swait.ge [sflag:s13], $0x800  }
0x2d0: {  	[sflag:s13] =	ssyncset.done $0x0  }
0x2d1: {  	[sflag:s13] =	ssyncadd.s32 $0xFFFFF800  }
0x2d2: {  	_ =	swait.ge [sflag:s23], $0x80  }
0x2d3: {  	[sflag:s23] =	ssyncset.done $0x0  }
0x2d4: {  	[sflag:s23] =	ssyncadd.s32 $0xFFFFFF80  }
0x2d5: {  	_ =	swait.ge [sflag:s13], $0x800  }
0x2d6: {  	[sflag:s13] =	ssyncset.done $0x0  }
0x2d7: {  	[sflag:s13] =	ssyncadd.s32 $0xFFFFF800  }
0x2d8: {  	_ =	swait.ge [sflag:s23], $0x80  }
0x2d9: {  	[sflag:s23] =	ssyncset.done $0x0  }
0x2da: {  	[sflag:s23] =	ssyncadd.s32 $0xFFFFFF80  }
0x2db: {  	_ =	swait.ge [sflag:s13], $0x800  }
0x2dc: {  	[sflag:s13] =	ssyncset.done $0x0  }
0x2dd: {  	[sflag:s13] =	ssyncadd.s32 $0xFFFFF800  }
0x2de: {  	_ =	swait.ge [sflag:s23], $0x80  }
0x2df: {  	[sflag:s23] =	ssyncset.done $0x0  }
0x2e0: {  	[sflag:s23] =	ssyncadd.s32 $0xFFFFFF80  }
0x2e1: {  	_ =	swait.ge [sflag:s13], $0x800  }
0x2e2: {  	[sflag:s13] =	ssyncset.done $0x0  }
0x2e3: {  	[sflag:s13] =	ssyncadd.s32 $0xFFFFF800  }
0x2e4: {  	_ =	swait.ge [sflag:s23], $0x80  }
0x2e5: {  	[sflag:s23] =	ssyncset.done $0x0  }
0x2e6: {  	[sflag:s23] =	ssyncadd.s32 $0xFFFFFF80  }
0x2e7: {  	_ =	swait.ge [sflag:s13], $0x800  }
0x2e8: {  	[sflag:s13] =	ssyncset.done $0x0  }
0x2e9: {  	[sflag:s13] =	ssyncadd.s32 $0xFFFFF800  }
0x2ea: {  	_ =	swait.ge [sflag:s23], $0x80  }
0x2eb: {  	[sflag:s23] =	ssyncset.done $0x0  }
0x2ec: {  	[sflag:s23] =	ssyncadd.s32 $0xFFFFFF80  }
0x2ed: {  	_ =	swait.ge [sflag:s13], $0x800  }
0x2ee: {  	[sflag:s13] =	ssyncset.done $0x0  }
0x2ef: {  	[sflag:s13] =	ssyncadd.s32 $0xFFFFF800  }
0x2f0: {  	_ =	swait.ge [sflag:s23], $0x80  }
0x2f1: {  	[sflag:s23] =	ssyncset.done $0x0  }
0x2f2: {  	[sflag:s23] =	ssyncadd.s32 $0xFFFFFF80  }
0x2f3: {  	_ =	swait.ge [sflag:s13], $0x800  }
0x2f4: {  	[sflag:s13] =	ssyncset.done $0x0  }
0x2f5: {  	[sflag:s13] =	ssyncadd.s32 $0xFFFFF800  }
0x2f6: {  	_ =	swait.ge [sflag:s23], $0x80  }
0x2f7: {  	[sflag:s23] =	ssyncset.done $0x0  }
0x2f8: {  	[sflag:s23] =	ssyncadd.s32 $0xFFFFFF80  }
0x2f9: {  	_ =	swait.ge [sflag:s13], $0x800  }
0x2fa: {  	[sflag:s13] =	ssyncset.done $0x0  }
0x2fb: {  	[sflag:s13] =	ssyncadd.s32 $0xFFFFF800  }
0x2fc: {  	_ =	swait.ge [sflag:s23], $0x80  }
0x2fd: {  	[sflag:s23] =	ssyncset.done $0x0  }
0x2fe: {  	[sflag:s23] =	ssyncadd.s32 $0xFFFFFF80  }
0x2ff: {  	_ =	swait.ge [sflag:s13], $0x800  }
0x300: {  	[sflag:s13] =	ssyncset.done $0x0  }
0x301: {  	[sflag:s13] =	ssyncadd.s32 $0xFFFFF800  }
0x302: {  	_ =	swait.ge [sflag:s23], $0x80  }
0x303: {  	[sflag:s23] =	ssyncset.done $0x0  }
0x304: {  	[sflag:s23] =	ssyncadd.s32 $0xFFFFFF80  }
0x305: {  	_ =	swait.ge [sflag:s13], $0x800  }
0x306: {  	[sflag:s13] =	ssyncset.done $0x0  }
0x307: {  	[sflag:s13] =	ssyncadd.s32 $0xFFFFF800  }
0x308: {  	_ =	swait.ge [sflag:s23], $0x80  }
0x309: {  	[sflag:s23] =	ssyncset.done $0x0  }
0x30a: {  	[sflag:s23] =	ssyncadd.s32 $0xFFFFFF80  }
0x30b: {  	_ =	swait.ge [sflag:s13], $0x800  }
0x30c: {  	[sflag:s13] =	ssyncset.done $0x0  }
0x30d: {  	[sflag:s13] =	ssyncadd.s32 $0xFFFFF800  }
0x30e: {  	_ =	swait.ge [sflag:s23], $0x80  }
0x30f: {  	[sflag:s23] =	ssyncset.done $0x0  }
0x310: {  	[sflag:s23] =	ssyncadd.s32 $0xFFFFFF80  }
0x311: {  	_ =	swait.ge [sflag:s13], $0x800  }
0x312: {  	[sflag:s13] =	ssyncset.done $0x0  }
0x313: {  	[sflag:s13] =	ssyncadd.s32 $0xFFFFF800  }
0x314: {  	_ =	swait.ge [sflag:s23], $0x80  }
0x315: {  	[sflag:s23] =	ssyncset.done $0x0  }
0x316: {  	s16 =	simm.s32 $0x1AD0;
	[sflag:s23] =	ssyncadd.s32 $0xFFFFFF80  }
0x317: {  	v0 =	vld [tilespmem:s16+$0xFFFFFF30]  }
0x318: {  	v1 =	vld [tilespmem:s16+$0xFFFFFF40];
	_ =	sdelay $0x1  }
0x319: {  	v2 =	vld [tilespmem:s16+$0xFFFFFF50];
	_ =	sdelay $0x1  }
0x31a: {  	v3 =	vld [tilespmem:s16+$0xFFFFFF60]  }
0x31b: {  	v4 =	vmul.f32 v0, v0;
	v0 =	vadd.f32 v1, v0;
	v1 =	vmul.f32 v1, v1  }
0x31c: {  	v5 =	vld [tilespmem:s16+$0xFFFFFF70]  }
0x31d: {  	v1 =	vadd.f32 v1, v4;
	v0 =	vadd.f32 v2, v0;
	v2 =	vmul.f32 v2, v2  }
0x31e: {  	v50 =	vld [tilespmem:s16+$0xFFFFFF80]  }
0x31f: {  	v1 =	vadd.f32 v2, v1;
	v0 =	vadd.f32 v3, v0;
	v2 =	vmul.f32 v3, v3  }
0x320: {  	v3 =	vld [tilespmem:s16+$0xFFFFFF90]  }
0x321: {  	v1 =	vadd.f32 v2, v1;
	v0 =	vadd.f32 v5, v0;
	v2 =	vmul.f32 v5, v5  }
0x322: {  	v51 =	vld [tilespmem:s16+$0xFFFFFFA0]  }
0x323: {  	v1 =	vadd.f32 v2, v1;
	v0 =	vadd.f32 v50, v0;
	v2 =	vmul.f32 v50, v50  }
0x324: {  	v52 =	vld [tilespmem:s16+$0xFFFFFFB0]  }
0x325: {  	v1 =	vadd.f32 v2, v1;
	v0 =	vadd.f32 v3, v0;
	v2 =	vmul.f32 v3, v3  }
0x326: {  	v3 =	vld [tilespmem:s16+$0xFFFFFFC0]  }
0x327: {  	v1 =	vadd.f32 v2, v1;
	v0 =	vadd.f32 v51, v0;
	v2 =	vmul.f32 v51, v51  }
0x328: {  	v53 =	vld [tilespmem:s16+$0xFFFFFFD0]  }
0x329: {  	v1 =	vadd.f32 v2, v1;
	v0 =	vadd.f32 v52, v0;
	v2 =	vmul.f32 v52, v52  }
0x32a: {  	v54 =	vld [tilespmem:s16+$0xFFFFFFE0]  }
0x32b: {  	v1 =	vadd.f32 v2, v1;
	v0 =	vadd.f32 v3, v0;
	v2 =	vmul.f32 v3, v3  }
0x32c: {  	v3 =	vld [tilespmem:s16+$0xFFFFFFF0]  }
0x32d: {  	v1 =	vadd.f32 v2, v1;
	v0 =	vadd.f32 v53, v0;
	v2 =	vmul.f32 v53, v53  }
0x32e: {  	v55 =	vld [tilespmem:s16+$0x0]  }
0x32f: {  	v1 =	vadd.f32 v2, v1;
	v0 =	vadd.f32 v54, v0;
	v2 =	vmul.f32 v54, v54  }
0x330: {  	v56 =	vld [tilespmem:s16+$0x10]  }
0x331: {  	v1 =	vadd.f32 v2, v1;
	v0 =	vadd.f32 v3, v0;
	v2 =	vmul.f32 v3, v3  }
0x332: {  	v3 =	vld [tilespmem:s16+$0x20]  }
0x333: {  	v1 =	vadd.f32 v2, v1;
	v0 =	vadd.f32 v55, v0;
	v2 =	vmul.f32 v55, v55  }
0x334: {  	v57 =	vld [tilespmem:s16+$0x30]  }
0x335: {  	v1 =	vadd.f32 v2, v1;
	v0 =	vadd.f32 v56, v0;
	v2 =	vmul.f32 v56, v56  }
0x336: {  	v58 =	vld [tilespmem:s16+$0x40]  }
0x337: {  	v1 =	vadd.f32 v2, v1;
	v0 =	vadd.f32 v3, v0;
	v2 =	vmul.f32 v3, v3  }
0x338: {  	v3 =	vld [tilespmem:s16+$0x50]  }
0x339: {  	v1 =	vadd.f32 v2, v1;
	v0 =	vadd.f32 v57, v0;
	v2 =	vmul.f32 v57, v57  }
0x33a: {  	v59 =	vld [tilespmem:s16+$0x60]  }
0x33b: {  	v1 =	vadd.f32 v2, v1;
	v0 =	vadd.f32 v58, v0;
	v2 =	vmul.f32 v58, v58  }
0x33c: {  	v60 =	vld [tilespmem:s16+$0x70]  }
0x33d: {  	v1 =	vadd.f32 v2, v1;
	v0 =	vadd.f32 v3, v0;
	v2 =	vmul.f32 v3, v3  }
0x33e: {  	v3 =	vld [tilespmem:s16+$0x80]  }
0x33f: {  	v1 =	vadd.f32 v2, v1;
	v0 =	vadd.f32 v59, v0;
	v2 =	vmul.f32 v59, v59  }
0x340: {  	v61 =	vld [tilespmem:s16+$0x90]  }
0x341: {  	v1 =	vadd.f32 v2, v1;
	v0 =	vadd.f32 v60, v0;
	v2 =	vmul.f32 v60, v60  }
0x342: {  	v62 =	vld [tilespmem:s16+$0xA0]  }
0x343: {  	v1 =	vadd.f32 v2, v1;
	v0 =	vadd.f32 v3, v0;
	v2 =	vmul.f32 v3, v3  }
0x344: {  	v3 =	vld [tilespmem:s16+$0xB0]  }
0x345: {  	v1 =	vadd.f32 v2, v1;
	v0 =	vadd.f32 v61, v0;
	v2 =	vmul.f32 v61, v61  }
0x346: {  	v63 =	vld [tilespmem:s16+$0xC0]  }
0x347: {  	v1 =	vadd.f32 v2, v1;
	v0 =	vadd.f32 v62, v0;
	v2 =	vmul.f32 v62, v62;
	_ =	sdelay $0x1  }
0x348: {  	v1 =	vadd.f32 v2, v1;
	v0 =	vadd.f32 v3, v0;
	v2 =	vmul.f32 v3, v3;
	_ =	sdelay $0x1  }
0x349: {  	v1 =	vadd.f32 v2, v1;
	v2 =	vadd.f32 v63, v0;
	v0 =	vmul.f32 v63, v63  }
0x34a: {  	s17 =	simm.s32 $0x0  }
0x34b: {  	s28 =	simm.s32 $0x40;
	v0 =	vadd.f32 v0, v1;
	[tilespmem:s17+$0xF700] =	vst v2  }
.LBB2_6:
0x34c: {  	p0 =	sne.s32 s28, $0x1FC0  }
0x34d: {  	s16 =	sadd.s32 $0x1A0, s16;
	[tilespmem:s17+$0xFF00] =	vst v0;
	s17 =	smov.u32 s28;
	s28 =	sadd.s32 $0x40, s28  }
0x34e: {  	v0 =	vld [tilespmem:s16+$0xFFFFFF30]  }
0x34f: {  	v1 =	vld [tilespmem:s16+$0xFFFFFF40];
	_ =	sdelay $0x1  }
0x350: {  	v2 =	vld [tilespmem:s16+$0xFFFFFF50];
	_ =	sdelay $0x1  }
0x351: {  	v3 =	vld [tilespmem:s16+$0xFFFFFF60]  }
0x352: {  	v4 =	vmul.f32 v0, v0;
	v0 =	vadd.f32 v1, v0;
	v1 =	vmul.f32 v1, v1  }
0x353: {  	v5 =	vld [tilespmem:s16+$0xFFFFFF70]  }
0x354: {  	v1 =	vadd.f32 v1, v4;
	v0 =	vadd.f32 v2, v0;
	v2 =	vmul.f32 v2, v2  }
0x355: {  	v4 =	vld [tilespmem:s16+$0xFFFFFF80]  }
0x356: {  	v1 =	vadd.f32 v2, v1;
	v0 =	vadd.f32 v3, v0;
	v2 =	vmul.f32 v3, v3  }
0x357: {  	v3 =	vld [tilespmem:s16+$0xFFFFFF90]  }
0x358: {  	v1 =	vadd.f32 v2, v1;
	v0 =	vadd.f32 v5, v0;
	v2 =	vmul.f32 v5, v5  }
0x359: {  	v5 =	vld [tilespmem:s16+$0xFFFFFFA0]  }
0x35a: {  	v1 =	vadd.f32 v2, v1;
	v0 =	vadd.f32 v4, v0;
	v2 =	vmul.f32 v4, v4  }
0x35b: {  	v4 =	vld [tilespmem:s16+$0xFFFFFFB0]  }
0x35c: {  	v1 =	vadd.f32 v2, v1;
	v0 =	vadd.f32 v3, v0;
	v2 =	vmul.f32 v3, v3  }
0x35d: {  	v3 =	vld [tilespmem:s16+$0xFFFFFFC0]  }
0x35e: {  	v1 =	vadd.f32 v2, v1;
	v0 =	vadd.f32 v5, v0;
	v2 =	vmul.f32 v5, v5  }
0x35f: {  	v5 =	vld [tilespmem:s16+$0xFFFFFFD0]  }
0x360: {  	v1 =	vadd.f32 v2, v1;
	v0 =	vadd.f32 v4, v0;
	v2 =	vmul.f32 v4, v4  }
0x361: {  	v4 =	vld [tilespmem:s16+$0xFFFFFFE0]  }
0x362: {  	v1 =	vadd.f32 v2, v1;
	v0 =	vadd.f32 v3, v0;
	v2 =	vmul.f32 v3, v3  }
0x363: {  	v3 =	vld [tilespmem:s16+$0xFFFFFFF0]  }
0x364: {  	v1 =	vadd.f32 v2, v1;
	v0 =	vadd.f32 v5, v0;
	v2 =	vmul.f32 v5, v5  }
0x365: {  	v5 =	vld [tilespmem:s16+$0x0]  }
0x366: {  	v1 =	vadd.f32 v2, v1;
	v0 =	vadd.f32 v4, v0;
	v2 =	vmul.f32 v4, v4  }
0x367: {  	v4 =	vld [tilespmem:s16+$0x10]  }
0x368: {  	v1 =	vadd.f32 v2, v1;
	v0 =	vadd.f32 v3, v0;
	v2 =	vmul.f32 v3, v3  }
0x369: {  	v3 =	vld [tilespmem:s16+$0x20]  }
0x36a: {  	v1 =	vadd.f32 v2, v1;
	v0 =	vadd.f32 v5, v0;
	v2 =	vmul.f32 v5, v5  }
0x36b: {  	v5 =	vld [tilespmem:s16+$0x30]  }
0x36c: {  	v1 =	vadd.f32 v2, v1;
	v0 =	vadd.f32 v4, v0;
	v2 =	vmul.f32 v4, v4  }
0x36d: {  	v4 =	vld [tilespmem:s16+$0x40]  }
0x36e: {  	v1 =	vadd.f32 v2, v1;
	v0 =	vadd.f32 v3, v0;
	v2 =	vmul.f32 v3, v3  }
0x36f: {  	v3 =	vld [tilespmem:s16+$0x50]  }
0x370: {  	v1 =	vadd.f32 v2, v1;
	v0 =	vadd.f32 v5, v0;
	v2 =	vmul.f32 v5, v5  }
0x371: {  	v5 =	vld [tilespmem:s16+$0x60]  }
0x372: {  	v1 =	vadd.f32 v2, v1;
	v0 =	vadd.f32 v4, v0;
	v2 =	vmul.f32 v4, v4  }
0x373: {  	v4 =	vld [tilespmem:s16+$0x70]  }
0x374: {  	v1 =	vadd.f32 v2, v1;
	v0 =	vadd.f32 v3, v0;
	v2 =	vmul.f32 v3, v3  }
0x375: {  	v3 =	vld [tilespmem:s16+$0x80]  }
0x376: {  	v1 =	vadd.f32 v2, v1;
	v0 =	vadd.f32 v5, v0;
	v2 =	vmul.f32 v5, v5  }
0x377: {  	v5 =	vld [tilespmem:s16+$0x90]  }
0x378: {  	v1 =	vadd.f32 v2, v1;
	v0 =	vadd.f32 v4, v0;
	v2 =	vmul.f32 v4, v4  }
0x379: {  	v4 =	vld [tilespmem:s16+$0xA0]  }
0x37a: {  	v1 =	vadd.f32 v2, v1;
	v0 =	vadd.f32 v3, v0;
	v2 =	vmul.f32 v3, v3  }
0x37b: {  	v3 =	vld [tilespmem:s16+$0xB0]  }
0x37c: {  	v1 =	vadd.f32 v2, v1;
	v0 =	vadd.f32 v5, v0;
	v2 =	vmul.f32 v5, v5  }
0x37d: {  	v5 =	vld [tilespmem:s16+$0xC0]  }
0x37e: {  	v1 =	vadd.f32 v2, v1;
	v0 =	vadd.f32 v4, v0;
	v2 =	vmul.f32 v4, v4;
	_ =	sdelay $0x1  }
.Ltmp2:
0x37f: {  	v1 =	vadd.f32 v2, v1;
	v0 =	vadd.f32 v3, v0;
	v2 =	vmul.f32 v3, v3;
	(pc) =	sbr.rel @p0 .LBB2_6-.Ltmp2, $4  }
0x380: {  	_ = 	snop  }
0x381: {  	v1 =	vadd.f32 v2, v1;
	v2 =	vadd.f32 v5, v0;
	v0 =	vmul.f32 v5, v5  }
0x382: {  	s17 =	sshra.s32 s17, $0x2  }
0x383: {  	v0 =	vadd.f32 v0, v1;
	[tilespmem:s17+$0xF700] =	vst v2  }
0x384: {  	_ = 	snop  }
0x385: {  	s16 =	simm.s32 $0xEAD0;
	[tilespmem:s17+$0xFF00] =	vst v0  }
0x386: {  	v0 =	vld [tilespmem:s16+$0xFFFFFF40]  }
0x387: {  	s17 =	simm.s32 $0x40;
	v1 =	vld [tilespmem:s16+$0xFFFFFF30]  }
.LBB2_8:
0x388: {  	p0 =	sne.s32 s17, $0x1C0  }
0x389: {  	v2 =	vld [tilespmem:s16+$0xFFFFFF50];
	_ =	sdelay $0x1  }
0x38a: {  	v3 =	vld [tilespmem:s16+$0xFFFFFF60]  }
0x38b: {  	v0 =	vadd.f32 v0, v1  }
0x38c: {  	v1 =	vld [tilespmem:s16+$0xFFFFFF70]  }
0x38d: {  	v0 =	vadd.f32 v2, v0  }
0x38e: {  	v2 =	vld [tilespmem:s16+$0xFFFFFF80]  }
0x38f: {  	v0 =	vadd.f32 v3, v0  }
0x390: {  	v3 =	vld [tilespmem:s16+$0xFFFFFF90]  }
0x391: {  	v0 =	vadd.f32 v1, v0  }
0x392: {  	v1 =	vld [tilespmem:s16+$0xFFFFFFA0]  }
0x393: {  	v0 =	vadd.f32 v2, v0  }
0x394: {  	v2 =	vld [tilespmem:s16+$0xFFFFFFB0]  }
0x395: {  	v0 =	vadd.f32 v3, v0  }
0x396: {  	v3 =	vld [tilespmem:s16+$0xFFFFFFC0]  }
0x397: {  	v0 =	vadd.f32 v1, v0  }
0x398: {  	v1 =	vld [tilespmem:s16+$0xFFFFFFD0]  }
0x399: {  	v0 =	vadd.f32 v2, v0  }
0x39a: {  	v2 =	vld [tilespmem:s16+$0xFFFFFFE0]  }
0x39b: {  	v0 =	vadd.f32 v3, v0  }
0x39c: {  	v3 =	vld [tilespmem:s16+$0xFFFFFFF0]  }
0x39d: {  	v0 =	vadd.f32 v1, v0  }
0x39e: {  	v1 =	vld [tilespmem:s16+$0x0]  }
0x39f: {  	v0 =	vadd.f32 v2, v0  }
0x3a0: {  	v2 =	vld [tilespmem:s16+$0x10]  }
0x3a1: {  	v0 =	vadd.f32 v3, v0  }
0x3a2: {  	v3 =	vld [tilespmem:s16+$0x20]  }
0x3a3: {  	v0 =	vadd.f32 v1, v0  }
0x3a4: {  	v1 =	vld [tilespmem:s16+$0x30]  }
0x3a5: {  	v0 =	vadd.f32 v2, v0  }
0x3a6: {  	v2 =	vld [tilespmem:s16+$0x40]  }
0x3a7: {  	v0 =	vadd.f32 v3, v0  }
0x3a8: {  	v3 =	vld [tilespmem:s16+$0x50]  }
0x3a9: {  	v0 =	vadd.f32 v1, v0  }
0x3aa: {  	v1 =	vld [tilespmem:s16+$0x60]  }
0x3ab: {  	v0 =	vadd.f32 v2, v0  }
0x3ac: {  	v2 =	vld [tilespmem:s16+$0x70]  }
0x3ad: {  	v0 =	vadd.f32 v3, v0  }
0x3ae: {  	v3 =	vld [tilespmem:s16+$0x80]  }
0x3af: {  	v0 =	vadd.f32 v1, v0  }
0x3b0: {  	v1 =	vld [tilespmem:s16+$0x90]  }
0x3b1: {  	v0 =	vadd.f32 v2, v0  }
0x3b2: {  	v2 =	vld [tilespmem:s16+$0xA0]  }
0x3b3: {  	v0 =	vadd.f32 v3, v0  }
0x3b4: {  	v3 =	vld [tilespmem:s16+$0xB0]  }
0x3b5: {  	v0 =	vadd.f32 v1, v0  }
0x3b6: {  	v1 =	vld [tilespmem:s16+$0xC0]  }
0x3b7: {  	v0 =	vadd.f32 v2, v0;
	_ =	sdelay $0x1  }
0x3b8: {  	v0 =	vadd.f32 v3, v0;
	_ =	sdelay $0x1  }
.Ltmp3:
0x3b9: {  	v0 =	vadd.f32 v1, v0;
	(pc) =	sbr.rel @p0 .LBB2_8-.Ltmp3, $4  }
0x3ba: {  	s28 =	sshra.s32 s26, $0x2;
	s26 =	smov.u32 s17  }
0x3bb: {  	s16 =	sadd.s32 $0x1A0, s16;
	[tilespmem:s28+$0x10700] =	vst v0  }
0x3bc: {  	v0 =	vld [tilespmem:s16+$0xFFFFFF40]  }
0x3bd: {  	s17 =	sadd.s32 $0x40, s17;
	v1 =	vld [tilespmem:s16+$0xFFFFFF30]  }
0x3be: {  	_ = 	snop  }
0x3bf: {  	v2 =	vld [tilespmem:s16+$0xFFFFFF50];
	_ =	sdelay $0x1  }
0x3c0: {  	v3 =	vld [tilespmem:s16+$0xFFFFFF60]  }
0x3c1: {  	v0 =	vadd.f32 v0, v1  }
0x3c2: {  	v42 =	vld [tilespmem:s16+$0xFFFFFF70]  }
0x3c3: {  	v0 =	vadd.f32 v2, v0  }
0x3c4: {  	v43 =	vld [tilespmem:s16+$0xFFFFFF80]  }
0x3c5: {  	v0 =	vadd.f32 v3, v0  }
0x3c6: {  	v44 =	vld [tilespmem:s16+$0xFFFFFF90]  }
0x3c7: {  	v0 =	vadd.f32 v42, v0  }
0x3c8: {  	v45 =	vld [tilespmem:s16+$0xFFFFFFA0]  }
0x3c9: {  	v0 =	vadd.f32 v43, v0  }
0x3ca: {  	v46 =	vld [tilespmem:s16+$0xFFFFFFB0]  }
0x3cb: {  	v0 =	vadd.f32 v44, v0  }
0x3cc: {  	v47 =	vld [tilespmem:s16+$0xFFFFFFC0]  }
0x3cd: {  	v0 =	vadd.f32 v45, v0  }
0x3ce: {  	v48 =	vld [tilespmem:s16+$0xFFFFFFD0]  }
0x3cf: {  	v0 =	vadd.f32 v46, v0  }
0x3d0: {  	v49 =	vld [tilespmem:s16+$0xFFFFFFE0]  }
0x3d1: {  	v0 =	vadd.f32 v47, v0  }
0x3d2: {  	v50 =	vld [tilespmem:s16+$0xFFFFFFF0]  }
0x3d3: {  	v0 =	vadd.f32 v48, v0  }
0x3d4: {  	v51 =	vld [tilespmem:s16+$0x0]  }
0x3d5: {  	v0 =	vadd.f32 v49, v0  }
0x3d6: {  	v52 =	vld [tilespmem:s16+$0x10]  }
0x3d7: {  	v0 =	vadd.f32 v50, v0  }
0x3d8: {  	v53 =	vld [tilespmem:s16+$0x20]  }
0x3d9: {  	v0 =	vadd.f32 v51, v0  }
0x3da: {  	v54 =	vld [tilespmem:s16+$0x30]  }
0x3db: {  	v0 =	vadd.f32 v52, v0  }
0x3dc: {  	v55 =	vld [tilespmem:s16+$0x40]  }
0x3dd: {  	v0 =	vadd.f32 v53, v0  }
0x3de: {  	v56 =	vld [tilespmem:s16+$0x50]  }
0x3df: {  	v0 =	vadd.f32 v54, v0  }
0x3e0: {  	v57 =	vld [tilespmem:s16+$0x60]  }
0x3e1: {  	v0 =	vadd.f32 v55, v0  }
0x3e2: {  	v58 =	vld [tilespmem:s16+$0x70]  }
0x3e3: {  	v0 =	vadd.f32 v56, v0  }
0x3e4: {  	v59 =	vld [tilespmem:s16+$0x80]  }
0x3e5: {  	v0 =	vadd.f32 v57, v0  }
0x3e6: {  	v60 =	vld [tilespmem:s16+$0x90]  }
0x3e7: {  	v0 =	vadd.f32 v58, v0  }
0x3e8: {  	v61 =	vld [tilespmem:s16+$0xA0]  }
0x3e9: {  	v0 =	vadd.f32 v59, v0  }
0x3ea: {  	v62 =	vld [tilespmem:s16+$0xB0]  }
0x3eb: {  	v0 =	vadd.f32 v60, v0  }
0x3ec: {  	v63 =	vld [tilespmem:s16+$0xC0]  }
0x3ed: {  	v0 =	vadd.f32 v61, v0;
	_ =	sdelay $0x1  }
0x3ee: {  	v0 =	vadd.f32 v62, v0;
	_ =	sdelay $0x1  }
0x3ef: {  	v0 =	vadd.f32 v63, v0  }
0x3f0: {  	s26 =	sshra.s32 s26, $0x2  }
0x3f1: {  	s28 =	rddreg [dreg:$0xb];
	[tilespmem:s26+$0x10700] =	vst v0  }
0x3f2: {  	[hbm4b:s28+s4] =	stream.linear.scatter [tilespmem:s14], [sflag:$0x3], $0x800, $0x38;
	[tilespmem:$0x10780] =	vst v63  }
0x3f3: {  	_ =	swait.ge [sflag:s18], $0x800  }
0x3f4: {  	[sflag:s18] =	ssyncset.done $0x0  }
0x3f5: {  	s17 =	rddreg [dreg:$0xc];
	[sflag:s18] =	ssyncadd.s32 $0xFFFFF800  }
0x3f6: {  	[hbm4b:s17+s4] =	stream.linear.scatter [tilespmem:s24], [sflag:$0x3], $0x800, $0x38;
	[tilespmem:$0x10780] =	vst v63  }
0x3f7: {  	_ =	swait.ge [sflag:s18], $0x800  }
0x3f8: {  	[sflag:s18] =	ssyncset.done $0x0  }
0x3f9: {  	s26 =	rddreg [dreg:$0xd];
	[sflag:s18] =	ssyncadd.s32 $0xFFFFF800  }
0x3fa: {  	[hbm4b:s26+s4] =	stream.linear.scatter [tilespmem:s25], [sflag:$0x3], $0x80, $0x38;
	[tilespmem:$0x10780] =	vst v63  }
0x3fb: {  	_ =	swait.ge [sflag:s18], $0x80  }
0x3fc: {  	s15 =	sadd.s32 $0x1, s15;
	s28 =	rddreg [dreg:$0xe]  }
0x3fd: {  	p0 =	sne.s32 s15, s28  }
.Ltmp4:
0x3fe: {  	_ = 	snop;
	(pc) =	sbr.rel @p0 .LBB2_1-.Ltmp4, $3  }
0x3ff: {  	_ =	sdelay $0x1  }
0x400: {  	[sflag:s18] =	ssyncset.done $0x0  }
0x401: {  	[sflag:s18] =	ssyncadd.s32 $0xFFFFFF80  }
0x402: {  	_ =	sfence.sel $0x180000  }
0x403: {  	[bflag:$0x0] =	sbarrier.arrive $0xFFFF  }
0x404: {  	_ =	strace $0x90000047  }
0x405: {  	s0 =	stileid.u32;
	[bflag:$0x2] =	sbarrier.arrive $0xFFFF  }
0x406: {  	p0 =	sne.s32 s0, $0x0;
	s0 =	rddreg [dreg:$0x3]  }
0x407: {  	s0 =	sadd.s32 @!p0 $0x100000, s0  }
0x408: {  	[sflag:s0] =	ssyncadd.tile.s32 @!p0 $0x1;
	_ =	shalt  }
.Lfunc_end2:
_tile_overlayer_lowered:
.L_overlay_start_2:
0x409: {  	(tag) =	ssettag $0x2  }
0x40a: {  	s0 =	rddreg [dreg:$0x0];
	s2 =	stileid.u32  }
0x40b: {  	s1 =	rddreg [dreg:$0x1];
	p0 =	sne.s32 s2, $0x0  }
0x40c: {  	s3 =	rddreg [dreg:$0x2];
	[bflag:$0x3] =	sbarrier.arrive $0xFFFF;
	s2 =	simm.s32 @!p0 $0x1C03  }
0x40d: {  	[timem:s3], [sflag:s2] =	dma.local @!p0 [hbm:s0], s1  }
0x40e: {  	s0 =	simm.s32 @!p0 $0x3  }
0x40f: {  	_ =	swait.ge @!p0 [sflag:s0], s1  }
0x410: {  	s1 =	ssub.s32 @!p0 $0x0, s1;
	[sflag:s0] =	ssyncset.done @!p0 $0x0  }
0x411: {  	[sflag:s0] =	ssyncadd.s32 @!p0 s1  }
0x412: {  	[bflag:$0x3] =	sbarrier.arrive $0xFFFF  }
0x413: {  	_ =	shalt  }

</sc_bundles>
